<compile_context>
chip_gen: v7x
topology: tpu7x:2x2x1
jax: 0.10.2.dev20260603
libtpu: 0.0.44.dev20260713+nightly
codegen_flags: <defaults>
</compile_context>

<pallas_src>
import jax
import jax.numpy as jnp
from jax import lax
from jax.experimental import pallas as pl
from jax.experimental.pallas import tpu as pltpu
from jax.experimental.pallas import tpu_sc as plsc

N = 50000
E = 800000
P = 64
OUT = 16
BLK = 1024

NACC = 51200
ROWS_PT = NACC // 16
CH = 3
CHE = CH * 128
NCH = 402
NOUT = NCH // CH
EPT = NCH * 128
E_PAD = EPT * 16

_MESH = plsc.VectorSubcoreMesh(core_axis_name="c", subcore_axis_name="s")


def _agg_body(h2, esrc, edst, z32, out, src_v, dst_a, dst_b, rows_a, rows_b,
              acc, sem_g, sem_s):
  c = lax.axis_index("c")
  s = lax.axis_index("s")
  base_r = s * ROWS_PT

  pltpu.sync_copy(z32, acc.at[pl.ds(base_r, ROWS_PT)])
  plsc.subcore_barrier()

  def process(chunk, guard, dst_x, rows_x):
    @pl.when(guard)
    def _drain():
      pltpu.make_async_copy(h2.at[pl.ds(0, CHE)], rows_x, sem_s).wait()
    row0 = s * NCH + chunk * CH
    pltpu.sync_copy(esrc.at[pl.ds(row0 * 128, CHE)], src_v)
    pltpu.sync_copy(edst.at[pl.ds(row0, CH)], dst_x)
    for k in range(CHE // 16):
      src_v[pl.ds(k * 16, 16)] = src_v[pl.ds(k * 16, 16)] + c
    gd = [pltpu.async_copy(h2.at[src_v.at[pl.ds(j * 128, 128)]],
                           rows_x.at[pl.ds(j * 128, 128)], sem_g)
          for j in range(CH)]
    for d in gd:
      d.wait()
    for j in range(CH):
      pltpu.async_copy(rows_x.at[pl.ds(j * 128, 128)],
                       acc.at[dst_x.at[j]], sem_s, add=True)

  def step(i, carry):
    process(2 * i, i >= 1, dst_a, rows_a)
    process(2 * i + 1, i >= 1, dst_b, rows_b)
    return carry

  lax.fori_loop(0, NOUT // 2, step, 0)

  for rows_x in (rows_a, rows_b):
    pltpu.make_async_copy(h2.at[pl.ds(0, CHE)], rows_x, sem_s).wait()
  plsc.subcore_barrier()

  pltpu.sync_copy(acc.at[pl.ds(base_r, ROWS_PT)],
                  out.at[c, pl.ds(base_r, ROWS_PT)])


_agg = pl.kernel(
    _agg_body,
    out_type=jax.ShapeDtypeStruct((2, NACC, 32), jnp.float32),
    mesh=_MESH,
    compiler_params=pltpu.CompilerParams(use_tc_tiling_on_sc=False),
    scratch_types=[
        pltpu.VMEM((CHE,), jnp.int32),
        pltpu.VMEM((CH, 128), jnp.int32),
        pltpu.VMEM((CH, 128), jnp.int32),
        pltpu.VMEM((CHE, 32), jnp.float32),
        pltpu.VMEM((CHE, 32), jnp.float32),
        pltpu.VMEM_SHARED((NACC, 32), jnp.float32),
        pltpu.SemaphoreType.DMA,
        pltpu.SemaphoreType.DMA,
    ],
)

CNT_WPT = E_PAD // 32 // CHE


def _cnt_body(edst_a, edst_b, out, dst_v, part_a, part_b):
  c = lax.axis_index("c")
  s = lax.axis_index("s")
  w = s * 2 + c
  zeros = jnp.zeros((16,), jnp.float32)

  def zero_row(r, carry):
    for k in range(8):
      part_a[r, pl.ds(k * 16, 16)] = zeros
      part_b[r, pl.ds(k * 16, 16)] = zeros
    return carry

  lax.fori_loop(0, ROWS_PT // 128, zero_row, 0)

  def make_step(edst, part):
    def step(i, carry):
      row0 = w * (NCH // 2) + i * CH
      pltpu.sync_copy(edst.at[pl.ds(row0, CH)], dst_v)
      for j in range(CH):
        for k in range(8):
          idx = dst_v[j, pl.ds(k * 16, 16)]
          occ, last = plsc.scan_count(idx)
          plsc.addupdate_scatter(
              part, [lax.shift_right_logical(idx, 7),
                     lax.bitwise_and(idx, 127)],
              occ.astype(jnp.float32), mask=last)
      return carry
    return step

  lax.fori_loop(0, CNT_WPT, make_step(edst_a, part_a), 0)
  lax.fori_loop(0, CNT_WPT, make_step(edst_b, part_b), 0)
  pltpu.sync_copy(part_a, out.at[0, w])
  pltpu.sync_copy(part_b, out.at[1, w])


_cnt = pl.kernel(
    _cnt_body,
    out_type=jax.ShapeDtypeStruct((2, 32, ROWS_PT // 8, 128), jnp.float32),
    mesh=_MESH,
    compiler_params=pltpu.CompilerParams(needs_layout_passes=False,
                                         use_tc_tiling_on_sc=False),
    scratch_types=[
        pltpu.VMEM((CH, 128), jnp.int32),
        pltpu.VMEM((ROWS_PT // 8, 128), jnp.float32),
        pltpu.VMEM((ROWS_PT // 8, 128), jnp.float32),
    ],
)


V = 10000
NEMB = 409600
ECH = 5
ECHE = ECH * 128
ENW = NEMB // 128 // 32 // ECH


def _embed_body(embf, idxs, out, idx_v, rows_a, rows_b, sem_g, sem_w):
  c = lax.axis_index("c")
  s = lax.axis_index("s")
  w = s * 2 + c

  def process(chunk, guard, rows_x):
    @pl.when(guard)
    def _drain():
      pltpu.make_async_copy(embf.at[pl.ds(0, ECHE)], rows_x, sem_w).wait()
    row0 = (w * ENW + chunk) * ECH
    pltpu.sync_copy(idxs.at[pl.ds(row0, ECH)], idx_v)
    gd = [pltpu.async_copy(embf.at[idx_v.at[j]],
                           rows_x.at[pl.ds(j * 128, 128)], sem_g)
          for j in range(ECH)]
    for d in gd:
      d.wait()
    pltpu.async_copy(rows_x, out.at[pl.ds(row0 * 128, ECHE)], sem_w)

  def step(i, carry):
    process(2 * i, i >= 1, rows_a)
    process(2 * i + 1, i >= 1, rows_b)
    return carry

  lax.fori_loop(0, ENW // 2, step, 0)
  for rows_x in (rows_a, rows_b):
    pltpu.make_async_copy(embf.at[pl.ds(0, ECHE)], rows_x, sem_w).wait()


_embed_sc = pl.kernel(
    _embed_body,
    out_type=jax.ShapeDtypeStruct((NEMB, 16), jnp.float32),
    mesh=_MESH,
    compiler_params=pltpu.CompilerParams(use_tc_tiling_on_sc=False),
    scratch_types=[
        pltpu.VMEM((ECH, 128), jnp.int32),
        pltpu.VMEM((ECHE, 16), jnp.float32),
        pltpu.VMEM((ECHE, 16), jnp.float32),
        pltpu.SemaphoreType.DMA,
        pltpu.SemaphoreType.DMA,
    ],
)


def _pad_edges(edge):
  src = edge[0].astype(jnp.int32)
  dst = edge[1].astype(jnp.int32)
  pad = E_PAD - E
  ar = jnp.arange(pad, dtype=jnp.int32)
  src_p = jnp.concatenate([src * 2, ((ar * 37) % N) * 2])
  dst_p = jnp.concatenate([dst, N + (ar % (NACC - N))])
  return src_p, dst_p.reshape(E_PAD // 128, 128)


def _sage_dense_body(s_ref, cnt_ref, x_ref, wn_ref, wr_ref, b_ref, o_ref):
  cnt = jnp.sum(cnt_ref[...], axis=0)[:, None]
  r = 1.0 / jnp.maximum(cnt, 1.0)
  o_ref[...] = ((s_ref[0] * r) @ wn_ref[0:32, :]
                + (s_ref[1] * r) @ wn_ref[32:64, :]
                + x_ref[...] @ wr_ref[...] + b_ref[...])


def _sage_dense(sums, cnt, x, Wn, Wr, b):
  return pl.pallas_call(
      _sage_dense_body,
      grid=(pl.cdiv(N, BLK),),
      in_specs=[
          pl.BlockSpec((2, BLK, 32), lambda i: (0, i, 0)),
          pl.BlockSpec((32, BLK), lambda i: (0, i)),
          pl.BlockSpec((BLK, P), lambda i: (i, 0)),
          pl.BlockSpec((P, P), lambda i: (0, 0)),
          pl.BlockSpec((P, P), lambda i: (0, 0)),
          pl.BlockSpec((1, P), lambda i: (0, 0)),
      ],
      out_specs=pl.BlockSpec((BLK, P), lambda i: (i, 0)),
      out_shape=jax.ShapeDtypeStruct((N, P), jnp.float32),
  )(sums, cnt, x, Wn, Wr, b)


def _final_body(s_ref, cnt_ref, x_ref, wn_ref, wr_ref, b_ref, wo_ref, bo_ref,
                o_ref):
  cnt = jnp.sum(cnt_ref[...], axis=0)[:, None]
  r = 1.0 / jnp.maximum(cnt, 1.0)
  h = ((s_ref[0] * r) @ wn_ref[0:32, :] + (s_ref[1] * r) @ wn_ref[32:64, :]
       + x_ref[...] @ wr_ref[...] + b_ref[...])
  logits = h @ wo_ref[...] + bo_ref[...]
  m = jnp.max(logits, axis=1, keepdims=True)
  e = jnp.exp(logits - m)
  o_ref[...] = e / jnp.sum(e, axis=1, keepdims=True)


def _final_dense(sums, cnt, x, Wn, Wr, b, W_out, b_out):
  return pl.pallas_call(
      _final_body,
      grid=(pl.cdiv(N, BLK),),
      in_specs=[
          pl.BlockSpec((2, BLK, 32), lambda i: (0, i, 0)),
          pl.BlockSpec((32, BLK), lambda i: (0, i)),
          pl.BlockSpec((BLK, P), lambda i: (i, 0)),
          pl.BlockSpec((P, P), lambda i: (0, 0)),
          pl.BlockSpec((P, P), lambda i: (0, 0)),
          pl.BlockSpec((1, P), lambda i: (0, 0)),
          pl.BlockSpec((P, OUT), lambda i: (0, 0)),
          pl.BlockSpec((1, OUT), lambda i: (0, 0)),
      ],
      out_specs=pl.BlockSpec((BLK, OUT), lambda i: (i, 0)),
      out_shape=jax.ShapeDtypeStruct((N, OUT), jnp.float32),
  )(sums, cnt, x, Wn, Wr, b, W_out, b_out)


def kernel(x_users, x_items, edge_ui, edge_iu, emb_u, emb_i,
           Wn0_ui, Wr0_ui, b0_ui, Wn0_iu, Wr0_iu, b0_iu,
           Wn1_ui, Wr1_ui, b1_ui, Wn1_iu, Wr1_iu, b1_iu,
           W_out, b_out):
  offs = jnp.arange(4, dtype=jnp.int32) * V
  iu = (x_users.astype(jnp.int32) + offs).reshape(-1)
  ii = (x_items.astype(jnp.int32) + offs + 4 * V).reshape(-1)
  padi = jnp.arange(NEMB - 8 * N, dtype=jnp.int32) % (8 * V)
  idxf = jnp.concatenate([iu, ii, padi]).reshape(NEMB // 128, 128)
  embf = jnp.concatenate([emb_u.reshape(4 * V, 16), emb_i.reshape(4 * V, 16)])
  ho = _embed_sc(embf, idxf)
  hu0 = ho[:4 * N].reshape(N, P)
  hi0 = ho[4 * N:8 * N].reshape(N, P)

  src_ui, dst_ui = _pad_edges(edge_ui)
  src_iu, dst_iu = _pad_edges(edge_iu)
  z32 = jnp.zeros((ROWS_PT, 32), jnp.float32)

  cnts = _cnt(dst_ui, dst_iu)
  cnt_i = cnts[0].reshape(32, NACC)
  cnt_u = cnts[1].reshape(32, NACC)

  sum_i0 = _agg(hu0.reshape(2 * N, 32), src_ui, dst_ui, z32)
  sum_u0 = _agg(hi0.reshape(2 * N, 32), src_iu, dst_iu, z32)

  hi1 = _sage_dense(sum_i0, cnt_i, hi0, Wn0_ui, Wr0_ui, b0_ui.reshape(1, P))
  hu1 = _sage_dense(sum_u0, cnt_u, hu0, Wn0_iu, Wr0_iu, b0_iu.reshape(1, P))

  sum_u1 = _agg(hi1.reshape(2 * N, 32), src_iu, dst_iu, z32)

  return _final_dense(sum_u1, cnt_u, hu1, Wn1_iu, Wr1_iu,
                      b1_iu.reshape(1, P), W_out, b_out.reshape(1, OUT))

# --- scband reference (transcript-rebuilt; emitter-appended) ---
"""Pipeline reference for scband-dbgnn-16724602650672 (READ-ONLY COPY).

The authoritative reference and input builder live on the scoring server;
editing this copy changes nothing except your own understanding.
"""

import jax, jax.numpy as jnp
import numpy as np

N = 50000   # nodes per type
E = 800000  # edges per edge type
V = 10000   # categorical vocab per column
NC = 4      # columns per table
D = 16      # per-column embedding dim
P = 64      # proj_dim = NC * D
OUT = 16    # out_channels


def setup_inputs(seed: int = 0) -> dict:
    key = jax.random.key(seed)
    ks = jax.random.split(key, 40)
    inp = {}
    inp["x_users"] = jax.random.randint(ks[0], (N, NC), 0, V)
    inp["x_items"] = jax.random.randint(ks[1], (N, NC), 0, V)
    inp["edge_ui"] = jax.random.randint(ks[2], (2, E), 0, N)
    inp["edge_iu"] = jax.random.randint(ks[3], (2, E), 0, N)
    inp["emb_u"] = jax.random.normal(ks[4], (NC, V, D), dtype=jnp.float32) * 0.1
    inp["emb_i"] = jax.random.normal(ks[5], (NC, V, D), dtype=jnp.float32) * 0.1
    i = 6
    for l in range(2):
        for et in ("ui", "iu"):
            inp[f"Wn{l}_{et}"] = jax.random.normal(ks[i], (P, P), dtype=jnp.float32) * 0.05; i += 1
            inp[f"Wr{l}_{et}"] = jax.random.normal(ks[i], (P, P), dtype=jnp.float32) * 0.05; i += 1
            inp[f"b{l}_{et}"] = jnp.zeros((P,), dtype=jnp.float32)
    inp["W_out"] = jax.random.normal(ks[i], (P, OUT), dtype=jnp.float32) * 0.05; i += 1
    inp["b_out"] = jnp.zeros((OUT,), dtype=jnp.float32)
    return inp


def _embed(x, emb):
    # TableEmbedder: per-column categorical embedding, concat -> [N, NC*D]
    return jnp.concatenate([jnp.take(emb[c], x[:, c], axis=0) for c in range(NC)], axis=-1)


def _sage(x_src, x_dst, edge, Wn, Wr, b):
    # SAGEConv(aggr='mean'): lin_l(mean_{j in N(i)} x_j) + lin_r(x_i)
    src = edge[0]
    dst = edge[1]
    msgs = jnp.take(x_src, src, axis=0)
    s = jax.ops.segment_sum(msgs, dst, num_segments=x_dst.shape[0])
    cnt = jax.ops.segment_sum(jnp.ones((edge.shape[1], 1), dtype=x_src.dtype), dst, num_segments=x_dst.shape[0])
    mean = s / jnp.maximum(cnt, 1.0)
    return mean @ Wn + x_dst @ Wr + b


def reference(x_users, x_items, edge_ui, edge_iu, emb_u, emb_i,
              Wn0_ui, Wr0_ui, b0_ui, Wn0_iu, Wr0_iu, b0_iu,
              Wn1_ui, Wr1_ui, b1_ui, Wn1_iu, Wr1_iu, b1_iu,
              W_out, b_out):
    hu = _embed(x_users, emb_u)
    hi = _embed(x_items, emb_i)
    # DBGNNLayer 0 (HeteroConv: each dst type receives from exactly one edge type)
    new_hi = _sage(hu, hi, edge_ui, Wn0_ui, Wr0_ui, b0_ui)
    new_hu = _sage(hi, hu, edge_iu, Wn0_iu, Wr0_iu, b0_iu)
    hu, hi = new_hu, new_hi
    # DBGNNLayer 1
    new_hi = _sage(hu, hi, edge_ui, Wn1_ui, Wr1_ui, b1_ui)
    new_hu = _sage(hi, hu, edge_iu, Wn1_iu, Wr1_iu, b1_iu)
    hu, hi = new_hu, new_hi
    # target_table = 'users'
    logits = hu @ W_out + b_out
    return jax.nn.softmax(logits, axis=1)

if __name__ == "__main__":
    import jax
    _d = setup_inputs()
    print(jax.jit(kernel)(*tuple(_d.values())))

</pallas_src>

<mosaic_0001>
#map = affine_map<(d0, d1) -> (0, 0)>
module attributes {stable_mosaic.version = 14 : i64} {
  func.func @_embed_body(%arg0: i32, %arg1: i32, %arg2: memref<80000x16xf32, #tpu.memory_space<hbm>>, %arg3: memref<3200x128xi32, #tpu.memory_space<hbm>>, %arg4: memref<409600x16xf32, #tpu.memory_space<hbm>>, %arg5: memref<5x128xi32, #tpu.memory_space<vmem>>, %arg6: memref<640x16xf32, #tpu.memory_space<vmem>>, %arg7: memref<640x16xf32, #tpu.memory_space<vmem>>, %arg8: memref<!tpu.dma_semaphore, #tpu.memory_space<semaphore_mem>>, %arg9: memref<!tpu.dma_semaphore, #tpu.memory_space<semaphore_mem>>) attributes {dimension_semantics = [#tpu.dimension_semantics<core_parallel>, #tpu.dimension_semantics<subcore_parallel>], iteration_bounds = array<i64: 2, 16>, scalar_prefetch = 0 : i64, scratch_operands = 5 : i64, tpu.core_type = #tpu.core_type<sc_vector_subcore>, window_params = [{transform_indices = #map}, {transform_indices = #map}, {transform_indices = #map}]} {
    %mul3A = arith.constant 2 : i32
    %mul3A_0 = arith.muli %arg1, %mul3A : i32
    %add3A = arith.addi %mul3A_0, %arg0 : i32
    %scan3A = arith.constant 0 : i32
    %scan3A_1 = arith.constant 0 : i32
    %scan3A_2 = arith.constant 10 : i32
    %scan3A_3 = arith.addi %scan3A_1, %scan3A_2 : i32
    %scan3A_4 = arith.constant 1 : i32
    scf.for %scan3A_17 = %scan3A_1 to %scan3A_3 step %scan3A_4  : i32 {
      %mul3A_18 = arith.constant 2 : i32
      %mul3A_19 = arith.muli %mul3A_18, %scan3A_17 : i32
      %ge3A = arith.constant 1 : i32
      %ge3A_20 = arith.cmpi sge, %scan3A_17, %ge3A : i32
      %convert_element_type3A = arith.extui %ge3A_20 : i1 to i32
      %cond3A = arith.constant 0 : i32
      %cond3A_21 = arith.cmpi ne, %convert_element_type3A, %cond3A : i32
      scf.if %cond3A_21 {
        %dma_wait3A_252 = arith.constant 0 : i32
        %dma_wait3A_253 = arith.constant 0 : i32
        %dma_wait3A_254 = tpu.memref_slice %arg2[%dma_wait3A_252, %dma_wait3A_253] : memref<80000x16xf32, #tpu.memory_space<hbm>> -> memref<640x16xf32, #tpu.memory_space<hbm>>
        %dma_wait3A_255 = arith.constant 0 : i32
        %dma_wait3A_256 = arith.constant 0 : i32
        %dma_wait3A_257 = tpu.memref_slice %arg2[%dma_wait3A_255, %dma_wait3A_256] : memref<80000x16xf32, #tpu.memory_space<hbm>> -> memref<640x16xf32, #tpu.memory_space<hbm>>
        tpu.wait_dma2 semaphore(%arg9 : memref<!tpu.dma_semaphore, #tpu.memory_space<semaphore_mem>>) src(%dma_wait3A_257 : memref<640x16xf32, #tpu.memory_space<hbm>>) dst(%arg6 : memref<640x16xf32, #tpu.memory_space<vmem>>)
      } else {
      }
      %mul3A_22 = arith.constant 20 : i32
      %mul3A_23 = arith.muli %add3A, %mul3A_22 : i32
      %add3A_24 = arith.addi %mul3A_23, %mul3A_19 : i32
      %mul3A_25 = arith.constant 5 : i32
      %mul3A_26 = arith.muli %add3A_24, %mul3A_25 : i32
      "tpu.region"() ({
        %run_scoped3A = tpu.sem_alloc : memref<!tpu.dma_semaphore, #tpu.memory_space<semaphore_mem>>
        %dma_start3A_252 = arith.constant 0 : i32
        %dma_start3A_253 = tpu.memref_slice %arg3[%mul3A_26, %dma_start3A_252] : memref<3200x128xi32, #tpu.memory_space<hbm>> -> memref<5x128xi32, #tpu.memory_space<hbm>>
        %dma_start3A_254 = arith.constant 0 : i32
        %dma_start3A_255 = tpu.memref_slice %arg3[%mul3A_26, %dma_start3A_254] : memref<3200x128xi32, #tpu.memory_space<hbm>> -> memref<5x128xi32, #tpu.memory_space<hbm>>
        tpu.enqueue_dma source(%dma_start3A_255 : memref<5x128xi32, #tpu.memory_space<hbm>>) target(%arg5 : memref<5x128xi32, #tpu.memory_space<vmem>>) target_semaphore(%run_scoped3A : memref<!tpu.dma_semaphore, #tpu.memory_space<semaphore_mem>>)
        %dma_wait3A_256 = arith.constant 0 : i32
        %dma_wait3A_257 = tpu.memref_slice %arg3[%mul3A_26, %dma_wait3A_256] : memref<3200x128xi32, #tpu.memory_space<hbm>> -> memref<5x128xi32, #tpu.memory_space<hbm>>
        %dma_wait3A_258 = arith.constant 0 : i32
        %dma_wait3A_259 = tpu.memref_slice %arg3[%mul3A_26, %dma_wait3A_258] : memref<3200x128xi32, #tpu.memory_space<hbm>> -> memref<5x128xi32, #tpu.memory_space<hbm>>
        tpu.wait_dma2 semaphore(%run_scoped3A : memref<!tpu.dma_semaphore, #tpu.memory_space<semaphore_mem>>) src(%dma_wait3A_259 : memref<5x128xi32, #tpu.memory_space<hbm>>) dst(%arg5 : memref<5x128xi32, #tpu.memory_space<vmem>>)
        tpu.yield
      }) : () -> ()
      %dma_start3A = arith.constant 0 : i32
      %dma_start3A_27 = arith.constant 0 : i32
      %dma_start3A_28 = arith.constant 0 : i32
      %dma_start3A_29 = tpu.memref_slice %arg6[%dma_start3A_27, %dma_start3A_28] : memref<640x16xf32, #tpu.memory_space<vmem>> -> memref<128x16xf32, #tpu.memory_space<vmem>>
      %dma_start3A_30 = arith.constant 0 : i32
      %dma_start3A_31 = tpu.memref_slice %arg5[%dma_start3A, %dma_start3A_30] : memref<5x128xi32, #tpu.memory_space<vmem>> -> memref<1x128xi32, #tpu.memory_space<vmem>>
      %dma_start3A_32 = tpu.memref_squeeze %dma_start3A_31 : memref<1x128xi32, #tpu.memory_space<vmem>> -> memref<128xi32, #tpu.memory_space<vmem>>
      %dma_start3A_33 = arith.constant 0 : i32
      %dma_start3A_34 = arith.constant 0 : i32
      %dma_start3A_35 = tpu.memref_slice %arg2[%dma_start3A_33, %dma_start3A_34] : memref<80000x16xf32, #tpu.memory_space<hbm>> -> memref<80000x16xf32, #tpu.memory_space<hbm>>
      tpu.enqueue_indirect_dma source(%dma_start3A_35 : memref<80000x16xf32, #tpu.memory_space<hbm>>) target(%dma_start3A_29 : memref<128x16xf32, #tpu.memory_space<vmem>>) offsets(%dma_start3A_32 : memref<128xi32, #tpu.memory_space<vmem>>) semaphore(%arg8 : memref<!tpu.dma_semaphore, #tpu.memory_space<semaphore_mem>>)
      %dma_start3A_36 = arith.constant 1 : i32
      %dma_start3A_37 = arith.constant 128 : i32
      %dma_start3A_38 = arith.constant 0 : i32
      %dma_start3A_39 = tpu.memref_slice %arg6[%dma_start3A_37, %dma_start3A_38] : memref<640x16xf32, #tpu.memory_space<vmem>> -> memref<128x16xf32, #tpu.memory_space<vmem>>
      %dma_start3A_40 = arith.constant 0 : i32
      %dma_start3A_41 = tpu.memref_slice %arg5[%dma_start3A_36, %dma_start3A_40] : memref<5x128xi32, #tpu.memory_space<vmem>> -> memref<1x128xi32, #tpu.memory_space<vmem>>
      %dma_start3A_42 = tpu.memref_squeeze %dma_start3A_41 : memref<1x128xi32, #tpu.memory_space<vmem>> -> memref<128xi32, #tpu.memory_space<vmem>>
      %dma_start3A_43 = arith.constant 0 : i32
      %dma_start3A_44 = arith.constant 0 : i32
      %dma_start3A_45 = tpu.memref_slice %arg2[%dma_start3A_43, %dma_start3A_44] : memref<80000x16xf32, #tpu.memory_space<hbm>> -> memref<80000x16xf32, #tpu.memory_space<hbm>>
      tpu.enqueue_indirect_dma source(%dma_start3A_45 : memref<80000x16xf32, #tpu.memory_space<hbm>>) target(%dma_start3A_39 : memref<128x16xf32, #tpu.memory_space<vmem>>) offsets(%dma_start3A_42 : memref<128xi32, #tpu.memory_space<vmem>>) semaphore(%arg8 : memref<!tpu.dma_semaphore, #tpu.memory_space<semaphore_mem>>)
      %dma_start3A_46 = arith.constant 2 : i32
      %dma_start3A_47 = arith.constant 256 : i32
      %dma_start3A_48 = arith.constant 0 : i32
      %dma_start3A_49 = tpu.memref_slice %arg6[%dma_start3A_47, %dma_start3A_48] : memref<640x16xf32, #tpu.memory_space<vmem>> -> memref<128x16xf32, #tpu.memory_space<vmem>>
      %dma_start3A_50 = arith.constant 0 : i32
      %dma_start3A_51 = tpu.memref_slice %arg5[%dma_start3A_46, %dma_start3A_50] : memref<5x128xi32, #tpu.memory_space<vmem>> -> memref<1x128xi32, #tpu.memory_space<vmem>>
      %dma_start3A_52 = tpu.memref_squeeze %dma_start3A_51 : memref<1x128xi32, #tpu.memory_space<vmem>> -> memref<128xi32, #tpu.memory_space<vmem>>
      %dma_start3A_53 = arith.constant 0 : i32
      %dma_start3A_54 = arith.constant 0 : i32
      %dma_start3A_55 = tpu.memref_slice %arg2[%dma_start3A_53, %dma_start3A_54] : memref<80000x16xf32, #tpu.memory_space<hbm>> -> memref<80000x16xf32, #tpu.memory_space<hbm>>
      tpu.enqueue_indirect_dma source(%dma_start3A_55 : memref<80000x16xf32, #tpu.memory_space<hbm>>) target(%dma_start3A_49 : memref<128x16xf32, #tpu.memory_space<vmem>>) offsets(%dma_start3A_52 : memref<128xi32, #tpu.memory_space<vmem>>) semaphore(%arg8 : memref<!tpu.dma_semaphore, #tpu.memory_space<semaphore_mem>>)
      %dma_start3A_56 = arith.constant 3 : i32
      %dma_start3A_57 = arith.constant 384 : i32
      %dma_start3A_58 = arith.constant 0 : i32
      %dma_start3A_59 = tpu.memref_slice %arg6[%dma_start3A_57, %dma_start3A_58] : memref<640x16xf32, #tpu.memory_space<vmem>> -> memref<128x16xf32, #tpu.memory_space<vmem>>
      %dma_start3A_60 = arith.constant 0 : i32
      %dma_start3A_61 = tpu.memref_slice %arg5[%dma_start3A_56, %dma_start3A_60] : memref<5x128xi32, #tpu.memory_space<vmem>> -> memref<1x128xi32, #tpu.memory_space<vmem>>
      %dma_start3A_62 = tpu.memref_squeeze %dma_start3A_61 : memref<1x128xi32, #tpu.memory_space<vmem>> -> memref<128xi32, #tpu.memory_space<vmem>>
      %dma_start3A_63 = arith.constant 0 : i32
      %dma_start3A_64 = arith.constant 0 : i32
      %dma_start3A_65 = tpu.memref_slice %arg2[%dma_start3A_63, %dma_start3A_64] : memref<80000x16xf32, #tpu.memory_space<hbm>> -> memref<80000x16xf32, #tpu.memory_space<hbm>>
      tpu.enqueue_indirect_dma source(%dma_start3A_65 : memref<80000x16xf32, #tpu.memory_space<hbm>>) target(%dma_start3A_59 : memref<128x16xf32, #tpu.memory_space<vmem>>) offsets(%dma_start3A_62 : memref<128xi32, #tpu.memory_space<vmem>>) semaphore(%arg8 : memref<!tpu.dma_semaphore, #tpu.memory_space<semaphore_mem>>)
      %dma_start3A_66 = arith.constant 4 : i32
      %dma_start3A_67 = arith.constant 512 : i32
      %dma_start3A_68 = arith.constant 0 : i32
      %dma_start3A_69 = tpu.memref_slice %arg6[%dma_start3A_67, %dma_start3A_68] : memref<640x16xf32, #tpu.memory_space<vmem>> -> memref<128x16xf32, #tpu.memory_space<vmem>>
      %dma_start3A_70 = arith.constant 0 : i32
      %dma_start3A_71 = tpu.memref_slice %arg5[%dma_start3A_66, %dma_start3A_70] : memref<5x128xi32, #tpu.memory_space<vmem>> -> memref<1x128xi32, #tpu.memory_space<vmem>>
      %dma_start3A_72 = tpu.memref_squeeze %dma_start3A_71 : memref<1x128xi32, #tpu.memory_space<vmem>> -> memref<128xi32, #tpu.memory_space<vmem>>
      %dma_start3A_73 = arith.constant 0 : i32
      %dma_start3A_74 = arith.constant 0 : i32
      %dma_start3A_75 = tpu.memref_slice %arg2[%dma_start3A_73, %dma_start3A_74] : memref<80000x16xf32, #tpu.memory_space<hbm>> -> memref<80000x16xf32, #tpu.memory_space<hbm>>
      tpu.enqueue_indirect_dma source(%dma_start3A_75 : memref<80000x16xf32, #tpu.memory_space<hbm>>) target(%dma_start3A_69 : memref<128x16xf32, #tpu.memory_space<vmem>>) offsets(%dma_start3A_72 : memref<128xi32, #tpu.memory_space<vmem>>) semaphore(%arg8 : memref<!tpu.dma_semaphore, #tpu.memory_space<semaphore_mem>>)
      %dma_wait3A_76 = arith.constant 0 : i32
      %dma_wait3A_77 = arith.constant 0 : i32
      %dma_wait3A_78 = arith.constant 0 : i32
      %dma_wait3A_79 = tpu.memref_slice %arg6[%dma_wait3A_77, %dma_wait3A_78] : memref<640x16xf32, #tpu.memory_space<vmem>> -> memref<128x16xf32, #tpu.memory_space<vmem>>
      %dma_wait3A_80 = arith.constant 0 : i32
      %dma_wait3A_81 = tpu.memref_slice %arg5[%dma_wait3A_76, %dma_wait3A_80] : memref<5x128xi32, #tpu.memory_space<vmem>> -> memref<1x128xi32, #tpu.memory_space<vmem>>
      %dma_wait3A_82 = tpu.memref_squeeze %dma_wait3A_81 : memref<1x128xi32, #tpu.memory_space<vmem>> -> memref<128xi32, #tpu.memory_space<vmem>>
      %dma_wait3A_83 = arith.constant 0 : i32
      %dma_wait3A_84 = arith.constant 0 : i32
      %dma_wait3A_85 = tpu.memref_slice %arg2[%dma_wait3A_83, %dma_wait3A_84] : memref<80000x16xf32, #tpu.memory_space<hbm>> -> memref<80000x16xf32, #tpu.memory_space<hbm>>
      tpu.wait_indirect_dma semaphore(%arg8 : memref<!tpu.dma_semaphore, #tpu.memory_space<semaphore_mem>>) src(%dma_wait3A_85 : memref<80000x16xf32, #tpu.memory_space<hbm>>) dst(%dma_wait3A_79 : memref<128x16xf32, #tpu.memory_space<vmem>>)
      %dma_wait3A_86 = arith.constant 1 : i32
      %dma_wait3A_87 = arith.constant 128 : i32
      %dma_wait3A_88 = arith.constant 0 : i32
      %dma_wait3A_89 = tpu.memref_slice %arg6[%dma_wait3A_87, %dma_wait3A_88] : memref<640x16xf32, #tpu.memory_space<vmem>> -> memref<128x16xf32, #tpu.memory_space<vmem>>
      %dma_wait3A_90 = arith.constant 0 : i32
      %dma_wait3A_91 = tpu.memref_slice %arg5[%dma_wait3A_86, %dma_wait3A_90] : memref<5x128xi32, #tpu.memory_space<vmem>> -> memref<1x128xi32, #tpu.memory_space<vmem>>
      %dma_wait3A_92 = tpu.memref_squeeze %dma_wait3A_91 : memref<1x128xi32, #tpu.memory_space<vmem>> -> memref<128xi32, #tpu.memory_space<vmem>>
      %dma_wait3A_93 = arith.constant 0 : i32
      %dma_wait3A_94 = arith.constant 0 : i32
      %dma_wait3A_95 = tpu.memref_slice %arg2[%dma_wait3A_93, %dma_wait3A_94] : memref<80000x16xf32, #tpu.memory_space<hbm>> -> memref<80000x16xf32, #tpu.memory_space<hbm>>
      tpu.wait_indirect_dma semaphore(%arg8 : memref<!tpu.dma_semaphore, #tpu.memory_space<semaphore_mem>>) src(%dma_wait3A_95 : memref<80000x16xf32, #tpu.memory_space<hbm>>) dst(%dma_wait3A_89 : memref<128x16xf32, #tpu.memory_space<vmem>>)
      %dma_wait3A_96 = arith.constant 2 : i32
      %dma_wait3A_97 = arith.constant 256 : i32
      %dma_wait3A_98 = arith.constant 0 : i32
      %dma_wait3A_99 = tpu.memref_slice %arg6[%dma_wait3A_97, %dma_wait3A_98] : memref<640x16xf32, #tpu.memory_space<vmem>> -> memref<128x16xf32, #tpu.memory_space<vmem>>
      %dma_wait3A_100 = arith.constant 0 : i32
      %dma_wait3A_101 = tpu.memref_slice %arg5[%dma_wait3A_96, %dma_wait3A_100] : memref<5x128xi32, #tpu.memory_space<vmem>> -> memref<1x128xi32, #tpu.memory_space<vmem>>
      %dma_wait3A_102 = tpu.memref_squeeze %dma_wait3A_101 : memref<1x128xi32, #tpu.memory_space<vmem>> -> memref<128xi32, #tpu.memory_space<vmem>>
      %dma_wait3A_103 = arith.constant 0 : i32
      %dma_wait3A_104 = arith.constant 0 : i32
      %dma_wait3A_105 = tpu.memref_slice %arg2[%dma_wait3A_103, %dma_wait3A_104] : memref<80000x16xf32, #tpu.memory_space<hbm>> -> memref<80000x16xf32, #tpu.memory_space<hbm>>
      tpu.wait_indirect_dma semaphore(%arg8 : memref<!tpu.dma_semaphore, #tpu.memory_space<semaphore_mem>>) src(%dma_wait3A_105 : memref<80000x16xf32, #tpu.memory_space<hbm>>) dst(%dma_wait3A_99 : memref<128x16xf32, #tpu.memory_space<vmem>>)
      %dma_wait3A_106 = arith.constant 3 : i32
      %dma_wait3A_107 = arith.constant 384 : i32
      %dma_wait3A_108 = arith.constant 0 : i32
      %dma_wait3A_109 = tpu.memref_slice %arg6[%dma_wait3A_107, %dma_wait3A_108] : memref<640x16xf32, #tpu.memory_space<vmem>> -> memref<128x16xf32, #tpu.memory_space<vmem>>
      %dma_wait3A_110 = arith.constant 0 : i32
      %dma_wait3A_111 = tpu.memref_slice %arg5[%dma_wait3A_106, %dma_wait3A_110] : memref<5x128xi32, #tpu.memory_space<vmem>> -> memref<1x128xi32, #tpu.memory_space<vmem>>
      %dma_wait3A_112 = tpu.memref_squeeze %dma_wait3A_111 : memref<1x128xi32, #tpu.memory_space<vmem>> -> memref<128xi32, #tpu.memory_space<vmem>>
      %dma_wait3A_113 = arith.constant 0 : i32
      %dma_wait3A_114 = arith.constant 0 : i32
      %dma_wait3A_115 = tpu.memref_slice %arg2[%dma_wait3A_113, %dma_wait3A_114] : memref<80000x16xf32, #tpu.memory_space<hbm>> -> memref<80000x16xf32, #tpu.memory_space<hbm>>
      tpu.wait_indirect_dma semaphore(%arg8 : memref<!tpu.dma_semaphore, #tpu.memory_space<semaphore_mem>>) src(%dma_wait3A_115 : memref<80000x16xf32, #tpu.memory_space<hbm>>) dst(%dma_wait3A_109 : memref<128x16xf32, #tpu.memory_space<vmem>>)
      %dma_wait3A_116 = arith.constant 4 : i32
      %dma_wait3A_117 = arith.constant 512 : i32
      %dma_wait3A_118 = arith.constant 0 : i32
      %dma_wait3A_119 = tpu.memref_slice %arg6[%dma_wait3A_117, %dma_wait3A_118] : memref<640x16xf32, #tpu.memory_space<vmem>> -> memref<128x16xf32, #tpu.memory_space<vmem>>
      %dma_wait3A_120 = arith.constant 0 : i32
      %dma_wait3A_121 = tpu.memref_slice %arg5[%dma_wait3A_116, %dma_wait3A_120] : memref<5x128xi32, #tpu.memory_space<vmem>> -> memref<1x128xi32, #tpu.memory_space<vmem>>
      %dma_wait3A_122 = tpu.memref_squeeze %dma_wait3A_121 : memref<1x128xi32, #tpu.memory_space<vmem>> -> memref<128xi32, #tpu.memory_space<vmem>>
      %dma_wait3A_123 = arith.constant 0 : i32
      %dma_wait3A_124 = arith.constant 0 : i32
      %dma_wait3A_125 = tpu.memref_slice %arg2[%dma_wait3A_123, %dma_wait3A_124] : memref<80000x16xf32, #tpu.memory_space<hbm>> -> memref<80000x16xf32, #tpu.memory_space<hbm>>
      tpu.wait_indirect_dma semaphore(%arg8 : memref<!tpu.dma_semaphore, #tpu.memory_space<semaphore_mem>>) src(%dma_wait3A_125 : memref<80000x16xf32, #tpu.memory_space<hbm>>) dst(%dma_wait3A_119 : memref<128x16xf32, #tpu.memory_space<vmem>>)
      %mul3A_126 = arith.constant 128 : i32
      %mul3A_127 = arith.muli %mul3A_26, %mul3A_126 : i32
      %dma_start3A_128 = arith.constant 0 : i32
      %dma_start3A_129 = tpu.memref_slice %arg4[%mul3A_127, %dma_start3A_128] : memref<409600x16xf32, #tpu.memory_space<hbm>> -> memref<640x16xf32, #tpu.memory_space<hbm>>
      %dma_start3A_130 = arith.constant 0 : i32
      %dma_start3A_131 = tpu.memref_slice %arg4[%mul3A_127, %dma_start3A_130] : memref<409600x16xf32, #tpu.memory_space<hbm>> -> memref<640x16xf32, #tpu.memory_space<hbm>>
      tpu.enqueue_dma source(%arg6 : memref<640x16xf32, #tpu.memory_space<vmem>>) target(%dma_start3A_131 : memref<640x16xf32, #tpu.memory_space<hbm>>) target_semaphore(%arg9 : memref<!tpu.dma_semaphore, #tpu.memory_space<semaphore_mem>>)
      %mul3A_132 = arith.constant 2 : i32
      %mul3A_133 = arith.muli %mul3A_132, %scan3A_17 : i32
      %add3A_134 = arith.constant 1 : i32
      %add3A_135 = arith.addi %mul3A_133, %add3A_134 : i32
      %ge3A_136 = arith.constant 1 : i32
      %ge3A_137 = arith.cmpi sge, %scan3A_17, %ge3A_136 : i32
      %convert_element_type3A_138 = arith.extui %ge3A_137 : i1 to i32
      %cond3A_139 = arith.constant 0 : i32
      %cond3A_140 = arith.cmpi ne, %convert_element_type3A_138, %cond3A_139 : i32
      scf.if %cond3A_140 {
        %dma_wait3A_252 = arith.constant 0 : i32
        %dma_wait3A_253 = arith.constant 0 : i32
        %dma_wait3A_254 = tpu.memref_slice %arg2[%dma_wait3A_252, %dma_wait3A_253] : memref<80000x16xf32, #tpu.memory_space<hbm>> -> memref<640x16xf32, #tpu.memory_space<hbm>>
        %dma_wait3A_255 = arith.constant 0 : i32
        %dma_wait3A_256 = arith.constant 0 : i32
        %dma_wait3A_257 = tpu.memref_slice %arg2[%dma_wait3A_255, %dma_wait3A_256] : memref<80000x16xf32, #tpu.memory_space<hbm>> -> memref<640x16xf32, #tpu.memory_space<hbm>>
        tpu.wait_dma2 semaphore(%arg9 : memref<!tpu.dma_semaphore, #tpu.memory_space<semaphore_mem>>) src(%dma_wait3A_257 : memref<640x16xf32, #tpu.memory_space<hbm>>) dst(%arg7 : memref<640x16xf32, #tpu.memory_space<vmem>>)
      } else {
      }
      %mul3A_141 = arith.constant 20 : i32
      %mul3A_142 = arith.muli %add3A, %mul3A_141 : i32
      %add3A_143 = arith.addi %mul3A_142, %add3A_135 : i32
      %mul3A_144 = arith.constant 5 : i32
      %mul3A_145 = arith.muli %add3A_143, %mul3A_144 : i32
      "tpu.region"() ({
        %run_scoped3A = tpu.sem_alloc : memref<!tpu.dma_semaphore, #tpu.memory_space<semaphore_mem>>
        %dma_start3A_252 = arith.constant 0 : i32
        %dma_start3A_253 = tpu.memref_slice %arg3[%mul3A_145, %dma_start3A_252] : memref<3200x128xi32, #tpu.memory_space<hbm>> -> memref<5x128xi32, #tpu.memory_space<hbm>>
        %dma_start3A_254 = arith.constant 0 : i32
        %dma_start3A_255 = tpu.memref_slice %arg3[%mul3A_145, %dma_start3A_254] : memref<3200x128xi32, #tpu.memory_space<hbm>> -> memref<5x128xi32, #tpu.memory_space<hbm>>
        tpu.enqueue_dma source(%dma_start3A_255 : memref<5x128xi32, #tpu.memory_space<hbm>>) target(%arg5 : memref<5x128xi32, #tpu.memory_space<vmem>>) target_semaphore(%run_scoped3A : memref<!tpu.dma_semaphore, #tpu.memory_space<semaphore_mem>>)
        %dma_wait3A_256 = arith.constant 0 : i32
        %dma_wait3A_257 = tpu.memref_slice %arg3[%mul3A_145, %dma_wait3A_256] : memref<3200x128xi32, #tpu.memory_space<hbm>> -> memref<5x128xi32, #tpu.memory_space<hbm>>
        %dma_wait3A_258 = arith.constant 0 : i32
        %dma_wait3A_259 = tpu.memref_slice %arg3[%mul3A_145, %dma_wait3A_258] : memref<3200x128xi32, #tpu.memory_space<hbm>> -> memref<5x128xi32, #tpu.memory_space<hbm>>
        tpu.wait_dma2 semaphore(%run_scoped3A : memref<!tpu.dma_semaphore, #tpu.memory_space<semaphore_mem>>) src(%dma_wait3A_259 : memref<5x128xi32, #tpu.memory_space<hbm>>) dst(%arg5 : memref<5x128xi32, #tpu.memory_space<vmem>>)
        tpu.yield
      }) : () -> ()
      %dma_start3A_146 = arith.constant 0 : i32
      %dma_start3A_147 = arith.constant 0 : i32
      %dma_start3A_148 = arith.constant 0 : i32
      %dma_start3A_149 = tpu.memref_slice %arg7[%dma_start3A_147, %dma_start3A_148] : memref<640x16xf32, #tpu.memory_space<vmem>> -> memref<128x16xf32, #tpu.memory_space<vmem>>
      %dma_start3A_150 = arith.constant 0 : i32
      %dma_start3A_151 = tpu.memref_slice %arg5[%dma_start3A_146, %dma_start3A_150] : memref<5x128xi32, #tpu.memory_space<vmem>> -> memref<1x128xi32, #tpu.memory_space<vmem>>
      %dma_start3A_152 = tpu.memref_squeeze %dma_start3A_151 : memref<1x128xi32, #tpu.memory_space<vmem>> -> memref<128xi32, #tpu.memory_space<vmem>>
      %dma_start3A_153 = arith.constant 0 : i32
      %dma_start3A_154 = arith.constant 0 : i32
      %dma_start3A_155 = tpu.memref_slice %arg2[%dma_start3A_153, %dma_start3A_154] : memref<80000x16xf32, #tpu.memory_space<hbm>> -> memref<80000x16xf32, #tpu.memory_space<hbm>>
      tpu.enqueue_indirect_dma source(%dma_start3A_155 : memref<80000x16xf32, #tpu.memory_space<hbm>>) target(%dma_start3A_149 : memref<128x16xf32, #tpu.memory_space<vmem>>) offsets(%dma_start3A_152 : memref<128xi32, #tpu.memory_space<vmem>>) semaphore(%arg8 : memref<!tpu.dma_semaphore, #tpu.memory_space<semaphore_mem>>)
      %dma_start3A_156 = arith.constant 1 : i32
      %dma_start3A_157 = arith.constant 128 : i32
      %dma_start3A_158 = arith.constant 0 : i32
      %dma_start3A_159 = tpu.memref_slice %arg7[%dma_start3A_157, %dma_start3A_158] : memref<640x16xf32, #tpu.memory_space<vmem>> -> memref<128x16xf32, #tpu.memory_space<vmem>>
      %dma_start3A_160 = arith.constant 0 : i32
      %dma_start3A_161 = tpu.memref_slice %arg5[%dma_start3A_156, %dma_start3A_160] : memref<5x128xi32, #tpu.memory_space<vmem>> -> memref<1x128xi32, #tpu.memory_space<vmem>>
      %dma_start3A_162 = tpu.memref_squeeze %dma_start3A_161 : memref<1x128xi32, #tpu.memory_space<vmem>> -> memref<128xi32, #tpu.memory_space<vmem>>
      %dma_start3A_163 = arith.constant 0 : i32
      %dma_start3A_164 = arith.constant 0 : i32
      %dma_start3A_165 = tpu.memref_slice %arg2[%dma_start3A_163, %dma_start3A_164] : memref<80000x16xf32, #tpu.memory_space<hbm>> -> memref<80000x16xf32, #tpu.memory_space<hbm>>
      tpu.enqueue_indirect_dma source(%dma_start3A_165 : memref<80000x16xf32, #tpu.memory_space<hbm>>) target(%dma_start3A_159 : memref<128x16xf32, #tpu.memory_space<vmem>>) offsets(%dma_start3A_162 : memref<128xi32, #tpu.memory_space<vmem>>) semaphore(%arg8 : memref<!tpu.dma_semaphore, #tpu.memory_space<semaphore_mem>>)
      %dma_start3A_166 = arith.constant 2 : i32
      %dma_start3A_167 = arith.constant 256 : i32
      %dma_start3A_168 = arith.constant 0 : i32
      %dma_start3A_169 = tpu.memref_slice %arg7[%dma_start3A_167, %dma_start3A_168] : memref<640x16xf32, #tpu.memory_space<vmem>> -> memref<128x16xf32, #tpu.memory_space<vmem>>
      %dma_start3A_170 = arith.constant 0 : i32
      %dma_start3A_171 = tpu.memref_slice %arg5[%dma_start3A_166, %dma_start3A_170] : memref<5x128xi32, #tpu.memory_space<vmem>> -> memref<1x128xi32, #tpu.memory_space<vmem>>
      %dma_start3A_172 = tpu.memref_squeeze %dma_start3A_171 : memref<1x128xi32, #tpu.memory_space<vmem>> -> memref<128xi32, #tpu.memory_space<vmem>>
      %dma_start3A_173 = arith.constant 0 : i32
      %dma_start3A_174 = arith.constant 0 : i32
      %dma_start3A_175 = tpu.memref_slice %arg2[%dma_start3A_173, %dma_start3A_174] : memref<80000x16xf32, #tpu.memory_space<hbm>> -> memref<80000x16xf32, #tpu.memory_space<hbm>>
      tpu.enqueue_indirect_dma source(%dma_start3A_175 : memref<80000x16xf32, #tpu.memory_space<hbm>>) target(%dma_start3A_169 : memref<128x16xf32, #tpu.memory_space<vmem>>) offsets(%dma_start3A_172 : memref<128xi32, #tpu.memory_space<vmem>>) semaphore(%arg8 : memref<!tpu.dma_semaphore, #tpu.memory_space<semaphore_mem>>)
      %dma_start3A_176 = arith.constant 3 : i32
      %dma_start3A_177 = arith.constant 384 : i32
      %dma_start3A_178 = arith.constant 0 : i32
      %dma_start3A_179 = tpu.memref_slice %arg7[%dma_start3A_177, %dma_start3A_178] : memref<640x16xf32, #tpu.memory_space<vmem>> -> memref<128x16xf32, #tpu.memory_space<vmem>>
      %dma_start3A_180 = arith.constant 0 : i32
      %dma_start3A_181 = tpu.memref_slice %arg5[%dma_start3A_176, %dma_start3A_180] : memref<5x128xi32, #tpu.memory_space<vmem>> -> memref<1x128xi32, #tpu.memory_space<vmem>>
      %dma_start3A_182 = tpu.memref_squeeze %dma_start3A_181 : memref<1x128xi32, #tpu.memory_space<vmem>> -> memref<128xi32, #tpu.memory_space<vmem>>
      %dma_start3A_183 = arith.constant 0 : i32
      %dma_start3A_184 = arith.constant 0 : i32
      %dma_start3A_185 = tpu.memref_slice %arg2[%dma_start3A_183, %dma_start3A_184] : memref<80000x16xf32, #tpu.memory_space<hbm>> -> memref<80000x16xf32, #tpu.memory_space<hbm>>
      tpu.enqueue_indirect_dma source(%dma_start3A_185 : memref<80000x16xf32, #tpu.memory_space<hbm>>) target(%dma_start3A_179 : memref<128x16xf32, #tpu.memory_space<vmem>>) offsets(%dma_start3A_182 : memref<128xi32, #tpu.memory_space<vmem>>) semaphore(%arg8 : memref<!tpu.dma_semaphore, #tpu.memory_space<semaphore_mem>>)
      %dma_start3A_186 = arith.constant 4 : i32
      %dma_start3A_187 = arith.constant 512 : i32
      %dma_start3A_188 = arith.constant 0 : i32
      %dma_start3A_189 = tpu.memref_slice %arg7[%dma_start3A_187, %dma_start3A_188] : memref<640x16xf32, #tpu.memory_space<vmem>> -> memref<128x16xf32, #tpu.memory_space<vmem>>
      %dma_start3A_190 = arith.constant 0 : i32
      %dma_start3A_191 = tpu.memref_slice %arg5[%dma_start3A_186, %dma_start3A_190] : memref<5x128xi32, #tpu.memory_space<vmem>> -> memref<1x128xi32, #tpu.memory_space<vmem>>
      %dma_start3A_192 = tpu.memref_squeeze %dma_start3A_191 : memref<1x128xi32, #tpu.memory_space<vmem>> -> memref<128xi32, #tpu.memory_space<vmem>>
      %dma_start3A_193 = arith.constant 0 : i32
      %dma_start3A_194 = arith.constant 0 : i32
      %dma_start3A_195 = tpu.memref_slice %arg2[%dma_start3A_193, %dma_start3A_194] : memref<80000x16xf32, #tpu.memory_space<hbm>> -> memref<80000x16xf32, #tpu.memory_space<hbm>>
      tpu.enqueue_indirect_dma source(%dma_start3A_195 : memref<80000x16xf32, #tpu.memory_space<hbm>>) target(%dma_start3A_189 : memref<128x16xf32, #tpu.memory_space<vmem>>) offsets(%dma_start3A_192 : memref<128xi32, #tpu.memory_space<vmem>>) semaphore(%arg8 : memref<!tpu.dma_semaphore, #tpu.memory_space<semaphore_mem>>)
      %dma_wait3A_196 = arith.constant 0 : i32
      %dma_wait3A_197 = arith.constant 0 : i32
      %dma_wait3A_198 = arith.constant 0 : i32
      %dma_wait3A_199 = tpu.memref_slice %arg7[%dma_wait3A_197, %dma_wait3A_198] : memref<640x16xf32, #tpu.memory_space<vmem>> -> memref<128x16xf32, #tpu.memory_space<vmem>>
      %dma_wait3A_200 = arith.constant 0 : i32
      %dma_wait3A_201 = tpu.memref_slice %arg5[%dma_wait3A_196, %dma_wait3A_200] : memref<5x128xi32, #tpu.memory_space<vmem>> -> memref<1x128xi32, #tpu.memory_space<vmem>>
      %dma_wait3A_202 = tpu.memref_squeeze %dma_wait3A_201 : memref<1x128xi32, #tpu.memory_space<vmem>> -> memref<128xi32, #tpu.memory_space<vmem>>
      %dma_wait3A_203 = arith.constant 0 : i32
      %dma_wait3A_204 = arith.constant 0 : i32
      %dma_wait3A_205 = tpu.memref_slice %arg2[%dma_wait3A_203, %dma_wait3A_204] : memref<80000x16xf32, #tpu.memory_space<hbm>> -> memref<80000x16xf32, #tpu.memory_space<hbm>>
      tpu.wait_indirect_dma semaphore(%arg8 : memref<!tpu.dma_semaphore, #tpu.memory_space<semaphore_mem>>) src(%dma_wait3A_205 : memref<80000x16xf32, #tpu.memory_space<hbm>>) dst(%dma_wait3A_199 : memref<128x16xf32, #tpu.memory_space<vmem>>)
      %dma_wait3A_206 = arith.constant 1 : i32
      %dma_wait3A_207 = arith.constant 128 : i32
      %dma_wait3A_208 = arith.constant 0 : i32
      %dma_wait3A_209 = tpu.memref_slice %arg7[%dma_wait3A_207, %dma_wait3A_208] : memref<640x16xf32, #tpu.memory_space<vmem>> -> memref<128x16xf32, #tpu.memory_space<vmem>>
      %dma_wait3A_210 = arith.constant 0 : i32
      %dma_wait3A_211 = tpu.memref_slice %arg5[%dma_wait3A_206, %dma_wait3A_210] : memref<5x128xi32, #tpu.memory_space<vmem>> -> memref<1x128xi32, #tpu.memory_space<vmem>>
      %dma_wait3A_212 = tpu.memref_squeeze %dma_wait3A_211 : memref<1x128xi32, #tpu.memory_space<vmem>> -> memref<128xi32, #tpu.memory_space<vmem>>
      %dma_wait3A_213 = arith.constant 0 : i32
      %dma_wait3A_214 = arith.constant 0 : i32
      %dma_wait3A_215 = tpu.memref_slice %arg2[%dma_wait3A_213, %dma_wait3A_214] : memref<80000x16xf32, #tpu.memory_space<hbm>> -> memref<80000x16xf32, #tpu.memory_space<hbm>>
      tpu.wait_indirect_dma semaphore(%arg8 : memref<!tpu.dma_semaphore, #tpu.memory_space<semaphore_mem>>) src(%dma_wait3A_215 : memref<80000x16xf32, #tpu.memory_space<hbm>>) dst(%dma_wait3A_209 : memref<128x16xf32, #tpu.memory_space<vmem>>)
      %dma_wait3A_216 = arith.constant 2 : i32
      %dma_wait3A_217 = arith.constant 256 : i32
      %dma_wait3A_218 = arith.constant 0 : i32
      %dma_wait3A_219 = tpu.memref_slice %arg7[%dma_wait3A_217, %dma_wait3A_218] : memref<640x16xf32, #tpu.memory_space<vmem>> -> memref<128x16xf32, #tpu.memory_space<vmem>>
      %dma_wait3A_220 = arith.constant 0 : i32
      %dma_wait3A_221 = tpu.memref_slice %arg5[%dma_wait3A_216, %dma_wait3A_220] : memref<5x128xi32, #tpu.memory_space<vmem>> -> memref<1x128xi32, #tpu.memory_space<vmem>>
      %dma_wait3A_222 = tpu.memref_squeeze %dma_wait3A_221 : memref<1x128xi32, #tpu.memory_space<vmem>> -> memref<128xi32, #tpu.memory_space<vmem>>
      %dma_wait3A_223 = arith.constant 0 : i32
      %dma_wait3A_224 = arith.constant 0 : i32
      %dma_wait3A_225 = tpu.memref_slice %arg2[%dma_wait3A_223, %dma_wait3A_224] : memref<80000x16xf32, #tpu.memory_space<hbm>> -> memref<80000x16xf32, #tpu.memory_space<hbm>>
      tpu.wait_indirect_dma semaphore(%arg8 : memref<!tpu.dma_semaphore, #tpu.memory_space<semaphore_mem>>) src(%dma_wait3A_225 : memref<80000x16xf32, #tpu.memory_space<hbm>>) dst(%dma_wait3A_219 : memref<128x16xf32, #tpu.memory_space<vmem>>)
      %dma_wait3A_226 = arith.constant 3 : i32
      %dma_wait3A_227 = arith.constant 384 : i32
      %dma_wait3A_228 = arith.constant 0 : i32
      %dma_wait3A_229 = tpu.memref_slice %arg7[%dma_wait3A_227, %dma_wait3A_228] : memref<640x16xf32, #tpu.memory_space<vmem>> -> memref<128x16xf32, #tpu.memory_space<vmem>>
      %dma_wait3A_230 = arith.constant 0 : i32
      %dma_wait3A_231 = tpu.memref_slice %arg5[%dma_wait3A_226, %dma_wait3A_230] : memref<5x128xi32, #tpu.memory_space<vmem>> -> memref<1x128xi32, #tpu.memory_space<vmem>>
      %dma_wait3A_232 = tpu.memref_squeeze %dma_wait3A_231 : memref<1x128xi32, #tpu.memory_space<vmem>> -> memref<128xi32, #tpu.memory_space<vmem>>
      %dma_wait3A_233 = arith.constant 0 : i32
      %dma_wait3A_234 = arith.constant 0 : i32
      %dma_wait3A_235 = tpu.memref_slice %arg2[%dma_wait3A_233, %dma_wait3A_234] : memref<80000x16xf32, #tpu.memory_space<hbm>> -> memref<80000x16xf32, #tpu.memory_space<hbm>>
      tpu.wait_indirect_dma semaphore(%arg8 : memref<!tpu.dma_semaphore, #tpu.memory_space<semaphore_mem>>) src(%dma_wait3A_235 : memref<80000x16xf32, #tpu.memory_space<hbm>>) dst(%dma_wait3A_229 : memref<128x16xf32, #tpu.memory_space<vmem>>)
      %dma_wait3A_236 = arith.constant 4 : i32
      %dma_wait3A_237 = arith.constant 512 : i32
      %dma_wait3A_238 = arith.constant 0 : i32
      %dma_wait3A_239 = tpu.memref_slice %arg7[%dma_wait3A_237, %dma_wait3A_238] : memref<640x16xf32, #tpu.memory_space<vmem>> -> memref<128x16xf32, #tpu.memory_space<vmem>>
      %dma_wait3A_240 = arith.constant 0 : i32
      %dma_wait3A_241 = tpu.memref_slice %arg5[%dma_wait3A_236, %dma_wait3A_240] : memref<5x128xi32, #tpu.memory_space<vmem>> -> memref<1x128xi32, #tpu.memory_space<vmem>>
      %dma_wait3A_242 = tpu.memref_squeeze %dma_wait3A_241 : memref<1x128xi32, #tpu.memory_space<vmem>> -> memref<128xi32, #tpu.memory_space<vmem>>
      %dma_wait3A_243 = arith.constant 0 : i32
      %dma_wait3A_244 = arith.constant 0 : i32
      %dma_wait3A_245 = tpu.memref_slice %arg2[%dma_wait3A_243, %dma_wait3A_244] : memref<80000x16xf32, #tpu.memory_space<hbm>> -> memref<80000x16xf32, #tpu.memory_space<hbm>>
      tpu.wait_indirect_dma semaphore(%arg8 : memref<!tpu.dma_semaphore, #tpu.memory_space<semaphore_mem>>) src(%dma_wait3A_245 : memref<80000x16xf32, #tpu.memory_space<hbm>>) dst(%dma_wait3A_239 : memref<128x16xf32, #tpu.memory_space<vmem>>)
      %mul3A_246 = arith.constant 128 : i32
      %mul3A_247 = arith.muli %mul3A_145, %mul3A_246 : i32
      %dma_start3A_248 = arith.constant 0 : i32
      %dma_start3A_249 = tpu.memref_slice %arg4[%mul3A_247, %dma_start3A_248] : memref<409600x16xf32, #tpu.memory_space<hbm>> -> memref<640x16xf32, #tpu.memory_space<hbm>>
      %dma_start3A_250 = arith.constant 0 : i32
      %dma_start3A_251 = tpu.memref_slice %arg4[%mul3A_247, %dma_start3A_250] : memref<409600x16xf32, #tpu.memory_space<hbm>> -> memref<640x16xf32, #tpu.memory_space<hbm>>
      tpu.enqueue_dma source(%arg7 : memref<640x16xf32, #tpu.memory_space<vmem>>) target(%dma_start3A_251 : memref<640x16xf32, #tpu.memory_space<hbm>>) target_semaphore(%arg9 : memref<!tpu.dma_semaphore, #tpu.memory_space<semaphore_mem>>)
    }
    %scan3A_5 = arith.constant 10 : i32
    %dma_wait3A = arith.constant 0 : i32
    %dma_wait3A_6 = arith.constant 0 : i32
    %dma_wait3A_7 = tpu.memref_slice %arg2[%dma_wait3A, %dma_wait3A_6] : memref<80000x16xf32, #tpu.memory_space<hbm>> -> memref<640x16xf32, #tpu.memory_space<hbm>>
    %dma_wait3A_8 = arith.constant 0 : i32
    %dma_wait3A_9 = arith.constant 0 : i32
    %dma_wait3A_10 = tpu.memref_slice %arg2[%dma_wait3A_8, %dma_wait3A_9] : memref<80000x16xf32, #tpu.memory_space<hbm>> -> memref<640x16xf32, #tpu.memory_space<hbm>>
    tpu.wait_dma2 semaphore(%arg9 : memref<!tpu.dma_semaphore, #tpu.memory_space<semaphore_mem>>) src(%dma_wait3A_10 : memref<640x16xf32, #tpu.memory_space<hbm>>) dst(%arg6 : memref<640x16xf32, #tpu.memory_space<vmem>>)
    %dma_wait3A_11 = arith.constant 0 : i32
    %dma_wait3A_12 = arith.constant 0 : i32
    %dma_wait3A_13 = tpu.memref_slice %arg2[%dma_wait3A_11, %dma_wait3A_12] : memref<80000x16xf32, #tpu.memory_space<hbm>> -> memref<640x16xf32, #tpu.memory_space<hbm>>
    %dma_wait3A_14 = arith.constant 0 : i32
    %dma_wait3A_15 = arith.constant 0 : i32
    %dma_wait3A_16 = tpu.memref_slice %arg2[%dma_wait3A_14, %dma_wait3A_15] : memref<80000x16xf32, #tpu.memory_space<hbm>> -> memref<640x16xf32, #tpu.memory_space<hbm>>
    tpu.wait_dma2 semaphore(%arg9 : memref<!tpu.dma_semaphore, #tpu.memory_space<semaphore_mem>>) src(%dma_wait3A_16 : memref<640x16xf32, #tpu.memory_space<hbm>>) dst(%arg7 : memref<640x16xf32, #tpu.memory_space<vmem>>)
    return
  }
}

#map = affine_map<(d0, d1) -> (0, 0)>
#map1 = affine_map<(d0, d1) -> (0)>
#map2 = affine_map<(d0, d1) -> (0, 0, 0)>
module attributes {stable_mosaic.version = 14 : i64} {
  func.func @_agg_body(%arg0: i32, %arg1: i32, %arg2: memref<100000x32xf32, #tpu.memory_space<hbm>>, %arg3: memref<823296xi32, #tpu.memory_space<hbm>>, %arg4: memref<6432x128xi32, #tpu.memory_space<hbm>>, %arg5: memref<3200x32xf32, #tpu.memory_space<hbm>>, %arg6: memref<2x51200x32xf32, #tpu.memory_space<hbm>>, %arg7: memref<384xi32, #tpu.memory_space<vmem>>, %arg8: memref<3x128xi32, #tpu.memory_space<vmem>>, %arg9: memref<3x128xi32, #tpu.memory_space<vmem>>, %arg10: memref<384x32xf32, #tpu.memory_space<vmem>>, %arg11: memref<384x32xf32, #tpu.memory_space<vmem>>, %arg12: memref<51200x32xf32, #tpu.memory_space<vmem_shared>>, %arg13: memref<!tpu.dma_semaphore, #tpu.memory_space<semaphore_mem>>, %arg14: memref<!tpu.dma_semaphore, #tpu.memory_space<semaphore_mem>>) attributes {dimension_semantics = [#tpu.dimension_semantics<core_parallel>, #tpu.dimension_semantics<subcore_parallel>], iteration_bounds = array<i64: 2, 16>, scalar_prefetch = 0 : i64, scratch_operands = 8 : i64, tpu.core_type = #tpu.core_type<sc_vector_subcore>, window_params = [{transform_indices = #map}, {transform_indices = #map1}, {transform_indices = #map}, {transform_indices = #map}, {transform_indices = #map2}]} {
    %mul3A = arith.constant 3200 : i32
    %mul3A_0 = arith.muli %arg1, %mul3A : i32
    "tpu.region"() ({
      %run_scoped3A = tpu.sem_alloc : memref<!tpu.dma_semaphore, #tpu.memory_space<semaphore_mem>>
      %dma_start3A = arith.constant 0 : i32
      %dma_start3A_18 = tpu.memref_slice %arg12[%mul3A_0, %dma_start3A] : memref<51200x32xf32, #tpu.memory_space<vmem_shared>> -> memref<3200x32xf32, #tpu.memory_space<vmem_shared>>
      tpu.enqueue_dma source(%arg5 : memref<3200x32xf32, #tpu.memory_space<hbm>>) target(%dma_start3A_18 : memref<3200x32xf32, #tpu.memory_space<vmem_shared>>) target_semaphore(%run_scoped3A : memref<!tpu.dma_semaphore, #tpu.memory_space<semaphore_mem>>)
      %dma_wait3A_19 = arith.constant 0 : i32
      %dma_wait3A_20 = tpu.memref_slice %arg12[%mul3A_0, %dma_wait3A_19] : memref<51200x32xf32, #tpu.memory_space<vmem_shared>> -> memref<3200x32xf32, #tpu.memory_space<vmem_shared>>
      tpu.wait_dma2 semaphore(%run_scoped3A : memref<!tpu.dma_semaphore, #tpu.memory_space<semaphore_mem>>) src(%arg5 : memref<3200x32xf32, #tpu.memory_space<hbm>>) dst(%dma_wait3A_20 : memref<3200x32xf32, #tpu.memory_space<vmem_shared>>)
      tpu.yield
    }) : () -> ()
    %barrier3A = arith.constant 0 : index
    tpu.barrier barrier_id(%barrier3A)
    %scan3A = arith.constant 0 : i32
    %scan3A_1 = arith.constant 0 : i32
    %scan3A_2 = arith.constant 67 : i32
    %scan3A_3 = arith.addi %scan3A_1, %scan3A_2 : i32
    %scan3A_4 = arith.constant 1 : i32
    scf.for %scan3A_18 = %scan3A_1 to %scan3A_3 step %scan3A_4  : i32 {
      %mul3A_19 = arith.constant 2 : i32
      %mul3A_20 = arith.muli %mul3A_19, %scan3A_18 : i32
      %ge3A = arith.constant 1 : i32
      %ge3A_21 = arith.cmpi sge, %scan3A_18, %ge3A : i32
      %convert_element_type3A = arith.extui %ge3A_21 : i1 to i32
      %cond3A = arith.constant 0 : i32
      %cond3A_22 = arith.cmpi ne, %convert_element_type3A, %cond3A : i32
      scf.if %cond3A_22 {
        %dma_wait3A_630 = arith.constant 0 : i32
        %dma_wait3A_631 = arith.constant 0 : i32
        %dma_wait3A_632 = tpu.memref_slice %arg2[%dma_wait3A_630, %dma_wait3A_631] : memref<100000x32xf32, #tpu.memory_space<hbm>> -> memref<384x32xf32, #tpu.memory_space<hbm>>
        %dma_wait3A_633 = arith.constant 0 : i32
        %dma_wait3A_634 = arith.constant 0 : i32
        %dma_wait3A_635 = tpu.memref_slice %arg2[%dma_wait3A_633, %dma_wait3A_634] : memref<100000x32xf32, #tpu.memory_space<hbm>> -> memref<384x32xf32, #tpu.memory_space<hbm>>
        tpu.wait_dma2 semaphore(%arg14 : memref<!tpu.dma_semaphore, #tpu.memory_space<semaphore_mem>>) src(%dma_wait3A_635 : memref<384x32xf32, #tpu.memory_space<hbm>>) dst(%arg10 : memref<384x32xf32, #tpu.memory_space<vmem>>)
      } else {
      }
      %mul3A_23 = arith.constant 402 : i32
      %mul3A_24 = arith.muli %arg1, %mul3A_23 : i32
      %mul3A_25 = arith.constant 3 : i32
      %mul3A_26 = arith.muli %mul3A_20, %mul3A_25 : i32
      %add3A = arith.addi %mul3A_24, %mul3A_26 : i32
      %mul3A_27 = arith.constant 128 : i32
      %mul3A_28 = arith.muli %add3A, %mul3A_27 : i32
      "tpu.region"() ({
        %run_scoped3A = tpu.sem_alloc : memref<!tpu.dma_semaphore, #tpu.memory_space<semaphore_mem>>
        %dma_start3A_630 = tpu.memref_slice %arg3[%mul3A_28] : memref<823296xi32, #tpu.memory_space<hbm>> -> memref<384xi32, #tpu.memory_space<hbm>>
        %dma_start3A_631 = tpu.memref_slice %arg3[%mul3A_28] : memref<823296xi32, #tpu.memory_space<hbm>> -> memref<384xi32, #tpu.memory_space<hbm>>
        tpu.enqueue_dma source(%dma_start3A_631 : memref<384xi32, #tpu.memory_space<hbm>>) target(%arg7 : memref<384xi32, #tpu.memory_space<vmem>>) target_semaphore(%run_scoped3A : memref<!tpu.dma_semaphore, #tpu.memory_space<semaphore_mem>>)
        %dma_wait3A_632 = tpu.memref_slice %arg3[%mul3A_28] : memref<823296xi32, #tpu.memory_space<hbm>> -> memref<384xi32, #tpu.memory_space<hbm>>
        %dma_wait3A_633 = tpu.memref_slice %arg3[%mul3A_28] : memref<823296xi32, #tpu.memory_space<hbm>> -> memref<384xi32, #tpu.memory_space<hbm>>
        tpu.wait_dma2 semaphore(%run_scoped3A : memref<!tpu.dma_semaphore, #tpu.memory_space<semaphore_mem>>) src(%dma_wait3A_633 : memref<384xi32, #tpu.memory_space<hbm>>) dst(%arg7 : memref<384xi32, #tpu.memory_space<vmem>>)
        tpu.yield
      }) : () -> ()
      "tpu.region"() ({
        %run_scoped3A = tpu.sem_alloc : memref<!tpu.dma_semaphore, #tpu.memory_space<semaphore_mem>>
        %dma_start3A_630 = arith.constant 0 : i32
        %dma_start3A_631 = tpu.memref_slice %arg4[%add3A, %dma_start3A_630] : memref<6432x128xi32, #tpu.memory_space<hbm>> -> memref<3x128xi32, #tpu.memory_space<hbm>>
        %dma_start3A_632 = arith.constant 0 : i32
        %dma_start3A_633 = tpu.memref_slice %arg4[%add3A, %dma_start3A_632] : memref<6432x128xi32, #tpu.memory_space<hbm>> -> memref<3x128xi32, #tpu.memory_space<hbm>>
        tpu.enqueue_dma source(%dma_start3A_633 : memref<3x128xi32, #tpu.memory_space<hbm>>) target(%arg8 : memref<3x128xi32, #tpu.memory_space<vmem>>) target_semaphore(%run_scoped3A : memref<!tpu.dma_semaphore, #tpu.memory_space<semaphore_mem>>)
        %dma_wait3A_634 = arith.constant 0 : i32
        %dma_wait3A_635 = tpu.memref_slice %arg4[%add3A, %dma_wait3A_634] : memref<6432x128xi32, #tpu.memory_space<hbm>> -> memref<3x128xi32, #tpu.memory_space<hbm>>
        %dma_wait3A_636 = arith.constant 0 : i32
        %dma_wait3A_637 = tpu.memref_slice %arg4[%add3A, %dma_wait3A_636] : memref<6432x128xi32, #tpu.memory_space<hbm>> -> memref<3x128xi32, #tpu.memory_space<hbm>>
        tpu.wait_dma2 semaphore(%run_scoped3A : memref<!tpu.dma_semaphore, #tpu.memory_space<semaphore_mem>>) src(%dma_wait3A_637 : memref<3x128xi32, #tpu.memory_space<hbm>>) dst(%arg8 : memref<3x128xi32, #tpu.memory_space<vmem>>)
        tpu.yield
      }) : () -> ()
      %get3A = arith.constant 0 : index
      %get3A_29 = tpu.vector_load %arg7[%get3A] {strides = array<i32>} : memref<384xi32, #tpu.memory_space<vmem>>, vector<16xi32>,
      %get3A_30 = vector.shape_cast %get3A_29 : vector<16xi32> to vector<16xi32>
      %add3A_31 = vector.broadcast %arg0 : i32 to vector<16xi32>
      %add3A_32 = arith.addi %get3A_30, %add3A_31 : vector<16xi32>
      %swap3A = arith.constant 0 : index
      %swap3A_33 = tpu.vector_load %arg7[%swap3A] {strides = array<i32>} : memref<384xi32, #tpu.memory_space<vmem>>, vector<16xi32>,
      %swap3A_34 = vector.shape_cast %swap3A_33 : vector<16xi32> to vector<16xi32>
      %swap3A_35 = vector.shape_cast %add3A_32 : vector<16xi32> to vector<16xi32>
      tpu.vector_store %arg7[%swap3A], %swap3A_35 {strides = array<i32>} : memref<384xi32, #tpu.memory_space<vmem>>, vector<16xi32>,
      %get3A_36 = arith.constant 16 : index
      %get3A_37 = tpu.vector_load %arg7[%get3A_36] {strides = array<i32>} : memref<384xi32, #tpu.memory_space<vmem>>, vector<16xi32>,
      %get3A_38 = vector.shape_cast %get3A_37 : vector<16xi32> to vector<16xi32>
      %add3A_39 = vector.broadcast %arg0 : i32 to vector<16xi32>
      %add3A_40 = arith.addi %get3A_38, %add3A_39 : vector<16xi32>
      %swap3A_41 = arith.constant 16 : index
      %swap3A_42 = tpu.vector_load %arg7[%swap3A_41] {strides = array<i32>} : memref<384xi32, #tpu.memory_space<vmem>>, vector<16xi32>,
      %swap3A_43 = vector.shape_cast %swap3A_42 : vector<16xi32> to vector<16xi32>
      %swap3A_44 = vector.shape_cast %add3A_40 : vector<16xi32> to vector<16xi32>
      tpu.vector_store %arg7[%swap3A_41], %swap3A_44 {strides = array<i32>} : memref<384xi32, #tpu.memory_space<vmem>>, vector<16xi32>,
      %get3A_45 = arith.constant 32 : index
      %get3A_46 = tpu.vector_load %arg7[%get3A_45] {strides = array<i32>} : memref<384xi32, #tpu.memory_space<vmem>>, vector<16xi32>,
      %get3A_47 = vector.shape_cast %get3A_46 : vector<16xi32> to vector<16xi32>
      %add3A_48 = vector.broadcast %arg0 : i32 to vector<16xi32>
      %add3A_49 = arith.addi %get3A_47, %add3A_48 : vector<16xi32>
      %swap3A_50 = arith.constant 32 : index
      %swap3A_51 = tpu.vector_load %arg7[%swap3A_50] {strides = array<i32>} : memref<384xi32, #tpu.memory_space<vmem>>, vector<16xi32>,
      %swap3A_52 = vector.shape_cast %swap3A_51 : vector<16xi32> to vector<16xi32>
      %swap3A_53 = vector.shape_cast %add3A_49 : vector<16xi32> to vector<16xi32>
      tpu.vector_store %arg7[%swap3A_50], %swap3A_53 {strides = array<i32>} : memref<384xi32, #tpu.memory_space<vmem>>, vector<16xi32>,
      %get3A_54 = arith.constant 48 : index
      %get3A_55 = tpu.vector_load %arg7[%get3A_54] {strides = array<i32>} : memref<384xi32, #tpu.memory_space<vmem>>, vector<16xi32>,
      %get3A_56 = vector.shape_cast %get3A_55 : vector<16xi32> to vector<16xi32>
      %add3A_57 = vector.broadcast %arg0 : i32 to vector<16xi32>
      %add3A_58 = arith.addi %get3A_56, %add3A_57 : vector<16xi32>
      %swap3A_59 = arith.constant 48 : index
      %swap3A_60 = tpu.vector_load %arg7[%swap3A_59] {strides = array<i32>} : memref<384xi32, #tpu.memory_space<vmem>>, vector<16xi32>,
      %swap3A_61 = vector.shape_cast %swap3A_60 : vector<16xi32> to vector<16xi32>
      %swap3A_62 = vector.shape_cast %add3A_58 : vector<16xi32> to vector<16xi32>
      tpu.vector_store %arg7[%swap3A_59], %swap3A_62 {strides = array<i32>} : memref<384xi32, #tpu.memory_space<vmem>>, vector<16xi32>,
      %get3A_63 = arith.constant 64 : index
      %get3A_64 = tpu.vector_load %arg7[%get3A_63] {strides = array<i32>} : memref<384xi32, #tpu.memory_space<vmem>>, vector<16xi32>,
      %get3A_65 = vector.shape_cast %get3A_64 : vector<16xi32> to vector<16xi32>
      %add3A_66 = vector.broadcast %arg0 : i32 to vector<16xi32>
      %add3A_67 = arith.addi %get3A_65, %add3A_66 : vector<16xi32>
      %swap3A_68 = arith.constant 64 : index
      %swap3A_69 = tpu.vector_load %arg7[%swap3A_68] {strides = array<i32>} : memref<384xi32, #tpu.memory_space<vmem>>, vector<16xi32>,
      %swap3A_70 = vector.shape_cast %swap3A_69 : vector<16xi32> to vector<16xi32>
      %swap3A_71 = vector.shape_cast %add3A_67 : vector<16xi32> to vector<16xi32>
      tpu.vector_store %arg7[%swap3A_68], %swap3A_71 {strides = array<i32>} : memref<384xi32, #tpu.memory_space<vmem>>, vector<16xi32>,
      %get3A_72 = arith.constant 80 : index
      %get3A_73 = tpu.vector_load %arg7[%get3A_72] {strides = array<i32>} : memref<384xi32, #tpu.memory_space<vmem>>, vector<16xi32>,
      %get3A_74 = vector.shape_cast %get3A_73 : vector<16xi32> to vector<16xi32>
      %add3A_75 = vector.broadcast %arg0 : i32 to vector<16xi32>
      %add3A_76 = arith.addi %get3A_74, %add3A_75 : vector<16xi32>
      %swap3A_77 = arith.constant 80 : index
      %swap3A_78 = tpu.vector_load %arg7[%swap3A_77] {strides = array<i32>} : memref<384xi32, #tpu.memory_space<vmem>>, vector<16xi32>,
      %swap3A_79 = vector.shape_cast %swap3A_78 : vector<16xi32> to vector<16xi32>
      %swap3A_80 = vector.shape_cast %add3A_76 : vector<16xi32> to vector<16xi32>
      tpu.vector_store %arg7[%swap3A_77], %swap3A_80 {strides = array<i32>} : memref<384xi32, #tpu.memory_space<vmem>>, vector<16xi32>,
      %get3A_81 = arith.constant 96 : index
      %get3A_82 = tpu.vector_load %arg7[%get3A_81] {strides = array<i32>} : memref<384xi32, #tpu.memory_space<vmem>>, vector<16xi32>,
      %get3A_83 = vector.shape_cast %get3A_82 : vector<16xi32> to vector<16xi32>
      %add3A_84 = vector.broadcast %arg0 : i32 to vector<16xi32>
      %add3A_85 = arith.addi %get3A_83, %add3A_84 : vector<16xi32>
      %swap3A_86 = arith.constant 96 : index
      %swap3A_87 = tpu.vector_load %arg7[%swap3A_86] {strides = array<i32>} : memref<384xi32, #tpu.memory_space<vmem>>, vector<16xi32>,
      %swap3A_88 = vector.shape_cast %swap3A_87 : vector<16xi32> to vector<16xi32>
      %swap3A_89 = vector.shape_cast %add3A_85 : vector<16xi32> to vector<16xi32>
      tpu.vector_store %arg7[%swap3A_86], %swap3A_89 {strides = array<i32>} : memref<384xi32, #tpu.memory_space<vmem>>, vector<16xi32>,
      %get3A_90 = arith.constant 112 : index
      %get3A_91 = tpu.vector_load %arg7[%get3A_90] {strides = array<i32>} : memref<384xi32, #tpu.memory_space<vmem>>, vector<16xi32>,
      %get3A_92 = vector.shape_cast %get3A_91 : vector<16xi32> to vector<16xi32>
      %add3A_93 = vector.broadcast %arg0 : i32 to vector<16xi32>
      %add3A_94 = arith.addi %get3A_92, %add3A_93 : vector<16xi32>
      %swap3A_95 = arith.constant 112 : index
      %swap3A_96 = tpu.vector_load %arg7[%swap3A_95] {strides = array<i32>} : memref<384xi32, #tpu.memory_space<vmem>>, vector<16xi32>,
      %swap3A_97 = vector.shape_cast %swap3A_96 : vector<16xi32> to vector<16xi32>
      %swap3A_98 = vector.shape_cast %add3A_94 : vector<16xi32> to vector<16xi32>
      tpu.vector_store %arg7[%swap3A_95], %swap3A_98 {strides = array<i32>} : memref<384xi32, #tpu.memory_space<vmem>>, vector<16xi32>,
      %get3A_99 = arith.constant 128 : index
      %get3A_100 = tpu.vector_load %arg7[%get3A_99] {strides = array<i32>} : memref<384xi32, #tpu.memory_space<vmem>>, vector<16xi32>,
      %get3A_101 = vector.shape_cast %get3A_100 : vector<16xi32> to vector<16xi32>
      %add3A_102 = vector.broadcast %arg0 : i32 to vector<16xi32>
      %add3A_103 = arith.addi %get3A_101, %add3A_102 : vector<16xi32>
      %swap3A_104 = arith.constant 128 : index
      %swap3A_105 = tpu.vector_load %arg7[%swap3A_104] {strides = array<i32>} : memref<384xi32, #tpu.memory_space<vmem>>, vector<16xi32>,
      %swap3A_106 = vector.shape_cast %swap3A_105 : vector<16xi32> to vector<16xi32>
      %swap3A_107 = vector.shape_cast %add3A_103 : vector<16xi32> to vector<16xi32>
      tpu.vector_store %arg7[%swap3A_104], %swap3A_107 {strides = array<i32>} : memref<384xi32, #tpu.memory_space<vmem>>, vector<16xi32>,
      %get3A_108 = arith.constant 144 : index
      %get3A_109 = tpu.vector_load %arg7[%get3A_108] {strides = array<i32>} : memref<384xi32, #tpu.memory_space<vmem>>, vector<16xi32>,
      %get3A_110 = vector.shape_cast %get3A_109 : vector<16xi32> to vector<16xi32>
      %add3A_111 = vector.broadcast %arg0 : i32 to vector<16xi32>
      %add3A_112 = arith.addi %get3A_110, %add3A_111 : vector<16xi32>
      %swap3A_113 = arith.constant 144 : index
      %swap3A_114 = tpu.vector_load %arg7[%swap3A_113] {strides = array<i32>} : memref<384xi32, #tpu.memory_space<vmem>>, vector<16xi32>,
      %swap3A_115 = vector.shape_cast %swap3A_114 : vector<16xi32> to vector<16xi32>
      %swap3A_116 = vector.shape_cast %add3A_112 : vector<16xi32> to vector<16xi32>
      tpu.vector_store %arg7[%swap3A_113], %swap3A_116 {strides = array<i32>} : memref<384xi32, #tpu.memory_space<vmem>>, vector<16xi32>,
      %get3A_117 = arith.constant 160 : index
      %get3A_118 = tpu.vector_load %arg7[%get3A_117] {strides = array<i32>} : memref<384xi32, #tpu.memory_space<vmem>>, vector<16xi32>,
      %get3A_119 = vector.shape_cast %get3A_118 : vector<16xi32> to vector<16xi32>
      %add3A_120 = vector.broadcast %arg0 : i32 to vector<16xi32>
      %add3A_121 = arith.addi %get3A_119, %add3A_120 : vector<16xi32>
      %swap3A_122 = arith.constant 160 : index
      %swap3A_123 = tpu.vector_load %arg7[%swap3A_122] {strides = array<i32>} : memref<384xi32, #tpu.memory_space<vmem>>, vector<16xi32>,
      %swap3A_124 = vector.shape_cast %swap3A_123 : vector<16xi32> to vector<16xi32>
      %swap3A_125 = vector.shape_cast %add3A_121 : vector<16xi32> to vector<16xi32>
      tpu.vector_store %arg7[%swap3A_122], %swap3A_125 {strides = array<i32>} : memref<384xi32, #tpu.memory_space<vmem>>, vector<16xi32>,
      %get3A_126 = arith.constant 176 : index
      %get3A_127 = tpu.vector_load %arg7[%get3A_126] {strides = array<i32>} : memref<384xi32, #tpu.memory_space<vmem>>, vector<16xi32>,
      %get3A_128 = vector.shape_cast %get3A_127 : vector<16xi32> to vector<16xi32>
      %add3A_129 = vector.broadcast %arg0 : i32 to vector<16xi32>
      %add3A_130 = arith.addi %get3A_128, %add3A_129 : vector<16xi32>
      %swap3A_131 = arith.constant 176 : index
      %swap3A_132 = tpu.vector_load %arg7[%swap3A_131] {strides = array<i32>} : memref<384xi32, #tpu.memory_space<vmem>>, vector<16xi32>,
      %swap3A_133 = vector.shape_cast %swap3A_132 : vector<16xi32> to vector<16xi32>
      %swap3A_134 = vector.shape_cast %add3A_130 : vector<16xi32> to vector<16xi32>
      tpu.vector_store %arg7[%swap3A_131], %swap3A_134 {strides = array<i32>} : memref<384xi32, #tpu.memory_space<vmem>>, vector<16xi32>,
      %get3A_135 = arith.constant 192 : index
      %get3A_136 = tpu.vector_load %arg7[%get3A_135] {strides = array<i32>} : memref<384xi32, #tpu.memory_space<vmem>>, vector<16xi32>,
      %get3A_137 = vector.shape_cast %get3A_136 : vector<16xi32> to vector<16xi32>
      %add3A_138 = vector.broadcast %arg0 : i32 to vector<16xi32>
      %add3A_139 = arith.addi %get3A_137, %add3A_138 : vector<16xi32>
      %swap3A_140 = arith.constant 192 : index
      %swap3A_141 = tpu.vector_load %arg7[%swap3A_140] {strides = array<i32>} : memref<384xi32, #tpu.memory_space<vmem>>, vector<16xi32>,
      %swap3A_142 = vector.shape_cast %swap3A_141 : vector<16xi32> to vector<16xi32>
      %swap3A_143 = vector.shape_cast %add3A_139 : vector<16xi32> to vector<16xi32>
      tpu.vector_store %arg7[%swap3A_140], %swap3A_143 {strides = array<i32>} : memref<384xi32, #tpu.memory_space<vmem>>, vector<16xi32>,
      %get3A_144 = arith.constant 208 : index
      %get3A_145 = tpu.vector_load %arg7[%get3A_144] {strides = array<i32>} : memref<384xi32, #tpu.memory_space<vmem>>, vector<16xi32>,
      %get3A_146 = vector.shape_cast %get3A_145 : vector<16xi32> to vector<16xi32>
      %add3A_147 = vector.broadcast %arg0 : i32 to vector<16xi32>
      %add3A_148 = arith.addi %get3A_146, %add3A_147 : vector<16xi32>
      %swap3A_149 = arith.constant 208 : index
      %swap3A_150 = tpu.vector_load %arg7[%swap3A_149] {strides = array<i32>} : memref<384xi32, #tpu.memory_space<vmem>>, vector<16xi32>,
      %swap3A_151 = vector.shape_cast %swap3A_150 : vector<16xi32> to vector<16xi32>
      %swap3A_152 = vector.shape_cast %add3A_148 : vector<16xi32> to vector<16xi32>
      tpu.vector_store %arg7[%swap3A_149], %swap3A_152 {strides = array<i32>} : memref<384xi32, #tpu.memory_space<vmem>>, vector<16xi32>,
      %get3A_153 = arith.constant 224 : index
      %get3A_154 = tpu.vector_load %arg7[%get3A_153] {strides = array<i32>} : memref<384xi32, #tpu.memory_space<vmem>>, vector<16xi32>,
      %get3A_155 = vector.shape_cast %get3A_154 : vector<16xi32> to vector<16xi32>
      %add3A_156 = vector.broadcast %arg0 : i32 to vector<16xi32>
      %add3A_157 = arith.addi %get3A_155, %add3A_156 : vector<16xi32>
      %swap3A_158 = arith.constant 224 : index
      %swap3A_159 = tpu.vector_load %arg7[%swap3A_158] {strides = array<i32>} : memref<384xi32, #tpu.memory_space<vmem>>, vector<16xi32>,
      %swap3A_160 = vector.shape_cast %swap3A_159 : vector<16xi32> to vector<16xi32>
      %swap3A_161 = vector.shape_cast %add3A_157 : vector<16xi32> to vector<16xi32>
      tpu.vector_store %arg7[%swap3A_158], %swap3A_161 {strides = array<i32>} : memref<384xi32, #tpu.memory_space<vmem>>, vector<16xi32>,
      %get3A_162 = arith.constant 240 : index
      %get3A_163 = tpu.vector_load %arg7[%get3A_162] {strides = array<i32>} : memref<384xi32, #tpu.memory_space<vmem>>, vector<16xi32>,
      %get3A_164 = vector.shape_cast %get3A_163 : vector<16xi32> to vector<16xi32>
      %add3A_165 = vector.broadcast %arg0 : i32 to vector<16xi32>
      %add3A_166 = arith.addi %get3A_164, %add3A_165 : vector<16xi32>
      %swap3A_167 = arith.constant 240 : index
      %swap3A_168 = tpu.vector_load %arg7[%swap3A_167] {strides = array<i32>} : memref<384xi32, #tpu.memory_space<vmem>>, vector<16xi32>,
      %swap3A_169 = vector.shape_cast %swap3A_168 : vector<16xi32> to vector<16xi32>
      %swap3A_170 = vector.shape_cast %add3A_166 : vector<16xi32> to vector<16xi32>
      tpu.vector_store %arg7[%swap3A_167], %swap3A_170 {strides = array<i32>} : memref<384xi32, #tpu.memory_space<vmem>>, vector<16xi32>,
      %get3A_171 = arith.constant 256 : index
      %get3A_172 = tpu.vector_load %arg7[%get3A_171] {strides = array<i32>} : memref<384xi32, #tpu.memory_space<vmem>>, vector<16xi32>,
      %get3A_173 = vector.shape_cast %get3A_172 : vector<16xi32> to vector<16xi32>
      %add3A_174 = vector.broadcast %arg0 : i32 to vector<16xi32>
      %add3A_175 = arith.addi %get3A_173, %add3A_174 : vector<16xi32>
      %swap3A_176 = arith.constant 256 : index
      %swap3A_177 = tpu.vector_load %arg7[%swap3A_176] {strides = array<i32>} : memref<384xi32, #tpu.memory_space<vmem>>, vector<16xi32>,
      %swap3A_178 = vector.shape_cast %swap3A_177 : vector<16xi32> to vector<16xi32>
      %swap3A_179 = vector.shape_cast %add3A_175 : vector<16xi32> to vector<16xi32>
      tpu.vector_store %arg7[%swap3A_176], %swap3A_179 {strides = array<i32>} : memref<384xi32, #tpu.memory_space<vmem>>, vector<16xi32>,
      %get3A_180 = arith.constant 272 : index
      %get3A_181 = tpu.vector_load %arg7[%get3A_180] {strides = array<i32>} : memref<384xi32, #tpu.memory_space<vmem>>, vector<16xi32>,
      %get3A_182 = vector.shape_cast %get3A_181 : vector<16xi32> to vector<16xi32>
      %add3A_183 = vector.broadcast %arg0 : i32 to vector<16xi32>
      %add3A_184 = arith.addi %get3A_182, %add3A_183 : vector<16xi32>
      %swap3A_185 = arith.constant 272 : index
      %swap3A_186 = tpu.vector_load %arg7[%swap3A_185] {strides = array<i32>} : memref<384xi32, #tpu.memory_space<vmem>>, vector<16xi32>,
      %swap3A_187 = vector.shape_cast %swap3A_186 : vector<16xi32> to vector<16xi32>
      %swap3A_188 = vector.shape_cast %add3A_184 : vector<16xi32> to vector<16xi32>
      tpu.vector_store %arg7[%swap3A_185], %swap3A_188 {strides = array<i32>} : memref<384xi32, #tpu.memory_space<vmem>>, vector<16xi32>,
      %get3A_189 = arith.constant 288 : index
      %get3A_190 = tpu.vector_load %arg7[%get3A_189] {strides = array<i32>} : memref<384xi32, #tpu.memory_space<vmem>>, vector<16xi32>,
      %get3A_191 = vector.shape_cast %get3A_190 : vector<16xi32> to vector<16xi32>
      %add3A_192 = vector.broadcast %arg0 : i32 to vector<16xi32>
      %add3A_193 = arith.addi %get3A_191, %add3A_192 : vector<16xi32>
      %swap3A_194 = arith.constant 288 : index
      %swap3A_195 = tpu.vector_load %arg7[%swap3A_194] {strides = array<i32>} : memref<384xi32, #tpu.memory_space<vmem>>, vector<16xi32>,
      %swap3A_196 = vector.shape_cast %swap3A_195 : vector<16xi32> to vector<16xi32>
      %swap3A_197 = vector.shape_cast %add3A_193 : vector<16xi32> to vector<16xi32>
      tpu.vector_store %arg7[%swap3A_194], %swap3A_197 {strides = array<i32>} : memref<384xi32, #tpu.memory_space<vmem>>, vector<16xi32>,
      %get3A_198 = arith.constant 304 : index
      %get3A_199 = tpu.vector_load %arg7[%get3A_198] {strides = array<i32>} : memref<384xi32, #tpu.memory_space<vmem>>, vector<16xi32>,
      %get3A_200 = vector.shape_cast %get3A_199 : vector<16xi32> to vector<16xi32>
      %add3A_201 = vector.broadcast %arg0 : i32 to vector<16xi32>
      %add3A_202 = arith.addi %get3A_200, %add3A_201 : vector<16xi32>
      %swap3A_203 = arith.constant 304 : index
      %swap3A_204 = tpu.vector_load %arg7[%swap3A_203] {strides = array<i32>} : memref<384xi32, #tpu.memory_space<vmem>>, vector<16xi32>,
      %swap3A_205 = vector.shape_cast %swap3A_204 : vector<16xi32> to vector<16xi32>
      %swap3A_206 = vector.shape_cast %add3A_202 : vector<16xi32> to vector<16xi32>
      tpu.vector_store %arg7[%swap3A_203], %swap3A_206 {strides = array<i32>} : memref<384xi32, #tpu.memory_space<vmem>>, vector<16xi32>,
      %get3A_207 = arith.constant 320 : index
      %get3A_208 = tpu.vector_load %arg7[%get3A_207] {strides = array<i32>} : memref<384xi32, #tpu.memory_space<vmem>>, vector<16xi32>,
      %get3A_209 = vector.shape_cast %get3A_208 : vector<16xi32> to vector<16xi32>
      %add3A_210 = vector.broadcast %arg0 : i32 to vector<16xi32>
      %add3A_211 = arith.addi %get3A_209, %add3A_210 : vector<16xi32>
      %swap3A_212 = arith.constant 320 : index
      %swap3A_213 = tpu.vector_load %arg7[%swap3A_212] {strides = array<i32>} : memref<384xi32, #tpu.memory_space<vmem>>, vector<16xi32>,
      %swap3A_214 = vector.shape_cast %swap3A_213 : vector<16xi32> to vector<16xi32>
      %swap3A_215 = vector.shape_cast %add3A_211 : vector<16xi32> to vector<16xi32>
      tpu.vector_store %arg7[%swap3A_212], %swap3A_215 {strides = array<i32>} : memref<384xi32, #tpu.memory_space<vmem>>, vector<16xi32>,
      %get3A_216 = arith.constant 336 : index
      %get3A_217 = tpu.vector_load %arg7[%get3A_216] {strides = array<i32>} : memref<384xi32, #tpu.memory_space<vmem>>, vector<16xi32>,
      %get3A_218 = vector.shape_cast %get3A_217 : vector<16xi32> to vector<16xi32>
      %add3A_219 = vector.broadcast %arg0 : i32 to vector<16xi32>
      %add3A_220 = arith.addi %get3A_218, %add3A_219 : vector<16xi32>
      %swap3A_221 = arith.constant 336 : index
      %swap3A_222 = tpu.vector_load %arg7[%swap3A_221] {strides = array<i32>} : memref<384xi32, #tpu.memory_space<vmem>>, vector<16xi32>,
      %swap3A_223 = vector.shape_cast %swap3A_222 : vector<16xi32> to vector<16xi32>
      %swap3A_224 = vector.shape_cast %add3A_220 : vector<16xi32> to vector<16xi32>
      tpu.vector_store %arg7[%swap3A_221], %swap3A_224 {strides = array<i32>} : memref<384xi32, #tpu.memory_space<vmem>>, vector<16xi32>,
      %get3A_225 = arith.constant 352 : index
      %get3A_226 = tpu.vector_load %arg7[%get3A_225] {strides = array<i32>} : memref<384xi32, #tpu.memory_space<vmem>>, vector<16xi32>,
      %get3A_227 = vector.shape_cast %get3A_226 : vector<16xi32> to vector<16xi32>
      %add3A_228 = vector.broadcast %arg0 : i32 to vector<16xi32>
      %add3A_229 = arith.addi %get3A_227, %add3A_228 : vector<16xi32>
      %swap3A_230 = arith.constant 352 : index
      %swap3A_231 = tpu.vector_load %arg7[%swap3A_230] {strides = array<i32>} : memref<384xi32, #tpu.memory_space<vmem>>, vector<16xi32>,
      %swap3A_232 = vector.shape_cast %swap3A_231 : vector<16xi32> to vector<16xi32>
      %swap3A_233 = vector.shape_cast %add3A_229 : vector<16xi32> to vector<16xi32>
      tpu.vector_store %arg7[%swap3A_230], %swap3A_233 {strides = array<i32>} : memref<384xi32, #tpu.memory_space<vmem>>, vector<16xi32>,
      %get3A_234 = arith.constant 368 : index
      %get3A_235 = tpu.vector_load %arg7[%get3A_234] {strides = array<i32>} : memref<384xi32, #tpu.memory_space<vmem>>, vector<16xi32>,
      %get3A_236 = vector.shape_cast %get3A_235 : vector<16xi32> to vector<16xi32>
      %add3A_237 = vector.broadcast %arg0 : i32 to vector<16xi32>
      %add3A_238 = arith.addi %get3A_236, %add3A_237 : vector<16xi32>
      %swap3A_239 = arith.constant 368 : index
      %swap3A_240 = tpu.vector_load %arg7[%swap3A_239] {strides = array<i32>} : memref<384xi32, #tpu.memory_space<vmem>>, vector<16xi32>,
      %swap3A_241 = vector.shape_cast %swap3A_240 : vector<16xi32> to vector<16xi32>
      %swap3A_242 = vector.shape_cast %add3A_238 : vector<16xi32> to vector<16xi32>
      tpu.vector_store %arg7[%swap3A_239], %swap3A_242 {strides = array<i32>} : memref<384xi32, #tpu.memory_space<vmem>>, vector<16xi32>,
      %dma_start3A = arith.constant 0 : i32
      %dma_start3A_243 = arith.constant 0 : i32
      %dma_start3A_244 = tpu.memref_slice %arg10[%dma_start3A, %dma_start3A_243] : memref<384x32xf32, #tpu.memory_space<vmem>> -> memref<128x32xf32, #tpu.memory_space<vmem>>
      %dma_start3A_245 = arith.constant 0 : i32
      %dma_start3A_246 = tpu.memref_slice %arg7[%dma_start3A_245] : memref<384xi32, #tpu.memory_space<vmem>> -> memref<128xi32, #tpu.memory_space<vmem>>
      %dma_start3A_247 = arith.constant 0 : i32
      %dma_start3A_248 = arith.constant 0 : i32
      %dma_start3A_249 = tpu.memref_slice %arg2[%dma_start3A_247, %dma_start3A_248] : memref<100000x32xf32, #tpu.memory_space<hbm>> -> memref<100000x32xf32, #tpu.memory_space<hbm>>
      tpu.enqueue_indirect_dma source(%dma_start3A_249 : memref<100000x32xf32, #tpu.memory_space<hbm>>) target(%dma_start3A_244 : memref<128x32xf32, #tpu.memory_space<vmem>>) offsets(%dma_start3A_246 : memref<128xi32, #tpu.memory_space<vmem>>) semaphore(%arg13 : memref<!tpu.dma_semaphore, #tpu.memory_space<semaphore_mem>>)
      %dma_start3A_250 = arith.constant 128 : i32
      %dma_start3A_251 = arith.constant 0 : i32
      %dma_start3A_252 = tpu.memref_slice %arg10[%dma_start3A_250, %dma_start3A_251] : memref<384x32xf32, #tpu.memory_space<vmem>> -> memref<128x32xf32, #tpu.memory_space<vmem>>
      %dma_start3A_253 = arith.constant 128 : i32
      %dma_start3A_254 = tpu.memref_slice %arg7[%dma_start3A_253] : memref<384xi32, #tpu.memory_space<vmem>> -> memref<128xi32, #tpu.memory_space<vmem>>
      %dma_start3A_255 = arith.constant 0 : i32
      %dma_start3A_256 = arith.constant 0 : i32
      %dma_start3A_257 = tpu.memref_slice %arg2[%dma_start3A_255, %dma_start3A_256] : memref<100000x32xf32, #tpu.memory_space<hbm>> -> memref<100000x32xf32, #tpu.memory_space<hbm>>
      tpu.enqueue_indirect_dma source(%dma_start3A_257 : memref<100000x32xf32, #tpu.memory_space<hbm>>) target(%dma_start3A_252 : memref<128x32xf32, #tpu.memory_space<vmem>>) offsets(%dma_start3A_254 : memref<128xi32, #tpu.memory_space<vmem>>) semaphore(%arg13 : memref<!tpu.dma_semaphore, #tpu.memory_space<semaphore_mem>>)
      %dma_start3A_258 = arith.constant 256 : i32
      %dma_start3A_259 = arith.constant 0 : i32
      %dma_start3A_260 = tpu.memref_slice %arg10[%dma_start3A_258, %dma_start3A_259] : memref<384x32xf32, #tpu.memory_space<vmem>> -> memref<128x32xf32, #tpu.memory_space<vmem>>
      %dma_start3A_261 = arith.constant 256 : i32
      %dma_start3A_262 = tpu.memref_slice %arg7[%dma_start3A_261] : memref<384xi32, #tpu.memory_space<vmem>> -> memref<128xi32, #tpu.memory_space<vmem>>
      %dma_start3A_263 = arith.constant 0 : i32
      %dma_start3A_264 = arith.constant 0 : i32
      %dma_start3A_265 = tpu.memref_slice %arg2[%dma_start3A_263, %dma_start3A_264] : memref<100000x32xf32, #tpu.memory_space<hbm>> -> memref<100000x32xf32, #tpu.memory_space<hbm>>
      tpu.enqueue_indirect_dma source(%dma_start3A_265 : memref<100000x32xf32, #tpu.memory_space<hbm>>) target(%dma_start3A_260 : memref<128x32xf32, #tpu.memory_space<vmem>>) offsets(%dma_start3A_262 : memref<128xi32, #tpu.memory_space<vmem>>) semaphore(%arg13 : memref<!tpu.dma_semaphore, #tpu.memory_space<semaphore_mem>>)
      %dma_wait3A_266 = arith.constant 0 : i32
      %dma_wait3A_267 = arith.constant 0 : i32
      %dma_wait3A_268 = tpu.memref_slice %arg10[%dma_wait3A_266, %dma_wait3A_267] : memref<384x32xf32, #tpu.memory_space<vmem>> -> memref<128x32xf32, #tpu.memory_space<vmem>>
      %dma_wait3A_269 = arith.constant 0 : i32
      %dma_wait3A_270 = tpu.memref_slice %arg7[%dma_wait3A_269] : memref<384xi32, #tpu.memory_space<vmem>> -> memref<128xi32, #tpu.memory_space<vmem>>
      %dma_wait3A_271 = arith.constant 0 : i32
      %dma_wait3A_272 = arith.constant 0 : i32
      %dma_wait3A_273 = tpu.memref_slice %arg2[%dma_wait3A_271, %dma_wait3A_272] : memref<100000x32xf32, #tpu.memory_space<hbm>> -> memref<100000x32xf32, #tpu.memory_space<hbm>>
      tpu.wait_indirect_dma semaphore(%arg13 : memref<!tpu.dma_semaphore, #tpu.memory_space<semaphore_mem>>) src(%dma_wait3A_273 : memref<100000x32xf32, #tpu.memory_space<hbm>>) dst(%dma_wait3A_268 : memref<128x32xf32, #tpu.memory_space<vmem>>)
      %dma_wait3A_274 = arith.constant 128 : i32
      %dma_wait3A_275 = arith.constant 0 : i32
      %dma_wait3A_276 = tpu.memref_slice %arg10[%dma_wait3A_274, %dma_wait3A_275] : memref<384x32xf32, #tpu.memory_space<vmem>> -> memref<128x32xf32, #tpu.memory_space<vmem>>
      %dma_wait3A_277 = arith.constant 128 : i32
      %dma_wait3A_278 = tpu.memref_slice %arg7[%dma_wait3A_277] : memref<384xi32, #tpu.memory_space<vmem>> -> memref<128xi32, #tpu.memory_space<vmem>>
      %dma_wait3A_279 = arith.constant 0 : i32
      %dma_wait3A_280 = arith.constant 0 : i32
      %dma_wait3A_281 = tpu.memref_slice %arg2[%dma_wait3A_279, %dma_wait3A_280] : memref<100000x32xf32, #tpu.memory_space<hbm>> -> memref<100000x32xf32, #tpu.memory_space<hbm>>
      tpu.wait_indirect_dma semaphore(%arg13 : memref<!tpu.dma_semaphore, #tpu.memory_space<semaphore_mem>>) src(%dma_wait3A_281 : memref<100000x32xf32, #tpu.memory_space<hbm>>) dst(%dma_wait3A_276 : memref<128x32xf32, #tpu.memory_space<vmem>>)
      %dma_wait3A_282 = arith.constant 256 : i32
      %dma_wait3A_283 = arith.constant 0 : i32
      %dma_wait3A_284 = tpu.memref_slice %arg10[%dma_wait3A_282, %dma_wait3A_283] : memref<384x32xf32, #tpu.memory_space<vmem>> -> memref<128x32xf32, #tpu.memory_space<vmem>>
      %dma_wait3A_285 = arith.constant 256 : i32
      %dma_wait3A_286 = tpu.memref_slice %arg7[%dma_wait3A_285] : memref<384xi32, #tpu.memory_space<vmem>> -> memref<128xi32, #tpu.memory_space<vmem>>
      %dma_wait3A_287 = arith.constant 0 : i32
      %dma_wait3A_288 = arith.constant 0 : i32
      %dma_wait3A_289 = tpu.memref_slice %arg2[%dma_wait3A_287, %dma_wait3A_288] : memref<100000x32xf32, #tpu.memory_space<hbm>> -> memref<100000x32xf32, #tpu.memory_space<hbm>>
      tpu.wait_indirect_dma semaphore(%arg13 : memref<!tpu.dma_semaphore, #tpu.memory_space<semaphore_mem>>) src(%dma_wait3A_289 : memref<100000x32xf32, #tpu.memory_space<hbm>>) dst(%dma_wait3A_284 : memref<128x32xf32, #tpu.memory_space<vmem>>)
      %dma_start3A_290 = arith.constant 0 : i32
      %dma_start3A_291 = arith.constant 0 : i32
      %dma_start3A_292 = arith.constant 0 : i32
      %dma_start3A_293 = tpu.memref_slice %arg10[%dma_start3A_291, %dma_start3A_292] : memref<384x32xf32, #tpu.memory_space<vmem>> -> memref<128x32xf32, #tpu.memory_space<vmem>>
      %dma_start3A_294 = arith.constant 0 : i32
      %dma_start3A_295 = tpu.memref_slice %arg8[%dma_start3A_290, %dma_start3A_294] : memref<3x128xi32, #tpu.memory_space<vmem>> -> memref<1x128xi32, #tpu.memory_space<vmem>>
      %dma_start3A_296 = tpu.memref_squeeze %dma_start3A_295 : memref<1x128xi32, #tpu.memory_space<vmem>> -> memref<128xi32, #tpu.memory_space<vmem>>
      %dma_start3A_297 = arith.constant 0 : i32
      %dma_start3A_298 = arith.constant 0 : i32
      %dma_start3A_299 = tpu.memref_slice %arg12[%dma_start3A_297, %dma_start3A_298] : memref<51200x32xf32, #tpu.memory_space<vmem_shared>> -> memref<51200x32xf32, #tpu.memory_space<vmem_shared>>
      tpu.enqueue_indirect_dma source(%dma_start3A_293 : memref<128x32xf32, #tpu.memory_space<vmem>>) target(%dma_start3A_299 : memref<51200x32xf32, #tpu.memory_space<vmem_shared>>) offsets(%dma_start3A_296 : memref<128xi32, #tpu.memory_space<vmem>>) semaphore(%arg14 : memref<!tpu.dma_semaphore, #tpu.memory_space<semaphore_mem>>) {add = true}
      %dma_start3A_300 = arith.constant 1 : i32
      %dma_start3A_301 = arith.constant 128 : i32
      %dma_start3A_302 = arith.constant 0 : i32
      %dma_start3A_303 = tpu.memref_slice %arg10[%dma_start3A_301, %dma_start3A_302] : memref<384x32xf32, #tpu.memory_space<vmem>> -> memref<128x32xf32, #tpu.memory_space<vmem>>
      %dma_start3A_304 = arith.constant 0 : i32
      %dma_start3A_305 = tpu.memref_slice %arg8[%dma_start3A_300, %dma_start3A_304] : memref<3x128xi32, #tpu.memory_space<vmem>> -> memref<1x128xi32, #tpu.memory_space<vmem>>
      %dma_start3A_306 = tpu.memref_squeeze %dma_start3A_305 : memref<1x128xi32, #tpu.memory_space<vmem>> -> memref<128xi32, #tpu.memory_space<vmem>>
      %dma_start3A_307 = arith.constant 0 : i32
      %dma_start3A_308 = arith.constant 0 : i32
      %dma_start3A_309 = tpu.memref_slice %arg12[%dma_start3A_307, %dma_start3A_308] : memref<51200x32xf32, #tpu.memory_space<vmem_shared>> -> memref<51200x32xf32, #tpu.memory_space<vmem_shared>>
      tpu.enqueue_indirect_dma source(%dma_start3A_303 : memref<128x32xf32, #tpu.memory_space<vmem>>) target(%dma_start3A_309 : memref<51200x32xf32, #tpu.memory_space<vmem_shared>>) offsets(%dma_start3A_306 : memref<128xi32, #tpu.memory_space<vmem>>) semaphore(%arg14 : memref<!tpu.dma_semaphore, #tpu.memory_space<semaphore_mem>>) {add = true}
      %dma_start3A_310 = arith.constant 2 : i32
      %dma_start3A_311 = arith.constant 256 : i32
      %dma_start3A_312 = arith.constant 0 : i32
      %dma_start3A_313 = tpu.memref_slice %arg10[%dma_start3A_311, %dma_start3A_312] : memref<384x32xf32, #tpu.memory_space<vmem>> -> memref<128x32xf32, #tpu.memory_space<vmem>>
      %dma_start3A_314 = arith.constant 0 : i32
      %dma_start3A_315 = tpu.memref_slice %arg8[%dma_start3A_310, %dma_start3A_314] : memref<3x128xi32, #tpu.memory_space<vmem>> -> memref<1x128xi32, #tpu.memory_space<vmem>>
      %dma_start3A_316 = tpu.memref_squeeze %dma_start3A_315 : memref<1x128xi32, #tpu.memory_space<vmem>> -> memref<128xi32, #tpu.memory_space<vmem>>
      %dma_start3A_317 = arith.constant 0 : i32
      %dma_start3A_318 = arith.constant 0 : i32
      %dma_start3A_319 = tpu.memref_slice %arg12[%dma_start3A_317, %dma_start3A_318] : memref<51200x32xf32, #tpu.memory_space<vmem_shared>> -> memref<51200x32xf32, #tpu.memory_space<vmem_shared>>
      tpu.enqueue_indirect_dma source(%dma_start3A_313 : memref<128x32xf32, #tpu.memory_space<vmem>>) target(%dma_start3A_319 : memref<51200x32xf32, #tpu.memory_space<vmem_shared>>) offsets(%dma_start3A_316 : memref<128xi32, #tpu.memory_space<vmem>>) semaphore(%arg14 : memref<!tpu.dma_semaphore, #tpu.memory_space<semaphore_mem>>) {add = true}
      %mul3A_320 = arith.constant 2 : i32
      %mul3A_321 = arith.muli %mul3A_320, %scan3A_18 : i32
      %add3A_322 = arith.constant 1 : i32
      %add3A_323 = arith.addi %mul3A_321, %add3A_322 : i32
      %ge3A_324 = arith.constant 1 : i32
      %ge3A_325 = arith.cmpi sge, %scan3A_18, %ge3A_324 : i32
      %convert_element_type3A_326 = arith.extui %ge3A_325 : i1 to i32
      %cond3A_327 = arith.constant 0 : i32
      %cond3A_328 = arith.cmpi ne, %convert_element_type3A_326, %cond3A_327 : i32
      scf.if %cond3A_328 {
        %dma_wait3A_630 = arith.constant 0 : i32
        %dma_wait3A_631 = arith.constant 0 : i32
        %dma_wait3A_632 = tpu.memref_slice %arg2[%dma_wait3A_630, %dma_wait3A_631] : memref<100000x32xf32, #tpu.memory_space<hbm>> -> memref<384x32xf32, #tpu.memory_space<hbm>>
        %dma_wait3A_633 = arith.constant 0 : i32
        %dma_wait3A_634 = arith.constant 0 : i32
        %dma_wait3A_635 = tpu.memref_slice %arg2[%dma_wait3A_633, %dma_wait3A_634] : memref<100000x32xf32, #tpu.memory_space<hbm>> -> memref<384x32xf32, #tpu.memory_space<hbm>>
        tpu.wait_dma2 semaphore(%arg14 : memref<!tpu.dma_semaphore, #tpu.memory_space<semaphore_mem>>) src(%dma_wait3A_635 : memref<384x32xf32, #tpu.memory_space<hbm>>) dst(%arg11 : memref<384x32xf32, #tpu.memory_space<vmem>>)
      } else {
      }
      %mul3A_329 = arith.constant 402 : i32
      %mul3A_330 = arith.muli %arg1, %mul3A_329 : i32
      %mul3A_331 = arith.constant 3 : i32
      %mul3A_332 = arith.muli %add3A_323, %mul3A_331 : i32
      %add3A_333 = arith.addi %mul3A_330, %mul3A_332 : i32
      %mul3A_334 = arith.constant 128 : i32
      %mul3A_335 = arith.muli %add3A_333, %mul3A_334 : i32
      "tpu.region"() ({
        %run_scoped3A = tpu.sem_alloc : memref<!tpu.dma_semaphore, #tpu.memory_space<semaphore_mem>>
        %dma_start3A_630 = tpu.memref_slice %arg3[%mul3A_335] : memref<823296xi32, #tpu.memory_space<hbm>> -> memref<384xi32, #tpu.memory_space<hbm>>
        %dma_start3A_631 = tpu.memref_slice %arg3[%mul3A_335] : memref<823296xi32, #tpu.memory_space<hbm>> -> memref<384xi32, #tpu.memory_space<hbm>>
        tpu.enqueue_dma source(%dma_start3A_631 : memref<384xi32, #tpu.memory_space<hbm>>) target(%arg7 : memref<384xi32, #tpu.memory_space<vmem>>) target_semaphore(%run_scoped3A : memref<!tpu.dma_semaphore, #tpu.memory_space<semaphore_mem>>)
        %dma_wait3A_632 = tpu.memref_slice %arg3[%mul3A_335] : memref<823296xi32, #tpu.memory_space<hbm>> -> memref<384xi32, #tpu.memory_space<hbm>>
        %dma_wait3A_633 = tpu.memref_slice %arg3[%mul3A_335] : memref<823296xi32, #tpu.memory_space<hbm>> -> memref<384xi32, #tpu.memory_space<hbm>>
        tpu.wait_dma2 semaphore(%run_scoped3A : memref<!tpu.dma_semaphore, #tpu.memory_space<semaphore_mem>>) src(%dma_wait3A_633 : memref<384xi32, #tpu.memory_space<hbm>>) dst(%arg7 : memref<384xi32, #tpu.memory_space<vmem>>)
        tpu.yield
      }) : () -> ()
      "tpu.region"() ({
        %run_scoped3A = tpu.sem_alloc : memref<!tpu.dma_semaphore, #tpu.memory_space<semaphore_mem>>
        %dma_start3A_630 = arith.constant 0 : i32
        %dma_start3A_631 = tpu.memref_slice %arg4[%add3A_333, %dma_start3A_630] : memref<6432x128xi32, #tpu.memory_space<hbm>> -> memref<3x128xi32, #tpu.memory_space<hbm>>
        %dma_start3A_632 = arith.constant 0 : i32
        %dma_start3A_633 = tpu.memref_slice %arg4[%add3A_333, %dma_start3A_632] : memref<6432x128xi32, #tpu.memory_space<hbm>> -> memref<3x128xi32, #tpu.memory_space<hbm>>
        tpu.enqueue_dma source(%dma_start3A_633 : memref<3x128xi32, #tpu.memory_space<hbm>>) target(%arg9 : memref<3x128xi32, #tpu.memory_space<vmem>>) target_semaphore(%run_scoped3A : memref<!tpu.dma_semaphore, #tpu.memory_space<semaphore_mem>>)
        %dma_wait3A_634 = arith.constant 0 : i32
        %dma_wait3A_635 = tpu.memref_slice %arg4[%add3A_333, %dma_wait3A_634] : memref<6432x128xi32, #tpu.memory_space<hbm>> -> memref<3x128xi32, #tpu.memory_space<hbm>>
        %dma_wait3A_636 = arith.constant 0 : i32
        %dma_wait3A_637 = tpu.memref_slice %arg4[%add3A_333, %dma_wait3A_636] : memref<6432x128xi32, #tpu.memory_space<hbm>> -> memref<3x128xi32, #tpu.memory_space<hbm>>
        tpu.wait_dma2 semaphore(%run_scoped3A : memref<!tpu.dma_semaphore, #tpu.memory_space<semaphore_mem>>) src(%dma_wait3A_637 : memref<3x128xi32, #tpu.memory_space<hbm>>) dst(%arg9 : memref<3x128xi32, #tpu.memory_space<vmem>>)
        tpu.yield
      }) : () -> ()
      %get3A_336 = arith.constant 0 : index
      %get3A_337 = tpu.vector_load %arg7[%get3A_336] {strides = array<i32>} : memref<384xi32, #tpu.memory_space<vmem>>, vector<16xi32>,
      %get3A_338 = vector.shape_cast %get3A_337 : vector<16xi32> to vector<16xi32>
      %add3A_339 = vector.broadcast %arg0 : i32 to vector<16xi32>
      %add3A_340 = arith.addi %get3A_338, %add3A_339 : vector<16xi32>
      %swap3A_341 = arith.constant 0 : index
      %swap3A_342 = tpu.vector_load %arg7[%swap3A_341] {strides = array<i32>} : memref<384xi32, #tpu.memory_space<vmem>>, vector<16xi32>,
      %swap3A_343 = vector.shape_cast %swap3A_342 : vector<16xi32> to vector<16xi32>
      %swap3A_344 = vector.shape_cast %add3A_340 : vector<16xi32> to vector<16xi32>
      tpu.vector_store %arg7[%swap3A_341], %swap3A_344 {strides = array<i32>} : memref<384xi32, #tpu.memory_space<vmem>>, vector<16xi32>,
      %get3A_345 = arith.constant 16 : index
      %get3A_346 = tpu.vector_load %arg7[%get3A_345] {strides = array<i32>} : memref<384xi32, #tpu.memory_space<vmem>>, vector<16xi32>,
      %get3A_347 = vector.shape_cast %get3A_346 : vector<16xi32> to vector<16xi32>
      %add3A_348 = vector.broadcast %arg0 : i32 to vector<16xi32>
      %add3A_349 = arith.addi %get3A_347, %add3A_348 : vector<16xi32>
      %swap3A_350 = arith.constant 16 : index
      %swap3A_351 = tpu.vector_load %arg7[%swap3A_350] {strides = array<i32>} : memref<384xi32, #tpu.memory_space<vmem>>, vector<16xi32>,
      %swap3A_352 = vector.shape_cast %swap3A_351 : vector<16xi32> to vector<16xi32>
      %swap3A_353 = vector.shape_cast %add3A_349 : vector<16xi32> to vector<16xi32>
      tpu.vector_store %arg7[%swap3A_350], %swap3A_353 {strides = array<i32>} : memref<384xi32, #tpu.memory_space<vmem>>, vector<16xi32>,
      %get3A_354 = arith.constant 32 : index
      %get3A_355 = tpu.vector_load %arg7[%get3A_354] {strides = array<i32>} : memref<384xi32, #tpu.memory_space<vmem>>, vector<16xi32>,
      %get3A_356 = vector.shape_cast %get3A_355 : vector<16xi32> to vector<16xi32>
      %add3A_357 = vector.broadcast %arg0 : i32 to vector<16xi32>
      %add3A_358 = arith.addi %get3A_356, %add3A_357 : vector<16xi32>
      %swap3A_359 = arith.constant 32 : index
      %swap3A_360 = tpu.vector_load %arg7[%swap3A_359] {strides = array<i32>} : memref<384xi32, #tpu.memory_space<vmem>>, vector<16xi32>,
      %swap3A_361 = vector.shape_cast %swap3A_360 : vector<16xi32> to vector<16xi32>
      %swap3A_362 = vector.shape_cast %add3A_358 : vector<16xi32> to vector<16xi32>
      tpu.vector_store %arg7[%swap3A_359], %swap3A_362 {strides = array<i32>} : memref<384xi32, #tpu.memory_space<vmem>>, vector<16xi32>,
      %get3A_363 = arith.constant 48 : index
      %get3A_364 = tpu.vector_load %arg7[%get3A_363] {strides = array<i32>} : memref<384xi32, #tpu.memory_space<vmem>>, vector<16xi32>,
      %get3A_365 = vector.shape_cast %get3A_364 : vector<16xi32> to vector<16xi32>
      %add3A_366 = vector.broadcast %arg0 : i32 to vector<16xi32>
      %add3A_367 = arith.addi %get3A_365, %add3A_366 : vector<16xi32>
      %swap3A_368 = arith.constant 48 : index
      %swap3A_369 = tpu.vector_load %arg7[%swap3A_368] {strides = array<i32>} : memref<384xi32, #tpu.memory_space<vmem>>, vector<16xi32>,
      %swap3A_370 = vector.shape_cast %swap3A_369 : vector<16xi32> to vector<16xi32>
      %swap3A_371 = vector.shape_cast %add3A_367 : vector<16xi32> to vector<16xi32>
      tpu.vector_store %arg7[%swap3A_368], %swap3A_371 {strides = array<i32>} : memref<384xi32, #tpu.memory_space<vmem>>, vector<16xi32>,
      %get3A_372 = arith.constant 64 : index
      %get3A_373 = tpu.vector_load %arg7[%get3A_372] {strides = array<i32>} : memref<384xi32, #tpu.memory_space<vmem>>, vector<16xi32>,
      %get3A_374 = vector.shape_cast %get3A_373 : vector<16xi32> to vector<16xi32>
      %add3A_375 = vector.broadcast %arg0 : i32 to vector<16xi32>
      %add3A_376 = arith.addi %get3A_374, %add3A_375 : vector<16xi32>
      %swap3A_377 = arith.constant 64 : index
      %swap3A_378 = tpu.vector_load %arg7[%swap3A_377] {strides = array<i32>} : memref<384xi32, #tpu.memory_space<vmem>>, vector<16xi32>,
      %swap3A_379 = vector.shape_cast %swap3A_378 : vector<16xi32> to vector<16xi32>
      %swap3A_380 = vector.shape_cast %add3A_376 : vector<16xi32> to vector<16xi32>
      tpu.vector_store %arg7[%swap3A_377], %swap3A_380 {strides = array<i32>} : memref<384xi32, #tpu.memory_space<vmem>>, vector<16xi32>,
      %get3A_381 = arith.constant 80 : index
      %get3A_382 = tpu.vector_load %arg7[%get3A_381] {strides = array<i32>} : memref<384xi32, #tpu.memory_space<vmem>>, vector<16xi32>,
      %get3A_383 = vector.shape_cast %get3A_382 : vector<16xi32> to vector<16xi32>
      %add3A_384 = vector.broadcast %arg0 : i32 to vector<16xi32>
      %add3A_385 = arith.addi %get3A_383, %add3A_384 : vector<16xi32>
      %swap3A_386 = arith.constant 80 : index
      %swap3A_387 = tpu.vector_load %arg7[%swap3A_386] {strides = array<i32>} : memref<384xi32, #tpu.memory_space<vmem>>, vector<16xi32>,
      %swap3A_388 = vector.shape_cast %swap3A_387 : vector<16xi32> to vector<16xi32>
      %swap3A_389 = vector.shape_cast %add3A_385 : vector<16xi32> to vector<16xi32>
      tpu.vector_store %arg7[%swap3A_386], %swap3A_389 {strides = array<i32>} : memref<384xi32, #tpu.memory_space<vmem>>, vector<16xi32>,
      %get3A_390 = arith.constant 96 : index
      %get3A_391 = tpu.vector_load %arg7[%get3A_390] {strides = array<i32>} : memref<384xi32, #tpu.memory_space<vmem>>, vector<16xi32>,
      %get3A_392 = vector.shape_cast %get3A_391 : vector<16xi32> to vector<16xi32>
      %add3A_393 = vector.broadcast %arg0 : i32 to vector<16xi32>
      %add3A_394 = arith.addi %get3A_392, %add3A_393 : vector<16xi32>
      %swap3A_395 = arith.constant 96 : index
      %swap3A_396 = tpu.vector_load %arg7[%swap3A_395] {strides = array<i32>} : memref<384xi32, #tpu.memory_space<vmem>>, vector<16xi32>,
      %swap3A_397 = vector.shape_cast %swap3A_396 : vector<16xi32> to vector<16xi32>
      %swap3A_398 = vector.shape_cast %add3A_394 : vector<16xi32> to vector<16xi32>
      tpu.vector_store %arg7[%swap3A_395], %swap3A_398 {strides = array<i32>} : memref<384xi32, #tpu.memory_space<vmem>>, vector<16xi32>,
      %get3A_399 = arith.constant 112 : index
      %get3A_400 = tpu.vector_load %arg7[%get3A_399] {strides = array<i32>} : memref<384xi32, #tpu.memory_space<vmem>>, vector<16xi32>,
      %get3A_401 = vector.shape_cast %get3A_400 : vector<16xi32> to vector<16xi32>
      %add3A_402 = vector.broadcast %arg0 : i32 to vector<16xi32>
      %add3A_403 = arith.addi %get3A_401, %add3A_402 : vector<16xi32>
      %swap3A_404 = arith.constant 112 : index
      %swap3A_405 = tpu.vector_load %arg7[%swap3A_404] {strides = array<i32>} : memref<384xi32, #tpu.memory_space<vmem>>, vector<16xi32>,
      %swap3A_406 = vector.shape_cast %swap3A_405 : vector<16xi32> to vector<16xi32>
      %swap3A_407 = vector.shape_cast %add3A_403 : vector<16xi32> to vector<16xi32>
      tpu.vector_store %arg7[%swap3A_404], %swap3A_407 {strides = array<i32>} : memref<384xi32, #tpu.memory_space<vmem>>, vector<16xi32>,
      %get3A_408 = arith.constant 128 : index
      %get3A_409 = tpu.vector_load %arg7[%get3A_408] {strides = array<i32>} : memref<384xi32, #tpu.memory_space<vmem>>, vector<16xi32>,
      %get3A_410 = vector.shape_cast %get3A_409 : vector<16xi32> to vector<16xi32>
      %add3A_411 = vector.broadcast %arg0 : i32 to vector<16xi32>
      %add3A_412 = arith.addi %get3A_410, %add3A_411 : vector<16xi32>
      %swap3A_413 = arith.constant 128 : index
      %swap3A_414 = tpu.vector_load %arg7[%swap3A_413] {strides = array<i32>} : memref<384xi32, #tpu.memory_space<vmem>>, vector<16xi32>,
      %swap3A_415 = vector.shape_cast %swap3A_414 : vector<16xi32> to vector<16xi32>
      %swap3A_416 = vector.shape_cast %add3A_412 : vector<16xi32> to vector<16xi32>
      tpu.vector_store %arg7[%swap3A_413], %swap3A_416 {strides = array<i32>} : memref<384xi32, #tpu.memory_space<vmem>>, vector<16xi32>,
      %get3A_417 = arith.constant 144 : index
      %get3A_418 = tpu.vector_load %arg7[%get3A_417] {strides = array<i32>} : memref<384xi32, #tpu.memory_space<vmem>>, vector<16xi32>,
      %get3A_419 = vector.shape_cast %get3A_418 : vector<16xi32> to vector<16xi32>
      %add3A_420 = vector.broadcast %arg0 : i32 to vector<16xi32>
      %add3A_421 = arith.addi %get3A_419, %add3A_420 : vector<16xi32>
      %swap3A_422 = arith.constant 144 : index
      %swap3A_423 = tpu.vector_load %arg7[%swap3A_422] {strides = array<i32>} : memref<384xi32, #tpu.memory_space<vmem>>, vector<16xi32>,
      %swap3A_424 = vector.shape_cast %swap3A_423 : vector<16xi32> to vector<16xi32>
      %swap3A_425 = vector.shape_cast %add3A_421 : vector<16xi32> to vector<16xi32>
      tpu.vector_store %arg7[%swap3A_422], %swap3A_425 {strides = array<i32>} : memref<384xi32, #tpu.memory_space<vmem>>, vector<16xi32>,
      %get3A_426 = arith.constant 160 : index
      %get3A_427 = tpu.vector_load %arg7[%get3A_426] {strides = array<i32>} : memref<384xi32, #tpu.memory_space<vmem>>, vector<16xi32>,
      %get3A_428 = vector.shape_cast %get3A_427 : vector<16xi32> to vector<16xi32>
      %add3A_429 = vector.broadcast %arg0 : i32 to vector<16xi32>
      %add3A_430 = arith.addi %get3A_428, %add3A_429 : vector<16xi32>
      %swap3A_431 = arith.constant 160 : index
      %swap3A_432 = tpu.vector_load %arg7[%swap3A_431] {strides = array<i32>} : memref<384xi32, #tpu.memory_space<vmem>>, vector<16xi32>,
      %swap3A_433 = vector.shape_cast %swap3A_432 : vector<16xi32> to vector<16xi32>
      %swap3A_434 = vector.shape_cast %add3A_430 : vector<16xi32> to vector<16xi32>
      tpu.vector_store %arg7[%swap3A_431], %swap3A_434 {strides = array<i32>} : memref<384xi32, #tpu.memory_space<vmem>>, vector<16xi32>,
      %get3A_435 = arith.constant 176 : index
      %get3A_436 = tpu.vector_load %arg7[%get3A_435] {strides = array<i32>} : memref<384xi32, #tpu.memory_space<vmem>>, vector<16xi32>,
      %get3A_437 = vector.shape_cast %get3A_436 : vector<16xi32> to vector<16xi32>
      %add3A_438 = vector.broadcast %arg0 : i32 to vector<16xi32>
      %add3A_439 = arith.addi %get3A_437, %add3A_438 : vector<16xi32>
      %swap3A_440 = arith.constant 176 : index
      %swap3A_441 = tpu.vector_load %arg7[%swap3A_440] {strides = array<i32>} : memref<384xi32, #tpu.memory_space<vmem>>, vector<16xi32>,
      %swap3A_442 = vector.shape_cast %swap3A_441 : vector<16xi32> to vector<16xi32>
      %swap3A_443 = vector.shape_cast %add3A_439 : vector<16xi32> to vector<16xi32>
      tpu.vector_store %arg7[%swap3A_440], %swap3A_443 {strides = array<i32>} : memref<384xi32, #tpu.memory_space<vmem>>, vector<16xi32>,
      %get3A_444 = arith.constant 192 : index
      %get3A_445 = tpu.vector_load %arg7[%get3A_444] {strides = array<i32>} : memref<384xi32, #tpu.memory_space<vmem>>, vector<16xi32>,
      %get3A_446 = vector.shape_cast %get3A_445 : vector<16xi32> to vector<16xi32>
      %add3A_447 = vector.broadcast %arg0 : i32 to vector<16xi32>
      %add3A_448 = arith.addi %get3A_446, %add3A_447 : vector<16xi32>
      %swap3A_449 = arith.constant 192 : index
      %swap3A_450 = tpu.vector_load %arg7[%swap3A_449] {strides = array<i32>} : memref<384xi32, #tpu.memory_space<vmem>>, vector<16xi32>,
      %swap3A_451 = vector.shape_cast %swap3A_450 : vector<16xi32> to vector<16xi32>
      %swap3A_452 = vector.shape_cast %add3A_448 : vector<16xi32> to vector<16xi32>
      tpu.vector_store %arg7[%swap3A_449], %swap3A_452 {strides = array<i32>} : memref<384xi32, #tpu.memory_space<vmem>>, vector<16xi32>,
      %get3A_453 = arith.constant 208 : index
      %get3A_454 = tpu.vector_load %arg7[%get3A_453] {strides = array<i32>} : memref<384xi32, #tpu.memory_space<vmem>>, vector<16xi32>,
      %get3A_455 = vector.shape_cast %get3A_454 : vector<16xi32> to vector<16xi32>
      %add3A_456 = vector.broadcast %arg0 : i32 to vector<16xi32>
      %add3A_457 = arith.addi %get3A_455, %add3A_456 : vector<16xi32>
      %swap3A_458 = arith.constant 208 : index
      %swap3A_459 = tpu.vector_load %arg7[%swap3A_458] {strides = array<i32>} : memref<384xi32, #tpu.memory_space<vmem>>, vector<16xi32>,
      %swap3A_460 = vector.shape_cast %swap3A_459 : vector<16xi32> to vector<16xi32>
      %swap3A_461 = vector.shape_cast %add3A_457 : vector<16xi32> to vector<16xi32>
      tpu.vector_store %arg7[%swap3A_458], %swap3A_461 {strides = array<i32>} : memref<384xi32, #tpu.memory_space<vmem>>, vector<16xi32>,
      %get3A_462 = arith.constant 224 : index
      %get3A_463 = tpu.vector_load %arg7[%get3A_462] {strides = array<i32>} : memref<384xi32, #tpu.memory_space<vmem>>, vector<16xi32>,
      %get3A_464 = vector.shape_cast %get3A_463 : vector<16xi32> to vector<16xi32>
      %add3A_465 = vector.broadcast %arg0 : i32 to vector<16xi32>
      %add3A_466 = arith.addi %get3A_464, %add3A_465 : vector<16xi32>
      %swap3A_467 = arith.constant 224 : index
      %swap3A_468 = tpu.vector_load %arg7[%swap3A_467] {strides = array<i32>} : memref<384xi32, #tpu.memory_space<vmem>>, vector<16xi32>,
      %swap3A_469 = vector.shape_cast %swap3A_468 : vector<16xi32> to vector<16xi32>
      %swap3A_470 = vector.shape_cast %add3A_466 : vector<16xi32> to vector<16xi32>
      tpu.vector_store %arg7[%swap3A_467], %swap3A_470 {strides = array<i32>} : memref<384xi32, #tpu.memory_space<vmem>>, vector<16xi32>,
      %get3A_471 = arith.constant 240 : index
      %get3A_472 = tpu.vector_load %arg7[%get3A_471] {strides = array<i32>} : memref<384xi32, #tpu.memory_space<vmem>>, vector<16xi32>,
      %get3A_473 = vector.shape_cast %get3A_472 : vector<16xi32> to vector<16xi32>
      %add3A_474 = vector.broadcast %arg0 : i32 to vector<16xi32>
      %add3A_475 = arith.addi %get3A_473, %add3A_474 : vector<16xi32>
      %swap3A_476 = arith.constant 240 : index
      %swap3A_477 = tpu.vector_load %arg7[%swap3A_476] {strides = array<i32>} : memref<384xi32, #tpu.memory_space<vmem>>, vector<16xi32>,
      %swap3A_478 = vector.shape_cast %swap3A_477 : vector<16xi32> to vector<16xi32>
      %swap3A_479 = vector.shape_cast %add3A_475 : vector<16xi32> to vector<16xi32>
      tpu.vector_store %arg7[%swap3A_476], %swap3A_479 {strides = array<i32>} : memref<384xi32, #tpu.memory_space<vmem>>, vector<16xi32>,
      %get3A_480 = arith.constant 256 : index
      %get3A_481 = tpu.vector_load %arg7[%get3A_480] {strides = array<i32>} : memref<384xi32, #tpu.memory_space<vmem>>, vector<16xi32>,
      %get3A_482 = vector.shape_cast %get3A_481 : vector<16xi32> to vector<16xi32>
      %add3A_483 = vector.broadcast %arg0 : i32 to vector<16xi32>
      %add3A_484 = arith.addi %get3A_482, %add3A_483 : vector<16xi32>
      %swap3A_485 = arith.constant 256 : index
      %swap3A_486 = tpu.vector_load %arg7[%swap3A_485] {strides = array<i32>} : memref<384xi32, #tpu.memory_space<vmem>>, vector<16xi32>,
      %swap3A_487 = vector.shape_cast %swap3A_486 : vector<16xi32> to vector<16xi32>
      %swap3A_488 = vector.shape_cast %add3A_484 : vector<16xi32> to vector<16xi32>
      tpu.vector_store %arg7[%swap3A_485], %swap3A_488 {strides = array<i32>} : memref<384xi32, #tpu.memory_space<vmem>>, vector<16xi32>,
      %get3A_489 = arith.constant 272 : index
      %get3A_490 = tpu.vector_load %arg7[%get3A_489] {strides = array<i32>} : memref<384xi32, #tpu.memory_space<vmem>>, vector<16xi32>,
      %get3A_491 = vector.shape_cast %get3A_490 : vector<16xi32> to vector<16xi32>
      %add3A_492 = vector.broadcast %arg0 : i32 to vector<16xi32>
      %add3A_493 = arith.addi %get3A_491, %add3A_492 : vector<16xi32>
      %swap3A_494 = arith.constant 272 : index
      %swap3A_495 = tpu.vector_load %arg7[%swap3A_494] {strides = array<i32>} : memref<384xi32, #tpu.memory_space<vmem>>, vector<16xi32>,
      %swap3A_496 = vector.shape_cast %swap3A_495 : vector<16xi32> to vector<16xi32>
      %swap3A_497 = vector.shape_cast %add3A_493 : vector<16xi32> to vector<16xi32>
      tpu.vector_store %arg7[%swap3A_494], %swap3A_497 {strides = array<i32>} : memref<384xi32, #tpu.memory_space<vmem>>, vector<16xi32>,
      %get3A_498 = arith.constant 288 : index
      %get3A_499 = tpu.vector_load %arg7[%get3A_498] {strides = array<i32>} : memref<384xi32, #tpu.memory_space<vmem>>, vector<16xi32>,
      %get3A_500 = vector.shape_cast %get3A_499 : vector<16xi32> to vector<16xi32>
      %add3A_501 = vector.broadcast %arg0 : i32 to vector<16xi32>
      %add3A_502 = arith.addi %get3A_500, %add3A_501 : vector<16xi32>
      %swap3A_503 = arith.constant 288 : index
      %swap3A_504 = tpu.vector_load %arg7[%swap3A_503] {strides = array<i32>} : memref<384xi32, #tpu.memory_space<vmem>>, vector<16xi32>,
      %swap3A_505 = vector.shape_cast %swap3A_504 : vector<16xi32> to vector<16xi32>
      %swap3A_506 = vector.shape_cast %add3A_502 : vector<16xi32> to vector<16xi32>
      tpu.vector_store %arg7[%swap3A_503], %swap3A_506 {strides = array<i32>} : memref<384xi32, #tpu.memory_space<vmem>>, vector<16xi32>,
      %get3A_507 = arith.constant 304 : index
      %get3A_508 = tpu.vector_load %arg7[%get3A_507] {strides = array<i32>} : memref<384xi32, #tpu.memory_space<vmem>>, vector<16xi32>,
      %get3A_509 = vector.shape_cast %get3A_508 : vector<16xi32> to vector<16xi32>
      %add3A_510 = vector.broadcast %arg0 : i32 to vector<16xi32>
      %add3A_511 = arith.addi %get3A_509, %add3A_510 : vector<16xi32>
      %swap3A_512 = arith.constant 304 : index
      %swap3A_513 = tpu.vector_load %arg7[%swap3A_512] {strides = array<i32>} : memref<384xi32, #tpu.memory_space<vmem>>, vector<16xi32>,
      %swap3A_514 = vector.shape_cast %swap3A_513 : vector<16xi32> to vector<16xi32>
      %swap3A_515 = vector.shape_cast %add3A_511 : vector<16xi32> to vector<16xi32>
      tpu.vector_store %arg7[%swap3A_512], %swap3A_515 {strides = array<i32>} : memref<384xi32, #tpu.memory_space<vmem>>, vector<16xi32>,
      %get3A_516 = arith.constant 320 : index
      %get3A_517 = tpu.vector_load %arg7[%get3A_516] {strides = array<i32>} : memref<384xi32, #tpu.memory_space<vmem>>, vector<16xi32>,
      %get3A_518 = vector.shape_cast %get3A_517 : vector<16xi32> to vector<16xi32>
      %add3A_519 = vector.broadcast %arg0 : i32 to vector<16xi32>
      %add3A_520 = arith.addi %get3A_518, %add3A_519 : vector<16xi32>
      %swap3A_521 = arith.constant 320 : index
      %swap3A_522 = tpu.vector_load %arg7[%swap3A_521] {strides = array<i32>} : memref<384xi32, #tpu.memory_space<vmem>>, vector<16xi32>,
      %swap3A_523 = vector.shape_cast %swap3A_522 : vector<16xi32> to vector<16xi32>
      %swap3A_524 = vector.shape_cast %add3A_520 : vector<16xi32> to vector<16xi32>
      tpu.vector_store %arg7[%swap3A_521], %swap3A_524 {strides = array<i32>} : memref<384xi32, #tpu.memory_space<vmem>>, vector<16xi32>,
      %get3A_525 = arith.constant 336 : index
      %get3A_526 = tpu.vector_load %arg7[%get3A_525] {strides = array<i32>} : memref<384xi32, #tpu.memory_space<vmem>>, vector<16xi32>,
      %get3A_527 = vector.shape_cast %get3A_526 : vector<16xi32> to vector<16xi32>
      %add3A_528 = vector.broadcast %arg0 : i32 to vector<16xi32>
      %add3A_529 = arith.addi %get3A_527, %add3A_528 : vector<16xi32>
      %swap3A_530 = arith.constant 336 : index
      %swap3A_531 = tpu.vector_load %arg7[%swap3A_530] {strides = array<i32>} : memref<384xi32, #tpu.memory_space<vmem>>, vector<16xi32>,
      %swap3A_532 = vector.shape_cast %swap3A_531 : vector<16xi32> to vector<16xi32>
      %swap3A_533 = vector.shape_cast %add3A_529 : vector<16xi32> to vector<16xi32>
      tpu.vector_store %arg7[%swap3A_530], %swap3A_533 {strides = array<i32>} : memref<384xi32, #tpu.memory_space<vmem>>, vector<16xi32>,
      %get3A_534 = arith.constant 352 : index
      %get3A_535 = tpu.vector_load %arg7[%get3A_534] {strides = array<i32>} : memref<384xi32, #tpu.memory_space<vmem>>, vector<16xi32>,
      %get3A_536 = vector.shape_cast %get3A_535 : vector<16xi32> to vector<16xi32>
      %add3A_537 = vector.broadcast %arg0 : i32 to vector<16xi32>
      %add3A_538 = arith.addi %get3A_536, %add3A_537 : vector<16xi32>
      %swap3A_539 = arith.constant 352 : index
      %swap3A_540 = tpu.vector_load %arg7[%swap3A_539] {strides = array<i32>} : memref<384xi32, #tpu.memory_space<vmem>>, vector<16xi32>,
      %swap3A_541 = vector.shape_cast %swap3A_540 : vector<16xi32> to vector<16xi32>
      %swap3A_542 = vector.shape_cast %add3A_538 : vector<16xi32> to vector<16xi32>
      tpu.vector_store %arg7[%swap3A_539], %swap3A_542 {strides = array<i32>} : memref<384xi32, #tpu.memory_space<vmem>>, vector<16xi32>,
      %get3A_543 = arith.constant 368 : index
      %get3A_544 = tpu.vector_load %arg7[%get3A_543] {strides = array<i32>} : memref<384xi32, #tpu.memory_space<vmem>>, vector<16xi32>,
      %get3A_545 = vector.shape_cast %get3A_544 : vector<16xi32> to vector<16xi32>
      %add3A_546 = vector.broadcast %arg0 : i32 to vector<16xi32>
      %add3A_547 = arith.addi %get3A_545, %add3A_546 : vector<16xi32>
      %swap3A_548 = arith.constant 368 : index
      %swap3A_549 = tpu.vector_load %arg7[%swap3A_548] {strides = array<i32>} : memref<384xi32, #tpu.memory_space<vmem>>, vector<16xi32>,
      %swap3A_550 = vector.shape_cast %swap3A_549 : vector<16xi32> to vector<16xi32>
      %swap3A_551 = vector.shape_cast %add3A_547 : vector<16xi32> to vector<16xi32>
      tpu.vector_store %arg7[%swap3A_548], %swap3A_551 {strides = array<i32>} : memref<384xi32, #tpu.memory_space<vmem>>, vector<16xi32>,
      %dma_start3A_552 = arith.constant 0 : i32
      %dma_start3A_553 = arith.constant 0 : i32
      %dma_start3A_554 = tpu.memref_slice %arg11[%dma_start3A_552, %dma_start3A_553] : memref<384x32xf32, #tpu.memory_space<vmem>> -> memref<128x32xf32, #tpu.memory_space<vmem>>
      %dma_start3A_555 = arith.constant 0 : i32
      %dma_start3A_556 = tpu.memref_slice %arg7[%dma_start3A_555] : memref<384xi32, #tpu.memory_space<vmem>> -> memref<128xi32, #tpu.memory_space<vmem>>
      %dma_start3A_557 = arith.constant 0 : i32
      %dma_start3A_558 = arith.constant 0 : i32
      %dma_start3A_559 = tpu.memref_slice %arg2[%dma_start3A_557, %dma_start3A_558] : memref<100000x32xf32, #tpu.memory_space<hbm>> -> memref<100000x32xf32, #tpu.memory_space<hbm>>
      tpu.enqueue_indirect_dma source(%dma_start3A_559 : memref<100000x32xf32, #tpu.memory_space<hbm>>) target(%dma_start3A_554 : memref<128x32xf32, #tpu.memory_space<vmem>>) offsets(%dma_start3A_556 : memref<128xi32, #tpu.memory_space<vmem>>) semaphore(%arg13 : memref<!tpu.dma_semaphore, #tpu.memory_space<semaphore_mem>>)
      %dma_start3A_560 = arith.constant 128 : i32
      %dma_start3A_561 = arith.constant 0 : i32
      %dma_start3A_562 = tpu.memref_slice %arg11[%dma_start3A_560, %dma_start3A_561] : memref<384x32xf32, #tpu.memory_space<vmem>> -> memref<128x32xf32, #tpu.memory_space<vmem>>
      %dma_start3A_563 = arith.constant 128 : i32
      %dma_start3A_564 = tpu.memref_slice %arg7[%dma_start3A_563] : memref<384xi32, #tpu.memory_space<vmem>> -> memref<128xi32, #tpu.memory_space<vmem>>
      %dma_start3A_565 = arith.constant 0 : i32
      %dma_start3A_566 = arith.constant 0 : i32
      %dma_start3A_567 = tpu.memref_slice %arg2[%dma_start3A_565, %dma_start3A_566] : memref<100000x32xf32, #tpu.memory_space<hbm>> -> memref<100000x32xf32, #tpu.memory_space<hbm>>
      tpu.enqueue_indirect_dma source(%dma_start3A_567 : memref<100000x32xf32, #tpu.memory_space<hbm>>) target(%dma_start3A_562 : memref<128x32xf32, #tpu.memory_space<vmem>>) offsets(%dma_start3A_564 : memref<128xi32, #tpu.memory_space<vmem>>) semaphore(%arg13 : memref<!tpu.dma_semaphore, #tpu.memory_space<semaphore_mem>>)
      %dma_start3A_568 = arith.constant 256 : i32
      %dma_start3A_569 = arith.constant 0 : i32
      %dma_start3A_570 = tpu.memref_slice %arg11[%dma_start3A_568, %dma_start3A_569] : memref<384x32xf32, #tpu.memory_space<vmem>> -> memref<128x32xf32, #tpu.memory_space<vmem>>
      %dma_start3A_571 = arith.constant 256 : i32
      %dma_start3A_572 = tpu.memref_slice %arg7[%dma_start3A_571] : memref<384xi32, #tpu.memory_space<vmem>> -> memref<128xi32, #tpu.memory_space<vmem>>
      %dma_start3A_573 = arith.constant 0 : i32
      %dma_start3A_574 = arith.constant 0 : i32
      %dma_start3A_575 = tpu.memref_slice %arg2[%dma_start3A_573, %dma_start3A_574] : memref<100000x32xf32, #tpu.memory_space<hbm>> -> memref<100000x32xf32, #tpu.memory_space<hbm>>
      tpu.enqueue_indirect_dma source(%dma_start3A_575 : memref<100000x32xf32, #tpu.memory_space<hbm>>) target(%dma_start3A_570 : memref<128x32xf32, #tpu.memory_space<vmem>>) offsets(%dma_start3A_572 : memref<128xi32, #tpu.memory_space<vmem>>) semaphore(%arg13 : memref<!tpu.dma_semaphore, #tpu.memory_space<semaphore_mem>>)
      %dma_wait3A_576 = arith.constant 0 : i32
      %dma_wait3A_577 = arith.constant 0 : i32
      %dma_wait3A_578 = tpu.memref_slice %arg11[%dma_wait3A_576, %dma_wait3A_577] : memref<384x32xf32, #tpu.memory_space<vmem>> -> memref<128x32xf32, #tpu.memory_space<vmem>>
      %dma_wait3A_579 = arith.constant 0 : i32
      %dma_wait3A_580 = tpu.memref_slice %arg7[%dma_wait3A_579] : memref<384xi32, #tpu.memory_space<vmem>> -> memref<128xi32, #tpu.memory_space<vmem>>
      %dma_wait3A_581 = arith.constant 0 : i32
      %dma_wait3A_582 = arith.constant 0 : i32
      %dma_wait3A_583 = tpu.memref_slice %arg2[%dma_wait3A_581, %dma_wait3A_582] : memref<100000x32xf32, #tpu.memory_space<hbm>> -> memref<100000x32xf32, #tpu.memory_space<hbm>>
      tpu.wait_indirect_dma semaphore(%arg13 : memref<!tpu.dma_semaphore, #tpu.memory_space<semaphore_mem>>) src(%dma_wait3A_583 : memref<100000x32xf32, #tpu.memory_space<hbm>>) dst(%dma_wait3A_578 : memref<128x32xf32, #tpu.memory_space<vmem>>)
      %dma_wait3A_584 = arith.constant 128 : i32
      %dma_wait3A_585 = arith.constant 0 : i32
      %dma_wait3A_586 = tpu.memref_slice %arg11[%dma_wait3A_584, %dma_wait3A_585] : memref<384x32xf32, #tpu.memory_space<vmem>> -> memref<128x32xf32, #tpu.memory_space<vmem>>
      %dma_wait3A_587 = arith.constant 128 : i32
      %dma_wait3A_588 = tpu.memref_slice %arg7[%dma_wait3A_587] : memref<384xi32, #tpu.memory_space<vmem>> -> memref<128xi32, #tpu.memory_space<vmem>>
      %dma_wait3A_589 = arith.constant 0 : i32
      %dma_wait3A_590 = arith.constant 0 : i32
      %dma_wait3A_591 = tpu.memref_slice %arg2[%dma_wait3A_589, %dma_wait3A_590] : memref<100000x32xf32, #tpu.memory_space<hbm>> -> memref<100000x32xf32, #tpu.memory_space<hbm>>
      tpu.wait_indirect_dma semaphore(%arg13 : memref<!tpu.dma_semaphore, #tpu.memory_space<semaphore_mem>>) src(%dma_wait3A_591 : memref<100000x32xf32, #tpu.memory_space<hbm>>) dst(%dma_wait3A_586 : memref<128x32xf32, #tpu.memory_space<vmem>>)
      %dma_wait3A_592 = arith.constant 256 : i32
      %dma_wait3A_593 = arith.constant 0 : i32
      %dma_wait3A_594 = tpu.memref_slice %arg11[%dma_wait3A_592, %dma_wait3A_593] : memref<384x32xf32, #tpu.memory_space<vmem>> -> memref<128x32xf32, #tpu.memory_space<vmem>>
      %dma_wait3A_595 = arith.constant 256 : i32
      %dma_wait3A_596 = tpu.memref_slice %arg7[%dma_wait3A_595] : memref<384xi32, #tpu.memory_space<vmem>> -> memref<128xi32, #tpu.memory_space<vmem>>
      %dma_wait3A_597 = arith.constant 0 : i32
      %dma_wait3A_598 = arith.constant 0 : i32
      %dma_wait3A_599 = tpu.memref_slice %arg2[%dma_wait3A_597, %dma_wait3A_598] : memref<100000x32xf32, #tpu.memory_space<hbm>> -> memref<100000x32xf32, #tpu.memory_space<hbm>>
      tpu.wait_indirect_dma semaphore(%arg13 : memref<!tpu.dma_semaphore, #tpu.memory_space<semaphore_mem>>) src(%dma_wait3A_599 : memref<100000x32xf32, #tpu.memory_space<hbm>>) dst(%dma_wait3A_594 : memref<128x32xf32, #tpu.memory_space<vmem>>)
      %dma_start3A_600 = arith.constant 0 : i32
      %dma_start3A_601 = arith.constant 0 : i32
      %dma_start3A_602 = arith.constant 0 : i32
      %dma_start3A_603 = tpu.memref_slice %arg11[%dma_start3A_601, %dma_start3A_602] : memref<384x32xf32, #tpu.memory_space<vmem>> -> memref<128x32xf32, #tpu.memory_space<vmem>>
      %dma_start3A_604 = arith.constant 0 : i32
      %dma_start3A_605 = tpu.memref_slice %arg9[%dma_start3A_600, %dma_start3A_604] : memref<3x128xi32, #tpu.memory_space<vmem>> -> memref<1x128xi32, #tpu.memory_space<vmem>>
      %dma_start3A_606 = tpu.memref_squeeze %dma_start3A_605 : memref<1x128xi32, #tpu.memory_space<vmem>> -> memref<128xi32, #tpu.memory_space<vmem>>
      %dma_start3A_607 = arith.constant 0 : i32
      %dma_start3A_608 = arith.constant 0 : i32
      %dma_start3A_609 = tpu.memref_slice %arg12[%dma_start3A_607, %dma_start3A_608] : memref<51200x32xf32, #tpu.memory_space<vmem_shared>> -> memref<51200x32xf32, #tpu.memory_space<vmem_shared>>
      tpu.enqueue_indirect_dma source(%dma_start3A_603 : memref<128x32xf32, #tpu.memory_space<vmem>>) target(%dma_start3A_609 : memref<51200x32xf32, #tpu.memory_space<vmem_shared>>) offsets(%dma_start3A_606 : memref<128xi32, #tpu.memory_space<vmem>>) semaphore(%arg14 : memref<!tpu.dma_semaphore, #tpu.memory_space<semaphore_mem>>) {add = true}
      %dma_start3A_610 = arith.constant 1 : i32
      %dma_start3A_611 = arith.constant 128 : i32
      %dma_start3A_612 = arith.constant 0 : i32
      %dma_start3A_613 = tpu.memref_slice %arg11[%dma_start3A_611, %dma_start3A_612] : memref<384x32xf32, #tpu.memory_space<vmem>> -> memref<128x32xf32, #tpu.memory_space<vmem>>
      %dma_start3A_614 = arith.constant 0 : i32
      %dma_start3A_615 = tpu.memref_slice %arg9[%dma_start3A_610, %dma_start3A_614] : memref<3x128xi32, #tpu.memory_space<vmem>> -> memref<1x128xi32, #tpu.memory_space<vmem>>
      %dma_start3A_616 = tpu.memref_squeeze %dma_start3A_615 : memref<1x128xi32, #tpu.memory_space<vmem>> -> memref<128xi32, #tpu.memory_space<vmem>>
      %dma_start3A_617 = arith.constant 0 : i32
      %dma_start3A_618 = arith.constant 0 : i32
      %dma_start3A_619 = tpu.memref_slice %arg12[%dma_start3A_617, %dma_start3A_618] : memref<51200x32xf32, #tpu.memory_space<vmem_shared>> -> memref<51200x32xf32, #tpu.memory_space<vmem_shared>>
      tpu.enqueue_indirect_dma source(%dma_start3A_613 : memref<128x32xf32, #tpu.memory_space<vmem>>) target(%dma_start3A_619 : memref<51200x32xf32, #tpu.memory_space<vmem_shared>>) offsets(%dma_start3A_616 : memref<128xi32, #tpu.memory_space<vmem>>) semaphore(%arg14 : memref<!tpu.dma_semaphore, #tpu.memory_space<semaphore_mem>>) {add = true}
      %dma_start3A_620 = arith.constant 2 : i32
      %dma_start3A_621 = arith.constant 256 : i32
      %dma_start3A_622 = arith.constant 0 : i32
      %dma_start3A_623 = tpu.memref_slice %arg11[%dma_start3A_621, %dma_start3A_622] : memref<384x32xf32, #tpu.memory_space<vmem>> -> memref<128x32xf32, #tpu.memory_space<vmem>>
      %dma_start3A_624 = arith.constant 0 : i32
      %dma_start3A_625 = tpu.memref_slice %arg9[%dma_start3A_620, %dma_start3A_624] : memref<3x128xi32, #tpu.memory_space<vmem>> -> memref<1x128xi32, #tpu.memory_space<vmem>>
      %dma_start3A_626 = tpu.memref_squeeze %dma_start3A_625 : memref<1x128xi32, #tpu.memory_space<vmem>> -> memref<128xi32, #tpu.memory_space<vmem>>
      %dma_start3A_627 = arith.constant 0 : i32
      %dma_start3A_628 = arith.constant 0 : i32
      %dma_start3A_629 = tpu.memref_slice %arg12[%dma_start3A_627, %dma_start3A_628] : memref<51200x32xf32, #tpu.memory_space<vmem_shared>> -> memref<51200x32xf32, #tpu.memory_space<vmem_shared>>
      tpu.enqueue_indirect_dma source(%dma_start3A_623 : memref<128x32xf32, #tpu.memory_space<vmem>>) target(%dma_start3A_629 : memref<51200x32xf32, #tpu.memory_space<vmem_shared>>) offsets(%dma_start3A_626 : memref<128xi32, #tpu.memory_space<vmem>>) semaphore(%arg14 : memref<!tpu.dma_semaphore, #tpu.memory_space<semaphore_mem>>) {add = true}
    }
    %scan3A_5 = arith.constant 67 : i32
    %dma_wait3A = arith.constant 0 : i32
    %dma_wait3A_6 = arith.constant 0 : i32
    %dma_wait3A_7 = tpu.memref_slice %arg2[%dma_wait3A, %dma_wait3A_6] : memref<100000x32xf32, #tpu.memory_space<hbm>> -> memref<384x32xf32, #tpu.memory_space<hbm>>
    %dma_wait3A_8 = arith.constant 0 : i32
    %dma_wait3A_9 = arith.constant 0 : i32
    %dma_wait3A_10 = tpu.memref_slice %arg2[%dma_wait3A_8, %dma_wait3A_9] : memref<100000x32xf32, #tpu.memory_space<hbm>> -> memref<384x32xf32, #tpu.memory_space<hbm>>
    tpu.wait_dma2 semaphore(%arg14 : memref<!tpu.dma_semaphore, #tpu.memory_space<semaphore_mem>>) src(%dma_wait3A_10 : memref<384x32xf32, #tpu.memory_space<hbm>>) dst(%arg10 : memref<384x32xf32, #tpu.memory_space<vmem>>)
    %dma_wait3A_11 = arith.constant 0 : i32
    %dma_wait3A_12 = arith.constant 0 : i32
    %dma_wait3A_13 = tpu.memref_slice %arg2[%dma_wait3A_11, %dma_wait3A_12] : memref<100000x32xf32, #tpu.memory_space<hbm>> -> memref<384x32xf32, #tpu.memory_space<hbm>>
    %dma_wait3A_14 = arith.constant 0 : i32
    %dma_wait3A_15 = arith.constant 0 : i32
    %dma_wait3A_16 = tpu.memref_slice %arg2[%dma_wait3A_14, %dma_wait3A_15] : memref<100000x32xf32, #tpu.memory_space<hbm>> -> memref<384x32xf32, #tpu.memory_space<hbm>>
    tpu.wait_dma2 semaphore(%arg14 : memref<!tpu.dma_semaphore, #tpu.memory_space<semaphore_mem>>) src(%dma_wait3A_16 : memref<384x32xf32, #tpu.memory_space<hbm>>) dst(%arg11 : memref<384x32xf32, #tpu.memory_space<vmem>>)
    %barrier3A_17 = arith.constant 0 : index
    tpu.barrier barrier_id(%barrier3A_17)
    "tpu.region"() ({
      %run_scoped3A = tpu.sem_alloc : memref<!tpu.dma_semaphore, #tpu.memory_space<semaphore_mem>>
      %dma_start3A = arith.constant 0 : i32
      %dma_start3A_18 = tpu.memref_slice %arg6[%arg0, %mul3A_0, %dma_start3A] : memref<2x51200x32xf32, #tpu.memory_space<hbm>> -> memref<1x3200x32xf32, #tpu.memory_space<hbm>>
      %dma_start3A_19 = tpu.memref_squeeze %dma_start3A_18 : memref<1x3200x32xf32, #tpu.memory_space<hbm>> -> memref<3200x32xf32, #tpu.memory_space<hbm>>
      %dma_start3A_20 = arith.constant 0 : i32
      %dma_start3A_21 = tpu.memref_slice %arg12[%mul3A_0, %dma_start3A_20] : memref<51200x32xf32, #tpu.memory_space<vmem_shared>> -> memref<3200x32xf32, #tpu.memory_space<vmem_shared>>
      tpu.enqueue_dma source(%dma_start3A_21 : memref<3200x32xf32, #tpu.memory_space<vmem_shared>>) target(%dma_start3A_19 : memref<3200x32xf32, #tpu.memory_space<hbm>>) target_semaphore(%run_scoped3A : memref<!tpu.dma_semaphore, #tpu.memory_space<semaphore_mem>>)
      %dma_wait3A_22 = arith.constant 0 : i32
      %dma_wait3A_23 = tpu.memref_slice %arg6[%arg0, %mul3A_0, %dma_wait3A_22] : memref<2x51200x32xf32, #tpu.memory_space<hbm>> -> memref<1x3200x32xf32, #tpu.memory_space<hbm>>
      %dma_wait3A_24 = tpu.memref_squeeze %dma_wait3A_23 : memref<1x3200x32xf32, #tpu.memory_space<hbm>> -> memref<3200x32xf32, #tpu.memory_space<hbm>>
      %dma_wait3A_25 = arith.constant 0 : i32
      %dma_wait3A_26 = tpu.memref_slice %arg12[%mul3A_0, %dma_wait3A_25] : memref<51200x32xf32, #tpu.memory_space<vmem_shared>> -> memref<3200x32xf32, #tpu.memory_space<vmem_shared>>
      tpu.wait_dma2 semaphore(%run_scoped3A : memref<!tpu.dma_semaphore, #tpu.memory_space<semaphore_mem>>) src(%dma_wait3A_26 : memref<3200x32xf32, #tpu.memory_space<vmem_shared>>) dst(%dma_wait3A_24 : memref<3200x32xf32, #tpu.memory_space<hbm>>)
      tpu.yield
    }) : () -> ()
    return
  }
}

#map = affine_map<(d0, d1) -> (0, 0)>
#map1 = affine_map<(d0, d1) -> (0)>
#map2 = affine_map<(d0, d1) -> (0, 0, 0)>
module attributes {stable_mosaic.version = 14 : i64} {
  func.func @_agg_body(%arg0: i32, %arg1: i32, %arg2: memref<100000x32xf32, #tpu.memory_space<hbm>>, %arg3: memref<823296xi32, #tpu.memory_space<hbm>>, %arg4: memref<6432x128xi32, #tpu.memory_space<hbm>>, %arg5: memref<3200x32xf32, #tpu.memory_space<hbm>>, %arg6: memref<2x51200x32xf32, #tpu.memory_space<hbm>>, %arg7: memref<384xi32, #tpu.memory_space<vmem>>, %arg8: memref<3x128xi32, #tpu.memory_space<vmem>>, %arg9: memref<3x128xi32, #tpu.memory_space<vmem>>, %arg10: memref<384x32xf32, #tpu.memory_space<vmem>>, %arg11: memref<384x32xf32, #tpu.memory_space<vmem>>, %arg12: memref<51200x32xf32, #tpu.memory_space<vmem_shared>>, %arg13: memref<!tpu.dma_semaphore, #tpu.memory_space<semaphore_mem>>, %arg14: memref<!tpu.dma_semaphore, #tpu.memory_space<semaphore_mem>>) attributes {dimension_semantics = [#tpu.dimension_semantics<core_parallel>, #tpu.dimension_semantics<subcore_parallel>], iteration_bounds = array<i64: 2, 16>, scalar_prefetch = 0 : i64, scratch_operands = 8 : i64, tpu.core_type = #tpu.core_type<sc_vector_subcore>, window_params = [{transform_indices = #map}, {transform_indices = #map1}, {transform_indices = #map}, {transform_indices = #map}, {transform_indices = #map2}]} {
    %mul3A = arith.constant 3200 : i32
    %mul3A_0 = arith.muli %arg1, %mul3A : i32
    "tpu.region"() ({
      %run_scoped3A = tpu.sem_alloc : memref<!tpu.dma_semaphore, #tpu.memory_space<semaphore_mem>>
      %dma_start3A = arith.constant 0 : i32
      %dma_start3A_18 = tpu.memref_slice %arg12[%mul3A_0, %dma_start3A] : memref<51200x32xf32, #tpu.memory_space<vmem_shared>> -> memref<3200x32xf32, #tpu.memory_space<vmem_shared>>
      tpu.enqueue_dma source(%arg5 : memref<3200x32xf32, #tpu.memory_space<hbm>>) target(%dma_start3A_18 : memref<3200x32xf32, #tpu.memory_space<vmem_shared>>) target_semaphore(%run_scoped3A : memref<!tpu.dma_semaphore, #tpu.memory_space<semaphore_mem>>)
      %dma_wait3A_19 = arith.constant 0 : i32
      %dma_wait3A_20 = tpu.memref_slice %arg12[%mul3A_0, %dma_wait3A_19] : memref<51200x32xf32, #tpu.memory_space<vmem_shared>> -> memref<3200x32xf32, #tpu.memory_space<vmem_shared>>
      tpu.wait_dma2 semaphore(%run_scoped3A : memref<!tpu.dma_semaphore, #tpu.memory_space<semaphore_mem>>) src(%arg5 : memref<3200x32xf32, #tpu.memory_space<hbm>>) dst(%dma_wait3A_20 : memref<3200x32xf32, #tpu.memory_space<vmem_shared>>)
      tpu.yield
    }) : () -> ()
    %barrier3A = arith.constant 0 : index
    tpu.barrier barrier_id(%barrier3A)
    %scan3A = arith.constant 0 : i32
    %scan3A_1 = arith.constant 0 : i32
    %scan3A_2 = arith.constant 67 : i32
    %scan3A_3 = arith.addi %scan3A_1, %scan3A_2 : i32
    %scan3A_4 = arith.constant 1 : i32
    scf.for %scan3A_18 = %scan3A_1 to %scan3A_3 step %scan3A_4  : i32 {
      %mul3A_19 = arith.constant 2 : i32
      %mul3A_20 = arith.muli %mul3A_19, %scan3A_18 : i32
      %ge3A = arith.constant 1 : i32
      %ge3A_21 = arith.cmpi sge, %scan3A_18, %ge3A : i32
      %convert_element_type3A = arith.extui %ge3A_21 : i1 to i32
      %cond3A = arith.constant 0 : i32
      %cond3A_22 = arith.cmpi ne, %convert_element_type3A, %cond3A : i32
      scf.if %cond3A_22 {
        %dma_wait3A_630 = arith.constant 0 : i32
        %dma_wait3A_631 = arith.constant 0 : i32
        %dma_wait3A_632 = tpu.memref_slice %arg2[%dma_wait3A_630, %dma_wait3A_631] : memref<100000x32xf32, #tpu.memory_space<hbm>> -> memref<384x32xf32, #tpu.memory_space<hbm>>
        %dma_wait3A_633 = arith.constant 0 : i32
        %dma_wait3A_634 = arith.constant 0 : i32
        %dma_wait3A_635 = tpu.memref_slice %arg2[%dma_wait3A_633, %dma_wait3A_634] : memref<100000x32xf32, #tpu.memory_space<hbm>> -> memref<384x32xf32, #tpu.memory_space<hbm>>
        tpu.wait_dma2 semaphore(%arg14 : memref<!tpu.dma_semaphore, #tpu.memory_space<semaphore_mem>>) src(%dma_wait3A_635 : memref<384x32xf32, #tpu.memory_space<hbm>>) dst(%arg10 : memref<384x32xf32, #tpu.memory_space<vmem>>)
      } else {
      }
      %mul3A_23 = arith.constant 402 : i32
      %mul3A_24 = arith.muli %arg1, %mul3A_23 : i32
      %mul3A_25 = arith.constant 3 : i32
      %mul3A_26 = arith.muli %mul3A_20, %mul3A_25 : i32
      %add3A = arith.addi %mul3A_24, %mul3A_26 : i32
      %mul3A_27 = arith.constant 128 : i32
      %mul3A_28 = arith.muli %add3A, %mul3A_27 : i32
      "tpu.region"() ({
        %run_scoped3A = tpu.sem_alloc : memref<!tpu.dma_semaphore, #tpu.memory_space<semaphore_mem>>
        %dma_start3A_630 = tpu.memref_slice %arg3[%mul3A_28] : memref<823296xi32, #tpu.memory_space<hbm>> -> memref<384xi32, #tpu.memory_space<hbm>>
        %dma_start3A_631 = tpu.memref_slice %arg3[%mul3A_28] : memref<823296xi32, #tpu.memory_space<hbm>> -> memref<384xi32, #tpu.memory_space<hbm>>
        tpu.enqueue_dma source(%dma_start3A_631 : memref<384xi32, #tpu.memory_space<hbm>>) target(%arg7 : memref<384xi32, #tpu.memory_space<vmem>>) target_semaphore(%run_scoped3A : memref<!tpu.dma_semaphore, #tpu.memory_space<semaphore_mem>>)
        %dma_wait3A_632 = tpu.memref_slice %arg3[%mul3A_28] : memref<823296xi32, #tpu.memory_space<hbm>> -> memref<384xi32, #tpu.memory_space<hbm>>
        %dma_wait3A_633 = tpu.memref_slice %arg3[%mul3A_28] : memref<823296xi32, #tpu.memory_space<hbm>> -> memref<384xi32, #tpu.memory_space<hbm>>
        tpu.wait_dma2 semaphore(%run_scoped3A : memref<!tpu.dma_semaphore, #tpu.memory_space<semaphore_mem>>) src(%dma_wait3A_633 : memref<384xi32, #tpu.memory_space<hbm>>) dst(%arg7 : memref<384xi32, #tpu.memory_space<vmem>>)
        tpu.yield
      }) : () -> ()
      "tpu.region"() ({
        %run_scoped3A = tpu.sem_alloc : memref<!tpu.dma_semaphore, #tpu.memory_space<semaphore_mem>>
        %dma_start3A_630 = arith.constant 0 : i32
        %dma_start3A_631 = tpu.memref_slice %arg4[%add3A, %dma_start3A_630] : memref<6432x128xi32, #tpu.memory_space<hbm>> -> memref<3x128xi32, #tpu.memory_space<hbm>>
        %dma_start3A_632 = arith.constant 0 : i32
        %dma_start3A_633 = tpu.memref_slice %arg4[%add3A, %dma_start3A_632] : memref<6432x128xi32, #tpu.memory_space<hbm>> -> memref<3x128xi32, #tpu.memory_space<hbm>>
        tpu.enqueue_dma source(%dma_start3A_633 : memref<3x128xi32, #tpu.memory_space<hbm>>) target(%arg8 : memref<3x128xi32, #tpu.memory_space<vmem>>) target_semaphore(%run_scoped3A : memref<!tpu.dma_semaphore, #tpu.memory_space<semaphore_mem>>)
        %dma_wait3A_634 = arith.constant 0 : i32
        %dma_wait3A_635 = tpu.memref_slice %arg4[%add3A, %dma_wait3A_634] : memref<6432x128xi32, #tpu.memory_space<hbm>> -> memref<3x128xi32, #tpu.memory_space<hbm>>
        %dma_wait3A_636 = arith.constant 0 : i32
        %dma_wait3A_637 = tpu.memref_slice %arg4[%add3A, %dma_wait3A_636] : memref<6432x128xi32, #tpu.memory_space<hbm>> -> memref<3x128xi32, #tpu.memory_space<hbm>>
        tpu.wait_dma2 semaphore(%run_scoped3A : memref<!tpu.dma_semaphore, #tpu.memory_space<semaphore_mem>>) src(%dma_wait3A_637 : memref<3x128xi32, #tpu.memory_space<hbm>>) dst(%arg8 : memref<3x128xi32, #tpu.memory_space<vmem>>)
        tpu.yield
      }) : () -> ()
      %get3A = arith.constant 0 : index
      %get3A_29 = tpu.vector_load %arg7[%get3A] {strides = array<i32>} : memref<384xi32, #tpu.memory_space<vmem>>, vector<16xi32>,
      %get3A_30 = vector.shape_cast %get3A_29 : vector<16xi32> to vector<16xi32>
      %add3A_31 = vector.broadcast %arg0 : i32 to vector<16xi32>
      %add3A_32 = arith.addi %get3A_30, %add3A_31 : vector<16xi32>
      %swap3A = arith.constant 0 : index
      %swap3A_33 = tpu.vector_load %arg7[%swap3A] {strides = array<i32>} : memref<384xi32, #tpu.memory_space<vmem>>, vector<16xi32>,
      %swap3A_34 = vector.shape_cast %swap3A_33 : vector<16xi32> to vector<16xi32>
      %swap3A_35 = vector.shape_cast %add3A_32 : vector<16xi32> to vector<16xi32>
      tpu.vector_store %arg7[%swap3A], %swap3A_35 {strides = array<i32>} : memref<384xi32, #tpu.memory_space<vmem>>, vector<16xi32>,
      %get3A_36 = arith.constant 16 : index
      %get3A_37 = tpu.vector_load %arg7[%get3A_36] {strides = array<i32>} : memref<384xi32, #tpu.memory_space<vmem>>, vector<16xi32>,
      %get3A_38 = vector.shape_cast %get3A_37 : vector<16xi32> to vector<16xi32>
      %add3A_39 = vector.broadcast %arg0 : i32 to vector<16xi32>
      %add3A_40 = arith.addi %get3A_38, %add3A_39 : vector<16xi32>
      %swap3A_41 = arith.constant 16 : index
      %swap3A_42 = tpu.vector_load %arg7[%swap3A_41] {strides = array<i32>} : memref<384xi32, #tpu.memory_space<vmem>>, vector<16xi32>,
      %swap3A_43 = vector.shape_cast %swap3A_42 : vector<16xi32> to vector<16xi32>
      %swap3A_44 = vector.shape_cast %add3A_40 : vector<16xi32> to vector<16xi32>
      tpu.vector_store %arg7[%swap3A_41], %swap3A_44 {strides = array<i32>} : memref<384xi32, #tpu.memory_space<vmem>>, vector<16xi32>,
      %get3A_45 = arith.constant 32 : index
      %get3A_46 = tpu.vector_load %arg7[%get3A_45] {strides = array<i32>} : memref<384xi32, #tpu.memory_space<vmem>>, vector<16xi32>,
      %get3A_47 = vector.shape_cast %get3A_46 : vector<16xi32> to vector<16xi32>
      %add3A_48 = vector.broadcast %arg0 : i32 to vector<16xi32>
      %add3A_49 = arith.addi %get3A_47, %add3A_48 : vector<16xi32>
      %swap3A_50 = arith.constant 32 : index
      %swap3A_51 = tpu.vector_load %arg7[%swap3A_50] {strides = array<i32>} : memref<384xi32, #tpu.memory_space<vmem>>, vector<16xi32>,
      %swap3A_52 = vector.shape_cast %swap3A_51 : vector<16xi32> to vector<16xi32>
      %swap3A_53 = vector.shape_cast %add3A_49 : vector<16xi32> to vector<16xi32>
      tpu.vector_store %arg7[%swap3A_50], %swap3A_53 {strides = array<i32>} : memref<384xi32, #tpu.memory_space<vmem>>, vector<16xi32>,
      %get3A_54 = arith.constant 48 : index
      %get3A_55 = tpu.vector_load %arg7[%get3A_54] {strides = array<i32>} : memref<384xi32, #tpu.memory_space<vmem>>, vector<16xi32>,
      %get3A_56 = vector.shape_cast %get3A_55 : vector<16xi32> to vector<16xi32>
      %add3A_57 = vector.broadcast %arg0 : i32 to vector<16xi32>
      %add3A_58 = arith.addi %get3A_56, %add3A_57 : vector<16xi32>
      %swap3A_59 = arith.constant 48 : index
      %swap3A_60 = tpu.vector_load %arg7[%swap3A_59] {strides = array<i32>} : memref<384xi32, #tpu.memory_space<vmem>>, vector<16xi32>,
      %swap3A_61 = vector.shape_cast %swap3A_60 : vector<16xi32> to vector<16xi32>
      %swap3A_62 = vector.shape_cast %add3A_58 : vector<16xi32> to vector<16xi32>
      tpu.vector_store %arg7[%swap3A_59], %swap3A_62 {strides = array<i32>} : memref<384xi32, #tpu.memory_space<vmem>>, vector<16xi32>,
      %get3A_63 = arith.constant 64 : index
      %get3A_64 = tpu.vector_load %arg7[%get3A_63] {strides = array<i32>} : memref<384xi32, #tpu.memory_space<vmem>>, vector<16xi32>,
      %get3A_65 = vector.shape_cast %get3A_64 : vector<16xi32> to vector<16xi32>
      %add3A_66 = vector.broadcast %arg0 : i32 to vector<16xi32>
      %add3A_67 = arith.addi %get3A_65, %add3A_66 : vector<16xi32>
      %swap3A_68 = arith.constant 64 : index
      %swap3A_69 = tpu.vector_load %arg7[%swap3A_68] {strides = array<i32>} : memref<384xi32, #tpu.memory_space<vmem>>, vector<16xi32>,
      %swap3A_70 = vector.shape_cast %swap3A_69 : vector<16xi32> to vector<16xi32>
      %swap3A_71 = vector.shape_cast %add3A_67 : vector<16xi32> to vector<16xi32>
      tpu.vector_store %arg7[%swap3A_68], %swap3A_71 {strides = array<i32>} : memref<384xi32, #tpu.memory_space<vmem>>, vector<16xi32>,
      %get3A_72 = arith.constant 80 : index
      %get3A_73 = tpu.vector_load %arg7[%get3A_72] {strides = array<i32>} : memref<384xi32, #tpu.memory_space<vmem>>, vector<16xi32>,
      %get3A_74 = vector.shape_cast %get3A_73 : vector<16xi32> to vector<16xi32>
      %add3A_75 = vector.broadcast %arg0 : i32 to vector<16xi32>
      %add3A_76 = arith.addi %get3A_74, %add3A_75 : vector<16xi32>
      %swap3A_77 = arith.constant 80 : index
      %swap3A_78 = tpu.vector_load %arg7[%swap3A_77] {strides = array<i32>} : memref<384xi32, #tpu.memory_space<vmem>>, vector<16xi32>,
      %swap3A_79 = vector.shape_cast %swap3A_78 : vector<16xi32> to vector<16xi32>
      %swap3A_80 = vector.shape_cast %add3A_76 : vector<16xi32> to vector<16xi32>
      tpu.vector_store %arg7[%swap3A_77], %swap3A_80 {strides = array<i32>} : memref<384xi32, #tpu.memory_space<vmem>>, vector<16xi32>,
      %get3A_81 = arith.constant 96 : index
      %get3A_82 = tpu.vector_load %arg7[%get3A_81] {strides = array<i32>} : memref<384xi32, #tpu.memory_space<vmem>>, vector<16xi32>,
      %get3A_83 = vector.shape_cast %get3A_82 : vector<16xi32> to vector<16xi32>
      %add3A_84 = vector.broadcast %arg0 : i32 to vector<16xi32>
      %add3A_85 = arith.addi %get3A_83, %add3A_84 : vector<16xi32>
      %swap3A_86 = arith.constant 96 : index
      %swap3A_87 = tpu.vector_load %arg7[%swap3A_86] {strides = array<i32>} : memref<384xi32, #tpu.memory_space<vmem>>, vector<16xi32>,
      %swap3A_88 = vector.shape_cast %swap3A_87 : vector<16xi32> to vector<16xi32>
      %swap3A_89 = vector.shape_cast %add3A_85 : vector<16xi32> to vector<16xi32>
      tpu.vector_store %arg7[%swap3A_86], %swap3A_89 {strides = array<i32>} : memref<384xi32, #tpu.memory_space<vmem>>, vector<16xi32>,
      %get3A_90 = arith.constant 112 : index
      %get3A_91 = tpu.vector_load %arg7[%get3A_90] {strides = array<i32>} : memref<384xi32, #tpu.memory_space<vmem>>, vector<16xi32>,
      %get3A_92 = vector.shape_cast %get3A_91 : vector<16xi32> to vector<16xi32>
      %add3A_93 = vector.broadcast %arg0 : i32 to vector<16xi32>
      %add3A_94 = arith.addi %get3A_92, %add3A_93 : vector<16xi32>
      %swap3A_95 = arith.constant 112 : index
      %swap3A_96 = tpu.vector_load %arg7[%swap3A_95] {strides = array<i32>} : memref<384xi32, #tpu.memory_space<vmem>>, vector<16xi32>,
      %swap3A_97 = vector.shape_cast %swap3A_96 : vector<16xi32> to vector<16xi32>
      %swap3A_98 = vector.shape_cast %add3A_94 : vector<16xi32> to vector<16xi32>
      tpu.vector_store %arg7[%swap3A_95], %swap3A_98 {strides = array<i32>} : memref<384xi32, #tpu.memory_space<vmem>>, vector<16xi32>,
      %get3A_99 = arith.constant 128 : index
      %get3A_100 = tpu.vector_load %arg7[%get3A_99] {strides = array<i32>} : memref<384xi32, #tpu.memory_space<vmem>>, vector<16xi32>,
      %get3A_101 = vector.shape_cast %get3A_100 : vector<16xi32> to vector<16xi32>
      %add3A_102 = vector.broadcast %arg0 : i32 to vector<16xi32>
      %add3A_103 = arith.addi %get3A_101, %add3A_102 : vector<16xi32>
      %swap3A_104 = arith.constant 128 : index
      %swap3A_105 = tpu.vector_load %arg7[%swap3A_104] {strides = array<i32>} : memref<384xi32, #tpu.memory_space<vmem>>, vector<16xi32>,
      %swap3A_106 = vector.shape_cast %swap3A_105 : vector<16xi32> to vector<16xi32>
      %swap3A_107 = vector.shape_cast %add3A_103 : vector<16xi32> to vector<16xi32>
      tpu.vector_store %arg7[%swap3A_104], %swap3A_107 {strides = array<i32>} : memref<384xi32, #tpu.memory_space<vmem>>, vector<16xi32>,
      %get3A_108 = arith.constant 144 : index
      %get3A_109 = tpu.vector_load %arg7[%get3A_108] {strides = array<i32>} : memref<384xi32, #tpu.memory_space<vmem>>, vector<16xi32>,
      %get3A_110 = vector.shape_cast %get3A_109 : vector<16xi32> to vector<16xi32>
      %add3A_111 = vector.broadcast %arg0 : i32 to vector<16xi32>
      %add3A_112 = arith.addi %get3A_110, %add3A_111 : vector<16xi32>
      %swap3A_113 = arith.constant 144 : index
      %swap3A_114 = tpu.vector_load %arg7[%swap3A_113] {strides = array<i32>} : memref<384xi32, #tpu.memory_space<vmem>>, vector<16xi32>,
      %swap3A_115 = vector.shape_cast %swap3A_114 : vector<16xi32> to vector<16xi32>
      %swap3A_116 = vector.shape_cast %add3A_112 : vector<16xi32> to vector<16xi32>
      tpu.vector_store %arg7[%swap3A_113], %swap3A_116 {strides = array<i32>} : memref<384xi32, #tpu.memory_space<vmem>>, vector<16xi32>,
      %get3A_117 = arith.constant 160 : index
      %get3A_118 = tpu.vector_load %arg7[%get3A_117] {strides = array<i32>} : memref<384xi32, #tpu.memory_space<vmem>>, vector<16xi32>,
      %get3A_119 = vector.shape_cast %get3A_118 : vector<16xi32> to vector<16xi32>
      %add3A_120 = vector.broadcast %arg0 : i32 to vector<16xi32>
      %add3A_121 = arith.addi %get3A_119, %add3A_120 : vector<16xi32>
      %swap3A_122 = arith.constant 160 : index
      %swap3A_123 = tpu.vector_load %arg7[%swap3A_122] {strides = array<i32>} : memref<384xi32, #tpu.memory_space<vmem>>, vector<16xi32>,
      %swap3A_124 = vector.shape_cast %swap3A_123 : vector<16xi32> to vector<16xi32>
      %swap3A_125 = vector.shape_cast %add3A_121 : vector<16xi32> to vector<16xi32>
      tpu.vector_store %arg7[%swap3A_122], %swap3A_125 {strides = array<i32>} : memref<384xi32, #tpu.memory_space<vmem>>, vector<16xi32>,
      %get3A_126 = arith.constant 176 : index
      %get3A_127 = tpu.vector_load %arg7[%get3A_126] {strides = array<i32>} : memref<384xi32, #tpu.memory_space<vmem>>, vector<16xi32>,
      %get3A_128 = vector.shape_cast %get3A_127 : vector<16xi32> to vector<16xi32>
      %add3A_129 = vector.broadcast %arg0 : i32 to vector<16xi32>
      %add3A_130 = arith.addi %get3A_128, %add3A_129 : vector<16xi32>
      %swap3A_131 = arith.constant 176 : index
      %swap3A_132 = tpu.vector_load %arg7[%swap3A_131] {strides = array<i32>} : memref<384xi32, #tpu.memory_space<vmem>>, vector<16xi32>,
      %swap3A_133 = vector.shape_cast %swap3A_132 : vector<16xi32> to vector<16xi32>
      %swap3A_134 = vector.shape_cast %add3A_130 : vector<16xi32> to vector<16xi32>
      tpu.vector_store %arg7[%swap3A_131], %swap3A_134 {strides = array<i32>} : memref<384xi32, #tpu.memory_space<vmem>>, vector<16xi32>,
      %get3A_135 = arith.constant 192 : index
      %get3A_136 = tpu.vector_load %arg7[%get3A_135] {strides = array<i32>} : memref<384xi32, #tpu.memory_space<vmem>>, vector<16xi32>,
      %get3A_137 = vector.shape_cast %get3A_136 : vector<16xi32> to vector<16xi32>
      %add3A_138 = vector.broadcast %arg0 : i32 to vector<16xi32>
      %add3A_139 = arith.addi %get3A_137, %add3A_138 : vector<16xi32>
      %swap3A_140 = arith.constant 192 : index
      %swap3A_141 = tpu.vector_load %arg7[%swap3A_140] {strides = array<i32>} : memref<384xi32, #tpu.memory_space<vmem>>, vector<16xi32>,
      %swap3A_142 = vector.shape_cast %swap3A_141 : vector<16xi32> to vector<16xi32>
      %swap3A_143 = vector.shape_cast %add3A_139 : vector<16xi32> to vector<16xi32>
      tpu.vector_store %arg7[%swap3A_140], %swap3A_143 {strides = array<i32>} : memref<384xi32, #tpu.memory_space<vmem>>, vector<16xi32>,
      %get3A_144 = arith.constant 208 : index
      %get3A_145 = tpu.vector_load %arg7[%get3A_144] {strides = array<i32>} : memref<384xi32, #tpu.memory_space<vmem>>, vector<16xi32>,
      %get3A_146 = vector.shape_cast %get3A_145 : vector<16xi32> to vector<16xi32>
      %add3A_147 = vector.broadcast %arg0 : i32 to vector<16xi32>
      %add3A_148 = arith.addi %get3A_146, %add3A_147 : vector<16xi32>
      %swap3A_149 = arith.constant 208 : index
      %swap3A_150 = tpu.vector_load %arg7[%swap3A_149] {strides = array<i32>} : memref<384xi32, #tpu.memory_space<vmem>>, vector<16xi32>,
      %swap3A_151 = vector.shape_cast %swap3A_150 : vector<16xi32> to vector<16xi32>
      %swap3A_152 = vector.shape_cast %add3A_148 : vector<16xi32> to vector<16xi32>
      tpu.vector_store %arg7[%swap3A_149], %swap3A_152 {strides = array<i32>} : memref<384xi32, #tpu.memory_space<vmem>>, vector<16xi32>,
      %get3A_153 = arith.constant 224 : index
      %get3A_154 = tpu.vector_load %arg7[%get3A_153] {strides = array<i32>} : memref<384xi32, #tpu.memory_space<vmem>>, vector<16xi32>,
      %get3A_155 = vector.shape_cast %get3A_154 : vector<16xi32> to vector<16xi32>
      %add3A_156 = vector.broadcast %arg0 : i32 to vector<16xi32>
      %add3A_157 = arith.addi %get3A_155, %add3A_156 : vector<16xi32>
      %swap3A_158 = arith.constant 224 : index
      %swap3A_159 = tpu.vector_load %arg7[%swap3A_158] {strides = array<i32>} : memref<384xi32, #tpu.memory_space<vmem>>, vector<16xi32>,
      %swap3A_160 = vector.shape_cast %swap3A_159 : vector<16xi32> to vector<16xi32>
      %swap3A_161 = vector.shape_cast %add3A_157 : vector<16xi32> to vector<16xi32>
      tpu.vector_store %arg7[%swap3A_158], %swap3A_161 {strides = array<i32>} : memref<384xi32, #tpu.memory_space<vmem>>, vector<16xi32>,
      %get3A_162 = arith.constant 240 : index
      %get3A_163 = tpu.vector_load %arg7[%get3A_162] {strides = array<i32>} : memref<384xi32, #tpu.memory_space<vmem>>, vector<16xi32>,
      %get3A_164 = vector.shape_cast %get3A_163 : vector<16xi32> to vector<16xi32>
      %add3A_165 = vector.broadcast %arg0 : i32 to vector<16xi32>
      %add3A_166 = arith.addi %get3A_164, %add3A_165 : vector<16xi32>
      %swap3A_167 = arith.constant 240 : index
      %swap3A_168 = tpu.vector_load %arg7[%swap3A_167] {strides = array<i32>} : memref<384xi32, #tpu.memory_space<vmem>>, vector<16xi32>,
      %swap3A_169 = vector.shape_cast %swap3A_168 : vector<16xi32> to vector<16xi32>
      %swap3A_170 = vector.shape_cast %add3A_166 : vector<16xi32> to vector<16xi32>
      tpu.vector_store %arg7[%swap3A_167], %swap3A_170 {strides = array<i32>} : memref<384xi32, #tpu.memory_space<vmem>>, vector<16xi32>,
      %get3A_171 = arith.constant 256 : index
      %get3A_172 = tpu.vector_load %arg7[%get3A_171] {strides = array<i32>} : memref<384xi32, #tpu.memory_space<vmem>>, vector<16xi32>,
      %get3A_173 = vector.shape_cast %get3A_172 : vector<16xi32> to vector<16xi32>
      %add3A_174 = vector.broadcast %arg0 : i32 to vector<16xi32>
      %add3A_175 = arith.addi %get3A_173, %add3A_174 : vector<16xi32>
      %swap3A_176 = arith.constant 256 : index
      %swap3A_177 = tpu.vector_load %arg7[%swap3A_176] {strides = array<i32>} : memref<384xi32, #tpu.memory_space<vmem>>, vector<16xi32>,
      %swap3A_178 = vector.shape_cast %swap3A_177 : vector<16xi32> to vector<16xi32>
      %swap3A_179 = vector.shape_cast %add3A_175 : vector<16xi32> to vector<16xi32>
      tpu.vector_store %arg7[%swap3A_176], %swap3A_179 {strides = array<i32>} : memref<384xi32, #tpu.memory_space<vmem>>, vector<16xi32>,
      %get3A_180 = arith.constant 272 : index
      %get3A_181 = tpu.vector_load %arg7[%get3A_180] {strides = array<i32>} : memref<384xi32, #tpu.memory_space<vmem>>, vector<16xi32>,
      %get3A_182 = vector.shape_cast %get3A_181 : vector<16xi32> to vector<16xi32>
      %add3A_183 = vector.broadcast %arg0 : i32 to vector<16xi32>
      %add3A_184 = arith.addi %get3A_182, %add3A_183 : vector<16xi32>
      %swap3A_185 = arith.constant 272 : index
      %swap3A_186 = tpu.vector_load %arg7[%swap3A_185] {strides = array<i32>} : memref<384xi32, #tpu.memory_space<vmem>>, vector<16xi32>,
      %swap3A_187 = vector.shape_cast %swap3A_186 : vector<16xi32> to vector<16xi32>
      %swap3A_188 = vector.shape_cast %add3A_184 : vector<16xi32> to vector<16xi32>
      tpu.vector_store %arg7[%swap3A_185], %swap3A_188 {strides = array<i32>} : memref<384xi32, #tpu.memory_space<vmem>>, vector<16xi32>,
      %get3A_189 = arith.constant 288 : index
      %get3A_190 = tpu.vector_load %arg7[%get3A_189] {strides = array<i32>} : memref<384xi32, #tpu.memory_space<vmem>>, vector<16xi32>,
      %get3A_191 = vector.shape_cast %get3A_190 : vector<16xi32> to vector<16xi32>
      %add3A_192 = vector.broadcast %arg0 : i32 to vector<16xi32>
      %add3A_193 = arith.addi %get3A_191, %add3A_192 : vector<16xi32>
      %swap3A_194 = arith.constant 288 : index
      %swap3A_195 = tpu.vector_load %arg7[%swap3A_194] {strides = array<i32>} : memref<384xi32, #tpu.memory_space<vmem>>, vector<16xi32>,
      %swap3A_196 = vector.shape_cast %swap3A_195 : vector<16xi32> to vector<16xi32>
      %swap3A_197 = vector.shape_cast %add3A_193 : vector<16xi32> to vector<16xi32>
      tpu.vector_store %arg7[%swap3A_194], %swap3A_197 {strides = array<i32>} : memref<384xi32, #tpu.memory_space<vmem>>, vector<16xi32>,
      %get3A_198 = arith.constant 304 : index
      %get3A_199 = tpu.vector_load %arg7[%get3A_198] {strides = array<i32>} : memref<384xi32, #tpu.memory_space<vmem>>, vector<16xi32>,
      %get3A_200 = vector.shape_cast %get3A_199 : vector<16xi32> to vector<16xi32>
      %add3A_201 = vector.broadcast %arg0 : i32 to vector<16xi32>
      %add3A_202 = arith.addi %get3A_200, %add3A_201 : vector<16xi32>
      %swap3A_203 = arith.constant 304 : index
      %swap3A_204 = tpu.vector_load %arg7[%swap3A_203] {strides = array<i32>} : memref<384xi32, #tpu.memory_space<vmem>>, vector<16xi32>,
      %swap3A_205 = vector.shape_cast %swap3A_204 : vector<16xi32> to vector<16xi32>
      %swap3A_206 = vector.shape_cast %add3A_202 : vector<16xi32> to vector<16xi32>
      tpu.vector_store %arg7[%swap3A_203], %swap3A_206 {strides = array<i32>} : memref<384xi32, #tpu.memory_space<vmem>>, vector<16xi32>,
      %get3A_207 = arith.constant 320 : index
      %get3A_208 = tpu.vector_load %arg7[%get3A_207] {strides = array<i32>} : memref<384xi32, #tpu.memory_space<vmem>>, vector<16xi32>,
      %get3A_209 = vector.shape_cast %get3A_208 : vector<16xi32> to vector<16xi32>
      %add3A_210 = vector.broadcast %arg0 : i32 to vector<16xi32>
      %add3A_211 = arith.addi %get3A_209, %add3A_210 : vector<16xi32>
      %swap3A_212 = arith.constant 320 : index
      %swap3A_213 = tpu.vector_load %arg7[%swap3A_212] {strides = array<i32>} : memref<384xi32, #tpu.memory_space<vmem>>, vector<16xi32>,
      %swap3A_214 = vector.shape_cast %swap3A_213 : vector<16xi32> to vector<16xi32>
      %swap3A_215 = vector.shape_cast %add3A_211 : vector<16xi32> to vector<16xi32>
      tpu.vector_store %arg7[%swap3A_212], %swap3A_215 {strides = array<i32>} : memref<384xi32, #tpu.memory_space<vmem>>, vector<16xi32>,
      %get3A_216 = arith.constant 336 : index
      %get3A_217 = tpu.vector_load %arg7[%get3A_216] {strides = array<i32>} : memref<384xi32, #tpu.memory_space<vmem>>, vector<16xi32>,
      %get3A_218 = vector.shape_cast %get3A_217 : vector<16xi32> to vector<16xi32>
      %add3A_219 = vector.broadcast %arg0 : i32 to vector<16xi32>
      %add3A_220 = arith.addi %get3A_218, %add3A_219 : vector<16xi32>
      %swap3A_221 = arith.constant 336 : index
      %swap3A_222 = tpu.vector_load %arg7[%swap3A_221] {strides = array<i32>} : memref<384xi32, #tpu.memory_space<vmem>>, vector<16xi32>,
      %swap3A_223 = vector.shape_cast %swap3A_222 : vector<16xi32> to vector<16xi32>
      %swap3A_224 = vector.shape_cast %add3A_220 : vector<16xi32> to vector<16xi32>
      tpu.vector_store %arg7[%swap3A_221], %swap3A_224 {strides = array<i32>} : memref<384xi32, #tpu.memory_space<vmem>>, vector<16xi32>,
      %get3A_225 = arith.constant 352 : index
      %get3A_226 = tpu.vector_load %arg7[%get3A_225] {strides = array<i32>} : memref<384xi32, #tpu.memory_space<vmem>>, vector<16xi32>,
      %get3A_227 = vector.shape_cast %get3A_226 : vector<16xi32> to vector<16xi32>
      %add3A_228 = vector.broadcast %arg0 : i32 to vector<16xi32>
      %add3A_229 = arith.addi %get3A_227, %add3A_228 : vector<16xi32>
      %swap3A_230 = arith.constant 352 : index
      %swap3A_231 = tpu.vector_load %arg7[%swap3A_230] {strides = array<i32>} : memref<384xi32, #tpu.memory_space<vmem>>, vector<16xi32>,
      %swap3A_232 = vector.shape_cast %swap3A_231 : vector<16xi32> to vector<16xi32>
      %swap3A_233 = vector.shape_cast %add3A_229 : vector<16xi32> to vector<16xi32>
      tpu.vector_store %arg7[%swap3A_230], %swap3A_233 {strides = array<i32>} : memref<384xi32, #tpu.memory_space<vmem>>, vector<16xi32>,
      %get3A_234 = arith.constant 368 : index
      %get3A_235 = tpu.vector_load %arg7[%get3A_234] {strides = array<i32>} : memref<384xi32, #tpu.memory_space<vmem>>, vector<16xi32>,
      %get3A_236 = vector.shape_cast %get3A_235 : vector<16xi32> to vector<16xi32>
      %add3A_237 = vector.broadcast %arg0 : i32 to vector<16xi32>
      %add3A_238 = arith.addi %get3A_236, %add3A_237 : vector<16xi32>
      %swap3A_239 = arith.constant 368 : index
      %swap3A_240 = tpu.vector_load %arg7[%swap3A_239] {strides = array<i32>} : memref<384xi32, #tpu.memory_space<vmem>>, vector<16xi32>,
      %swap3A_241 = vector.shape_cast %swap3A_240 : vector<16xi32> to vector<16xi32>
      %swap3A_242 = vector.shape_cast %add3A_238 : vector<16xi32> to vector<16xi32>
      tpu.vector_store %arg7[%swap3A_239], %swap3A_242 {strides = array<i32>} : memref<384xi32, #tpu.memory_space<vmem>>, vector<16xi32>,
      %dma_start3A = arith.constant 0 : i32
      %dma_start3A_243 = arith.constant 0 : i32
      %dma_start3A_244 = tpu.memref_slice %arg10[%dma_start3A, %dma_start3A_243] : memref<384x32xf32, #tpu.memory_space<vmem>> -> memref<128x32xf32, #tpu.memory_space<vmem>>
      %dma_start3A_245 = arith.constant 0 : i32
      %dma_start3A_246 = tpu.memref_slice %arg7[%dma_start3A_245] : memref<384xi32, #tpu.memory_space<vmem>> -> memref<128xi32, #tpu.memory_space<vmem>>
      %dma_start3A_247 = arith.constant 0 : i32
      %dma_start3A_248 = arith.constant 0 : i32
      %dma_start3A_249 = tpu.memref_slice %arg2[%dma_start3A_247, %dma_start3A_248] : memref<100000x32xf32, #tpu.memory_space<hbm>> -> memref<100000x32xf32, #tpu.memory_space<hbm>>
      tpu.enqueue_indirect_dma source(%dma_start3A_249 : memref<100000x32xf32, #tpu.memory_space<hbm>>) target(%dma_start3A_244 : memref<128x32xf32, #tpu.memory_space<vmem>>) offsets(%dma_start3A_246 : memref<128xi32, #tpu.memory_space<vmem>>) semaphore(%arg13 : memref<!tpu.dma_semaphore, #tpu.memory_space<semaphore_mem>>)
      %dma_start3A_250 = arith.constant 128 : i32
      %dma_start3A_251 = arith.constant 0 : i32
      %dma_start3A_252 = tpu.memref_slice %arg10[%dma_start3A_250, %dma_start3A_251] : memref<384x32xf32, #tpu.memory_space<vmem>> -> memref<128x32xf32, #tpu.memory_space<vmem>>
      %dma_start3A_253 = arith.constant 128 : i32
      %dma_start3A_254 = tpu.memref_slice %arg7[%dma_start3A_253] : memref<384xi32, #tpu.memory_space<vmem>> -> memref<128xi32, #tpu.memory_space<vmem>>
      %dma_start3A_255 = arith.constant 0 : i32
      %dma_start3A_256 = arith.constant 0 : i32
      %dma_start3A_257 = tpu.memref_slice %arg2[%dma_start3A_255, %dma_start3A_256] : memref<100000x32xf32, #tpu.memory_space<hbm>> -> memref<100000x32xf32, #tpu.memory_space<hbm>>
      tpu.enqueue_indirect_dma source(%dma_start3A_257 : memref<100000x32xf32, #tpu.memory_space<hbm>>) target(%dma_start3A_252 : memref<128x32xf32, #tpu.memory_space<vmem>>) offsets(%dma_start3A_254 : memref<128xi32, #tpu.memory_space<vmem>>) semaphore(%arg13 : memref<!tpu.dma_semaphore, #tpu.memory_space<semaphore_mem>>)
      %dma_start3A_258 = arith.constant 256 : i32
      %dma_start3A_259 = arith.constant 0 : i32
      %dma_start3A_260 = tpu.memref_slice %arg10[%dma_start3A_258, %dma_start3A_259] : memref<384x32xf32, #tpu.memory_space<vmem>> -> memref<128x32xf32, #tpu.memory_space<vmem>>
      %dma_start3A_261 = arith.constant 256 : i32
      %dma_start3A_262 = tpu.memref_slice %arg7[%dma_start3A_261] : memref<384xi32, #tpu.memory_space<vmem>> -> memref<128xi32, #tpu.memory_space<vmem>>
      %dma_start3A_263 = arith.constant 0 : i32
      %dma_start3A_264 = arith.constant 0 : i32
      %dma_start3A_265 = tpu.memref_slice %arg2[%dma_start3A_263, %dma_start3A_264] : memref<100000x32xf32, #tpu.memory_space<hbm>> -> memref<100000x32xf32, #tpu.memory_space<hbm>>
      tpu.enqueue_indirect_dma source(%dma_start3A_265 : memref<100000x32xf32, #tpu.memory_space<hbm>>) target(%dma_start3A_260 : memref<128x32xf32, #tpu.memory_space<vmem>>) offsets(%dma_start3A_262 : memref<128xi32, #tpu.memory_space<vmem>>) semaphore(%arg13 : memref<!tpu.dma_semaphore, #tpu.memory_space<semaphore_mem>>)
      %dma_wait3A_266 = arith.constant 0 : i32
      %dma_wait3A_267 = arith.constant 0 : i32
      %dma_wait3A_268 = tpu.memref_slice %arg10[%dma_wait3A_266, %dma_wait3A_267] : memref<384x32xf32, #tpu.memory_space<vmem>> -> memref<128x32xf32, #tpu.memory_space<vmem>>
      %dma_wait3A_269 = arith.constant 0 : i32
      %dma_wait3A_270 = tpu.memref_slice %arg7[%dma_wait3A_269] : memref<384xi32, #tpu.memory_space<vmem>> -> memref<128xi32, #tpu.memory_space<vmem>>
      %dma_wait3A_271 = arith.constant 0 : i32
      %dma_wait3A_272 = arith.constant 0 : i32
      %dma_wait3A_273 = tpu.memref_slice %arg2[%dma_wait3A_271, %dma_wait3A_272] : memref<100000x32xf32, #tpu.memory_space<hbm>> -> memref<100000x32xf32, #tpu.memory_space<hbm>>
      tpu.wait_indirect_dma semaphore(%arg13 : memref<!tpu.dma_semaphore, #tpu.memory_space<semaphore_mem>>) src(%dma_wait3A_273 : memref<100000x32xf32, #tpu.memory_space<hbm>>) dst(%dma_wait3A_268 : memref<128x32xf32, #tpu.memory_space<vmem>>)
      %dma_wait3A_274 = arith.constant 128 : i32
      %dma_wait3A_275 = arith.constant 0 : i32
      %dma_wait3A_276 = tpu.memref_slice %arg10[%dma_wait3A_274, %dma_wait3A_275] : memref<384x32xf32, #tpu.memory_space<vmem>> -> memref<128x32xf32, #tpu.memory_space<vmem>>
      %dma_wait3A_277 = arith.constant 128 : i32
      %dma_wait3A_278 = tpu.memref_slice %arg7[%dma_wait3A_277] : memref<384xi32, #tpu.memory_space<vmem>> -> memref<128xi32, #tpu.memory_space<vmem>>
      %dma_wait3A_279 = arith.constant 0 : i32
      %dma_wait3A_280 = arith.constant 0 : i32
      %dma_wait3A_281 = tpu.memref_slice %arg2[%dma_wait3A_279, %dma_wait3A_280] : memref<100000x32xf32, #tpu.memory_space<hbm>> -> memref<100000x32xf32, #tpu.memory_space<hbm>>
      tpu.wait_indirect_dma semaphore(%arg13 : memref<!tpu.dma_semaphore, #tpu.memory_space<semaphore_mem>>) src(%dma_wait3A_281 : memref<100000x32xf32, #tpu.memory_space<hbm>>) dst(%dma_wait3A_276 : memref<128x32xf32, #tpu.memory_space<vmem>>)
      %dma_wait3A_282 = arith.constant 256 : i32
      %dma_wait3A_283 = arith.constant 0 : i32
      %dma_wait3A_284 = tpu.memref_slice %arg10[%dma_wait3A_282, %dma_wait3A_283] : memref<384x32xf32, #tpu.memory_space<vmem>> -> memref<128x32xf32, #tpu.memory_space<vmem>>
      %dma_wait3A_285 = arith.constant 256 : i32
      %dma_wait3A_286 = tpu.memref_slice %arg7[%dma_wait3A_285] : memref<384xi32, #tpu.memory_space<vmem>> -> memref<128xi32, #tpu.memory_space<vmem>>
      %dma_wait3A_287 = arith.constant 0 : i32
      %dma_wait3A_288 = arith.constant 0 : i32
      %dma_wait3A_289 = tpu.memref_slice %arg2[%dma_wait3A_287, %dma_wait3A_288] : memref<100000x32xf32, #tpu.memory_space<hbm>> -> memref<100000x32xf32, #tpu.memory_space<hbm>>
      tpu.wait_indirect_dma semaphore(%arg13 : memref<!tpu.dma_semaphore, #tpu.memory_space<semaphore_mem>>) src(%dma_wait3A_289 : memref<100000x32xf32, #tpu.memory_space<hbm>>) dst(%dma_wait3A_284 : memref<128x32xf32, #tpu.memory_space<vmem>>)
      %dma_start3A_290 = arith.constant 0 : i32
      %dma_start3A_291 = arith.constant 0 : i32
      %dma_start3A_292 = arith.constant 0 : i32
      %dma_start3A_293 = tpu.memref_slice %arg10[%dma_start3A_291, %dma_start3A_292] : memref<384x32xf32, #tpu.memory_space<vmem>> -> memref<128x32xf32, #tpu.memory_space<vmem>>
      %dma_start3A_294 = arith.constant 0 : i32
      %dma_start3A_295 = tpu.memref_slice %arg8[%dma_start3A_290, %dma_start3A_294] : memref<3x128xi32, #tpu.memory_space<vmem>> -> memref<1x128xi32, #tpu.memory_space<vmem>>
      %dma_start3A_296 = tpu.memref_squeeze %dma_start3A_295 : memref<1x128xi32, #tpu.memory_space<vmem>> -> memref<128xi32, #tpu.memory_space<vmem>>
      %dma_start3A_297 = arith.constant 0 : i32
      %dma_start3A_298 = arith.constant 0 : i32
      %dma_start3A_299 = tpu.memref_slice %arg12[%dma_start3A_297, %dma_start3A_298] : memref<51200x32xf32, #tpu.memory_space<vmem_shared>> -> memref<51200x32xf32, #tpu.memory_space<vmem_shared>>
      tpu.enqueue_indirect_dma source(%dma_start3A_293 : memref<128x32xf32, #tpu.memory_space<vmem>>) target(%dma_start3A_299 : memref<51200x32xf32, #tpu.memory_space<vmem_shared>>) offsets(%dma_start3A_296 : memref<128xi32, #tpu.memory_space<vmem>>) semaphore(%arg14 : memref<!tpu.dma_semaphore, #tpu.memory_space<semaphore_mem>>) {add = true}
      %dma_start3A_300 = arith.constant 1 : i32
      %dma_start3A_301 = arith.constant 128 : i32
      %dma_start3A_302 = arith.constant 0 : i32
      %dma_start3A_303 = tpu.memref_slice %arg10[%dma_start3A_301, %dma_start3A_302] : memref<384x32xf32, #tpu.memory_space<vmem>> -> memref<128x32xf32, #tpu.memory_space<vmem>>
      %dma_start3A_304 = arith.constant 0 : i32
      %dma_start3A_305 = tpu.memref_slice %arg8[%dma_start3A_300, %dma_start3A_304] : memref<3x128xi32, #tpu.memory_space<vmem>> -> memref<1x128xi32, #tpu.memory_space<vmem>>
      %dma_start3A_306 = tpu.memref_squeeze %dma_start3A_305 : memref<1x128xi32, #tpu.memory_space<vmem>> -> memref<128xi32, #tpu.memory_space<vmem>>
      %dma_start3A_307 = arith.constant 0 : i32
      %dma_start3A_308 = arith.constant 0 : i32
      %dma_start3A_309 = tpu.memref_slice %arg12[%dma_start3A_307, %dma_start3A_308] : memref<51200x32xf32, #tpu.memory_space<vmem_shared>> -> memref<51200x32xf32, #tpu.memory_space<vmem_shared>>
      tpu.enqueue_indirect_dma source(%dma_start3A_303 : memref<128x32xf32, #tpu.memory_space<vmem>>) target(%dma_start3A_309 : memref<51200x32xf32, #tpu.memory_space<vmem_shared>>) offsets(%dma_start3A_306 : memref<128xi32, #tpu.memory_space<vmem>>) semaphore(%arg14 : memref<!tpu.dma_semaphore, #tpu.memory_space<semaphore_mem>>) {add = true}
      %dma_start3A_310 = arith.constant 2 : i32
      %dma_start3A_311 = arith.constant 256 : i32
      %dma_start3A_312 = arith.constant 0 : i32
      %dma_start3A_313 = tpu.memref_slice %arg10[%dma_start3A_311, %dma_start3A_312] : memref<384x32xf32, #tpu.memory_space<vmem>> -> memref<128x32xf32, #tpu.memory_space<vmem>>
      %dma_start3A_314 = arith.constant 0 : i32
      %dma_start3A_315 = tpu.memref_slice %arg8[%dma_start3A_310, %dma_start3A_314] : memref<3x128xi32, #tpu.memory_space<vmem>> -> memref<1x128xi32, #tpu.memory_space<vmem>>
      %dma_start3A_316 = tpu.memref_squeeze %dma_start3A_315 : memref<1x128xi32, #tpu.memory_space<vmem>> -> memref<128xi32, #tpu.memory_space<vmem>>
      %dma_start3A_317 = arith.constant 0 : i32
      %dma_start3A_318 = arith.constant 0 : i32
      %dma_start3A_319 = tpu.memref_slice %arg12[%dma_start3A_317, %dma_start3A_318] : memref<51200x32xf32, #tpu.memory_space<vmem_shared>> -> memref<51200x32xf32, #tpu.memory_space<vmem_shared>>
      tpu.enqueue_indirect_dma source(%dma_start3A_313 : memref<128x32xf32, #tpu.memory_space<vmem>>) target(%dma_start3A_319 : memref<51200x32xf32, #tpu.memory_space<vmem_shared>>) offsets(%dma_start3A_316 : memref<128xi32, #tpu.memory_space<vmem>>) semaphore(%arg14 : memref<!tpu.dma_semaphore, #tpu.memory_space<semaphore_mem>>) {add = true}
      %mul3A_320 = arith.constant 2 : i32
      %mul3A_321 = arith.muli %mul3A_320, %scan3A_18 : i32
      %add3A_322 = arith.constant 1 : i32
      %add3A_323 = arith.addi %mul3A_321, %add3A_322 : i32
      %ge3A_324 = arith.constant 1 : i32
      %ge3A_325 = arith.cmpi sge, %scan3A_18, %ge3A_324 : i32
      %convert_element_type3A_326 = arith.extui %ge3A_325 : i1 to i32
      %cond3A_327 = arith.constant 0 : i32
      %cond3A_328 = arith.cmpi ne, %convert_element_type3A_326, %cond3A_327 : i32
      scf.if %cond3A_328 {
        %dma_wait3A_630 = arith.constant 0 : i32
        %dma_wait3A_631 = arith.constant 0 : i32
        %dma_wait3A_632 = tpu.memref_slice %arg2[%dma_wait3A_630, %dma_wait3A_631] : memref<100000x32xf32, #tpu.memory_space<hbm>> -> memref<384x32xf32, #tpu.memory_space<hbm>>
        %dma_wait3A_633 = arith.constant 0 : i32
        %dma_wait3A_634 = arith.constant 0 : i32
        %dma_wait3A_635 = tpu.memref_slice %arg2[%dma_wait3A_633, %dma_wait3A_634] : memref<100000x32xf32, #tpu.memory_space<hbm>> -> memref<384x32xf32, #tpu.memory_space<hbm>>
        tpu.wait_dma2 semaphore(%arg14 : memref<!tpu.dma_semaphore, #tpu.memory_space<semaphore_mem>>) src(%dma_wait3A_635 : memref<384x32xf32, #tpu.memory_space<hbm>>) dst(%arg11 : memref<384x32xf32, #tpu.memory_space<vmem>>)
      } else {
      }
      %mul3A_329 = arith.constant 402 : i32
      %mul3A_330 = arith.muli %arg1, %mul3A_329 : i32
      %mul3A_331 = arith.constant 3 : i32
      %mul3A_332 = arith.muli %add3A_323, %mul3A_331 : i32
      %add3A_333 = arith.addi %mul3A_330, %mul3A_332 : i32
      %mul3A_334 = arith.constant 128 : i32
      %mul3A_335 = arith.muli %add3A_333, %mul3A_334 : i32
      "tpu.region"() ({
        %run_scoped3A = tpu.sem_alloc : memref<!tpu.dma_semaphore, #tpu.memory_space<semaphore_mem>>
        %dma_start3A_630 = tpu.memref_slice %arg3[%mul3A_335] : memref<823296xi32, #tpu.memory_space<hbm>> -> memref<384xi32, #tpu.memory_space<hbm>>
        %dma_start3A_631 = tpu.memref_slice %arg3[%mul3A_335] : memref<823296xi32, #tpu.memory_space<hbm>> -> memref<384xi32, #tpu.memory_space<hbm>>
        tpu.enqueue_dma source(%dma_start3A_631 : memref<384xi32, #tpu.memory_space<hbm>>) target(%arg7 : memref<384xi32, #tpu.memory_space<vmem>>) target_semaphore(%run_scoped3A : memref<!tpu.dma_semaphore, #tpu.memory_space<semaphore_mem>>)
        %dma_wait3A_632 = tpu.memref_slice %arg3[%mul3A_335] : memref<823296xi32, #tpu.memory_space<hbm>> -> memref<384xi32, #tpu.memory_space<hbm>>
        %dma_wait3A_633 = tpu.memref_slice %arg3[%mul3A_335] : memref<823296xi32, #tpu.memory_space<hbm>> -> memref<384xi32, #tpu.memory_space<hbm>>
        tpu.wait_dma2 semaphore(%run_scoped3A : memref<!tpu.dma_semaphore, #tpu.memory_space<semaphore_mem>>) src(%dma_wait3A_633 : memref<384xi32, #tpu.memory_space<hbm>>) dst(%arg7 : memref<384xi32, #tpu.memory_space<vmem>>)
        tpu.yield
      }) : () -> ()
      "tpu.region"() ({
        %run_scoped3A = tpu.sem_alloc : memref<!tpu.dma_semaphore, #tpu.memory_space<semaphore_mem>>
        %dma_start3A_630 = arith.constant 0 : i32
        %dma_start3A_631 = tpu.memref_slice %arg4[%add3A_333, %dma_start3A_630] : memref<6432x128xi32, #tpu.memory_space<hbm>> -> memref<3x128xi32, #tpu.memory_space<hbm>>
        %dma_start3A_632 = arith.constant 0 : i32
        %dma_start3A_633 = tpu.memref_slice %arg4[%add3A_333, %dma_start3A_632] : memref<6432x128xi32, #tpu.memory_space<hbm>> -> memref<3x128xi32, #tpu.memory_space<hbm>>
        tpu.enqueue_dma source(%dma_start3A_633 : memref<3x128xi32, #tpu.memory_space<hbm>>) target(%arg9 : memref<3x128xi32, #tpu.memory_space<vmem>>) target_semaphore(%run_scoped3A : memref<!tpu.dma_semaphore, #tpu.memory_space<semaphore_mem>>)
        %dma_wait3A_634 = arith.constant 0 : i32
        %dma_wait3A_635 = tpu.memref_slice %arg4[%add3A_333, %dma_wait3A_634] : memref<6432x128xi32, #tpu.memory_space<hbm>> -> memref<3x128xi32, #tpu.memory_space<hbm>>
        %dma_wait3A_636 = arith.constant 0 : i32
        %dma_wait3A_637 = tpu.memref_slice %arg4[%add3A_333, %dma_wait3A_636] : memref<6432x128xi32, #tpu.memory_space<hbm>> -> memref<3x128xi32, #tpu.memory_space<hbm>>
        tpu.wait_dma2 semaphore(%run_scoped3A : memref<!tpu.dma_semaphore, #tpu.memory_space<semaphore_mem>>) src(%dma_wait3A_637 : memref<3x128xi32, #tpu.memory_space<hbm>>) dst(%arg9 : memref<3x128xi32, #tpu.memory_space<vmem>>)
        tpu.yield
      }) : () -> ()
      %get3A_336 = arith.constant 0 : index
      %get3A_337 = tpu.vector_load %arg7[%get3A_336] {strides = array<i32>} : memref<384xi32, #tpu.memory_space<vmem>>, vector<16xi32>,
      %get3A_338 = vector.shape_cast %get3A_337 : vector<16xi32> to vector<16xi32>
      %add3A_339 = vector.broadcast %arg0 : i32 to vector<16xi32>
      %add3A_340 = arith.addi %get3A_338, %add3A_339 : vector<16xi32>
      %swap3A_341 = arith.constant 0 : index
      %swap3A_342 = tpu.vector_load %arg7[%swap3A_341] {strides = array<i32>} : memref<384xi32, #tpu.memory_space<vmem>>, vector<16xi32>,
      %swap3A_343 = vector.shape_cast %swap3A_342 : vector<16xi32> to vector<16xi32>
      %swap3A_344 = vector.shape_cast %add3A_340 : vector<16xi32> to vector<16xi32>
      tpu.vector_store %arg7[%swap3A_341], %swap3A_344 {strides = array<i32>} : memref<384xi32, #tpu.memory_space<vmem>>, vector<16xi32>,
      %get3A_345 = arith.constant 16 : index
      %get3A_346 = tpu.vector_load %arg7[%get3A_345] {strides = array<i32>} : memref<384xi32, #tpu.memory_space<vmem>>, vector<16xi32>,
      %get3A_347 = vector.shape_cast %get3A_346 : vector<16xi32> to vector<16xi32>
      %add3A_348 = vector.broadcast %arg0 : i32 to vector<16xi32>
      %add3A_349 = arith.addi %get3A_347, %add3A_348 : vector<16xi32>
      %swap3A_350 = arith.constant 16 : index
      %swap3A_351 = tpu.vector_load %arg7[%swap3A_350] {strides = array<i32>} : memref<384xi32, #tpu.memory_space<vmem>>, vector<16xi32>,
      %swap3A_352 = vector.shape_cast %swap3A_351 : vector<16xi32> to vector<16xi32>
      %swap3A_353 = vector.shape_cast %add3A_349 : vector<16xi32> to vector<16xi32>
      tpu.vector_store %arg7[%swap3A_350], %swap3A_353 {strides = array<i32>} : memref<384xi32, #tpu.memory_space<vmem>>, vector<16xi32>,
      %get3A_354 = arith.constant 32 : index
      %get3A_355 = tpu.vector_load %arg7[%get3A_354] {strides = array<i32>} : memref<384xi32, #tpu.memory_space<vmem>>, vector<16xi32>,
      %get3A_356 = vector.shape_cast %get3A_355 : vector<16xi32> to vector<16xi32>
      %add3A_357 = vector.broadcast %arg0 : i32 to vector<16xi32>
      %add3A_358 = arith.addi %get3A_356, %add3A_357 : vector<16xi32>
      %swap3A_359 = arith.constant 32 : index
      %swap3A_360 = tpu.vector_load %arg7[%swap3A_359] {strides = array<i32>} : memref<384xi32, #tpu.memory_space<vmem>>, vector<16xi32>,
      %swap3A_361 = vector.shape_cast %swap3A_360 : vector<16xi32> to vector<16xi32>
      %swap3A_362 = vector.shape_cast %add3A_358 : vector<16xi32> to vector<16xi32>
      tpu.vector_store %arg7[%swap3A_359], %swap3A_362 {strides = array<i32>} : memref<384xi32, #tpu.memory_space<vmem>>, vector<16xi32>,
      %get3A_363 = arith.constant 48 : index
      %get3A_364 = tpu.vector_load %arg7[%get3A_363] {strides = array<i32>} : memref<384xi32, #tpu.memory_space<vmem>>, vector<16xi32>,
      %get3A_365 = vector.shape_cast %get3A_364 : vector<16xi32> to vector<16xi32>
      %add3A_366 = vector.broadcast %arg0 : i32 to vector<16xi32>
      %add3A_367 = arith.addi %get3A_365, %add3A_366 : vector<16xi32>
      %swap3A_368 = arith.constant 48 : index
      %swap3A_369 = tpu.vector_load %arg7[%swap3A_368] {strides = array<i32>} : memref<384xi32, #tpu.memory_space<vmem>>, vector<16xi32>,
      %swap3A_370 = vector.shape_cast %swap3A_369 : vector<16xi32> to vector<16xi32>
      %swap3A_371 = vector.shape_cast %add3A_367 : vector<16xi32> to vector<16xi32>
      tpu.vector_store %arg7[%swap3A_368], %swap3A_371 {strides = array<i32>} : memref<384xi32, #tpu.memory_space<vmem>>, vector<16xi32>,
      %get3A_372 = arith.constant 64 : index
      %get3A_373 = tpu.vector_load %arg7[%get3A_372] {strides = array<i32>} : memref<384xi32, #tpu.memory_space<vmem>>, vector<16xi32>,
      %get3A_374 = vector.shape_cast %get3A_373 : vector<16xi32> to vector<16xi32>
      %add3A_375 = vector.broadcast %arg0 : i32 to vector<16xi32>
      %add3A_376 = arith.addi %get3A_374, %add3A_375 : vector<16xi32>
      %swap3A_377 = arith.constant 64 : index
      %swap3A_378 = tpu.vector_load %arg7[%swap3A_377] {strides = array<i32>} : memref<384xi32, #tpu.memory_space<vmem>>, vector<16xi32>,
      %swap3A_379 = vector.shape_cast %swap3A_378 : vector<16xi32> to vector<16xi32>
      %swap3A_380 = vector.shape_cast %add3A_376 : vector<16xi32> to vector<16xi32>
      tpu.vector_store %arg7[%swap3A_377], %swap3A_380 {strides = array<i32>} : memref<384xi32, #tpu.memory_space<vmem>>, vector<16xi32>,
      %get3A_381 = arith.constant 80 : index
      %get3A_382 = tpu.vector_load %arg7[%get3A_381] {strides = array<i32>} : memref<384xi32, #tpu.memory_space<vmem>>, vector<16xi32>,
      %get3A_383 = vector.shape_cast %get3A_382 : vector<16xi32> to vector<16xi32>
      %add3A_384 = vector.broadcast %arg0 : i32 to vector<16xi32>
      %add3A_385 = arith.addi %get3A_383, %add3A_384 : vector<16xi32>
      %swap3A_386 = arith.constant 80 : index
      %swap3A_387 = tpu.vector_load %arg7[%swap3A_386] {strides = array<i32>} : memref<384xi32, #tpu.memory_space<vmem>>, vector<16xi32>,
      %swap3A_388 = vector.shape_cast %swap3A_387 : vector<16xi32> to vector<16xi32>
      %swap3A_389 = vector.shape_cast %add3A_385 : vector<16xi32> to vector<16xi32>
      tpu.vector_store %arg7[%swap3A_386], %swap3A_389 {strides = array<i32>} : memref<384xi32, #tpu.memory_space<vmem>>, vector<16xi32>,
      %get3A_390 = arith.constant 96 : index
      %get3A_391 = tpu.vector_load %arg7[%get3A_390] {strides = array<i32>} : memref<384xi32, #tpu.memory_space<vmem>>, vector<16xi32>,
      %get3A_392 = vector.shape_cast %get3A_391 : vector<16xi32> to vector<16xi32>
      %add3A_393 = vector.broadcast %arg0 : i32 to vector<16xi32>
      %add3A_394 = arith.addi %get3A_392, %add3A_393 : vector<16xi32>
      %swap3A_395 = arith.constant 96 : index
      %swap3A_396 = tpu.vector_load %arg7[%swap3A_395] {strides = array<i32>} : memref<384xi32, #tpu.memory_space<vmem>>, vector<16xi32>,
      %swap3A_397 = vector.shape_cast %swap3A_396 : vector<16xi32> to vector<16xi32>
      %swap3A_398 = vector.shape_cast %add3A_394 : vector<16xi32> to vector<16xi32>
      tpu.vector_store %arg7[%swap3A_395], %swap3A_398 {strides = array<i32>} : memref<384xi32, #tpu.memory_space<vmem>>, vector<16xi32>,
      %get3A_399 = arith.constant 112 : index
      %get3A_400 = tpu.vector_load %arg7[%get3A_399] {strides = array<i32>} : memref<384xi32, #tpu.memory_space<vmem>>, vector<16xi32>,
      %get3A_401 = vector.shape_cast %get3A_400 : vector<16xi32> to vector<16xi32>
      %add3A_402 = vector.broadcast %arg0 : i32 to vector<16xi32>
      %add3A_403 = arith.addi %get3A_401, %add3A_402 : vector<16xi32>
      %swap3A_404 = arith.constant 112 : index
      %swap3A_405 = tpu.vector_load %arg7[%swap3A_404] {strides = array<i32>} : memref<384xi32, #tpu.memory_space<vmem>>, vector<16xi32>,
      %swap3A_406 = vector.shape_cast %swap3A_405 : vector<16xi32> to vector<16xi32>
      %swap3A_407 = vector.shape_cast %add3A_403 : vector<16xi32> to vector<16xi32>
      tpu.vector_store %arg7[%swap3A_404], %swap3A_407 {strides = array<i32>} : memref<384xi32, #tpu.memory_space<vmem>>, vector<16xi32>,
      %get3A_408 = arith.constant 128 : index
      %get3A_409 = tpu.vector_load %arg7[%get3A_408] {strides = array<i32>} : memref<384xi32, #tpu.memory_space<vmem>>, vector<16xi32>,
      %get3A_410 = vector.shape_cast %get3A_409 : vector<16xi32> to vector<16xi32>
      %add3A_411 = vector.broadcast %arg0 : i32 to vector<16xi32>
      %add3A_412 = arith.addi %get3A_410, %add3A_411 : vector<16xi32>
      %swap3A_413 = arith.constant 128 : index
      %swap3A_414 = tpu.vector_load %arg7[%swap3A_413] {strides = array<i32>} : memref<384xi32, #tpu.memory_space<vmem>>, vector<16xi32>,
      %swap3A_415 = vector.shape_cast %swap3A_414 : vector<16xi32> to vector<16xi32>
      %swap3A_416 = vector.shape_cast %add3A_412 : vector<16xi32> to vector<16xi32>
      tpu.vector_store %arg7[%swap3A_413], %swap3A_416 {strides = array<i32>} : memref<384xi32, #tpu.memory_space<vmem>>, vector<16xi32>,
      %get3A_417 = arith.constant 144 : index
      %get3A_418 = tpu.vector_load %arg7[%get3A_417] {strides = array<i32>} : memref<384xi32, #tpu.memory_space<vmem>>, vector<16xi32>,
      %get3A_419 = vector.shape_cast %get3A_418 : vector<16xi32> to vector<16xi32>
      %add3A_420 = vector.broadcast %arg0 : i32 to vector<16xi32>
      %add3A_421 = arith.addi %get3A_419, %add3A_420 : vector<16xi32>
      %swap3A_422 = arith.constant 144 : index
      %swap3A_423 = tpu.vector_load %arg7[%swap3A_422] {strides = array<i32>} : memref<384xi32, #tpu.memory_space<vmem>>, vector<16xi32>,
      %swap3A_424 = vector.shape_cast %swap3A_423 : vector<16xi32> to vector<16xi32>
      %swap3A_425 = vector.shape_cast %add3A_421 : vector<16xi32> to vector<16xi32>
      tpu.vector_store %arg7[%swap3A_422], %swap3A_425 {strides = array<i32>} : memref<384xi32, #tpu.memory_space<vmem>>, vector<16xi32>,
      %get3A_426 = arith.constant 160 : index
      %get3A_427 = tpu.vector_load %arg7[%get3A_426] {strides = array<i32>} : memref<384xi32, #tpu.memory_space<vmem>>, vector<16xi32>,
      %get3A_428 = vector.shape_cast %get3A_427 : vector<16xi32> to vector<16xi32>
      %add3A_429 = vector.broadcast %arg0 : i32 to vector<16xi32>
      %add3A_430 = arith.addi %get3A_428, %add3A_429 : vector<16xi32>
      %swap3A_431 = arith.constant 160 : index
      %swap3A_432 = tpu.vector_load %arg7[%swap3A_431] {strides = array<i32>} : memref<384xi32, #tpu.memory_space<vmem>>, vector<16xi32>,
      %swap3A_433 = vector.shape_cast %swap3A_432 : vector<16xi32> to vector<16xi32>
      %swap3A_434 = vector.shape_cast %add3A_430 : vector<16xi32> to vector<16xi32>
      tpu.vector_store %arg7[%swap3A_431], %swap3A_434 {strides = array<i32>} : memref<384xi32, #tpu.memory_space<vmem>>, vector<16xi32>,
      %get3A_435 = arith.constant 176 : index
      %get3A_436 = tpu.vector_load %arg7[%get3A_435] {strides = array<i32>} : memref<384xi32, #tpu.memory_space<vmem>>, vector<16xi32>,
      %get3A_437 = vector.shape_cast %get3A_436 : vector<16xi32> to vector<16xi32>
      %add3A_438 = vector.broadcast %arg0 : i32 to vector<16xi32>
      %add3A_439 = arith.addi %get3A_437, %add3A_438 : vector<16xi32>
      %swap3A_440 = arith.constant 176 : index
      %swap3A_441 = tpu.vector_load %arg7[%swap3A_440] {strides = array<i32>} : memref<384xi32, #tpu.memory_space<vmem>>, vector<16xi32>,
      %swap3A_442 = vector.shape_cast %swap3A_441 : vector<16xi32> to vector<16xi32>
      %swap3A_443 = vector.shape_cast %add3A_439 : vector<16xi32> to vector<16xi32>
      tpu.vector_store %arg7[%swap3A_440], %swap3A_443 {strides = array<i32>} : memref<384xi32, #tpu.memory_space<vmem>>, vector<16xi32>,
      %get3A_444 = arith.constant 192 : index
      %get3A_445 = tpu.vector_load %arg7[%get3A_444] {strides = array<i32>} : memref<384xi32, #tpu.memory_space<vmem>>, vector<16xi32>,
      %get3A_446 = vector.shape_cast %get3A_445 : vector<16xi32> to vector<16xi32>
      %add3A_447 = vector.broadcast %arg0 : i32 to vector<16xi32>
      %add3A_448 = arith.addi %get3A_446, %add3A_447 : vector<16xi32>
      %swap3A_449 = arith.constant 192 : index
      %swap3A_450 = tpu.vector_load %arg7[%swap3A_449] {strides = array<i32>} : memref<384xi32, #tpu.memory_space<vmem>>, vector<16xi32>,
      %swap3A_451 = vector.shape_cast %swap3A_450 : vector<16xi32> to vector<16xi32>
      %swap3A_452 = vector.shape_cast %add3A_448 : vector<16xi32> to vector<16xi32>
      tpu.vector_store %arg7[%swap3A_449], %swap3A_452 {strides = array<i32>} : memref<384xi32, #tpu.memory_space<vmem>>, vector<16xi32>,
      %get3A_453 = arith.constant 208 : index
      %get3A_454 = tpu.vector_load %arg7[%get3A_453] {strides = array<i32>} : memref<384xi32, #tpu.memory_space<vmem>>, vector<16xi32>,
      %get3A_455 = vector.shape_cast %get3A_454 : vector<16xi32> to vector<16xi32>
      %add3A_456 = vector.broadcast %arg0 : i32 to vector<16xi32>
      %add3A_457 = arith.addi %get3A_455, %add3A_456 : vector<16xi32>
      %swap3A_458 = arith.constant 208 : index
      %swap3A_459 = tpu.vector_load %arg7[%swap3A_458] {strides = array<i32>} : memref<384xi32, #tpu.memory_space<vmem>>, vector<16xi32>,
      %swap3A_460 = vector.shape_cast %swap3A_459 : vector<16xi32> to vector<16xi32>
      %swap3A_461 = vector.shape_cast %add3A_457 : vector<16xi32> to vector<16xi32>
      tpu.vector_store %arg7[%swap3A_458], %swap3A_461 {strides = array<i32>} : memref<384xi32, #tpu.memory_space<vmem>>, vector<16xi32>,
      %get3A_462 = arith.constant 224 : index
      %get3A_463 = tpu.vector_load %arg7[%get3A_462] {strides = array<i32>} : memref<384xi32, #tpu.memory_space<vmem>>, vector<16xi32>,
      %get3A_464 = vector.shape_cast %get3A_463 : vector<16xi32> to vector<16xi32>
      %add3A_465 = vector.broadcast %arg0 : i32 to vector<16xi32>
      %add3A_466 = arith.addi %get3A_464, %add3A_465 : vector<16xi32>
      %swap3A_467 = arith.constant 224 : index
      %swap3A_468 = tpu.vector_load %arg7[%swap3A_467] {strides = array<i32>} : memref<384xi32, #tpu.memory_space<vmem>>, vector<16xi32>,
      %swap3A_469 = vector.shape_cast %swap3A_468 : vector<16xi32> to vector<16xi32>
      %swap3A_470 = vector.shape_cast %add3A_466 : vector<16xi32> to vector<16xi32>
      tpu.vector_store %arg7[%swap3A_467], %swap3A_470 {strides = array<i32>} : memref<384xi32, #tpu.memory_space<vmem>>, vector<16xi32>,
      %get3A_471 = arith.constant 240 : index
      %get3A_472 = tpu.vector_load %arg7[%get3A_471] {strides = array<i32>} : memref<384xi32, #tpu.memory_space<vmem>>, vector<16xi32>,
      %get3A_473 = vector.shape_cast %get3A_472 : vector<16xi32> to vector<16xi32>
      %add3A_474 = vector.broadcast %arg0 : i32 to vector<16xi32>
      %add3A_475 = arith.addi %get3A_473, %add3A_474 : vector<16xi32>
      %swap3A_476 = arith.constant 240 : index
      %swap3A_477 = tpu.vector_load %arg7[%swap3A_476] {strides = array<i32>} : memref<384xi32, #tpu.memory_space<vmem>>, vector<16xi32>,
      %swap3A_478 = vector.shape_cast %swap3A_477 : vector<16xi32> to vector<16xi32>
      %swap3A_479 = vector.shape_cast %add3A_475 : vector<16xi32> to vector<16xi32>
      tpu.vector_store %arg7[%swap3A_476], %swap3A_479 {strides = array<i32>} : memref<384xi32, #tpu.memory_space<vmem>>, vector<16xi32>,
      %get3A_480 = arith.constant 256 : index
      %get3A_481 = tpu.vector_load %arg7[%get3A_480] {strides = array<i32>} : memref<384xi32, #tpu.memory_space<vmem>>, vector<16xi32>,
      %get3A_482 = vector.shape_cast %get3A_481 : vector<16xi32> to vector<16xi32>
      %add3A_483 = vector.broadcast %arg0 : i32 to vector<16xi32>
      %add3A_484 = arith.addi %get3A_482, %add3A_483 : vector<16xi32>
      %swap3A_485 = arith.constant 256 : index
      %swap3A_486 = tpu.vector_load %arg7[%swap3A_485] {strides = array<i32>} : memref<384xi32, #tpu.memory_space<vmem>>, vector<16xi32>,
      %swap3A_487 = vector.shape_cast %swap3A_486 : vector<16xi32> to vector<16xi32>
      %swap3A_488 = vector.shape_cast %add3A_484 : vector<16xi32> to vector<16xi32>
      tpu.vector_store %arg7[%swap3A_485], %swap3A_488 {strides = array<i32>} : memref<384xi32, #tpu.memory_space<vmem>>, vector<16xi32>,
      %get3A_489 = arith.constant 272 : index
      %get3A_490 = tpu.vector_load %arg7[%get3A_489] {strides = array<i32>} : memref<384xi32, #tpu.memory_space<vmem>>, vector<16xi32>,
      %get3A_491 = vector.shape_cast %get3A_490 : vector<16xi32> to vector<16xi32>
      %add3A_492 = vector.broadcast %arg0 : i32 to vector<16xi32>
      %add3A_493 = arith.addi %get3A_491, %add3A_492 : vector<16xi32>
      %swap3A_494 = arith.constant 272 : index
      %swap3A_495 = tpu.vector_load %arg7[%swap3A_494] {strides = array<i32>} : memref<384xi32, #tpu.memory_space<vmem>>, vector<16xi32>,
      %swap3A_496 = vector.shape_cast %swap3A_495 : vector<16xi32> to vector<16xi32>
      %swap3A_497 = vector.shape_cast %add3A_493 : vector<16xi32> to vector<16xi32>
      tpu.vector_store %arg7[%swap3A_494], %swap3A_497 {strides = array<i32>} : memref<384xi32, #tpu.memory_space<vmem>>, vector<16xi32>,
      %get3A_498 = arith.constant 288 : index
      %get3A_499 = tpu.vector_load %arg7[%get3A_498] {strides = array<i32>} : memref<384xi32, #tpu.memory_space<vmem>>, vector<16xi32>,
      %get3A_500 = vector.shape_cast %get3A_499 : vector<16xi32> to vector<16xi32>
      %add3A_501 = vector.broadcast %arg0 : i32 to vector<16xi32>
      %add3A_502 = arith.addi %get3A_500, %add3A_501 : vector<16xi32>
      %swap3A_503 = arith.constant 288 : index
      %swap3A_504 = tpu.vector_load %arg7[%swap3A_503] {strides = array<i32>} : memref<384xi32, #tpu.memory_space<vmem>>, vector<16xi32>,
      %swap3A_505 = vector.shape_cast %swap3A_504 : vector<16xi32> to vector<16xi32>
      %swap3A_506 = vector.shape_cast %add3A_502 : vector<16xi32> to vector<16xi32>
      tpu.vector_store %arg7[%swap3A_503], %swap3A_506 {strides = array<i32>} : memref<384xi32, #tpu.memory_space<vmem>>, vector<16xi32>,
      %get3A_507 = arith.constant 304 : index
      %get3A_508 = tpu.vector_load %arg7[%get3A_507] {strides = array<i32>} : memref<384xi32, #tpu.memory_space<vmem>>, vector<16xi32>,
      %get3A_509 = vector.shape_cast %get3A_508 : vector<16xi32> to vector<16xi32>
      %add3A_510 = vector.broadcast %arg0 : i32 to vector<16xi32>
      %add3A_511 = arith.addi %get3A_509, %add3A_510 : vector<16xi32>
      %swap3A_512 = arith.constant 304 : index
      %swap3A_513 = tpu.vector_load %arg7[%swap3A_512] {strides = array<i32>} : memref<384xi32, #tpu.memory_space<vmem>>, vector<16xi32>,
      %swap3A_514 = vector.shape_cast %swap3A_513 : vector<16xi32> to vector<16xi32>
      %swap3A_515 = vector.shape_cast %add3A_511 : vector<16xi32> to vector<16xi32>
      tpu.vector_store %arg7[%swap3A_512], %swap3A_515 {strides = array<i32>} : memref<384xi32, #tpu.memory_space<vmem>>, vector<16xi32>,
      %get3A_516 = arith.constant 320 : index
      %get3A_517 = tpu.vector_load %arg7[%get3A_516] {strides = array<i32>} : memref<384xi32, #tpu.memory_space<vmem>>, vector<16xi32>,
      %get3A_518 = vector.shape_cast %get3A_517 : vector<16xi32> to vector<16xi32>
      %add3A_519 = vector.broadcast %arg0 : i32 to vector<16xi32>
      %add3A_520 = arith.addi %get3A_518, %add3A_519 : vector<16xi32>
      %swap3A_521 = arith.constant 320 : index
      %swap3A_522 = tpu.vector_load %arg7[%swap3A_521] {strides = array<i32>} : memref<384xi32, #tpu.memory_space<vmem>>, vector<16xi32>,
      %swap3A_523 = vector.shape_cast %swap3A_522 : vector<16xi32> to vector<16xi32>
      %swap3A_524 = vector.shape_cast %add3A_520 : vector<16xi32> to vector<16xi32>
      tpu.vector_store %arg7[%swap3A_521], %swap3A_524 {strides = array<i32>} : memref<384xi32, #tpu.memory_space<vmem>>, vector<16xi32>,
      %get3A_525 = arith.constant 336 : index
      %get3A_526 = tpu.vector_load %arg7[%get3A_525] {strides = array<i32>} : memref<384xi32, #tpu.memory_space<vmem>>, vector<16xi32>,
      %get3A_527 = vector.shape_cast %get3A_526 : vector<16xi32> to vector<16xi32>
      %add3A_528 = vector.broadcast %arg0 : i32 to vector<16xi32>
      %add3A_529 = arith.addi %get3A_527, %add3A_528 : vector<16xi32>
      %swap3A_530 = arith.constant 336 : index
      %swap3A_531 = tpu.vector_load %arg7[%swap3A_530] {strides = array<i32>} : memref<384xi32, #tpu.memory_space<vmem>>, vector<16xi32>,
      %swap3A_532 = vector.shape_cast %swap3A_531 : vector<16xi32> to vector<16xi32>
      %swap3A_533 = vector.shape_cast %add3A_529 : vector<16xi32> to vector<16xi32>
      tpu.vector_store %arg7[%swap3A_530], %swap3A_533 {strides = array<i32>} : memref<384xi32, #tpu.memory_space<vmem>>, vector<16xi32>,
      %get3A_534 = arith.constant 352 : index
      %get3A_535 = tpu.vector_load %arg7[%get3A_534] {strides = array<i32>} : memref<384xi32, #tpu.memory_space<vmem>>, vector<16xi32>,
      %get3A_536 = vector.shape_cast %get3A_535 : vector<16xi32> to vector<16xi32>
      %add3A_537 = vector.broadcast %arg0 : i32 to vector<16xi32>
      %add3A_538 = arith.addi %get3A_536, %add3A_537 : vector<16xi32>
      %swap3A_539 = arith.constant 352 : index
      %swap3A_540 = tpu.vector_load %arg7[%swap3A_539] {strides = array<i32>} : memref<384xi32, #tpu.memory_space<vmem>>, vector<16xi32>,
      %swap3A_541 = vector.shape_cast %swap3A_540 : vector<16xi32> to vector<16xi32>
      %swap3A_542 = vector.shape_cast %add3A_538 : vector<16xi32> to vector<16xi32>
      tpu.vector_store %arg7[%swap3A_539], %swap3A_542 {strides = array<i32>} : memref<384xi32, #tpu.memory_space<vmem>>, vector<16xi32>,
      %get3A_543 = arith.constant 368 : index
      %get3A_544 = tpu.vector_load %arg7[%get3A_543] {strides = array<i32>} : memref<384xi32, #tpu.memory_space<vmem>>, vector<16xi32>,
      %get3A_545 = vector.shape_cast %get3A_544 : vector<16xi32> to vector<16xi32>
      %add3A_546 = vector.broadcast %arg0 : i32 to vector<16xi32>
      %add3A_547 = arith.addi %get3A_545, %add3A_546 : vector<16xi32>
      %swap3A_548 = arith.constant 368 : index
      %swap3A_549 = tpu.vector_load %arg7[%swap3A_548] {strides = array<i32>} : memref<384xi32, #tpu.memory_space<vmem>>, vector<16xi32>,
      %swap3A_550 = vector.shape_cast %swap3A_549 : vector<16xi32> to vector<16xi32>
      %swap3A_551 = vector.shape_cast %add3A_547 : vector<16xi32> to vector<16xi32>
      tpu.vector_store %arg7[%swap3A_548], %swap3A_551 {strides = array<i32>} : memref<384xi32, #tpu.memory_space<vmem>>, vector<16xi32>,
      %dma_start3A_552 = arith.constant 0 : i32
      %dma_start3A_553 = arith.constant 0 : i32
      %dma_start3A_554 = tpu.memref_slice %arg11[%dma_start3A_552, %dma_start3A_553] : memref<384x32xf32, #tpu.memory_space<vmem>> -> memref<128x32xf32, #tpu.memory_space<vmem>>
      %dma_start3A_555 = arith.constant 0 : i32
      %dma_start3A_556 = tpu.memref_slice %arg7[%dma_start3A_555] : memref<384xi32, #tpu.memory_space<vmem>> -> memref<128xi32, #tpu.memory_space<vmem>>
      %dma_start3A_557 = arith.constant 0 : i32
      %dma_start3A_558 = arith.constant 0 : i32
      %dma_start3A_559 = tpu.memref_slice %arg2[%dma_start3A_557, %dma_start3A_558] : memref<100000x32xf32, #tpu.memory_space<hbm>> -> memref<100000x32xf32, #tpu.memory_space<hbm>>
      tpu.enqueue_indirect_dma source(%dma_start3A_559 : memref<100000x32xf32, #tpu.memory_space<hbm>>) target(%dma_start3A_554 : memref<128x32xf32, #tpu.memory_space<vmem>>) offsets(%dma_start3A_556 : memref<128xi32, #tpu.memory_space<vmem>>) semaphore(%arg13 : memref<!tpu.dma_semaphore, #tpu.memory_space<semaphore_mem>>)
      %dma_start3A_560 = arith.constant 128 : i32
      %dma_start3A_561 = arith.constant 0 : i32
      %dma_start3A_562 = tpu.memref_slice %arg11[%dma_start3A_560, %dma_start3A_561] : memref<384x32xf32, #tpu.memory_space<vmem>> -> memref<128x32xf32, #tpu.memory_space<vmem>>
      %dma_start3A_563 = arith.constant 128 : i32
      %dma_start3A_564 = tpu.memref_slice %arg7[%dma_start3A_563] : memref<384xi32, #tpu.memory_space<vmem>> -> memref<128xi32, #tpu.memory_space<vmem>>
      %dma_start3A_565 = arith.constant 0 : i32
      %dma_start3A_566 = arith.constant 0 : i32
      %dma_start3A_567 = tpu.memref_slice %arg2[%dma_start3A_565, %dma_start3A_566] : memref<100000x32xf32, #tpu.memory_space<hbm>> -> memref<100000x32xf32, #tpu.memory_space<hbm>>
      tpu.enqueue_indirect_dma source(%dma_start3A_567 : memref<100000x32xf32, #tpu.memory_space<hbm>>) target(%dma_start3A_562 : memref<128x32xf32, #tpu.memory_space<vmem>>) offsets(%dma_start3A_564 : memref<128xi32, #tpu.memory_space<vmem>>) semaphore(%arg13 : memref<!tpu.dma_semaphore, #tpu.memory_space<semaphore_mem>>)
      %dma_start3A_568 = arith.constant 256 : i32
      %dma_start3A_569 = arith.constant 0 : i32
      %dma_start3A_570 = tpu.memref_slice %arg11[%dma_start3A_568, %dma_start3A_569] : memref<384x32xf32, #tpu.memory_space<vmem>> -> memref<128x32xf32, #tpu.memory_space<vmem>>
      %dma_start3A_571 = arith.constant 256 : i32
      %dma_start3A_572 = tpu.memref_slice %arg7[%dma_start3A_571] : memref<384xi32, #tpu.memory_space<vmem>> -> memref<128xi32, #tpu.memory_space<vmem>>
      %dma_start3A_573 = arith.constant 0 : i32
      %dma_start3A_574 = arith.constant 0 : i32
      %dma_start3A_575 = tpu.memref_slice %arg2[%dma_start3A_573, %dma_start3A_574] : memref<100000x32xf32, #tpu.memory_space<hbm>> -> memref<100000x32xf32, #tpu.memory_space<hbm>>
      tpu.enqueue_indirect_dma source(%dma_start3A_575 : memref<100000x32xf32, #tpu.memory_space<hbm>>) target(%dma_start3A_570 : memref<128x32xf32, #tpu.memory_space<vmem>>) offsets(%dma_start3A_572 : memref<128xi32, #tpu.memory_space<vmem>>) semaphore(%arg13 : memref<!tpu.dma_semaphore, #tpu.memory_space<semaphore_mem>>)
      %dma_wait3A_576 = arith.constant 0 : i32
      %dma_wait3A_577 = arith.constant 0 : i32
      %dma_wait3A_578 = tpu.memref_slice %arg11[%dma_wait3A_576, %dma_wait3A_577] : memref<384x32xf32, #tpu.memory_space<vmem>> -> memref<128x32xf32, #tpu.memory_space<vmem>>
      %dma_wait3A_579 = arith.constant 0 : i32
      %dma_wait3A_580 = tpu.memref_slice %arg7[%dma_wait3A_579] : memref<384xi32, #tpu.memory_space<vmem>> -> memref<128xi32, #tpu.memory_space<vmem>>
      %dma_wait3A_581 = arith.constant 0 : i32
      %dma_wait3A_582 = arith.constant 0 : i32
      %dma_wait3A_583 = tpu.memref_slice %arg2[%dma_wait3A_581, %dma_wait3A_582] : memref<100000x32xf32, #tpu.memory_space<hbm>> -> memref<100000x32xf32, #tpu.memory_space<hbm>>
      tpu.wait_indirect_dma semaphore(%arg13 : memref<!tpu.dma_semaphore, #tpu.memory_space<semaphore_mem>>) src(%dma_wait3A_583 : memref<100000x32xf32, #tpu.memory_space<hbm>>) dst(%dma_wait3A_578 : memref<128x32xf32, #tpu.memory_space<vmem>>)
      %dma_wait3A_584 = arith.constant 128 : i32
      %dma_wait3A_585 = arith.constant 0 : i32
      %dma_wait3A_586 = tpu.memref_slice %arg11[%dma_wait3A_584, %dma_wait3A_585] : memref<384x32xf32, #tpu.memory_space<vmem>> -> memref<128x32xf32, #tpu.memory_space<vmem>>
      %dma_wait3A_587 = arith.constant 128 : i32
      %dma_wait3A_588 = tpu.memref_slice %arg7[%dma_wait3A_587] : memref<384xi32, #tpu.memory_space<vmem>> -> memref<128xi32, #tpu.memory_space<vmem>>
      %dma_wait3A_589 = arith.constant 0 : i32
      %dma_wait3A_590 = arith.constant 0 : i32
      %dma_wait3A_591 = tpu.memref_slice %arg2[%dma_wait3A_589, %dma_wait3A_590] : memref<100000x32xf32, #tpu.memory_space<hbm>> -> memref<100000x32xf32, #tpu.memory_space<hbm>>
      tpu.wait_indirect_dma semaphore(%arg13 : memref<!tpu.dma_semaphore, #tpu.memory_space<semaphore_mem>>) src(%dma_wait3A_591 : memref<100000x32xf32, #tpu.memory_space<hbm>>) dst(%dma_wait3A_586 : memref<128x32xf32, #tpu.memory_space<vmem>>)
      %dma_wait3A_592 = arith.constant 256 : i32
      %dma_wait3A_593 = arith.constant 0 : i32
      %dma_wait3A_594 = tpu.memref_slice %arg11[%dma_wait3A_592, %dma_wait3A_593] : memref<384x32xf32, #tpu.memory_space<vmem>> -> memref<128x32xf32, #tpu.memory_space<vmem>>
      %dma_wait3A_595 = arith.constant 256 : i32
      %dma_wait3A_596 = tpu.memref_slice %arg7[%dma_wait3A_595] : memref<384xi32, #tpu.memory_space<vmem>> -> memref<128xi32, #tpu.memory_space<vmem>>
      %dma_wait3A_597 = arith.constant 0 : i32
      %dma_wait3A_598 = arith.constant 0 : i32
      %dma_wait3A_599 = tpu.memref_slice %arg2[%dma_wait3A_597, %dma_wait3A_598] : memref<100000x32xf32, #tpu.memory_space<hbm>> -> memref<100000x32xf32, #tpu.memory_space<hbm>>
      tpu.wait_indirect_dma semaphore(%arg13 : memref<!tpu.dma_semaphore, #tpu.memory_space<semaphore_mem>>) src(%dma_wait3A_599 : memref<100000x32xf32, #tpu.memory_space<hbm>>) dst(%dma_wait3A_594 : memref<128x32xf32, #tpu.memory_space<vmem>>)
      %dma_start3A_600 = arith.constant 0 : i32
      %dma_start3A_601 = arith.constant 0 : i32
      %dma_start3A_602 = arith.constant 0 : i32
      %dma_start3A_603 = tpu.memref_slice %arg11[%dma_start3A_601, %dma_start3A_602] : memref<384x32xf32, #tpu.memory_space<vmem>> -> memref<128x32xf32, #tpu.memory_space<vmem>>
      %dma_start3A_604 = arith.constant 0 : i32
      %dma_start3A_605 = tpu.memref_slice %arg9[%dma_start3A_600, %dma_start3A_604] : memref<3x128xi32, #tpu.memory_space<vmem>> -> memref<1x128xi32, #tpu.memory_space<vmem>>
      %dma_start3A_606 = tpu.memref_squeeze %dma_start3A_605 : memref<1x128xi32, #tpu.memory_space<vmem>> -> memref<128xi32, #tpu.memory_space<vmem>>
      %dma_start3A_607 = arith.constant 0 : i32
      %dma_start3A_608 = arith.constant 0 : i32
      %dma_start3A_609 = tpu.memref_slice %arg12[%dma_start3A_607, %dma_start3A_608] : memref<51200x32xf32, #tpu.memory_space<vmem_shared>> -> memref<51200x32xf32, #tpu.memory_space<vmem_shared>>
      tpu.enqueue_indirect_dma source(%dma_start3A_603 : memref<128x32xf32, #tpu.memory_space<vmem>>) target(%dma_start3A_609 : memref<51200x32xf32, #tpu.memory_space<vmem_shared>>) offsets(%dma_start3A_606 : memref<128xi32, #tpu.memory_space<vmem>>) semaphore(%arg14 : memref<!tpu.dma_semaphore, #tpu.memory_space<semaphore_mem>>) {add = true}
      %dma_start3A_610 = arith.constant 1 : i32
      %dma_start3A_611 = arith.constant 128 : i32
      %dma_start3A_612 = arith.constant 0 : i32
      %dma_start3A_613 = tpu.memref_slice %arg11[%dma_start3A_611, %dma_start3A_612] : memref<384x32xf32, #tpu.memory_space<vmem>> -> memref<128x32xf32, #tpu.memory_space<vmem>>
      %dma_start3A_614 = arith.constant 0 : i32
      %dma_start3A_615 = tpu.memref_slice %arg9[%dma_start3A_610, %dma_start3A_614] : memref<3x128xi32, #tpu.memory_space<vmem>> -> memref<1x128xi32, #tpu.memory_space<vmem>>
      %dma_start3A_616 = tpu.memref_squeeze %dma_start3A_615 : memref<1x128xi32, #tpu.memory_space<vmem>> -> memref<128xi32, #tpu.memory_space<vmem>>
      %dma_start3A_617 = arith.constant 0 : i32
      %dma_start3A_618 = arith.constant 0 : i32
      %dma_start3A_619 = tpu.memref_slice %arg12[%dma_start3A_617, %dma_start3A_618] : memref<51200x32xf32, #tpu.memory_space<vmem_shared>> -> memref<51200x32xf32, #tpu.memory_space<vmem_shared>>
      tpu.enqueue_indirect_dma source(%dma_start3A_613 : memref<128x32xf32, #tpu.memory_space<vmem>>) target(%dma_start3A_619 : memref<51200x32xf32, #tpu.memory_space<vmem_shared>>) offsets(%dma_start3A_616 : memref<128xi32, #tpu.memory_space<vmem>>) semaphore(%arg14 : memref<!tpu.dma_semaphore, #tpu.memory_space<semaphore_mem>>) {add = true}
      %dma_start3A_620 = arith.constant 2 : i32
      %dma_start3A_621 = arith.constant 256 : i32
      %dma_start3A_622 = arith.constant 0 : i32
      %dma_start3A_623 = tpu.memref_slice %arg11[%dma_start3A_621, %dma_start3A_622] : memref<384x32xf32, #tpu.memory_space<vmem>> -> memref<128x32xf32, #tpu.memory_space<vmem>>
      %dma_start3A_624 = arith.constant 0 : i32
      %dma_start3A_625 = tpu.memref_slice %arg9[%dma_start3A_620, %dma_start3A_624] : memref<3x128xi32, #tpu.memory_space<vmem>> -> memref<1x128xi32, #tpu.memory_space<vmem>>
      %dma_start3A_626 = tpu.memref_squeeze %dma_start3A_625 : memref<1x128xi32, #tpu.memory_space<vmem>> -> memref<128xi32, #tpu.memory_space<vmem>>
      %dma_start3A_627 = arith.constant 0 : i32
      %dma_start3A_628 = arith.constant 0 : i32
      %dma_start3A_629 = tpu.memref_slice %arg12[%dma_start3A_627, %dma_start3A_628] : memref<51200x32xf32, #tpu.memory_space<vmem_shared>> -> memref<51200x32xf32, #tpu.memory_space<vmem_shared>>
      tpu.enqueue_indirect_dma source(%dma_start3A_623 : memref<128x32xf32, #tpu.memory_space<vmem>>) target(%dma_start3A_629 : memref<51200x32xf32, #tpu.memory_space<vmem_shared>>) offsets(%dma_start3A_626 : memref<128xi32, #tpu.memory_space<vmem>>) semaphore(%arg14 : memref<!tpu.dma_semaphore, #tpu.memory_space<semaphore_mem>>) {add = true}
    }
    %scan3A_5 = arith.constant 67 : i32
    %dma_wait3A = arith.constant 0 : i32
    %dma_wait3A_6 = arith.constant 0 : i32
    %dma_wait3A_7 = tpu.memref_slice %arg2[%dma_wait3A, %dma_wait3A_6] : memref<100000x32xf32, #tpu.memory_space<hbm>> -> memref<384x32xf32, #tpu.memory_space<hbm>>
    %dma_wait3A_8 = arith.constant 0 : i32
    %dma_wait3A_9 = arith.constant 0 : i32
    %dma_wait3A_10 = tpu.memref_slice %arg2[%dma_wait3A_8, %dma_wait3A_9] : memref<100000x32xf32, #tpu.memory_space<hbm>> -> memref<384x32xf32, #tpu.memory_space<hbm>>
    tpu.wait_dma2 semaphore(%arg14 : memref<!tpu.dma_semaphore, #tpu.memory_space<semaphore_mem>>) src(%dma_wait3A_10 : memref<384x32xf32, #tpu.memory_space<hbm>>) dst(%arg10 : memref<384x32xf32, #tpu.memory_space<vmem>>)
    %dma_wait3A_11 = arith.constant 0 : i32
    %dma_wait3A_12 = arith.constant 0 : i32
    %dma_wait3A_13 = tpu.memref_slice %arg2[%dma_wait3A_11, %dma_wait3A_12] : memref<100000x32xf32, #tpu.memory_space<hbm>> -> memref<384x32xf32, #tpu.memory_space<hbm>>
    %dma_wait3A_14 = arith.constant 0 : i32
    %dma_wait3A_15 = arith.constant 0 : i32
    %dma_wait3A_16 = tpu.memref_slice %arg2[%dma_wait3A_14, %dma_wait3A_15] : memref<100000x32xf32, #tpu.memory_space<hbm>> -> memref<384x32xf32, #tpu.memory_space<hbm>>
    tpu.wait_dma2 semaphore(%arg14 : memref<!tpu.dma_semaphore, #tpu.memory_space<semaphore_mem>>) src(%dma_wait3A_16 : memref<384x32xf32, #tpu.memory_space<hbm>>) dst(%arg11 : memref<384x32xf32, #tpu.memory_space<vmem>>)
    %barrier3A_17 = arith.constant 0 : index
    tpu.barrier barrier_id(%barrier3A_17)
    "tpu.region"() ({
      %run_scoped3A = tpu.sem_alloc : memref<!tpu.dma_semaphore, #tpu.memory_space<semaphore_mem>>
      %dma_start3A = arith.constant 0 : i32
      %dma_start3A_18 = tpu.memref_slice %arg6[%arg0, %mul3A_0, %dma_start3A] : memref<2x51200x32xf32, #tpu.memory_space<hbm>> -> memref<1x3200x32xf32, #tpu.memory_space<hbm>>
      %dma_start3A_19 = tpu.memref_squeeze %dma_start3A_18 : memref<1x3200x32xf32, #tpu.memory_space<hbm>> -> memref<3200x32xf32, #tpu.memory_space<hbm>>
      %dma_start3A_20 = arith.constant 0 : i32
      %dma_start3A_21 = tpu.memref_slice %arg12[%mul3A_0, %dma_start3A_20] : memref<51200x32xf32, #tpu.memory_space<vmem_shared>> -> memref<3200x32xf32, #tpu.memory_space<vmem_shared>>
      tpu.enqueue_dma source(%dma_start3A_21 : memref<3200x32xf32, #tpu.memory_space<vmem_shared>>) target(%dma_start3A_19 : memref<3200x32xf32, #tpu.memory_space<hbm>>) target_semaphore(%run_scoped3A : memref<!tpu.dma_semaphore, #tpu.memory_space<semaphore_mem>>)
      %dma_wait3A_22 = arith.constant 0 : i32
      %dma_wait3A_23 = tpu.memref_slice %arg6[%arg0, %mul3A_0, %dma_wait3A_22] : memref<2x51200x32xf32, #tpu.memory_space<hbm>> -> memref<1x3200x32xf32, #tpu.memory_space<hbm>>
      %dma_wait3A_24 = tpu.memref_squeeze %dma_wait3A_23 : memref<1x3200x32xf32, #tpu.memory_space<hbm>> -> memref<3200x32xf32, #tpu.memory_space<hbm>>
      %dma_wait3A_25 = arith.constant 0 : i32
      %dma_wait3A_26 = tpu.memref_slice %arg12[%mul3A_0, %dma_wait3A_25] : memref<51200x32xf32, #tpu.memory_space<vmem_shared>> -> memref<3200x32xf32, #tpu.memory_space<vmem_shared>>
      tpu.wait_dma2 semaphore(%run_scoped3A : memref<!tpu.dma_semaphore, #tpu.memory_space<semaphore_mem>>) src(%dma_wait3A_26 : memref<3200x32xf32, #tpu.memory_space<vmem_shared>>) dst(%dma_wait3A_24 : memref<3200x32xf32, #tpu.memory_space<hbm>>)
      tpu.yield
    }) : () -> ()
    return
  }
}

#map = affine_map<(d0, d1) -> (0, 0)>
#map1 = affine_map<(d0, d1) -> (0, 0, 0, 0)>
module attributes {stable_mosaic.version = 14 : i64} {
  func.func @_cnt_body(%arg0: i32, %arg1: i32, %arg2: memref<6432x128xi32, #tpu.memory_space<hbm>>, %arg3: memref<6432x128xi32, #tpu.memory_space<hbm>>, %arg4: memref<2x32x400x128xf32, #tpu.memory_space<hbm>>, %arg5: memref<3x128xi32, #tpu.memory_space<vmem>>, %arg6: memref<400x128xf32, #tpu.memory_space<vmem>>, %arg7: memref<400x128xf32, #tpu.memory_space<vmem>>) attributes {dimension_semantics = [#tpu.dimension_semantics<core_parallel>, #tpu.dimension_semantics<subcore_parallel>], iteration_bounds = array<i64: 2, 16>, scalar_prefetch = 0 : i64, scratch_operands = 3 : i64, tpu.core_type = #tpu.core_type<sc_vector_subcore>, window_params = [{transform_indices = #map}, {transform_indices = #map}, {transform_indices = #map1}]} {
    %mul3A = arith.constant 2 : i32
    %mul3A_0 = arith.muli %arg1, %mul3A : i32
    %add3A = arith.addi %mul3A_0, %arg0 : i32
    %broadcast_in_dim3A = arith.constant 0.000000e+00 : f32
    %broadcast_in_dim3A_1 = vector.broadcast %broadcast_in_dim3A : f32 to vector<16xf32>
    %scan3A = arith.constant 0 : i32
    %scan3A_2 = arith.constant 0 : i32
    %scan3A_3 = arith.constant 25 : i32
    %scan3A_4 = arith.addi %scan3A_2, %scan3A_3 : i32
    %scan3A_5 = arith.constant 1 : i32
    scf.for %scan3A_20 = %scan3A_2 to %scan3A_4 step %scan3A_5  : i32 {
      %swap3A = arith.index_cast %scan3A_20 : i32 to index
      %swap3A_21 = arith.constant 0 : index
      %swap3A_22 = tpu.vector_load %arg6[%swap3A, %swap3A_21] {strides = array<i32>} : memref<400x128xf32, #tpu.memory_space<vmem>>, vector<16xf32>,
      tpu.vector_store %arg6[%swap3A, %swap3A_21], %broadcast_in_dim3A_1 {strides = array<i32>} : memref<400x128xf32, #tpu.memory_space<vmem>>, vector<16xf32>,
      %swap3A_23 = arith.index_cast %scan3A_20 : i32 to index
      %swap3A_24 = arith.constant 0 : index
      %swap3A_25 = tpu.vector_load %arg7[%swap3A_23, %swap3A_24] {strides = array<i32>} : memref<400x128xf32, #tpu.memory_space<vmem>>, vector<16xf32>,
      tpu.vector_store %arg7[%swap3A_23, %swap3A_24], %broadcast_in_dim3A_1 {strides = array<i32>} : memref<400x128xf32, #tpu.memory_space<vmem>>, vector<16xf32>,
      %swap3A_26 = arith.index_cast %scan3A_20 : i32 to index
      %swap3A_27 = arith.constant 16 : index
      %swap3A_28 = tpu.vector_load %arg6[%swap3A_26, %swap3A_27] {strides = array<i32>} : memref<400x128xf32, #tpu.memory_space<vmem>>, vector<16xf32>,
      tpu.vector_store %arg6[%swap3A_26, %swap3A_27], %broadcast_in_dim3A_1 {strides = array<i32>} : memref<400x128xf32, #tpu.memory_space<vmem>>, vector<16xf32>,
      %swap3A_29 = arith.index_cast %scan3A_20 : i32 to index
      %swap3A_30 = arith.constant 16 : index
      %swap3A_31 = tpu.vector_load %arg7[%swap3A_29, %swap3A_30] {strides = array<i32>} : memref<400x128xf32, #tpu.memory_space<vmem>>, vector<16xf32>,
      tpu.vector_store %arg7[%swap3A_29, %swap3A_30], %broadcast_in_dim3A_1 {strides = array<i32>} : memref<400x128xf32, #tpu.memory_space<vmem>>, vector<16xf32>,
      %swap3A_32 = arith.index_cast %scan3A_20 : i32 to index
      %swap3A_33 = arith.constant 32 : index
      %swap3A_34 = tpu.vector_load %arg6[%swap3A_32, %swap3A_33] {strides = array<i32>} : memref<400x128xf32, #tpu.memory_space<vmem>>, vector<16xf32>,
      tpu.vector_store %arg6[%swap3A_32, %swap3A_33], %broadcast_in_dim3A_1 {strides = array<i32>} : memref<400x128xf32, #tpu.memory_space<vmem>>, vector<16xf32>,
      %swap3A_35 = arith.index_cast %scan3A_20 : i32 to index
      %swap3A_36 = arith.constant 32 : index
      %swap3A_37 = tpu.vector_load %arg7[%swap3A_35, %swap3A_36] {strides = array<i32>} : memref<400x128xf32, #tpu.memory_space<vmem>>, vector<16xf32>,
      tpu.vector_store %arg7[%swap3A_35, %swap3A_36], %broadcast_in_dim3A_1 {strides = array<i32>} : memref<400x128xf32, #tpu.memory_space<vmem>>, vector<16xf32>,
      %swap3A_38 = arith.index_cast %scan3A_20 : i32 to index
      %swap3A_39 = arith.constant 48 : index
      %swap3A_40 = tpu.vector_load %arg6[%swap3A_38, %swap3A_39] {strides = array<i32>} : memref<400x128xf32, #tpu.memory_space<vmem>>, vector<16xf32>,
      tpu.vector_store %arg6[%swap3A_38, %swap3A_39], %broadcast_in_dim3A_1 {strides = array<i32>} : memref<400x128xf32, #tpu.memory_space<vmem>>, vector<16xf32>,
      %swap3A_41 = arith.index_cast %scan3A_20 : i32 to index
      %swap3A_42 = arith.constant 48 : index
      %swap3A_43 = tpu.vector_load %arg7[%swap3A_41, %swap3A_42] {strides = array<i32>} : memref<400x128xf32, #tpu.memory_space<vmem>>, vector<16xf32>,
      tpu.vector_store %arg7[%swap3A_41, %swap3A_42], %broadcast_in_dim3A_1 {strides = array<i32>} : memref<400x128xf32, #tpu.memory_space<vmem>>, vector<16xf32>,
      %swap3A_44 = arith.index_cast %scan3A_20 : i32 to index
      %swap3A_45 = arith.constant 64 : index
      %swap3A_46 = tpu.vector_load %arg6[%swap3A_44, %swap3A_45] {strides = array<i32>} : memref<400x128xf32, #tpu.memory_space<vmem>>, vector<16xf32>,
      tpu.vector_store %arg6[%swap3A_44, %swap3A_45], %broadcast_in_dim3A_1 {strides = array<i32>} : memref<400x128xf32, #tpu.memory_space<vmem>>, vector<16xf32>,
      %swap3A_47 = arith.index_cast %scan3A_20 : i32 to index
      %swap3A_48 = arith.constant 64 : index
      %swap3A_49 = tpu.vector_load %arg7[%swap3A_47, %swap3A_48] {strides = array<i32>} : memref<400x128xf32, #tpu.memory_space<vmem>>, vector<16xf32>,
      tpu.vector_store %arg7[%swap3A_47, %swap3A_48], %broadcast_in_dim3A_1 {strides = array<i32>} : memref<400x128xf32, #tpu.memory_space<vmem>>, vector<16xf32>,
      %swap3A_50 = arith.index_cast %scan3A_20 : i32 to index
      %swap3A_51 = arith.constant 80 : index
      %swap3A_52 = tpu.vector_load %arg6[%swap3A_50, %swap3A_51] {strides = array<i32>} : memref<400x128xf32, #tpu.memory_space<vmem>>, vector<16xf32>,
      tpu.vector_store %arg6[%swap3A_50, %swap3A_51], %broadcast_in_dim3A_1 {strides = array<i32>} : memref<400x128xf32, #tpu.memory_space<vmem>>, vector<16xf32>,
      %swap3A_53 = arith.index_cast %scan3A_20 : i32 to index
      %swap3A_54 = arith.constant 80 : index
      %swap3A_55 = tpu.vector_load %arg7[%swap3A_53, %swap3A_54] {strides = array<i32>} : memref<400x128xf32, #tpu.memory_space<vmem>>, vector<16xf32>,
      tpu.vector_store %arg7[%swap3A_53, %swap3A_54], %broadcast_in_dim3A_1 {strides = array<i32>} : memref<400x128xf32, #tpu.memory_space<vmem>>, vector<16xf32>,
      %swap3A_56 = arith.index_cast %scan3A_20 : i32 to index
      %swap3A_57 = arith.constant 96 : index
      %swap3A_58 = tpu.vector_load %arg6[%swap3A_56, %swap3A_57] {strides = array<i32>} : memref<400x128xf32, #tpu.memory_space<vmem>>, vector<16xf32>,
      tpu.vector_store %arg6[%swap3A_56, %swap3A_57], %broadcast_in_dim3A_1 {strides = array<i32>} : memref<400x128xf32, #tpu.memory_space<vmem>>, vector<16xf32>,
      %swap3A_59 = arith.index_cast %scan3A_20 : i32 to index
      %swap3A_60 = arith.constant 96 : index
      %swap3A_61 = tpu.vector_load %arg7[%swap3A_59, %swap3A_60] {strides = array<i32>} : memref<400x128xf32, #tpu.memory_space<vmem>>, vector<16xf32>,
      tpu.vector_store %arg7[%swap3A_59, %swap3A_60], %broadcast_in_dim3A_1 {strides = array<i32>} : memref<400x128xf32, #tpu.memory_space<vmem>>, vector<16xf32>,
      %swap3A_62 = arith.index_cast %scan3A_20 : i32 to index
      %swap3A_63 = arith.constant 112 : index
      %swap3A_64 = tpu.vector_load %arg6[%swap3A_62, %swap3A_63] {strides = array<i32>} : memref<400x128xf32, #tpu.memory_space<vmem>>, vector<16xf32>,
      tpu.vector_store %arg6[%swap3A_62, %swap3A_63], %broadcast_in_dim3A_1 {strides = array<i32>} : memref<400x128xf32, #tpu.memory_space<vmem>>, vector<16xf32>,
      %swap3A_65 = arith.index_cast %scan3A_20 : i32 to index
      %swap3A_66 = arith.constant 112 : index
      %swap3A_67 = tpu.vector_load %arg7[%swap3A_65, %swap3A_66] {strides = array<i32>} : memref<400x128xf32, #tpu.memory_space<vmem>>, vector<16xf32>,
      tpu.vector_store %arg7[%swap3A_65, %swap3A_66], %broadcast_in_dim3A_1 {strides = array<i32>} : memref<400x128xf32, #tpu.memory_space<vmem>>, vector<16xf32>,
    }
    %scan3A_6 = arith.constant 25 : i32
    %scan3A_7 = arith.constant 0 : i32
    %scan3A_8 = arith.constant 0 : i32
    %scan3A_9 = arith.constant 67 : i32
    %scan3A_10 = arith.addi %scan3A_8, %scan3A_9 : i32
    %scan3A_11 = arith.constant 1 : i32
    scf.for %scan3A_20 = %scan3A_8 to %scan3A_10 step %scan3A_11  : i32 {
      %mul3A_21 = arith.constant 201 : i32
      %mul3A_22 = arith.muli %add3A, %mul3A_21 : i32
      %mul3A_23 = arith.constant 3 : i32
      %mul3A_24 = arith.muli %scan3A_20, %mul3A_23 : i32
      %add3A_25 = arith.addi %mul3A_22, %mul3A_24 : i32
      "tpu.region"() ({
        %run_scoped3A_381 = tpu.sem_alloc : memref<!tpu.dma_semaphore, #tpu.memory_space<semaphore_mem>>
        %dma_start3A = arith.constant 0 : i32
        %dma_start3A_382 = tpu.memref_slice %arg2[%add3A_25, %dma_start3A] : memref<6432x128xi32, #tpu.memory_space<hbm>> -> memref<3x128xi32, #tpu.memory_space<hbm>>
        %dma_start3A_383 = arith.constant 0 : i32
        %dma_start3A_384 = tpu.memref_slice %arg2[%add3A_25, %dma_start3A_383] : memref<6432x128xi32, #tpu.memory_space<hbm>> -> memref<3x128xi32, #tpu.memory_space<hbm>>
        tpu.enqueue_dma source(%dma_start3A_384 : memref<3x128xi32, #tpu.memory_space<hbm>>) target(%arg5 : memref<3x128xi32, #tpu.memory_space<vmem>>) target_semaphore(%run_scoped3A_381 : memref<!tpu.dma_semaphore, #tpu.memory_space<semaphore_mem>>)
        %dma_wait3A = arith.constant 0 : i32
        %dma_wait3A_385 = tpu.memref_slice %arg2[%add3A_25, %dma_wait3A] : memref<6432x128xi32, #tpu.memory_space<hbm>> -> memref<3x128xi32, #tpu.memory_space<hbm>>
        %dma_wait3A_386 = arith.constant 0 : i32
        %dma_wait3A_387 = tpu.memref_slice %arg2[%add3A_25, %dma_wait3A_386] : memref<6432x128xi32, #tpu.memory_space<hbm>> -> memref<3x128xi32, #tpu.memory_space<hbm>>
        tpu.wait_dma2 semaphore(%run_scoped3A_381 : memref<!tpu.dma_semaphore, #tpu.memory_space<semaphore_mem>>) src(%dma_wait3A_387 : memref<3x128xi32, #tpu.memory_space<hbm>>) dst(%arg5 : memref<3x128xi32, #tpu.memory_space<vmem>>)
        tpu.yield
      }) : () -> ()
      %get3A = arith.constant 0 : i32
      %get3A_26 = arith.index_cast %get3A : i32 to index
      %get3A_27 = arith.constant 0 : index
      %get3A_28 = tpu.vector_load %arg5[%get3A_26, %get3A_27] {strides = array<i32>} : memref<3x128xi32, #tpu.memory_space<vmem>>, vector<16xi32>,
      %broadcast_in_dim3A_29 = arith.constant true
      %broadcast_in_dim3A_30 = vector.broadcast %broadcast_in_dim3A_29 : i1 to vector<16xi1>
      %unique3A, %unique3A_31 = tpu.scan_count mask(%broadcast_in_dim3A_30 : vector<16xi1>) value(%get3A_28 : vector<16xi32>) : vector<16xi1>, vector<16xi32>
      %shift_right_logical3A = arith.constant 7 : i32
      %shift_right_logical3A_32 = vector.broadcast %shift_right_logical3A : i32 to vector<16xi32>
      %shift_right_logical3A_33 = arith.shrui %get3A_28, %shift_right_logical3A_32 : vector<16xi32>
      %and3A = arith.constant 127 : i32
      %and3A_34 = vector.broadcast %and3A : i32 to vector<16xi32>
      %and3A_35 = arith.andi %get3A_28, %and3A_34 : vector<16xi32>
      %convert_element_type3A = arith.sitofp %unique3A_31 : vector<16xi32> to vector<16xf32>
      tpu.vector_store_idx %arg6[%shift_right_logical3A_33, %and3A_35], %convert_element_type3A masked %unique3A {add = true} : memref<400x128xf32, #tpu.memory_space<vmem>>[vector<16xi32>, vector<16xi32>], vector<16xf32>, vector<16xi1>
      %get3A_36 = arith.constant 0 : i32
      %get3A_37 = arith.index_cast %get3A_36 : i32 to index
      %get3A_38 = arith.constant 16 : index
      %get3A_39 = tpu.vector_load %arg5[%get3A_37, %get3A_38] {strides = array<i32>} : memref<3x128xi32, #tpu.memory_space<vmem>>, vector<16xi32>,
      %broadcast_in_dim3A_40 = arith.constant true
      %broadcast_in_dim3A_41 = vector.broadcast %broadcast_in_dim3A_40 : i1 to vector<16xi1>
      %unique3A_42, %unique3A_43 = tpu.scan_count mask(%broadcast_in_dim3A_41 : vector<16xi1>) value(%get3A_39 : vector<16xi32>) : vector<16xi1>, vector<16xi32>
      %shift_right_logical3A_44 = arith.constant 7 : i32
      %shift_right_logical3A_45 = vector.broadcast %shift_right_logical3A_44 : i32 to vector<16xi32>
      %shift_right_logical3A_46 = arith.shrui %get3A_39, %shift_right_logical3A_45 : vector<16xi32>
      %and3A_47 = arith.constant 127 : i32
      %and3A_48 = vector.broadcast %and3A_47 : i32 to vector<16xi32>
      %and3A_49 = arith.andi %get3A_39, %and3A_48 : vector<16xi32>
      %convert_element_type3A_50 = arith.sitofp %unique3A_43 : vector<16xi32> to vector<16xf32>
      tpu.vector_store_idx %arg6[%shift_right_logical3A_46, %and3A_49], %convert_element_type3A_50 masked %unique3A_42 {add = true} : memref<400x128xf32, #tpu.memory_space<vmem>>[vector<16xi32>, vector<16xi32>], vector<16xf32>, vector<16xi1>
      %get3A_51 = arith.constant 0 : i32
      %get3A_52 = arith.index_cast %get3A_51 : i32 to index
      %get3A_53 = arith.constant 32 : index
      %get3A_54 = tpu.vector_load %arg5[%get3A_52, %get3A_53] {strides = array<i32>} : memref<3x128xi32, #tpu.memory_space<vmem>>, vector<16xi32>,
      %broadcast_in_dim3A_55 = arith.constant true
      %broadcast_in_dim3A_56 = vector.broadcast %broadcast_in_dim3A_55 : i1 to vector<16xi1>
      %unique3A_57, %unique3A_58 = tpu.scan_count mask(%broadcast_in_dim3A_56 : vector<16xi1>) value(%get3A_54 : vector<16xi32>) : vector<16xi1>, vector<16xi32>
      %shift_right_logical3A_59 = arith.constant 7 : i32
      %shift_right_logical3A_60 = vector.broadcast %shift_right_logical3A_59 : i32 to vector<16xi32>
      %shift_right_logical3A_61 = arith.shrui %get3A_54, %shift_right_logical3A_60 : vector<16xi32>
      %and3A_62 = arith.constant 127 : i32
      %and3A_63 = vector.broadcast %and3A_62 : i32 to vector<16xi32>
      %and3A_64 = arith.andi %get3A_54, %and3A_63 : vector<16xi32>
      %convert_element_type3A_65 = arith.sitofp %unique3A_58 : vector<16xi32> to vector<16xf32>
      tpu.vector_store_idx %arg6[%shift_right_logical3A_61, %and3A_64], %convert_element_type3A_65 masked %unique3A_57 {add = true} : memref<400x128xf32, #tpu.memory_space<vmem>>[vector<16xi32>, vector<16xi32>], vector<16xf32>, vector<16xi1>
      %get3A_66 = arith.constant 0 : i32
      %get3A_67 = arith.index_cast %get3A_66 : i32 to index
      %get3A_68 = arith.constant 48 : index
      %get3A_69 = tpu.vector_load %arg5[%get3A_67, %get3A_68] {strides = array<i32>} : memref<3x128xi32, #tpu.memory_space<vmem>>, vector<16xi32>,
      %broadcast_in_dim3A_70 = arith.constant true
      %broadcast_in_dim3A_71 = vector.broadcast %broadcast_in_dim3A_70 : i1 to vector<16xi1>
      %unique3A_72, %unique3A_73 = tpu.scan_count mask(%broadcast_in_dim3A_71 : vector<16xi1>) value(%get3A_69 : vector<16xi32>) : vector<16xi1>, vector<16xi32>
      %shift_right_logical3A_74 = arith.constant 7 : i32
      %shift_right_logical3A_75 = vector.broadcast %shift_right_logical3A_74 : i32 to vector<16xi32>
      %shift_right_logical3A_76 = arith.shrui %get3A_69, %shift_right_logical3A_75 : vector<16xi32>
      %and3A_77 = arith.constant 127 : i32
      %and3A_78 = vector.broadcast %and3A_77 : i32 to vector<16xi32>
      %and3A_79 = arith.andi %get3A_69, %and3A_78 : vector<16xi32>
      %convert_element_type3A_80 = arith.sitofp %unique3A_73 : vector<16xi32> to vector<16xf32>
      tpu.vector_store_idx %arg6[%shift_right_logical3A_76, %and3A_79], %convert_element_type3A_80 masked %unique3A_72 {add = true} : memref<400x128xf32, #tpu.memory_space<vmem>>[vector<16xi32>, vector<16xi32>], vector<16xf32>, vector<16xi1>
      %get3A_81 = arith.constant 0 : i32
      %get3A_82 = arith.index_cast %get3A_81 : i32 to index
      %get3A_83 = arith.constant 64 : index
      %get3A_84 = tpu.vector_load %arg5[%get3A_82, %get3A_83] {strides = array<i32>} : memref<3x128xi32, #tpu.memory_space<vmem>>, vector<16xi32>,
      %broadcast_in_dim3A_85 = arith.constant true
      %broadcast_in_dim3A_86 = vector.broadcast %broadcast_in_dim3A_85 : i1 to vector<16xi1>
      %unique3A_87, %unique3A_88 = tpu.scan_count mask(%broadcast_in_dim3A_86 : vector<16xi1>) value(%get3A_84 : vector<16xi32>) : vector<16xi1>, vector<16xi32>
      %shift_right_logical3A_89 = arith.constant 7 : i32
      %shift_right_logical3A_90 = vector.broadcast %shift_right_logical3A_89 : i32 to vector<16xi32>
      %shift_right_logical3A_91 = arith.shrui %get3A_84, %shift_right_logical3A_90 : vector<16xi32>
      %and3A_92 = arith.constant 127 : i32
      %and3A_93 = vector.broadcast %and3A_92 : i32 to vector<16xi32>
      %and3A_94 = arith.andi %get3A_84, %and3A_93 : vector<16xi32>
      %convert_element_type3A_95 = arith.sitofp %unique3A_88 : vector<16xi32> to vector<16xf32>
      tpu.vector_store_idx %arg6[%shift_right_logical3A_91, %and3A_94], %convert_element_type3A_95 masked %unique3A_87 {add = true} : memref<400x128xf32, #tpu.memory_space<vmem>>[vector<16xi32>, vector<16xi32>], vector<16xf32>, vector<16xi1>
      %get3A_96 = arith.constant 0 : i32
      %get3A_97 = arith.index_cast %get3A_96 : i32 to index
      %get3A_98 = arith.constant 80 : index
      %get3A_99 = tpu.vector_load %arg5[%get3A_97, %get3A_98] {strides = array<i32>} : memref<3x128xi32, #tpu.memory_space<vmem>>, vector<16xi32>,
      %broadcast_in_dim3A_100 = arith.constant true
      %broadcast_in_dim3A_101 = vector.broadcast %broadcast_in_dim3A_100 : i1 to vector<16xi1>
      %unique3A_102, %unique3A_103 = tpu.scan_count mask(%broadcast_in_dim3A_101 : vector<16xi1>) value(%get3A_99 : vector<16xi32>) : vector<16xi1>, vector<16xi32>
      %shift_right_logical3A_104 = arith.constant 7 : i32
      %shift_right_logical3A_105 = vector.broadcast %shift_right_logical3A_104 : i32 to vector<16xi32>
      %shift_right_logical3A_106 = arith.shrui %get3A_99, %shift_right_logical3A_105 : vector<16xi32>
      %and3A_107 = arith.constant 127 : i32
      %and3A_108 = vector.broadcast %and3A_107 : i32 to vector<16xi32>
      %and3A_109 = arith.andi %get3A_99, %and3A_108 : vector<16xi32>
      %convert_element_type3A_110 = arith.sitofp %unique3A_103 : vector<16xi32> to vector<16xf32>
      tpu.vector_store_idx %arg6[%shift_right_logical3A_106, %and3A_109], %convert_element_type3A_110 masked %unique3A_102 {add = true} : memref<400x128xf32, #tpu.memory_space<vmem>>[vector<16xi32>, vector<16xi32>], vector<16xf32>, vector<16xi1>
      %get3A_111 = arith.constant 0 : i32
      %get3A_112 = arith.index_cast %get3A_111 : i32 to index
      %get3A_113 = arith.constant 96 : index
      %get3A_114 = tpu.vector_load %arg5[%get3A_112, %get3A_113] {strides = array<i32>} : memref<3x128xi32, #tpu.memory_space<vmem>>, vector<16xi32>,
      %broadcast_in_dim3A_115 = arith.constant true
      %broadcast_in_dim3A_116 = vector.broadcast %broadcast_in_dim3A_115 : i1 to vector<16xi1>
      %unique3A_117, %unique3A_118 = tpu.scan_count mask(%broadcast_in_dim3A_116 : vector<16xi1>) value(%get3A_114 : vector<16xi32>) : vector<16xi1>, vector<16xi32>
      %shift_right_logical3A_119 = arith.constant 7 : i32
      %shift_right_logical3A_120 = vector.broadcast %shift_right_logical3A_119 : i32 to vector<16xi32>
      %shift_right_logical3A_121 = arith.shrui %get3A_114, %shift_right_logical3A_120 : vector<16xi32>
      %and3A_122 = arith.constant 127 : i32
      %and3A_123 = vector.broadcast %and3A_122 : i32 to vector<16xi32>
      %and3A_124 = arith.andi %get3A_114, %and3A_123 : vector<16xi32>
      %convert_element_type3A_125 = arith.sitofp %unique3A_118 : vector<16xi32> to vector<16xf32>
      tpu.vector_store_idx %arg6[%shift_right_logical3A_121, %and3A_124], %convert_element_type3A_125 masked %unique3A_117 {add = true} : memref<400x128xf32, #tpu.memory_space<vmem>>[vector<16xi32>, vector<16xi32>], vector<16xf32>, vector<16xi1>
      %get3A_126 = arith.constant 0 : i32
      %get3A_127 = arith.index_cast %get3A_126 : i32 to index
      %get3A_128 = arith.constant 112 : index
      %get3A_129 = tpu.vector_load %arg5[%get3A_127, %get3A_128] {strides = array<i32>} : memref<3x128xi32, #tpu.memory_space<vmem>>, vector<16xi32>,
      %broadcast_in_dim3A_130 = arith.constant true
      %broadcast_in_dim3A_131 = vector.broadcast %broadcast_in_dim3A_130 : i1 to vector<16xi1>
      %unique3A_132, %unique3A_133 = tpu.scan_count mask(%broadcast_in_dim3A_131 : vector<16xi1>) value(%get3A_129 : vector<16xi32>) : vector<16xi1>, vector<16xi32>
      %shift_right_logical3A_134 = arith.constant 7 : i32
      %shift_right_logical3A_135 = vector.broadcast %shift_right_logical3A_134 : i32 to vector<16xi32>
      %shift_right_logical3A_136 = arith.shrui %get3A_129, %shift_right_logical3A_135 : vector<16xi32>
      %and3A_137 = arith.constant 127 : i32
      %and3A_138 = vector.broadcast %and3A_137 : i32 to vector<16xi32>
      %and3A_139 = arith.andi %get3A_129, %and3A_138 : vector<16xi32>
      %convert_element_type3A_140 = arith.sitofp %unique3A_133 : vector<16xi32> to vector<16xf32>
      tpu.vector_store_idx %arg6[%shift_right_logical3A_136, %and3A_139], %convert_element_type3A_140 masked %unique3A_132 {add = true} : memref<400x128xf32, #tpu.memory_space<vmem>>[vector<16xi32>, vector<16xi32>], vector<16xf32>, vector<16xi1>
      %get3A_141 = arith.constant 1 : i32
      %get3A_142 = arith.index_cast %get3A_141 : i32 to index
      %get3A_143 = arith.constant 0 : index
      %get3A_144 = tpu.vector_load %arg5[%get3A_142, %get3A_143] {strides = array<i32>} : memref<3x128xi32, #tpu.memory_space<vmem>>, vector<16xi32>,
      %broadcast_in_dim3A_145 = arith.constant true
      %broadcast_in_dim3A_146 = vector.broadcast %broadcast_in_dim3A_145 : i1 to vector<16xi1>
      %unique3A_147, %unique3A_148 = tpu.scan_count mask(%broadcast_in_dim3A_146 : vector<16xi1>) value(%get3A_144 : vector<16xi32>) : vector<16xi1>, vector<16xi32>
      %shift_right_logical3A_149 = arith.constant 7 : i32
      %shift_right_logical3A_150 = vector.broadcast %shift_right_logical3A_149 : i32 to vector<16xi32>
      %shift_right_logical3A_151 = arith.shrui %get3A_144, %shift_right_logical3A_150 : vector<16xi32>
      %and3A_152 = arith.constant 127 : i32
      %and3A_153 = vector.broadcast %and3A_152 : i32 to vector<16xi32>
      %and3A_154 = arith.andi %get3A_144, %and3A_153 : vector<16xi32>
      %convert_element_type3A_155 = arith.sitofp %unique3A_148 : vector<16xi32> to vector<16xf32>
      tpu.vector_store_idx %arg6[%shift_right_logical3A_151, %and3A_154], %convert_element_type3A_155 masked %unique3A_147 {add = true} : memref<400x128xf32, #tpu.memory_space<vmem>>[vector<16xi32>, vector<16xi32>], vector<16xf32>, vector<16xi1>
      %get3A_156 = arith.constant 1 : i32
      %get3A_157 = arith.index_cast %get3A_156 : i32 to index
      %get3A_158 = arith.constant 16 : index
      %get3A_159 = tpu.vector_load %arg5[%get3A_157, %get3A_158] {strides = array<i32>} : memref<3x128xi32, #tpu.memory_space<vmem>>, vector<16xi32>,
      %broadcast_in_dim3A_160 = arith.constant true
      %broadcast_in_dim3A_161 = vector.broadcast %broadcast_in_dim3A_160 : i1 to vector<16xi1>
      %unique3A_162, %unique3A_163 = tpu.scan_count mask(%broadcast_in_dim3A_161 : vector<16xi1>) value(%get3A_159 : vector<16xi32>) : vector<16xi1>, vector<16xi32>
      %shift_right_logical3A_164 = arith.constant 7 : i32
      %shift_right_logical3A_165 = vector.broadcast %shift_right_logical3A_164 : i32 to vector<16xi32>
      %shift_right_logical3A_166 = arith.shrui %get3A_159, %shift_right_logical3A_165 : vector<16xi32>
      %and3A_167 = arith.constant 127 : i32
      %and3A_168 = vector.broadcast %and3A_167 : i32 to vector<16xi32>
      %and3A_169 = arith.andi %get3A_159, %and3A_168 : vector<16xi32>
      %convert_element_type3A_170 = arith.sitofp %unique3A_163 : vector<16xi32> to vector<16xf32>
      tpu.vector_store_idx %arg6[%shift_right_logical3A_166, %and3A_169], %convert_element_type3A_170 masked %unique3A_162 {add = true} : memref<400x128xf32, #tpu.memory_space<vmem>>[vector<16xi32>, vector<16xi32>], vector<16xf32>, vector<16xi1>
      %get3A_171 = arith.constant 1 : i32
      %get3A_172 = arith.index_cast %get3A_171 : i32 to index
      %get3A_173 = arith.constant 32 : index
      %get3A_174 = tpu.vector_load %arg5[%get3A_172, %get3A_173] {strides = array<i32>} : memref<3x128xi32, #tpu.memory_space<vmem>>, vector<16xi32>,
      %broadcast_in_dim3A_175 = arith.constant true
      %broadcast_in_dim3A_176 = vector.broadcast %broadcast_in_dim3A_175 : i1 to vector<16xi1>
      %unique3A_177, %unique3A_178 = tpu.scan_count mask(%broadcast_in_dim3A_176 : vector<16xi1>) value(%get3A_174 : vector<16xi32>) : vector<16xi1>, vector<16xi32>
      %shift_right_logical3A_179 = arith.constant 7 : i32
      %shift_right_logical3A_180 = vector.broadcast %shift_right_logical3A_179 : i32 to vector<16xi32>
      %shift_right_logical3A_181 = arith.shrui %get3A_174, %shift_right_logical3A_180 : vector<16xi32>
      %and3A_182 = arith.constant 127 : i32
      %and3A_183 = vector.broadcast %and3A_182 : i32 to vector<16xi32>
      %and3A_184 = arith.andi %get3A_174, %and3A_183 : vector<16xi32>
      %convert_element_type3A_185 = arith.sitofp %unique3A_178 : vector<16xi32> to vector<16xf32>
      tpu.vector_store_idx %arg6[%shift_right_logical3A_181, %and3A_184], %convert_element_type3A_185 masked %unique3A_177 {add = true} : memref<400x128xf32, #tpu.memory_space<vmem>>[vector<16xi32>, vector<16xi32>], vector<16xf32>, vector<16xi1>
      %get3A_186 = arith.constant 1 : i32
      %get3A_187 = arith.index_cast %get3A_186 : i32 to index
      %get3A_188 = arith.constant 48 : index
      %get3A_189 = tpu.vector_load %arg5[%get3A_187, %get3A_188] {strides = array<i32>} : memref<3x128xi32, #tpu.memory_space<vmem>>, vector<16xi32>,
      %broadcast_in_dim3A_190 = arith.constant true
      %broadcast_in_dim3A_191 = vector.broadcast %broadcast_in_dim3A_190 : i1 to vector<16xi1>
      %unique3A_192, %unique3A_193 = tpu.scan_count mask(%broadcast_in_dim3A_191 : vector<16xi1>) value(%get3A_189 : vector<16xi32>) : vector<16xi1>, vector<16xi32>
      %shift_right_logical3A_194 = arith.constant 7 : i32
      %shift_right_logical3A_195 = vector.broadcast %shift_right_logical3A_194 : i32 to vector<16xi32>
      %shift_right_logical3A_196 = arith.shrui %get3A_189, %shift_right_logical3A_195 : vector<16xi32>
      %and3A_197 = arith.constant 127 : i32
      %and3A_198 = vector.broadcast %and3A_197 : i32 to vector<16xi32>
      %and3A_199 = arith.andi %get3A_189, %and3A_198 : vector<16xi32>
      %convert_element_type3A_200 = arith.sitofp %unique3A_193 : vector<16xi32> to vector<16xf32>
      tpu.vector_store_idx %arg6[%shift_right_logical3A_196, %and3A_199], %convert_element_type3A_200 masked %unique3A_192 {add = true} : memref<400x128xf32, #tpu.memory_space<vmem>>[vector<16xi32>, vector<16xi32>], vector<16xf32>, vector<16xi1>
      %get3A_201 = arith.constant 1 : i32
      %get3A_202 = arith.index_cast %get3A_201 : i32 to index
      %get3A_203 = arith.constant 64 : index
      %get3A_204 = tpu.vector_load %arg5[%get3A_202, %get3A_203] {strides = array<i32>} : memref<3x128xi32, #tpu.memory_space<vmem>>, vector<16xi32>,
      %broadcast_in_dim3A_205 = arith.constant true
      %broadcast_in_dim3A_206 = vector.broadcast %broadcast_in_dim3A_205 : i1 to vector<16xi1>
      %unique3A_207, %unique3A_208 = tpu.scan_count mask(%broadcast_in_dim3A_206 : vector<16xi1>) value(%get3A_204 : vector<16xi32>) : vector<16xi1>, vector<16xi32>
      %shift_right_logical3A_209 = arith.constant 7 : i32
      %shift_right_logical3A_210 = vector.broadcast %shift_right_logical3A_209 : i32 to vector<16xi32>
      %shift_right_logical3A_211 = arith.shrui %get3A_204, %shift_right_logical3A_210 : vector<16xi32>
      %and3A_212 = arith.constant 127 : i32
      %and3A_213 = vector.broadcast %and3A_212 : i32 to vector<16xi32>
      %and3A_214 = arith.andi %get3A_204, %and3A_213 : vector<16xi32>
      %convert_element_type3A_215 = arith.sitofp %unique3A_208 : vector<16xi32> to vector<16xf32>
      tpu.vector_store_idx %arg6[%shift_right_logical3A_211, %and3A_214], %convert_element_type3A_215 masked %unique3A_207 {add = true} : memref<400x128xf32, #tpu.memory_space<vmem>>[vector<16xi32>, vector<16xi32>], vector<16xf32>, vector<16xi1>
      %get3A_216 = arith.constant 1 : i32
      %get3A_217 = arith.index_cast %get3A_216 : i32 to index
      %get3A_218 = arith.constant 80 : index
      %get3A_219 = tpu.vector_load %arg5[%get3A_217, %get3A_218] {strides = array<i32>} : memref<3x128xi32, #tpu.memory_space<vmem>>, vector<16xi32>,
      %broadcast_in_dim3A_220 = arith.constant true
      %broadcast_in_dim3A_221 = vector.broadcast %broadcast_in_dim3A_220 : i1 to vector<16xi1>
      %unique3A_222, %unique3A_223 = tpu.scan_count mask(%broadcast_in_dim3A_221 : vector<16xi1>) value(%get3A_219 : vector<16xi32>) : vector<16xi1>, vector<16xi32>
      %shift_right_logical3A_224 = arith.constant 7 : i32
      %shift_right_logical3A_225 = vector.broadcast %shift_right_logical3A_224 : i32 to vector<16xi32>
      %shift_right_logical3A_226 = arith.shrui %get3A_219, %shift_right_logical3A_225 : vector<16xi32>
      %and3A_227 = arith.constant 127 : i32
      %and3A_228 = vector.broadcast %and3A_227 : i32 to vector<16xi32>
      %and3A_229 = arith.andi %get3A_219, %and3A_228 : vector<16xi32>
      %convert_element_type3A_230 = arith.sitofp %unique3A_223 : vector<16xi32> to vector<16xf32>
      tpu.vector_store_idx %arg6[%shift_right_logical3A_226, %and3A_229], %convert_element_type3A_230 masked %unique3A_222 {add = true} : memref<400x128xf32, #tpu.memory_space<vmem>>[vector<16xi32>, vector<16xi32>], vector<16xf32>, vector<16xi1>
      %get3A_231 = arith.constant 1 : i32
      %get3A_232 = arith.index_cast %get3A_231 : i32 to index
      %get3A_233 = arith.constant 96 : index
      %get3A_234 = tpu.vector_load %arg5[%get3A_232, %get3A_233] {strides = array<i32>} : memref<3x128xi32, #tpu.memory_space<vmem>>, vector<16xi32>,
      %broadcast_in_dim3A_235 = arith.constant true
      %broadcast_in_dim3A_236 = vector.broadcast %broadcast_in_dim3A_235 : i1 to vector<16xi1>
      %unique3A_237, %unique3A_238 = tpu.scan_count mask(%broadcast_in_dim3A_236 : vector<16xi1>) value(%get3A_234 : vector<16xi32>) : vector<16xi1>, vector<16xi32>
      %shift_right_logical3A_239 = arith.constant 7 : i32
      %shift_right_logical3A_240 = vector.broadcast %shift_right_logical3A_239 : i32 to vector<16xi32>
      %shift_right_logical3A_241 = arith.shrui %get3A_234, %shift_right_logical3A_240 : vector<16xi32>
      %and3A_242 = arith.constant 127 : i32
      %and3A_243 = vector.broadcast %and3A_242 : i32 to vector<16xi32>
      %and3A_244 = arith.andi %get3A_234, %and3A_243 : vector<16xi32>
      %convert_element_type3A_245 = arith.sitofp %unique3A_238 : vector<16xi32> to vector<16xf32>
      tpu.vector_store_idx %arg6[%shift_right_logical3A_241, %and3A_244], %convert_element_type3A_245 masked %unique3A_237 {add = true} : memref<400x128xf32, #tpu.memory_space<vmem>>[vector<16xi32>, vector<16xi32>], vector<16xf32>, vector<16xi1>
      %get3A_246 = arith.constant 1 : i32
      %get3A_247 = arith.index_cast %get3A_246 : i32 to index
      %get3A_248 = arith.constant 112 : index
      %get3A_249 = tpu.vector_load %arg5[%get3A_247, %get3A_248] {strides = array<i32>} : memref<3x128xi32, #tpu.memory_space<vmem>>, vector<16xi32>,
      %broadcast_in_dim3A_250 = arith.constant true
      %broadcast_in_dim3A_251 = vector.broadcast %broadcast_in_dim3A_250 : i1 to vector<16xi1>
      %unique3A_252, %unique3A_253 = tpu.scan_count mask(%broadcast_in_dim3A_251 : vector<16xi1>) value(%get3A_249 : vector<16xi32>) : vector<16xi1>, vector<16xi32>
      %shift_right_logical3A_254 = arith.constant 7 : i32
      %shift_right_logical3A_255 = vector.broadcast %shift_right_logical3A_254 : i32 to vector<16xi32>
      %shift_right_logical3A_256 = arith.shrui %get3A_249, %shift_right_logical3A_255 : vector<16xi32>
      %and3A_257 = arith.constant 127 : i32
      %and3A_258 = vector.broadcast %and3A_257 : i32 to vector<16xi32>
      %and3A_259 = arith.andi %get3A_249, %and3A_258 : vector<16xi32>
      %convert_element_type3A_260 = arith.sitofp %unique3A_253 : vector<16xi32> to vector<16xf32>
      tpu.vector_store_idx %arg6[%shift_right_logical3A_256, %and3A_259], %convert_element_type3A_260 masked %unique3A_252 {add = true} : memref<400x128xf32, #tpu.memory_space<vmem>>[vector<16xi32>, vector<16xi32>], vector<16xf32>, vector<16xi1>
      %get3A_261 = arith.constant 2 : i32
      %get3A_262 = arith.index_cast %get3A_261 : i32 to index
      %get3A_263 = arith.constant 0 : index
      %get3A_264 = tpu.vector_load %arg5[%get3A_262, %get3A_263] {strides = array<i32>} : memref<3x128xi32, #tpu.memory_space<vmem>>, vector<16xi32>,
      %broadcast_in_dim3A_265 = arith.constant true
      %broadcast_in_dim3A_266 = vector.broadcast %broadcast_in_dim3A_265 : i1 to vector<16xi1>
      %unique3A_267, %unique3A_268 = tpu.scan_count mask(%broadcast_in_dim3A_266 : vector<16xi1>) value(%get3A_264 : vector<16xi32>) : vector<16xi1>, vector<16xi32>
      %shift_right_logical3A_269 = arith.constant 7 : i32
      %shift_right_logical3A_270 = vector.broadcast %shift_right_logical3A_269 : i32 to vector<16xi32>
      %shift_right_logical3A_271 = arith.shrui %get3A_264, %shift_right_logical3A_270 : vector<16xi32>
      %and3A_272 = arith.constant 127 : i32
      %and3A_273 = vector.broadcast %and3A_272 : i32 to vector<16xi32>
      %and3A_274 = arith.andi %get3A_264, %and3A_273 : vector<16xi32>
      %convert_element_type3A_275 = arith.sitofp %unique3A_268 : vector<16xi32> to vector<16xf32>
      tpu.vector_store_idx %arg6[%shift_right_logical3A_271, %and3A_274], %convert_element_type3A_275 masked %unique3A_267 {add = true} : memref<400x128xf32, #tpu.memory_space<vmem>>[vector<16xi32>, vector<16xi32>], vector<16xf32>, vector<16xi1>
      %get3A_276 = arith.constant 2 : i32
      %get3A_277 = arith.index_cast %get3A_276 : i32 to index
      %get3A_278 = arith.constant 16 : index
      %get3A_279 = tpu.vector_load %arg5[%get3A_277, %get3A_278] {strides = array<i32>} : memref<3x128xi32, #tpu.memory_space<vmem>>, vector<16xi32>,
      %broadcast_in_dim3A_280 = arith.constant true
      %broadcast_in_dim3A_281 = vector.broadcast %broadcast_in_dim3A_280 : i1 to vector<16xi1>
      %unique3A_282, %unique3A_283 = tpu.scan_count mask(%broadcast_in_dim3A_281 : vector<16xi1>) value(%get3A_279 : vector<16xi32>) : vector<16xi1>, vector<16xi32>
      %shift_right_logical3A_284 = arith.constant 7 : i32
      %shift_right_logical3A_285 = vector.broadcast %shift_right_logical3A_284 : i32 to vector<16xi32>
      %shift_right_logical3A_286 = arith.shrui %get3A_279, %shift_right_logical3A_285 : vector<16xi32>
      %and3A_287 = arith.constant 127 : i32
      %and3A_288 = vector.broadcast %and3A_287 : i32 to vector<16xi32>
      %and3A_289 = arith.andi %get3A_279, %and3A_288 : vector<16xi32>
      %convert_element_type3A_290 = arith.sitofp %unique3A_283 : vector<16xi32> to vector<16xf32>
      tpu.vector_store_idx %arg6[%shift_right_logical3A_286, %and3A_289], %convert_element_type3A_290 masked %unique3A_282 {add = true} : memref<400x128xf32, #tpu.memory_space<vmem>>[vector<16xi32>, vector<16xi32>], vector<16xf32>, vector<16xi1>
      %get3A_291 = arith.constant 2 : i32
      %get3A_292 = arith.index_cast %get3A_291 : i32 to index
      %get3A_293 = arith.constant 32 : index
      %get3A_294 = tpu.vector_load %arg5[%get3A_292, %get3A_293] {strides = array<i32>} : memref<3x128xi32, #tpu.memory_space<vmem>>, vector<16xi32>,
      %broadcast_in_dim3A_295 = arith.constant true
      %broadcast_in_dim3A_296 = vector.broadcast %broadcast_in_dim3A_295 : i1 to vector<16xi1>
      %unique3A_297, %unique3A_298 = tpu.scan_count mask(%broadcast_in_dim3A_296 : vector<16xi1>) value(%get3A_294 : vector<16xi32>) : vector<16xi1>, vector<16xi32>
      %shift_right_logical3A_299 = arith.constant 7 : i32
      %shift_right_logical3A_300 = vector.broadcast %shift_right_logical3A_299 : i32 to vector<16xi32>
      %shift_right_logical3A_301 = arith.shrui %get3A_294, %shift_right_logical3A_300 : vector<16xi32>
      %and3A_302 = arith.constant 127 : i32
      %and3A_303 = vector.broadcast %and3A_302 : i32 to vector<16xi32>
      %and3A_304 = arith.andi %get3A_294, %and3A_303 : vector<16xi32>
      %convert_element_type3A_305 = arith.sitofp %unique3A_298 : vector<16xi32> to vector<16xf32>
      tpu.vector_store_idx %arg6[%shift_right_logical3A_301, %and3A_304], %convert_element_type3A_305 masked %unique3A_297 {add = true} : memref<400x128xf32, #tpu.memory_space<vmem>>[vector<16xi32>, vector<16xi32>], vector<16xf32>, vector<16xi1>
      %get3A_306 = arith.constant 2 : i32
      %get3A_307 = arith.index_cast %get3A_306 : i32 to index
      %get3A_308 = arith.constant 48 : index
      %get3A_309 = tpu.vector_load %arg5[%get3A_307, %get3A_308] {strides = array<i32>} : memref<3x128xi32, #tpu.memory_space<vmem>>, vector<16xi32>,
      %broadcast_in_dim3A_310 = arith.constant true
      %broadcast_in_dim3A_311 = vector.broadcast %broadcast_in_dim3A_310 : i1 to vector<16xi1>
      %unique3A_312, %unique3A_313 = tpu.scan_count mask(%broadcast_in_dim3A_311 : vector<16xi1>) value(%get3A_309 : vector<16xi32>) : vector<16xi1>, vector<16xi32>
      %shift_right_logical3A_314 = arith.constant 7 : i32
      %shift_right_logical3A_315 = vector.broadcast %shift_right_logical3A_314 : i32 to vector<16xi32>
      %shift_right_logical3A_316 = arith.shrui %get3A_309, %shift_right_logical3A_315 : vector<16xi32>
      %and3A_317 = arith.constant 127 : i32
      %and3A_318 = vector.broadcast %and3A_317 : i32 to vector<16xi32>
      %and3A_319 = arith.andi %get3A_309, %and3A_318 : vector<16xi32>
      %convert_element_type3A_320 = arith.sitofp %unique3A_313 : vector<16xi32> to vector<16xf32>
      tpu.vector_store_idx %arg6[%shift_right_logical3A_316, %and3A_319], %convert_element_type3A_320 masked %unique3A_312 {add = true} : memref<400x128xf32, #tpu.memory_space<vmem>>[vector<16xi32>, vector<16xi32>], vector<16xf32>, vector<16xi1>
      %get3A_321 = arith.constant 2 : i32
      %get3A_322 = arith.index_cast %get3A_321 : i32 to index
      %get3A_323 = arith.constant 64 : index
      %get3A_324 = tpu.vector_load %arg5[%get3A_322, %get3A_323] {strides = array<i32>} : memref<3x128xi32, #tpu.memory_space<vmem>>, vector<16xi32>,
      %broadcast_in_dim3A_325 = arith.constant true
      %broadcast_in_dim3A_326 = vector.broadcast %broadcast_in_dim3A_325 : i1 to vector<16xi1>
      %unique3A_327, %unique3A_328 = tpu.scan_count mask(%broadcast_in_dim3A_326 : vector<16xi1>) value(%get3A_324 : vector<16xi32>) : vector<16xi1>, vector<16xi32>
      %shift_right_logical3A_329 = arith.constant 7 : i32
      %shift_right_logical3A_330 = vector.broadcast %shift_right_logical3A_329 : i32 to vector<16xi32>
      %shift_right_logical3A_331 = arith.shrui %get3A_324, %shift_right_logical3A_330 : vector<16xi32>
      %and3A_332 = arith.constant 127 : i32
      %and3A_333 = vector.broadcast %and3A_332 : i32 to vector<16xi32>
      %and3A_334 = arith.andi %get3A_324, %and3A_333 : vector<16xi32>
      %convert_element_type3A_335 = arith.sitofp %unique3A_328 : vector<16xi32> to vector<16xf32>
      tpu.vector_store_idx %arg6[%shift_right_logical3A_331, %and3A_334], %convert_element_type3A_335 masked %unique3A_327 {add = true} : memref<400x128xf32, #tpu.memory_space<vmem>>[vector<16xi32>, vector<16xi32>], vector<16xf32>, vector<16xi1>
      %get3A_336 = arith.constant 2 : i32
      %get3A_337 = arith.index_cast %get3A_336 : i32 to index
      %get3A_338 = arith.constant 80 : index
      %get3A_339 = tpu.vector_load %arg5[%get3A_337, %get3A_338] {strides = array<i32>} : memref<3x128xi32, #tpu.memory_space<vmem>>, vector<16xi32>,
      %broadcast_in_dim3A_340 = arith.constant true
      %broadcast_in_dim3A_341 = vector.broadcast %broadcast_in_dim3A_340 : i1 to vector<16xi1>
      %unique3A_342, %unique3A_343 = tpu.scan_count mask(%broadcast_in_dim3A_341 : vector<16xi1>) value(%get3A_339 : vector<16xi32>) : vector<16xi1>, vector<16xi32>
      %shift_right_logical3A_344 = arith.constant 7 : i32
      %shift_right_logical3A_345 = vector.broadcast %shift_right_logical3A_344 : i32 to vector<16xi32>
      %shift_right_logical3A_346 = arith.shrui %get3A_339, %shift_right_logical3A_345 : vector<16xi32>
      %and3A_347 = arith.constant 127 : i32
      %and3A_348 = vector.broadcast %and3A_347 : i32 to vector<16xi32>
      %and3A_349 = arith.andi %get3A_339, %and3A_348 : vector<16xi32>
      %convert_element_type3A_350 = arith.sitofp %unique3A_343 : vector<16xi32> to vector<16xf32>
      tpu.vector_store_idx %arg6[%shift_right_logical3A_346, %and3A_349], %convert_element_type3A_350 masked %unique3A_342 {add = true} : memref<400x128xf32, #tpu.memory_space<vmem>>[vector<16xi32>, vector<16xi32>], vector<16xf32>, vector<16xi1>
      %get3A_351 = arith.constant 2 : i32
      %get3A_352 = arith.index_cast %get3A_351 : i32 to index
      %get3A_353 = arith.constant 96 : index
      %get3A_354 = tpu.vector_load %arg5[%get3A_352, %get3A_353] {strides = array<i32>} : memref<3x128xi32, #tpu.memory_space<vmem>>, vector<16xi32>,
      %broadcast_in_dim3A_355 = arith.constant true
      %broadcast_in_dim3A_356 = vector.broadcast %broadcast_in_dim3A_355 : i1 to vector<16xi1>
      %unique3A_357, %unique3A_358 = tpu.scan_count mask(%broadcast_in_dim3A_356 : vector<16xi1>) value(%get3A_354 : vector<16xi32>) : vector<16xi1>, vector<16xi32>
      %shift_right_logical3A_359 = arith.constant 7 : i32
      %shift_right_logical3A_360 = vector.broadcast %shift_right_logical3A_359 : i32 to vector<16xi32>
      %shift_right_logical3A_361 = arith.shrui %get3A_354, %shift_right_logical3A_360 : vector<16xi32>
      %and3A_362 = arith.constant 127 : i32
      %and3A_363 = vector.broadcast %and3A_362 : i32 to vector<16xi32>
      %and3A_364 = arith.andi %get3A_354, %and3A_363 : vector<16xi32>
      %convert_element_type3A_365 = arith.sitofp %unique3A_358 : vector<16xi32> to vector<16xf32>
      tpu.vector_store_idx %arg6[%shift_right_logical3A_361, %and3A_364], %convert_element_type3A_365 masked %unique3A_357 {add = true} : memref<400x128xf32, #tpu.memory_space<vmem>>[vector<16xi32>, vector<16xi32>], vector<16xf32>, vector<16xi1>
      %get3A_366 = arith.constant 2 : i32
      %get3A_367 = arith.index_cast %get3A_366 : i32 to index
      %get3A_368 = arith.constant 112 : index
      %get3A_369 = tpu.vector_load %arg5[%get3A_367, %get3A_368] {strides = array<i32>} : memref<3x128xi32, #tpu.memory_space<vmem>>, vector<16xi32>,
      %broadcast_in_dim3A_370 = arith.constant true
      %broadcast_in_dim3A_371 = vector.broadcast %broadcast_in_dim3A_370 : i1 to vector<16xi1>
      %unique3A_372, %unique3A_373 = tpu.scan_count mask(%broadcast_in_dim3A_371 : vector<16xi1>) value(%get3A_369 : vector<16xi32>) : vector<16xi1>, vector<16xi32>
      %shift_right_logical3A_374 = arith.constant 7 : i32
      %shift_right_logical3A_375 = vector.broadcast %shift_right_logical3A_374 : i32 to vector<16xi32>
      %shift_right_logical3A_376 = arith.shrui %get3A_369, %shift_right_logical3A_375 : vector<16xi32>
      %and3A_377 = arith.constant 127 : i32
      %and3A_378 = vector.broadcast %and3A_377 : i32 to vector<16xi32>
      %and3A_379 = arith.andi %get3A_369, %and3A_378 : vector<16xi32>
      %convert_element_type3A_380 = arith.sitofp %unique3A_373 : vector<16xi32> to vector<16xf32>
      tpu.vector_store_idx %arg6[%shift_right_logical3A_376, %and3A_379], %convert_element_type3A_380 masked %unique3A_372 {add = true} : memref<400x128xf32, #tpu.memory_space<vmem>>[vector<16xi32>, vector<16xi32>], vector<16xf32>, vector<16xi1>
    }
    %scan3A_12 = arith.constant 67 : i32
    %scan3A_13 = arith.constant 0 : i32
    %scan3A_14 = arith.constant 0 : i32
    %scan3A_15 = arith.constant 67 : i32
    %scan3A_16 = arith.addi %scan3A_14, %scan3A_15 : i32
    %scan3A_17 = arith.constant 1 : i32
    scf.for %scan3A_20 = %scan3A_14 to %scan3A_16 step %scan3A_17  : i32 {
      %mul3A_21 = arith.constant 201 : i32
      %mul3A_22 = arith.muli %add3A, %mul3A_21 : i32
      %mul3A_23 = arith.constant 3 : i32
      %mul3A_24 = arith.muli %scan3A_20, %mul3A_23 : i32
      %add3A_25 = arith.addi %mul3A_22, %mul3A_24 : i32
      "tpu.region"() ({
        %run_scoped3A_381 = tpu.sem_alloc : memref<!tpu.dma_semaphore, #tpu.memory_space<semaphore_mem>>
        %dma_start3A = arith.constant 0 : i32
        %dma_start3A_382 = tpu.memref_slice %arg3[%add3A_25, %dma_start3A] : memref<6432x128xi32, #tpu.memory_space<hbm>> -> memref<3x128xi32, #tpu.memory_space<hbm>>
        %dma_start3A_383 = arith.constant 0 : i32
        %dma_start3A_384 = tpu.memref_slice %arg3[%add3A_25, %dma_start3A_383] : memref<6432x128xi32, #tpu.memory_space<hbm>> -> memref<3x128xi32, #tpu.memory_space<hbm>>
        tpu.enqueue_dma source(%dma_start3A_384 : memref<3x128xi32, #tpu.memory_space<hbm>>) target(%arg5 : memref<3x128xi32, #tpu.memory_space<vmem>>) target_semaphore(%run_scoped3A_381 : memref<!tpu.dma_semaphore, #tpu.memory_space<semaphore_mem>>)
        %dma_wait3A = arith.constant 0 : i32
        %dma_wait3A_385 = tpu.memref_slice %arg3[%add3A_25, %dma_wait3A] : memref<6432x128xi32, #tpu.memory_space<hbm>> -> memref<3x128xi32, #tpu.memory_space<hbm>>
        %dma_wait3A_386 = arith.constant 0 : i32
        %dma_wait3A_387 = tpu.memref_slice %arg3[%add3A_25, %dma_wait3A_386] : memref<6432x128xi32, #tpu.memory_space<hbm>> -> memref<3x128xi32, #tpu.memory_space<hbm>>
        tpu.wait_dma2 semaphore(%run_scoped3A_381 : memref<!tpu.dma_semaphore, #tpu.memory_space<semaphore_mem>>) src(%dma_wait3A_387 : memref<3x128xi32, #tpu.memory_space<hbm>>) dst(%arg5 : memref<3x128xi32, #tpu.memory_space<vmem>>)
        tpu.yield
      }) : () -> ()
      %get3A = arith.constant 0 : i32
      %get3A_26 = arith.index_cast %get3A : i32 to index
      %get3A_27 = arith.constant 0 : index
      %get3A_28 = tpu.vector_load %arg5[%get3A_26, %get3A_27] {strides = array<i32>} : memref<3x128xi32, #tpu.memory_space<vmem>>, vector<16xi32>,
      %broadcast_in_dim3A_29 = arith.constant true
      %broadcast_in_dim3A_30 = vector.broadcast %broadcast_in_dim3A_29 : i1 to vector<16xi1>
      %unique3A, %unique3A_31 = tpu.scan_count mask(%broadcast_in_dim3A_30 : vector<16xi1>) value(%get3A_28 : vector<16xi32>) : vector<16xi1>, vector<16xi32>
      %shift_right_logical3A = arith.constant 7 : i32
      %shift_right_logical3A_32 = vector.broadcast %shift_right_logical3A : i32 to vector<16xi32>
      %shift_right_logical3A_33 = arith.shrui %get3A_28, %shift_right_logical3A_32 : vector<16xi32>
      %and3A = arith.constant 127 : i32
      %and3A_34 = vector.broadcast %and3A : i32 to vector<16xi32>
      %and3A_35 = arith.andi %get3A_28, %and3A_34 : vector<16xi32>
      %convert_element_type3A = arith.sitofp %unique3A_31 : vector<16xi32> to vector<16xf32>
      tpu.vector_store_idx %arg7[%shift_right_logical3A_33, %and3A_35], %convert_element_type3A masked %unique3A {add = true} : memref<400x128xf32, #tpu.memory_space<vmem>>[vector<16xi32>, vector<16xi32>], vector<16xf32>, vector<16xi1>
      %get3A_36 = arith.constant 0 : i32
      %get3A_37 = arith.index_cast %get3A_36 : i32 to index
      %get3A_38 = arith.constant 16 : index
      %get3A_39 = tpu.vector_load %arg5[%get3A_37, %get3A_38] {strides = array<i32>} : memref<3x128xi32, #tpu.memory_space<vmem>>, vector<16xi32>,
      %broadcast_in_dim3A_40 = arith.constant true
      %broadcast_in_dim3A_41 = vector.broadcast %broadcast_in_dim3A_40 : i1 to vector<16xi1>
      %unique3A_42, %unique3A_43 = tpu.scan_count mask(%broadcast_in_dim3A_41 : vector<16xi1>) value(%get3A_39 : vector<16xi32>) : vector<16xi1>, vector<16xi32>
      %shift_right_logical3A_44 = arith.constant 7 : i32
      %shift_right_logical3A_45 = vector.broadcast %shift_right_logical3A_44 : i32 to vector<16xi32>
      %shift_right_logical3A_46 = arith.shrui %get3A_39, %shift_right_logical3A_45 : vector<16xi32>
      %and3A_47 = arith.constant 127 : i32
      %and3A_48 = vector.broadcast %and3A_47 : i32 to vector<16xi32>
      %and3A_49 = arith.andi %get3A_39, %and3A_48 : vector<16xi32>
      %convert_element_type3A_50 = arith.sitofp %unique3A_43 : vector<16xi32> to vector<16xf32>
      tpu.vector_store_idx %arg7[%shift_right_logical3A_46, %and3A_49], %convert_element_type3A_50 masked %unique3A_42 {add = true} : memref<400x128xf32, #tpu.memory_space<vmem>>[vector<16xi32>, vector<16xi32>], vector<16xf32>, vector<16xi1>
      %get3A_51 = arith.constant 0 : i32
      %get3A_52 = arith.index_cast %get3A_51 : i32 to index
      %get3A_53 = arith.constant 32 : index
      %get3A_54 = tpu.vector_load %arg5[%get3A_52, %get3A_53] {strides = array<i32>} : memref<3x128xi32, #tpu.memory_space<vmem>>, vector<16xi32>,
      %broadcast_in_dim3A_55 = arith.constant true
      %broadcast_in_dim3A_56 = vector.broadcast %broadcast_in_dim3A_55 : i1 to vector<16xi1>
      %unique3A_57, %unique3A_58 = tpu.scan_count mask(%broadcast_in_dim3A_56 : vector<16xi1>) value(%get3A_54 : vector<16xi32>) : vector<16xi1>, vector<16xi32>
      %shift_right_logical3A_59 = arith.constant 7 : i32
      %shift_right_logical3A_60 = vector.broadcast %shift_right_logical3A_59 : i32 to vector<16xi32>
      %shift_right_logical3A_61 = arith.shrui %get3A_54, %shift_right_logical3A_60 : vector<16xi32>
      %and3A_62 = arith.constant 127 : i32
      %and3A_63 = vector.broadcast %and3A_62 : i32 to vector<16xi32>
      %and3A_64 = arith.andi %get3A_54, %and3A_63 : vector<16xi32>
      %convert_element_type3A_65 = arith.sitofp %unique3A_58 : vector<16xi32> to vector<16xf32>
      tpu.vector_store_idx %arg7[%shift_right_logical3A_61, %and3A_64], %convert_element_type3A_65 masked %unique3A_57 {add = true} : memref<400x128xf32, #tpu.memory_space<vmem>>[vector<16xi32>, vector<16xi32>], vector<16xf32>, vector<16xi1>
      %get3A_66 = arith.constant 0 : i32
      %get3A_67 = arith.index_cast %get3A_66 : i32 to index
      %get3A_68 = arith.constant 48 : index
      %get3A_69 = tpu.vector_load %arg5[%get3A_67, %get3A_68] {strides = array<i32>} : memref<3x128xi32, #tpu.memory_space<vmem>>, vector<16xi32>,
      %broadcast_in_dim3A_70 = arith.constant true
      %broadcast_in_dim3A_71 = vector.broadcast %broadcast_in_dim3A_70 : i1 to vector<16xi1>
      %unique3A_72, %unique3A_73 = tpu.scan_count mask(%broadcast_in_dim3A_71 : vector<16xi1>) value(%get3A_69 : vector<16xi32>) : vector<16xi1>, vector<16xi32>
      %shift_right_logical3A_74 = arith.constant 7 : i32
      %shift_right_logical3A_75 = vector.broadcast %shift_right_logical3A_74 : i32 to vector<16xi32>
      %shift_right_logical3A_76 = arith.shrui %get3A_69, %shift_right_logical3A_75 : vector<16xi32>
      %and3A_77 = arith.constant 127 : i32
      %and3A_78 = vector.broadcast %and3A_77 : i32 to vector<16xi32>
      %and3A_79 = arith.andi %get3A_69, %and3A_78 : vector<16xi32>
      %convert_element_type3A_80 = arith.sitofp %unique3A_73 : vector<16xi32> to vector<16xf32>
      tpu.vector_store_idx %arg7[%shift_right_logical3A_76, %and3A_79], %convert_element_type3A_80 masked %unique3A_72 {add = true} : memref<400x128xf32, #tpu.memory_space<vmem>>[vector<16xi32>, vector<16xi32>], vector<16xf32>, vector<16xi1>
      %get3A_81 = arith.constant 0 : i32
      %get3A_82 = arith.index_cast %get3A_81 : i32 to index
      %get3A_83 = arith.constant 64 : index
      %get3A_84 = tpu.vector_load %arg5[%get3A_82, %get3A_83] {strides = array<i32>} : memref<3x128xi32, #tpu.memory_space<vmem>>, vector<16xi32>,
      %broadcast_in_dim3A_85 = arith.constant true
      %broadcast_in_dim3A_86 = vector.broadcast %broadcast_in_dim3A_85 : i1 to vector<16xi1>
      %unique3A_87, %unique3A_88 = tpu.scan_count mask(%broadcast_in_dim3A_86 : vector<16xi1>) value(%get3A_84 : vector<16xi32>) : vector<16xi1>, vector<16xi32>
      %shift_right_logical3A_89 = arith.constant 7 : i32
      %shift_right_logical3A_90 = vector.broadcast %shift_right_logical3A_89 : i32 to vector<16xi32>
      %shift_right_logical3A_91 = arith.shrui %get3A_84, %shift_right_logical3A_90 : vector<16xi32>
      %and3A_92 = arith.constant 127 : i32
      %and3A_93 = vector.broadcast %and3A_92 : i32 to vector<16xi32>
      %and3A_94 = arith.andi %get3A_84, %and3A_93 : vector<16xi32>
      %convert_element_type3A_95 = arith.sitofp %unique3A_88 : vector<16xi32> to vector<16xf32>
      tpu.vector_store_idx %arg7[%shift_right_logical3A_91, %and3A_94], %convert_element_type3A_95 masked %unique3A_87 {add = true} : memref<400x128xf32, #tpu.memory_space<vmem>>[vector<16xi32>, vector<16xi32>], vector<16xf32>, vector<16xi1>
      %get3A_96 = arith.constant 0 : i32
      %get3A_97 = arith.index_cast %get3A_96 : i32 to index
      %get3A_98 = arith.constant 80 : index
      %get3A_99 = tpu.vector_load %arg5[%get3A_97, %get3A_98] {strides = array<i32>} : memref<3x128xi32, #tpu.memory_space<vmem>>, vector<16xi32>,
      %broadcast_in_dim3A_100 = arith.constant true
      %broadcast_in_dim3A_101 = vector.broadcast %broadcast_in_dim3A_100 : i1 to vector<16xi1>
      %unique3A_102, %unique3A_103 = tpu.scan_count mask(%broadcast_in_dim3A_101 : vector<16xi1>) value(%get3A_99 : vector<16xi32>) : vector<16xi1>, vector<16xi32>
      %shift_right_logical3A_104 = arith.constant 7 : i32
      %shift_right_logical3A_105 = vector.broadcast %shift_right_logical3A_104 : i32 to vector<16xi32>
      %shift_right_logical3A_106 = arith.shrui %get3A_99, %shift_right_logical3A_105 : vector<16xi32>
      %and3A_107 = arith.constant 127 : i32
      %and3A_108 = vector.broadcast %and3A_107 : i32 to vector<16xi32>
      %and3A_109 = arith.andi %get3A_99, %and3A_108 : vector<16xi32>
      %convert_element_type3A_110 = arith.sitofp %unique3A_103 : vector<16xi32> to vector<16xf32>
      tpu.vector_store_idx %arg7[%shift_right_logical3A_106, %and3A_109], %convert_element_type3A_110 masked %unique3A_102 {add = true} : memref<400x128xf32, #tpu.memory_space<vmem>>[vector<16xi32>, vector<16xi32>], vector<16xf32>, vector<16xi1>
      %get3A_111 = arith.constant 0 : i32
      %get3A_112 = arith.index_cast %get3A_111 : i32 to index
      %get3A_113 = arith.constant 96 : index
      %get3A_114 = tpu.vector_load %arg5[%get3A_112, %get3A_113] {strides = array<i32>} : memref<3x128xi32, #tpu.memory_space<vmem>>, vector<16xi32>,
      %broadcast_in_dim3A_115 = arith.constant true
      %broadcast_in_dim3A_116 = vector.broadcast %broadcast_in_dim3A_115 : i1 to vector<16xi1>
      %unique3A_117, %unique3A_118 = tpu.scan_count mask(%broadcast_in_dim3A_116 : vector<16xi1>) value(%get3A_114 : vector<16xi32>) : vector<16xi1>, vector<16xi32>
      %shift_right_logical3A_119 = arith.constant 7 : i32
      %shift_right_logical3A_120 = vector.broadcast %shift_right_logical3A_119 : i32 to vector<16xi32>
      %shift_right_logical3A_121 = arith.shrui %get3A_114, %shift_right_logical3A_120 : vector<16xi32>
      %and3A_122 = arith.constant 127 : i32
      %and3A_123 = vector.broadcast %and3A_122 : i32 to vector<16xi32>
      %and3A_124 = arith.andi %get3A_114, %and3A_123 : vector<16xi32>
      %convert_element_type3A_125 = arith.sitofp %unique3A_118 : vector<16xi32> to vector<16xf32>
      tpu.vector_store_idx %arg7[%shift_right_logical3A_121, %and3A_124], %convert_element_type3A_125 masked %unique3A_117 {add = true} : memref<400x128xf32, #tpu.memory_space<vmem>>[vector<16xi32>, vector<16xi32>], vector<16xf32>, vector<16xi1>
      %get3A_126 = arith.constant 0 : i32
      %get3A_127 = arith.index_cast %get3A_126 : i32 to index
      %get3A_128 = arith.constant 112 : index
      %get3A_129 = tpu.vector_load %arg5[%get3A_127, %get3A_128] {strides = array<i32>} : memref<3x128xi32, #tpu.memory_space<vmem>>, vector<16xi32>,
      %broadcast_in_dim3A_130 = arith.constant true
      %broadcast_in_dim3A_131 = vector.broadcast %broadcast_in_dim3A_130 : i1 to vector<16xi1>
      %unique3A_132, %unique3A_133 = tpu.scan_count mask(%broadcast_in_dim3A_131 : vector<16xi1>) value(%get3A_129 : vector<16xi32>) : vector<16xi1>, vector<16xi32>
      %shift_right_logical3A_134 = arith.constant 7 : i32
      %shift_right_logical3A_135 = vector.broadcast %shift_right_logical3A_134 : i32 to vector<16xi32>
      %shift_right_logical3A_136 = arith.shrui %get3A_129, %shift_right_logical3A_135 : vector<16xi32>
      %and3A_137 = arith.constant 127 : i32
      %and3A_138 = vector.broadcast %and3A_137 : i32 to vector<16xi32>
      %and3A_139 = arith.andi %get3A_129, %and3A_138 : vector<16xi32>
      %convert_element_type3A_140 = arith.sitofp %unique3A_133 : vector<16xi32> to vector<16xf32>
      tpu.vector_store_idx %arg7[%shift_right_logical3A_136, %and3A_139], %convert_element_type3A_140 masked %unique3A_132 {add = true} : memref<400x128xf32, #tpu.memory_space<vmem>>[vector<16xi32>, vector<16xi32>], vector<16xf32>, vector<16xi1>
      %get3A_141 = arith.constant 1 : i32
      %get3A_142 = arith.index_cast %get3A_141 : i32 to index
      %get3A_143 = arith.constant 0 : index
      %get3A_144 = tpu.vector_load %arg5[%get3A_142, %get3A_143] {strides = array<i32>} : memref<3x128xi32, #tpu.memory_space<vmem>>, vector<16xi32>,
      %broadcast_in_dim3A_145 = arith.constant true
      %broadcast_in_dim3A_146 = vector.broadcast %broadcast_in_dim3A_145 : i1 to vector<16xi1>
      %unique3A_147, %unique3A_148 = tpu.scan_count mask(%broadcast_in_dim3A_146 : vector<16xi1>) value(%get3A_144 : vector<16xi32>) : vector<16xi1>, vector<16xi32>
      %shift_right_logical3A_149 = arith.constant 7 : i32
      %shift_right_logical3A_150 = vector.broadcast %shift_right_logical3A_149 : i32 to vector<16xi32>
      %shift_right_logical3A_151 = arith.shrui %get3A_144, %shift_right_logical3A_150 : vector<16xi32>
      %and3A_152 = arith.constant 127 : i32
      %and3A_153 = vector.broadcast %and3A_152 : i32 to vector<16xi32>
      %and3A_154 = arith.andi %get3A_144, %and3A_153 : vector<16xi32>
      %convert_element_type3A_155 = arith.sitofp %unique3A_148 : vector<16xi32> to vector<16xf32>
      tpu.vector_store_idx %arg7[%shift_right_logical3A_151, %and3A_154], %convert_element_type3A_155 masked %unique3A_147 {add = true} : memref<400x128xf32, #tpu.memory_space<vmem>>[vector<16xi32>, vector<16xi32>], vector<16xf32>, vector<16xi1>
      %get3A_156 = arith.constant 1 : i32
      %get3A_157 = arith.index_cast %get3A_156 : i32 to index
      %get3A_158 = arith.constant 16 : index
      %get3A_159 = tpu.vector_load %arg5[%get3A_157, %get3A_158] {strides = array<i32>} : memref<3x128xi32, #tpu.memory_space<vmem>>, vector<16xi32>,
      %broadcast_in_dim3A_160 = arith.constant true
      %broadcast_in_dim3A_161 = vector.broadcast %broadcast_in_dim3A_160 : i1 to vector<16xi1>
      %unique3A_162, %unique3A_163 = tpu.scan_count mask(%broadcast_in_dim3A_161 : vector<16xi1>) value(%get3A_159 : vector<16xi32>) : vector<16xi1>, vector<16xi32>
      %shift_right_logical3A_164 = arith.constant 7 : i32
      %shift_right_logical3A_165 = vector.broadcast %shift_right_logical3A_164 : i32 to vector<16xi32>
      %shift_right_logical3A_166 = arith.shrui %get3A_159, %shift_right_logical3A_165 : vector<16xi32>
      %and3A_167 = arith.constant 127 : i32
      %and3A_168 = vector.broadcast %and3A_167 : i32 to vector<16xi32>
      %and3A_169 = arith.andi %get3A_159, %and3A_168 : vector<16xi32>
      %convert_element_type3A_170 = arith.sitofp %unique3A_163 : vector<16xi32> to vector<16xf32>
      tpu.vector_store_idx %arg7[%shift_right_logical3A_166, %and3A_169], %convert_element_type3A_170 masked %unique3A_162 {add = true} : memref<400x128xf32, #tpu.memory_space<vmem>>[vector<16xi32>, vector<16xi32>], vector<16xf32>, vector<16xi1>
      %get3A_171 = arith.constant 1 : i32
      %get3A_172 = arith.index_cast %get3A_171 : i32 to index
      %get3A_173 = arith.constant 32 : index
      %get3A_174 = tpu.vector_load %arg5[%get3A_172, %get3A_173] {strides = array<i32>} : memref<3x128xi32, #tpu.memory_space<vmem>>, vector<16xi32>,
      %broadcast_in_dim3A_175 = arith.constant true
      %broadcast_in_dim3A_176 = vector.broadcast %broadcast_in_dim3A_175 : i1 to vector<16xi1>
      %unique3A_177, %unique3A_178 = tpu.scan_count mask(%broadcast_in_dim3A_176 : vector<16xi1>) value(%get3A_174 : vector<16xi32>) : vector<16xi1>, vector<16xi32>
      %shift_right_logical3A_179 = arith.constant 7 : i32
      %shift_right_logical3A_180 = vector.broadcast %shift_right_logical3A_179 : i32 to vector<16xi32>
      %shift_right_logical3A_181 = arith.shrui %get3A_174, %shift_right_logical3A_180 : vector<16xi32>
      %and3A_182 = arith.constant 127 : i32
      %and3A_183 = vector.broadcast %and3A_182 : i32 to vector<16xi32>
      %and3A_184 = arith.andi %get3A_174, %and3A_183 : vector<16xi32>
      %convert_element_type3A_185 = arith.sitofp %unique3A_178 : vector<16xi32> to vector<16xf32>
      tpu.vector_store_idx %arg7[%shift_right_logical3A_181, %and3A_184], %convert_element_type3A_185 masked %unique3A_177 {add = true} : memref<400x128xf32, #tpu.memory_space<vmem>>[vector<16xi32>, vector<16xi32>], vector<16xf32>, vector<16xi1>
      %get3A_186 = arith.constant 1 : i32
      %get3A_187 = arith.index_cast %get3A_186 : i32 to index
      %get3A_188 = arith.constant 48 : index
      %get3A_189 = tpu.vector_load %arg5[%get3A_187, %get3A_188] {strides = array<i32>} : memref<3x128xi32, #tpu.memory_space<vmem>>, vector<16xi32>,
      %broadcast_in_dim3A_190 = arith.constant true
      %broadcast_in_dim3A_191 = vector.broadcast %broadcast_in_dim3A_190 : i1 to vector<16xi1>
      %unique3A_192, %unique3A_193 = tpu.scan_count mask(%broadcast_in_dim3A_191 : vector<16xi1>) value(%get3A_189 : vector<16xi32>) : vector<16xi1>, vector<16xi32>
      %shift_right_logical3A_194 = arith.constant 7 : i32
      %shift_right_logical3A_195 = vector.broadcast %shift_right_logical3A_194 : i32 to vector<16xi32>
      %shift_right_logical3A_196 = arith.shrui %get3A_189, %shift_right_logical3A_195 : vector<16xi32>
      %and3A_197 = arith.constant 127 : i32
      %and3A_198 = vector.broadcast %and3A_197 : i32 to vector<16xi32>
      %and3A_199 = arith.andi %get3A_189, %and3A_198 : vector<16xi32>
      %convert_element_type3A_200 = arith.sitofp %unique3A_193 : vector<16xi32> to vector<16xf32>
      tpu.vector_store_idx %arg7[%shift_right_logical3A_196, %and3A_199], %convert_element_type3A_200 masked %unique3A_192 {add = true} : memref<400x128xf32, #tpu.memory_space<vmem>>[vector<16xi32>, vector<16xi32>], vector<16xf32>, vector<16xi1>
      %get3A_201 = arith.constant 1 : i32
      %get3A_202 = arith.index_cast %get3A_201 : i32 to index
      %get3A_203 = arith.constant 64 : index
      %get3A_204 = tpu.vector_load %arg5[%get3A_202, %get3A_203] {strides = array<i32>} : memref<3x128xi32, #tpu.memory_space<vmem>>, vector<16xi32>,
      %broadcast_in_dim3A_205 = arith.constant true
      %broadcast_in_dim3A_206 = vector.broadcast %broadcast_in_dim3A_205 : i1 to vector<16xi1>
      %unique3A_207, %unique3A_208 = tpu.scan_count mask(%broadcast_in_dim3A_206 : vector<16xi1>) value(%get3A_204 : vector<16xi32>) : vector<16xi1>, vector<16xi32>
      %shift_right_logical3A_209 = arith.constant 7 : i32
      %shift_right_logical3A_210 = vector.broadcast %shift_right_logical3A_209 : i32 to vector<16xi32>
      %shift_right_logical3A_211 = arith.shrui %get3A_204, %shift_right_logical3A_210 : vector<16xi32>
      %and3A_212 = arith.constant 127 : i32
      %and3A_213 = vector.broadcast %and3A_212 : i32 to vector<16xi32>
      %and3A_214 = arith.andi %get3A_204, %and3A_213 : vector<16xi32>
      %convert_element_type3A_215 = arith.sitofp %unique3A_208 : vector<16xi32> to vector<16xf32>
      tpu.vector_store_idx %arg7[%shift_right_logical3A_211, %and3A_214], %convert_element_type3A_215 masked %unique3A_207 {add = true} : memref<400x128xf32, #tpu.memory_space<vmem>>[vector<16xi32>, vector<16xi32>], vector<16xf32>, vector<16xi1>
      %get3A_216 = arith.constant 1 : i32
      %get3A_217 = arith.index_cast %get3A_216 : i32 to index
      %get3A_218 = arith.constant 80 : index
      %get3A_219 = tpu.vector_load %arg5[%get3A_217, %get3A_218] {strides = array<i32>} : memref<3x128xi32, #tpu.memory_space<vmem>>, vector<16xi32>,
      %broadcast_in_dim3A_220 = arith.constant true
      %broadcast_in_dim3A_221 = vector.broadcast %broadcast_in_dim3A_220 : i1 to vector<16xi1>
      %unique3A_222, %unique3A_223 = tpu.scan_count mask(%broadcast_in_dim3A_221 : vector<16xi1>) value(%get3A_219 : vector<16xi32>) : vector<16xi1>, vector<16xi32>
      %shift_right_logical3A_224 = arith.constant 7 : i32
      %shift_right_logical3A_225 = vector.broadcast %shift_right_logical3A_224 : i32 to vector<16xi32>
      %shift_right_logical3A_226 = arith.shrui %get3A_219, %shift_right_logical3A_225 : vector<16xi32>
      %and3A_227 = arith.constant 127 : i32
      %and3A_228 = vector.broadcast %and3A_227 : i32 to vector<16xi32>
      %and3A_229 = arith.andi %get3A_219, %and3A_228 : vector<16xi32>
      %convert_element_type3A_230 = arith.sitofp %unique3A_223 : vector<16xi32> to vector<16xf32>
      tpu.vector_store_idx %arg7[%shift_right_logical3A_226, %and3A_229], %convert_element_type3A_230 masked %unique3A_222 {add = true} : memref<400x128xf32, #tpu.memory_space<vmem>>[vector<16xi32>, vector<16xi32>], vector<16xf32>, vector<16xi1>
      %get3A_231 = arith.constant 1 : i32
      %get3A_232 = arith.index_cast %get3A_231 : i32 to index
      %get3A_233 = arith.constant 96 : index
      %get3A_234 = tpu.vector_load %arg5[%get3A_232, %get3A_233] {strides = array<i32>} : memref<3x128xi32, #tpu.memory_space<vmem>>, vector<16xi32>,
      %broadcast_in_dim3A_235 = arith.constant true
      %broadcast_in_dim3A_236 = vector.broadcast %broadcast_in_dim3A_235 : i1 to vector<16xi1>
      %unique3A_237, %unique3A_238 = tpu.scan_count mask(%broadcast_in_dim3A_236 : vector<16xi1>) value(%get3A_234 : vector<16xi32>) : vector<16xi1>, vector<16xi32>
      %shift_right_logical3A_239 = arith.constant 7 : i32
      %shift_right_logical3A_240 = vector.broadcast %shift_right_logical3A_239 : i32 to vector<16xi32>
      %shift_right_logical3A_241 = arith.shrui %get3A_234, %shift_right_logical3A_240 : vector<16xi32>
      %and3A_242 = arith.constant 127 : i32
      %and3A_243 = vector.broadcast %and3A_242 : i32 to vector<16xi32>
      %and3A_244 = arith.andi %get3A_234, %and3A_243 : vector<16xi32>
      %convert_element_type3A_245 = arith.sitofp %unique3A_238 : vector<16xi32> to vector<16xf32>
      tpu.vector_store_idx %arg7[%shift_right_logical3A_241, %and3A_244], %convert_element_type3A_245 masked %unique3A_237 {add = true} : memref<400x128xf32, #tpu.memory_space<vmem>>[vector<16xi32>, vector<16xi32>], vector<16xf32>, vector<16xi1>
      %get3A_246 = arith.constant 1 : i32
      %get3A_247 = arith.index_cast %get3A_246 : i32 to index
      %get3A_248 = arith.constant 112 : index
      %get3A_249 = tpu.vector_load %arg5[%get3A_247, %get3A_248] {strides = array<i32>} : memref<3x128xi32, #tpu.memory_space<vmem>>, vector<16xi32>,
      %broadcast_in_dim3A_250 = arith.constant true
      %broadcast_in_dim3A_251 = vector.broadcast %broadcast_in_dim3A_250 : i1 to vector<16xi1>
      %unique3A_252, %unique3A_253 = tpu.scan_count mask(%broadcast_in_dim3A_251 : vector<16xi1>) value(%get3A_249 : vector<16xi32>) : vector<16xi1>, vector<16xi32>
      %shift_right_logical3A_254 = arith.constant 7 : i32
      %shift_right_logical3A_255 = vector.broadcast %shift_right_logical3A_254 : i32 to vector<16xi32>
      %shift_right_logical3A_256 = arith.shrui %get3A_249, %shift_right_logical3A_255 : vector<16xi32>
      %and3A_257 = arith.constant 127 : i32
      %and3A_258 = vector.broadcast %and3A_257 : i32 to vector<16xi32>
      %and3A_259 = arith.andi %get3A_249, %and3A_258 : vector<16xi32>
      %convert_element_type3A_260 = arith.sitofp %unique3A_253 : vector<16xi32> to vector<16xf32>
      tpu.vector_store_idx %arg7[%shift_right_logical3A_256, %and3A_259], %convert_element_type3A_260 masked %unique3A_252 {add = true} : memref<400x128xf32, #tpu.memory_space<vmem>>[vector<16xi32>, vector<16xi32>], vector<16xf32>, vector<16xi1>
      %get3A_261 = arith.constant 2 : i32
      %get3A_262 = arith.index_cast %get3A_261 : i32 to index
      %get3A_263 = arith.constant 0 : index
      %get3A_264 = tpu.vector_load %arg5[%get3A_262, %get3A_263] {strides = array<i32>} : memref<3x128xi32, #tpu.memory_space<vmem>>, vector<16xi32>,
      %broadcast_in_dim3A_265 = arith.constant true
      %broadcast_in_dim3A_266 = vector.broadcast %broadcast_in_dim3A_265 : i1 to vector<16xi1>
      %unique3A_267, %unique3A_268 = tpu.scan_count mask(%broadcast_in_dim3A_266 : vector<16xi1>) value(%get3A_264 : vector<16xi32>) : vector<16xi1>, vector<16xi32>
      %shift_right_logical3A_269 = arith.constant 7 : i32
      %shift_right_logical3A_270 = vector.broadcast %shift_right_logical3A_269 : i32 to vector<16xi32>
      %shift_right_logical3A_271 = arith.shrui %get3A_264, %shift_right_logical3A_270 : vector<16xi32>
      %and3A_272 = arith.constant 127 : i32
      %and3A_273 = vector.broadcast %and3A_272 : i32 to vector<16xi32>
      %and3A_274 = arith.andi %get3A_264, %and3A_273 : vector<16xi32>
      %convert_element_type3A_275 = arith.sitofp %unique3A_268 : vector<16xi32> to vector<16xf32>
      tpu.vector_store_idx %arg7[%shift_right_logical3A_271, %and3A_274], %convert_element_type3A_275 masked %unique3A_267 {add = true} : memref<400x128xf32, #tpu.memory_space<vmem>>[vector<16xi32>, vector<16xi32>], vector<16xf32>, vector<16xi1>
      %get3A_276 = arith.constant 2 : i32
      %get3A_277 = arith.index_cast %get3A_276 : i32 to index
      %get3A_278 = arith.constant 16 : index
      %get3A_279 = tpu.vector_load %arg5[%get3A_277, %get3A_278] {strides = array<i32>} : memref<3x128xi32, #tpu.memory_space<vmem>>, vector<16xi32>,
      %broadcast_in_dim3A_280 = arith.constant true
      %broadcast_in_dim3A_281 = vector.broadcast %broadcast_in_dim3A_280 : i1 to vector<16xi1>
      %unique3A_282, %unique3A_283 = tpu.scan_count mask(%broadcast_in_dim3A_281 : vector<16xi1>) value(%get3A_279 : vector<16xi32>) : vector<16xi1>, vector<16xi32>
      %shift_right_logical3A_284 = arith.constant 7 : i32
      %shift_right_logical3A_285 = vector.broadcast %shift_right_logical3A_284 : i32 to vector<16xi32>
      %shift_right_logical3A_286 = arith.shrui %get3A_279, %shift_right_logical3A_285 : vector<16xi32>
      %and3A_287 = arith.constant 127 : i32
      %and3A_288 = vector.broadcast %and3A_287 : i32 to vector<16xi32>
      %and3A_289 = arith.andi %get3A_279, %and3A_288 : vector<16xi32>
      %convert_element_type3A_290 = arith.sitofp %unique3A_283 : vector<16xi32> to vector<16xf32>
      tpu.vector_store_idx %arg7[%shift_right_logical3A_286, %and3A_289], %convert_element_type3A_290 masked %unique3A_282 {add = true} : memref<400x128xf32, #tpu.memory_space<vmem>>[vector<16xi32>, vector<16xi32>], vector<16xf32>, vector<16xi1>
      %get3A_291 = arith.constant 2 : i32
      %get3A_292 = arith.index_cast %get3A_291 : i32 to index
      %get3A_293 = arith.constant 32 : index
      %get3A_294 = tpu.vector_load %arg5[%get3A_292, %get3A_293] {strides = array<i32>} : memref<3x128xi32, #tpu.memory_space<vmem>>, vector<16xi32>,
      %broadcast_in_dim3A_295 = arith.constant true
      %broadcast_in_dim3A_296 = vector.broadcast %broadcast_in_dim3A_295 : i1 to vector<16xi1>
      %unique3A_297, %unique3A_298 = tpu.scan_count mask(%broadcast_in_dim3A_296 : vector<16xi1>) value(%get3A_294 : vector<16xi32>) : vector<16xi1>, vector<16xi32>
      %shift_right_logical3A_299 = arith.constant 7 : i32
      %shift_right_logical3A_300 = vector.broadcast %shift_right_logical3A_299 : i32 to vector<16xi32>
      %shift_right_logical3A_301 = arith.shrui %get3A_294, %shift_right_logical3A_300 : vector<16xi32>
      %and3A_302 = arith.constant 127 : i32
      %and3A_303 = vector.broadcast %and3A_302 : i32 to vector<16xi32>
      %and3A_304 = arith.andi %get3A_294, %and3A_303 : vector<16xi32>
      %convert_element_type3A_305 = arith.sitofp %unique3A_298 : vector<16xi32> to vector<16xf32>
      tpu.vector_store_idx %arg7[%shift_right_logical3A_301, %and3A_304], %convert_element_type3A_305 masked %unique3A_297 {add = true} : memref<400x128xf32, #tpu.memory_space<vmem>>[vector<16xi32>, vector<16xi32>], vector<16xf32>, vector<16xi1>
      %get3A_306 = arith.constant 2 : i32
      %get3A_307 = arith.index_cast %get3A_306 : i32 to index
      %get3A_308 = arith.constant 48 : index
      %get3A_309 = tpu.vector_load %arg5[%get3A_307, %get3A_308] {strides = array<i32>} : memref<3x128xi32, #tpu.memory_space<vmem>>, vector<16xi32>,
      %broadcast_in_dim3A_310 = arith.constant true
      %broadcast_in_dim3A_311 = vector.broadcast %broadcast_in_dim3A_310 : i1 to vector<16xi1>
      %unique3A_312, %unique3A_313 = tpu.scan_count mask(%broadcast_in_dim3A_311 : vector<16xi1>) value(%get3A_309 : vector<16xi32>) : vector<16xi1>, vector<16xi32>
      %shift_right_logical3A_314 = arith.constant 7 : i32
      %shift_right_logical3A_315 = vector.broadcast %shift_right_logical3A_314 : i32 to vector<16xi32>
      %shift_right_logical3A_316 = arith.shrui %get3A_309, %shift_right_logical3A_315 : vector<16xi32>
      %and3A_317 = arith.constant 127 : i32
      %and3A_318 = vector.broadcast %and3A_317 : i32 to vector<16xi32>
      %and3A_319 = arith.andi %get3A_309, %and3A_318 : vector<16xi32>
      %convert_element_type3A_320 = arith.sitofp %unique3A_313 : vector<16xi32> to vector<16xf32>
      tpu.vector_store_idx %arg7[%shift_right_logical3A_316, %and3A_319], %convert_element_type3A_320 masked %unique3A_312 {add = true} : memref<400x128xf32, #tpu.memory_space<vmem>>[vector<16xi32>, vector<16xi32>], vector<16xf32>, vector<16xi1>
      %get3A_321 = arith.constant 2 : i32
      %get3A_322 = arith.index_cast %get3A_321 : i32 to index
      %get3A_323 = arith.constant 64 : index
      %get3A_324 = tpu.vector_load %arg5[%get3A_322, %get3A_323] {strides = array<i32>} : memref<3x128xi32, #tpu.memory_space<vmem>>, vector<16xi32>,
      %broadcast_in_dim3A_325 = arith.constant true
      %broadcast_in_dim3A_326 = vector.broadcast %broadcast_in_dim3A_325 : i1 to vector<16xi1>
      %unique3A_327, %unique3A_328 = tpu.scan_count mask(%broadcast_in_dim3A_326 : vector<16xi1>) value(%get3A_324 : vector<16xi32>) : vector<16xi1>, vector<16xi32>
      %shift_right_logical3A_329 = arith.constant 7 : i32
      %shift_right_logical3A_330 = vector.broadcast %shift_right_logical3A_329 : i32 to vector<16xi32>
      %shift_right_logical3A_331 = arith.shrui %get3A_324, %shift_right_logical3A_330 : vector<16xi32>
      %and3A_332 = arith.constant 127 : i32
      %and3A_333 = vector.broadcast %and3A_332 : i32 to vector<16xi32>
      %and3A_334 = arith.andi %get3A_324, %and3A_333 : vector<16xi32>
      %convert_element_type3A_335 = arith.sitofp %unique3A_328 : vector<16xi32> to vector<16xf32>
      tpu.vector_store_idx %arg7[%shift_right_logical3A_331, %and3A_334], %convert_element_type3A_335 masked %unique3A_327 {add = true} : memref<400x128xf32, #tpu.memory_space<vmem>>[vector<16xi32>, vector<16xi32>], vector<16xf32>, vector<16xi1>
      %get3A_336 = arith.constant 2 : i32
      %get3A_337 = arith.index_cast %get3A_336 : i32 to index
      %get3A_338 = arith.constant 80 : index
      %get3A_339 = tpu.vector_load %arg5[%get3A_337, %get3A_338] {strides = array<i32>} : memref<3x128xi32, #tpu.memory_space<vmem>>, vector<16xi32>,
      %broadcast_in_dim3A_340 = arith.constant true
      %broadcast_in_dim3A_341 = vector.broadcast %broadcast_in_dim3A_340 : i1 to vector<16xi1>
      %unique3A_342, %unique3A_343 = tpu.scan_count mask(%broadcast_in_dim3A_341 : vector<16xi1>) value(%get3A_339 : vector<16xi32>) : vector<16xi1>, vector<16xi32>
      %shift_right_logical3A_344 = arith.constant 7 : i32
      %shift_right_logical3A_345 = vector.broadcast %shift_right_logical3A_344 : i32 to vector<16xi32>
      %shift_right_logical3A_346 = arith.shrui %get3A_339, %shift_right_logical3A_345 : vector<16xi32>
      %and3A_347 = arith.constant 127 : i32
      %and3A_348 = vector.broadcast %and3A_347 : i32 to vector<16xi32>
      %and3A_349 = arith.andi %get3A_339, %and3A_348 : vector<16xi32>
      %convert_element_type3A_350 = arith.sitofp %unique3A_343 : vector<16xi32> to vector<16xf32>
      tpu.vector_store_idx %arg7[%shift_right_logical3A_346, %and3A_349], %convert_element_type3A_350 masked %unique3A_342 {add = true} : memref<400x128xf32, #tpu.memory_space<vmem>>[vector<16xi32>, vector<16xi32>], vector<16xf32>, vector<16xi1>
      %get3A_351 = arith.constant 2 : i32
      %get3A_352 = arith.index_cast %get3A_351 : i32 to index
      %get3A_353 = arith.constant 96 : index
      %get3A_354 = tpu.vector_load %arg5[%get3A_352, %get3A_353] {strides = array<i32>} : memref<3x128xi32, #tpu.memory_space<vmem>>, vector<16xi32>,
      %broadcast_in_dim3A_355 = arith.constant true
      %broadcast_in_dim3A_356 = vector.broadcast %broadcast_in_dim3A_355 : i1 to vector<16xi1>
      %unique3A_357, %unique3A_358 = tpu.scan_count mask(%broadcast_in_dim3A_356 : vector<16xi1>) value(%get3A_354 : vector<16xi32>) : vector<16xi1>, vector<16xi32>
      %shift_right_logical3A_359 = arith.constant 7 : i32
      %shift_right_logical3A_360 = vector.broadcast %shift_right_logical3A_359 : i32 to vector<16xi32>
      %shift_right_logical3A_361 = arith.shrui %get3A_354, %shift_right_logical3A_360 : vector<16xi32>
      %and3A_362 = arith.constant 127 : i32
      %and3A_363 = vector.broadcast %and3A_362 : i32 to vector<16xi32>
      %and3A_364 = arith.andi %get3A_354, %and3A_363 : vector<16xi32>
      %convert_element_type3A_365 = arith.sitofp %unique3A_358 : vector<16xi32> to vector<16xf32>
      tpu.vector_store_idx %arg7[%shift_right_logical3A_361, %and3A_364], %convert_element_type3A_365 masked %unique3A_357 {add = true} : memref<400x128xf32, #tpu.memory_space<vmem>>[vector<16xi32>, vector<16xi32>], vector<16xf32>, vector<16xi1>
      %get3A_366 = arith.constant 2 : i32
      %get3A_367 = arith.index_cast %get3A_366 : i32 to index
      %get3A_368 = arith.constant 112 : index
      %get3A_369 = tpu.vector_load %arg5[%get3A_367, %get3A_368] {strides = array<i32>} : memref<3x128xi32, #tpu.memory_space<vmem>>, vector<16xi32>,
      %broadcast_in_dim3A_370 = arith.constant true
      %broadcast_in_dim3A_371 = vector.broadcast %broadcast_in_dim3A_370 : i1 to vector<16xi1>
      %unique3A_372, %unique3A_373 = tpu.scan_count mask(%broadcast_in_dim3A_371 : vector<16xi1>) value(%get3A_369 : vector<16xi32>) : vector<16xi1>, vector<16xi32>
      %shift_right_logical3A_374 = arith.constant 7 : i32
      %shift_right_logical3A_375 = vector.broadcast %shift_right_logical3A_374 : i32 to vector<16xi32>
      %shift_right_logical3A_376 = arith.shrui %get3A_369, %shift_right_logical3A_375 : vector<16xi32>
      %and3A_377 = arith.constant 127 : i32
      %and3A_378 = vector.broadcast %and3A_377 : i32 to vector<16xi32>
      %and3A_379 = arith.andi %get3A_369, %and3A_378 : vector<16xi32>
      %convert_element_type3A_380 = arith.sitofp %unique3A_373 : vector<16xi32> to vector<16xf32>
      tpu.vector_store_idx %arg7[%shift_right_logical3A_376, %and3A_379], %convert_element_type3A_380 masked %unique3A_372 {add = true} : memref<400x128xf32, #tpu.memory_space<vmem>>[vector<16xi32>, vector<16xi32>], vector<16xf32>, vector<16xi1>
    }
    %scan3A_18 = arith.constant 67 : i32
    %run_scoped3A = arith.constant 0 : i32
    "tpu.region"() ({
      %run_scoped3A_20 = tpu.sem_alloc : memref<!tpu.dma_semaphore, #tpu.memory_space<semaphore_mem>>
      %dma_start3A = arith.constant 0 : i32
      %dma_start3A_21 = arith.constant 0 : i32
      %dma_start3A_22 = tpu.memref_slice %arg4[%run_scoped3A, %add3A, %dma_start3A, %dma_start3A_21] : memref<2x32x400x128xf32, #tpu.memory_space<hbm>> -> memref<1x1x400x128xf32, #tpu.memory_space<hbm>>
      %dma_start3A_23 = tpu.memref_squeeze %dma_start3A_22 : memref<1x1x400x128xf32, #tpu.memory_space<hbm>> -> memref<400x128xf32, #tpu.memory_space<hbm>>
      %dma_start3A_24 = arith.constant 0 : i32
      %dma_start3A_25 = arith.constant 0 : i32
      %dma_start3A_26 = tpu.memref_slice %arg4[%run_scoped3A, %add3A, %dma_start3A_24, %dma_start3A_25] : memref<2x32x400x128xf32, #tpu.memory_space<hbm>> -> memref<1x1x400x128xf32, #tpu.memory_space<hbm>>
      %dma_start3A_27 = tpu.memref_squeeze %dma_start3A_26 : memref<1x1x400x128xf32, #tpu.memory_space<hbm>> -> memref<400x128xf32, #tpu.memory_space<hbm>>
      tpu.enqueue_dma source(%arg6 : memref<400x128xf32, #tpu.memory_space<vmem>>) target(%dma_start3A_27 : memref<400x128xf32, #tpu.memory_space<hbm>>) target_semaphore(%run_scoped3A_20 : memref<!tpu.dma_semaphore, #tpu.memory_space<semaphore_mem>>)
      %dma_wait3A = arith.constant 0 : i32
      %dma_wait3A_28 = arith.constant 0 : i32
      %dma_wait3A_29 = tpu.memref_slice %arg4[%run_scoped3A, %add3A, %dma_wait3A, %dma_wait3A_28] : memref<2x32x400x128xf32, #tpu.memory_space<hbm>> -> memref<1x1x400x128xf32, #tpu.memory_space<hbm>>
      %dma_wait3A_30 = tpu.memref_squeeze %dma_wait3A_29 : memref<1x1x400x128xf32, #tpu.memory_space<hbm>> -> memref<400x128xf32, #tpu.memory_space<hbm>>
      %dma_wait3A_31 = arith.constant 0 : i32
      %dma_wait3A_32 = arith.constant 0 : i32
      %dma_wait3A_33 = tpu.memref_slice %arg4[%run_scoped3A, %add3A, %dma_wait3A_31, %dma_wait3A_32] : memref<2x32x400x128xf32, #tpu.memory_space<hbm>> -> memref<1x1x400x128xf32, #tpu.memory_space<hbm>>
      %dma_wait3A_34 = tpu.memref_squeeze %dma_wait3A_33 : memref<1x1x400x128xf32, #tpu.memory_space<hbm>> -> memref<400x128xf32, #tpu.memory_space<hbm>>
      tpu.wait_dma2 semaphore(%run_scoped3A_20 : memref<!tpu.dma_semaphore, #tpu.memory_space<semaphore_mem>>) src(%arg6 : memref<400x128xf32, #tpu.memory_space<vmem>>) dst(%dma_wait3A_34 : memref<400x128xf32, #tpu.memory_space<hbm>>)
      tpu.yield
    }) : () -> ()
    %run_scoped3A_19 = arith.constant 1 : i32
    "tpu.region"() ({
      %run_scoped3A_20 = tpu.sem_alloc : memref<!tpu.dma_semaphore, #tpu.memory_space<semaphore_mem>>
      %dma_start3A = arith.constant 0 : i32
      %dma_start3A_21 = arith.constant 0 : i32
      %dma_start3A_22 = tpu.memref_slice %arg4[%run_scoped3A_19, %add3A, %dma_start3A, %dma_start3A_21] : memref<2x32x400x128xf32, #tpu.memory_space<hbm>> -> memref<1x1x400x128xf32, #tpu.memory_space<hbm>>
      %dma_start3A_23 = tpu.memref_squeeze %dma_start3A_22 : memref<1x1x400x128xf32, #tpu.memory_space<hbm>> -> memref<400x128xf32, #tpu.memory_space<hbm>>
      %dma_start3A_24 = arith.constant 0 : i32
      %dma_start3A_25 = arith.constant 0 : i32
      %dma_start3A_26 = tpu.memref_slice %arg4[%run_scoped3A_19, %add3A, %dma_start3A_24, %dma_start3A_25] : memref<2x32x400x128xf32, #tpu.memory_space<hbm>> -> memref<1x1x400x128xf32, #tpu.memory_space<hbm>>
      %dma_start3A_27 = tpu.memref_squeeze %dma_start3A_26 : memref<1x1x400x128xf32, #tpu.memory_space<hbm>> -> memref<400x128xf32, #tpu.memory_space<hbm>>
      tpu.enqueue_dma source(%arg7 : memref<400x128xf32, #tpu.memory_space<vmem>>) target(%dma_start3A_27 : memref<400x128xf32, #tpu.memory_space<hbm>>) target_semaphore(%run_scoped3A_20 : memref<!tpu.dma_semaphore, #tpu.memory_space<semaphore_mem>>)
      %dma_wait3A = arith.constant 0 : i32
      %dma_wait3A_28 = arith.constant 0 : i32
      %dma_wait3A_29 = tpu.memref_slice %arg4[%run_scoped3A_19, %add3A, %dma_wait3A, %dma_wait3A_28] : memref<2x32x400x128xf32, #tpu.memory_space<hbm>> -> memref<1x1x400x128xf32, #tpu.memory_space<hbm>>
      %dma_wait3A_30 = tpu.memref_squeeze %dma_wait3A_29 : memref<1x1x400x128xf32, #tpu.memory_space<hbm>> -> memref<400x128xf32, #tpu.memory_space<hbm>>
      %dma_wait3A_31 = arith.constant 0 : i32
      %dma_wait3A_32 = arith.constant 0 : i32
      %dma_wait3A_33 = tpu.memref_slice %arg4[%run_scoped3A_19, %add3A, %dma_wait3A_31, %dma_wait3A_32] : memref<2x32x400x128xf32, #tpu.memory_space<hbm>> -> memref<1x1x400x128xf32, #tpu.memory_space<hbm>>
      %dma_wait3A_34 = tpu.memref_squeeze %dma_wait3A_33 : memref<1x1x400x128xf32, #tpu.memory_space<hbm>> -> memref<400x128xf32, #tpu.memory_space<hbm>>
      tpu.wait_dma2 semaphore(%run_scoped3A_20 : memref<!tpu.dma_semaphore, #tpu.memory_space<semaphore_mem>>) src(%arg7 : memref<400x128xf32, #tpu.memory_space<vmem>>) dst(%dma_wait3A_34 : memref<400x128xf32, #tpu.memory_space<hbm>>)
      tpu.yield
    }) : () -> ()
    return
  }
}

#map = affine_map<(d0, d1) -> (0, 0)>
#map1 = affine_map<(d0, d1) -> (0)>
#map2 = affine_map<(d0, d1) -> (0, 0, 0)>
module attributes {stable_mosaic.version = 14 : i64} {
  func.func @_agg_body(%arg0: i32, %arg1: i32, %arg2: memref<100000x32xf32, #tpu.memory_space<hbm>>, %arg3: memref<823296xi32, #tpu.memory_space<hbm>>, %arg4: memref<6432x128xi32, #tpu.memory_space<hbm>>, %arg5: memref<3200x32xf32, #tpu.memory_space<hbm>>, %arg6: memref<2x51200x32xf32, #tpu.memory_space<hbm>>, %arg7: memref<384xi32, #tpu.memory_space<vmem>>, %arg8: memref<3x128xi32, #tpu.memory_space<vmem>>, %arg9: memref<3x128xi32, #tpu.memory_space<vmem>>, %arg10: memref<384x32xf32, #tpu.memory_space<vmem>>, %arg11: memref<384x32xf32, #tpu.memory_space<vmem>>, %arg12: memref<51200x32xf32, #tpu.memory_space<vmem_shared>>, %arg13: memref<!tpu.dma_semaphore, #tpu.memory_space<semaphore_mem>>, %arg14: memref<!tpu.dma_semaphore, #tpu.memory_space<semaphore_mem>>) attributes {dimension_semantics = [#tpu.dimension_semantics<core_parallel>, #tpu.dimension_semantics<subcore_parallel>], iteration_bounds = array<i64: 2, 16>, scalar_prefetch = 0 : i64, scratch_operands = 8 : i64, tpu.core_type = #tpu.core_type<sc_vector_subcore>, window_params = [{transform_indices = #map}, {transform_indices = #map1}, {transform_indices = #map}, {transform_indices = #map}, {transform_indices = #map2}]} {
    %mul3A = arith.constant 3200 : i32
    %mul3A_0 = arith.muli %arg1, %mul3A : i32
    "tpu.region"() ({
      %run_scoped3A = tpu.sem_alloc : memref<!tpu.dma_semaphore, #tpu.memory_space<semaphore_mem>>
      %dma_start3A = arith.constant 0 : i32
      %dma_start3A_18 = tpu.memref_slice %arg12[%mul3A_0, %dma_start3A] : memref<51200x32xf32, #tpu.memory_space<vmem_shared>> -> memref<3200x32xf32, #tpu.memory_space<vmem_shared>>
      tpu.enqueue_dma source(%arg5 : memref<3200x32xf32, #tpu.memory_space<hbm>>) target(%dma_start3A_18 : memref<3200x32xf32, #tpu.memory_space<vmem_shared>>) target_semaphore(%run_scoped3A : memref<!tpu.dma_semaphore, #tpu.memory_space<semaphore_mem>>)
      %dma_wait3A_19 = arith.constant 0 : i32
      %dma_wait3A_20 = tpu.memref_slice %arg12[%mul3A_0, %dma_wait3A_19] : memref<51200x32xf32, #tpu.memory_space<vmem_shared>> -> memref<3200x32xf32, #tpu.memory_space<vmem_shared>>
      tpu.wait_dma2 semaphore(%run_scoped3A : memref<!tpu.dma_semaphore, #tpu.memory_space<semaphore_mem>>) src(%arg5 : memref<3200x32xf32, #tpu.memory_space<hbm>>) dst(%dma_wait3A_20 : memref<3200x32xf32, #tpu.memory_space<vmem_shared>>)
      tpu.yield
    }) : () -> ()
    %barrier3A = arith.constant 0 : index
    tpu.barrier barrier_id(%barrier3A)
    %scan3A = arith.constant 0 : i32
    %scan3A_1 = arith.constant 0 : i32
    %scan3A_2 = arith.constant 67 : i32
    %scan3A_3 = arith.addi %scan3A_1, %scan3A_2 : i32
    %scan3A_4 = arith.constant 1 : i32
    scf.for %scan3A_18 = %scan3A_1 to %scan3A_3 step %scan3A_4  : i32 {
      %mul3A_19 = arith.constant 2 : i32
      %mul3A_20 = arith.muli %mul3A_19, %scan3A_18 : i32
      %ge3A = arith.constant 1 : i32
      %ge3A_21 = arith.cmpi sge, %scan3A_18, %ge3A : i32
      %convert_element_type3A = arith.extui %ge3A_21 : i1 to i32
      %cond3A = arith.constant 0 : i32
      %cond3A_22 = arith.cmpi ne, %convert_element_type3A, %cond3A : i32
      scf.if %cond3A_22 {
        %dma_wait3A_630 = arith.constant 0 : i32
        %dma_wait3A_631 = arith.constant 0 : i32
        %dma_wait3A_632 = tpu.memref_slice %arg2[%dma_wait3A_630, %dma_wait3A_631] : memref<100000x32xf32, #tpu.memory_space<hbm>> -> memref<384x32xf32, #tpu.memory_space<hbm>>
        %dma_wait3A_633 = arith.constant 0 : i32
        %dma_wait3A_634 = arith.constant 0 : i32
        %dma_wait3A_635 = tpu.memref_slice %arg2[%dma_wait3A_633, %dma_wait3A_634] : memref<100000x32xf32, #tpu.memory_space<hbm>> -> memref<384x32xf32, #tpu.memory_space<hbm>>
        tpu.wait_dma2 semaphore(%arg14 : memref<!tpu.dma_semaphore, #tpu.memory_space<semaphore_mem>>) src(%dma_wait3A_635 : memref<384x32xf32, #tpu.memory_space<hbm>>) dst(%arg10 : memref<384x32xf32, #tpu.memory_space<vmem>>)
      } else {
      }
      %mul3A_23 = arith.constant 402 : i32
      %mul3A_24 = arith.muli %arg1, %mul3A_23 : i32
      %mul3A_25 = arith.constant 3 : i32
      %mul3A_26 = arith.muli %mul3A_20, %mul3A_25 : i32
      %add3A = arith.addi %mul3A_24, %mul3A_26 : i32
      %mul3A_27 = arith.constant 128 : i32
      %mul3A_28 = arith.muli %add3A, %mul3A_27 : i32
      "tpu.region"() ({
        %run_scoped3A = tpu.sem_alloc : memref<!tpu.dma_semaphore, #tpu.memory_space<semaphore_mem>>
        %dma_start3A_630 = tpu.memref_slice %arg3[%mul3A_28] : memref<823296xi32, #tpu.memory_space<hbm>> -> memref<384xi32, #tpu.memory_space<hbm>>
        %dma_start3A_631 = tpu.memref_slice %arg3[%mul3A_28] : memref<823296xi32, #tpu.memory_space<hbm>> -> memref<384xi32, #tpu.memory_space<hbm>>
        tpu.enqueue_dma source(%dma_start3A_631 : memref<384xi32, #tpu.memory_space<hbm>>) target(%arg7 : memref<384xi32, #tpu.memory_space<vmem>>) target_semaphore(%run_scoped3A : memref<!tpu.dma_semaphore, #tpu.memory_space<semaphore_mem>>)
        %dma_wait3A_632 = tpu.memref_slice %arg3[%mul3A_28] : memref<823296xi32, #tpu.memory_space<hbm>> -> memref<384xi32, #tpu.memory_space<hbm>>
        %dma_wait3A_633 = tpu.memref_slice %arg3[%mul3A_28] : memref<823296xi32, #tpu.memory_space<hbm>> -> memref<384xi32, #tpu.memory_space<hbm>>
        tpu.wait_dma2 semaphore(%run_scoped3A : memref<!tpu.dma_semaphore, #tpu.memory_space<semaphore_mem>>) src(%dma_wait3A_633 : memref<384xi32, #tpu.memory_space<hbm>>) dst(%arg7 : memref<384xi32, #tpu.memory_space<vmem>>)
        tpu.yield
      }) : () -> ()
      "tpu.region"() ({
        %run_scoped3A = tpu.sem_alloc : memref<!tpu.dma_semaphore, #tpu.memory_space<semaphore_mem>>
        %dma_start3A_630 = arith.constant 0 : i32
        %dma_start3A_631 = tpu.memref_slice %arg4[%add3A, %dma_start3A_630] : memref<6432x128xi32, #tpu.memory_space<hbm>> -> memref<3x128xi32, #tpu.memory_space<hbm>>
        %dma_start3A_632 = arith.constant 0 : i32
        %dma_start3A_633 = tpu.memref_slice %arg4[%add3A, %dma_start3A_632] : memref<6432x128xi32, #tpu.memory_space<hbm>> -> memref<3x128xi32, #tpu.memory_space<hbm>>
        tpu.enqueue_dma source(%dma_start3A_633 : memref<3x128xi32, #tpu.memory_space<hbm>>) target(%arg8 : memref<3x128xi32, #tpu.memory_space<vmem>>) target_semaphore(%run_scoped3A : memref<!tpu.dma_semaphore, #tpu.memory_space<semaphore_mem>>)
        %dma_wait3A_634 = arith.constant 0 : i32
        %dma_wait3A_635 = tpu.memref_slice %arg4[%add3A, %dma_wait3A_634] : memref<6432x128xi32, #tpu.memory_space<hbm>> -> memref<3x128xi32, #tpu.memory_space<hbm>>
        %dma_wait3A_636 = arith.constant 0 : i32
        %dma_wait3A_637 = tpu.memref_slice %arg4[%add3A, %dma_wait3A_636] : memref<6432x128xi32, #tpu.memory_space<hbm>> -> memref<3x128xi32, #tpu.memory_space<hbm>>
        tpu.wait_dma2 semaphore(%run_scoped3A : memref<!tpu.dma_semaphore, #tpu.memory_space<semaphore_mem>>) src(%dma_wait3A_637 : memref<3x128xi32, #tpu.memory_space<hbm>>) dst(%arg8 : memref<3x128xi32, #tpu.memory_space<vmem>>)
        tpu.yield
      }) : () -> ()
      %get3A = arith.constant 0 : index
      %get3A_29 = tpu.vector_load %arg7[%get3A] {strides = array<i32>} : memref<384xi32, #tpu.memory_space<vmem>>, vector<16xi32>,
      %get3A_30 = vector.shape_cast %get3A_29 : vector<16xi32> to vector<16xi32>
      %add3A_31 = vector.broadcast %arg0 : i32 to vector<16xi32>
      %add3A_32 = arith.addi %get3A_30, %add3A_31 : vector<16xi32>
      %swap3A = arith.constant 0 : index
      %swap3A_33 = tpu.vector_load %arg7[%swap3A] {strides = array<i32>} : memref<384xi32, #tpu.memory_space<vmem>>, vector<16xi32>,
      %swap3A_34 = vector.shape_cast %swap3A_33 : vector<16xi32> to vector<16xi32>
      %swap3A_35 = vector.shape_cast %add3A_32 : vector<16xi32> to vector<16xi32>
      tpu.vector_store %arg7[%swap3A], %swap3A_35 {strides = array<i32>} : memref<384xi32, #tpu.memory_space<vmem>>, vector<16xi32>,
      %get3A_36 = arith.constant 16 : index
      %get3A_37 = tpu.vector_load %arg7[%get3A_36] {strides = array<i32>} : memref<384xi32, #tpu.memory_space<vmem>>, vector<16xi32>,
      %get3A_38 = vector.shape_cast %get3A_37 : vector<16xi32> to vector<16xi32>
      %add3A_39 = vector.broadcast %arg0 : i32 to vector<16xi32>
      %add3A_40 = arith.addi %get3A_38, %add3A_39 : vector<16xi32>
      %swap3A_41 = arith.constant 16 : index
      %swap3A_42 = tpu.vector_load %arg7[%swap3A_41] {strides = array<i32>} : memref<384xi32, #tpu.memory_space<vmem>>, vector<16xi32>,
      %swap3A_43 = vector.shape_cast %swap3A_42 : vector<16xi32> to vector<16xi32>
      %swap3A_44 = vector.shape_cast %add3A_40 : vector<16xi32> to vector<16xi32>
      tpu.vector_store %arg7[%swap3A_41], %swap3A_44 {strides = array<i32>} : memref<384xi32, #tpu.memory_space<vmem>>, vector<16xi32>,
      %get3A_45 = arith.constant 32 : index
      %get3A_46 = tpu.vector_load %arg7[%get3A_45] {strides = array<i32>} : memref<384xi32, #tpu.memory_space<vmem>>, vector<16xi32>,
      %get3A_47 = vector.shape_cast %get3A_46 : vector<16xi32> to vector<16xi32>
      %add3A_48 = vector.broadcast %arg0 : i32 to vector<16xi32>
      %add3A_49 = arith.addi %get3A_47, %add3A_48 : vector<16xi32>
      %swap3A_50 = arith.constant 32 : index
      %swap3A_51 = tpu.vector_load %arg7[%swap3A_50] {strides = array<i32>} : memref<384xi32, #tpu.memory_space<vmem>>, vector<16xi32>,
      %swap3A_52 = vector.shape_cast %swap3A_51 : vector<16xi32> to vector<16xi32>
      %swap3A_53 = vector.shape_cast %add3A_49 : vector<16xi32> to vector<16xi32>
      tpu.vector_store %arg7[%swap3A_50], %swap3A_53 {strides = array<i32>} : memref<384xi32, #tpu.memory_space<vmem>>, vector<16xi32>,
      %get3A_54 = arith.constant 48 : index
      %get3A_55 = tpu.vector_load %arg7[%get3A_54] {strides = array<i32>} : memref<384xi32, #tpu.memory_space<vmem>>, vector<16xi32>,
      %get3A_56 = vector.shape_cast %get3A_55 : vector<16xi32> to vector<16xi32>
      %add3A_57 = vector.broadcast %arg0 : i32 to vector<16xi32>
      %add3A_58 = arith.addi %get3A_56, %add3A_57 : vector<16xi32>
      %swap3A_59 = arith.constant 48 : index
      %swap3A_60 = tpu.vector_load %arg7[%swap3A_59] {strides = array<i32>} : memref<384xi32, #tpu.memory_space<vmem>>, vector<16xi32>,
      %swap3A_61 = vector.shape_cast %swap3A_60 : vector<16xi32> to vector<16xi32>
      %swap3A_62 = vector.shape_cast %add3A_58 : vector<16xi32> to vector<16xi32>
      tpu.vector_store %arg7[%swap3A_59], %swap3A_62 {strides = array<i32>} : memref<384xi32, #tpu.memory_space<vmem>>, vector<16xi32>,
      %get3A_63 = arith.constant 64 : index
      %get3A_64 = tpu.vector_load %arg7[%get3A_63] {strides = array<i32>} : memref<384xi32, #tpu.memory_space<vmem>>, vector<16xi32>,
      %get3A_65 = vector.shape_cast %get3A_64 : vector<16xi32> to vector<16xi32>
      %add3A_66 = vector.broadcast %arg0 : i32 to vector<16xi32>
      %add3A_67 = arith.addi %get3A_65, %add3A_66 : vector<16xi32>
      %swap3A_68 = arith.constant 64 : index
      %swap3A_69 = tpu.vector_load %arg7[%swap3A_68] {strides = array<i32>} : memref<384xi32, #tpu.memory_space<vmem>>, vector<16xi32>,
      %swap3A_70 = vector.shape_cast %swap3A_69 : vector<16xi32> to vector<16xi32>
      %swap3A_71 = vector.shape_cast %add3A_67 : vector<16xi32> to vector<16xi32>
      tpu.vector_store %arg7[%swap3A_68], %swap3A_71 {strides = array<i32>} : memref<384xi32, #tpu.memory_space<vmem>>, vector<16xi32>,
      %get3A_72 = arith.constant 80 : index
      %get3A_73 = tpu.vector_load %arg7[%get3A_72] {strides = array<i32>} : memref<384xi32, #tpu.memory_space<vmem>>, vector<16xi32>,
      %get3A_74 = vector.shape_cast %get3A_73 : vector<16xi32> to vector<16xi32>
      %add3A_75 = vector.broadcast %arg0 : i32 to vector<16xi32>
      %add3A_76 = arith.addi %get3A_74, %add3A_75 : vector<16xi32>
      %swap3A_77 = arith.constant 80 : index
      %swap3A_78 = tpu.vector_load %arg7[%swap3A_77] {strides = array<i32>} : memref<384xi32, #tpu.memory_space<vmem>>, vector<16xi32>,
      %swap3A_79 = vector.shape_cast %swap3A_78 : vector<16xi32> to vector<16xi32>
      %swap3A_80 = vector.shape_cast %add3A_76 : vector<16xi32> to vector<16xi32>
      tpu.vector_store %arg7[%swap3A_77], %swap3A_80 {strides = array<i32>} : memref<384xi32, #tpu.memory_space<vmem>>, vector<16xi32>,
      %get3A_81 = arith.constant 96 : index
      %get3A_82 = tpu.vector_load %arg7[%get3A_81] {strides = array<i32>} : memref<384xi32, #tpu.memory_space<vmem>>, vector<16xi32>,
      %get3A_83 = vector.shape_cast %get3A_82 : vector<16xi32> to vector<16xi32>
      %add3A_84 = vector.broadcast %arg0 : i32 to vector<16xi32>
      %add3A_85 = arith.addi %get3A_83, %add3A_84 : vector<16xi32>
      %swap3A_86 = arith.constant 96 : index
      %swap3A_87 = tpu.vector_load %arg7[%swap3A_86] {strides = array<i32>} : memref<384xi32, #tpu.memory_space<vmem>>, vector<16xi32>,
      %swap3A_88 = vector.shape_cast %swap3A_87 : vector<16xi32> to vector<16xi32>
      %swap3A_89 = vector.shape_cast %add3A_85 : vector<16xi32> to vector<16xi32>
      tpu.vector_store %arg7[%swap3A_86], %swap3A_89 {strides = array<i32>} : memref<384xi32, #tpu.memory_space<vmem>>, vector<16xi32>,
      %get3A_90 = arith.constant 112 : index
      %get3A_91 = tpu.vector_load %arg7[%get3A_90] {strides = array<i32>} : memref<384xi32, #tpu.memory_space<vmem>>, vector<16xi32>,
      %get3A_92 = vector.shape_cast %get3A_91 : vector<16xi32> to vector<16xi32>
      %add3A_93 = vector.broadcast %arg0 : i32 to vector<16xi32>
      %add3A_94 = arith.addi %get3A_92, %add3A_93 : vector<16xi32>
      %swap3A_95 = arith.constant 112 : index
      %swap3A_96 = tpu.vector_load %arg7[%swap3A_95] {strides = array<i32>} : memref<384xi32, #tpu.memory_space<vmem>>, vector<16xi32>,
      %swap3A_97 = vector.shape_cast %swap3A_96 : vector<16xi32> to vector<16xi32>
      %swap3A_98 = vector.shape_cast %add3A_94 : vector<16xi32> to vector<16xi32>
      tpu.vector_store %arg7[%swap3A_95], %swap3A_98 {strides = array<i32>} : memref<384xi32, #tpu.memory_space<vmem>>, vector<16xi32>,
      %get3A_99 = arith.constant 128 : index
      %get3A_100 = tpu.vector_load %arg7[%get3A_99] {strides = array<i32>} : memref<384xi32, #tpu.memory_space<vmem>>, vector<16xi32>,
      %get3A_101 = vector.shape_cast %get3A_100 : vector<16xi32> to vector<16xi32>
      %add3A_102 = vector.broadcast %arg0 : i32 to vector<16xi32>
      %add3A_103 = arith.addi %get3A_101, %add3A_102 : vector<16xi32>
      %swap3A_104 = arith.constant 128 : index
      %swap3A_105 = tpu.vector_load %arg7[%swap3A_104] {strides = array<i32>} : memref<384xi32, #tpu.memory_space<vmem>>, vector<16xi32>,
      %swap3A_106 = vector.shape_cast %swap3A_105 : vector<16xi32> to vector<16xi32>
      %swap3A_107 = vector.shape_cast %add3A_103 : vector<16xi32> to vector<16xi32>
      tpu.vector_store %arg7[%swap3A_104], %swap3A_107 {strides = array<i32>} : memref<384xi32, #tpu.memory_space<vmem>>, vector<16xi32>,
      %get3A_108 = arith.constant 144 : index
      %get3A_109 = tpu.vector_load %arg7[%get3A_108] {strides = array<i32>} : memref<384xi32, #tpu.memory_space<vmem>>, vector<16xi32>,
      %get3A_110 = vector.shape_cast %get3A_109 : vector<16xi32> to vector<16xi32>
      %add3A_111 = vector.broadcast %arg0 : i32 to vector<16xi32>
      %add3A_112 = arith.addi %get3A_110, %add3A_111 : vector<16xi32>
      %swap3A_113 = arith.constant 144 : index
      %swap3A_114 = tpu.vector_load %arg7[%swap3A_113] {strides = array<i32>} : memref<384xi32, #tpu.memory_space<vmem>>, vector<16xi32>,
      %swap3A_115 = vector.shape_cast %swap3A_114 : vector<16xi32> to vector<16xi32>
      %swap3A_116 = vector.shape_cast %add3A_112 : vector<16xi32> to vector<16xi32>
      tpu.vector_store %arg7[%swap3A_113], %swap3A_116 {strides = array<i32>} : memref<384xi32, #tpu.memory_space<vmem>>, vector<16xi32>,
      %get3A_117 = arith.constant 160 : index
      %get3A_118 = tpu.vector_load %arg7[%get3A_117] {strides = array<i32>} : memref<384xi32, #tpu.memory_space<vmem>>, vector<16xi32>,
      %get3A_119 = vector.shape_cast %get3A_118 : vector<16xi32> to vector<16xi32>
      %add3A_120 = vector.broadcast %arg0 : i32 to vector<16xi32>
      %add3A_121 = arith.addi %get3A_119, %add3A_120 : vector<16xi32>
      %swap3A_122 = arith.constant 160 : index
      %swap3A_123 = tpu.vector_load %arg7[%swap3A_122] {strides = array<i32>} : memref<384xi32, #tpu.memory_space<vmem>>, vector<16xi32>,
      %swap3A_124 = vector.shape_cast %swap3A_123 : vector<16xi32> to vector<16xi32>
      %swap3A_125 = vector.shape_cast %add3A_121 : vector<16xi32> to vector<16xi32>
      tpu.vector_store %arg7[%swap3A_122], %swap3A_125 {strides = array<i32>} : memref<384xi32, #tpu.memory_space<vmem>>, vector<16xi32>,
      %get3A_126 = arith.constant 176 : index
      %get3A_127 = tpu.vector_load %arg7[%get3A_126] {strides = array<i32>} : memref<384xi32, #tpu.memory_space<vmem>>, vector<16xi32>,
      %get3A_128 = vector.shape_cast %get3A_127 : vector<16xi32> to vector<16xi32>
      %add3A_129 = vector.broadcast %arg0 : i32 to vector<16xi32>
      %add3A_130 = arith.addi %get3A_128, %add3A_129 : vector<16xi32>
      %swap3A_131 = arith.constant 176 : index
      %swap3A_132 = tpu.vector_load %arg7[%swap3A_131] {strides = array<i32>} : memref<384xi32, #tpu.memory_space<vmem>>, vector<16xi32>,
      %swap3A_133 = vector.shape_cast %swap3A_132 : vector<16xi32> to vector<16xi32>
      %swap3A_134 = vector.shape_cast %add3A_130 : vector<16xi32> to vector<16xi32>
      tpu.vector_store %arg7[%swap3A_131], %swap3A_134 {strides = array<i32>} : memref<384xi32, #tpu.memory_space<vmem>>, vector<16xi32>,
      %get3A_135 = arith.constant 192 : index
      %get3A_136 = tpu.vector_load %arg7[%get3A_135] {strides = array<i32>} : memref<384xi32, #tpu.memory_space<vmem>>, vector<16xi32>,
      %get3A_137 = vector.shape_cast %get3A_136 : vector<16xi32> to vector<16xi32>
      %add3A_138 = vector.broadcast %arg0 : i32 to vector<16xi32>
      %add3A_139 = arith.addi %get3A_137, %add3A_138 : vector<16xi32>
      %swap3A_140 = arith.constant 192 : index
      %swap3A_141 = tpu.vector_load %arg7[%swap3A_140] {strides = array<i32>} : memref<384xi32, #tpu.memory_space<vmem>>, vector<16xi32>,
      %swap3A_142 = vector.shape_cast %swap3A_141 : vector<16xi32> to vector<16xi32>
      %swap3A_143 = vector.shape_cast %add3A_139 : vector<16xi32> to vector<16xi32>
      tpu.vector_store %arg7[%swap3A_140], %swap3A_143 {strides = array<i32>} : memref<384xi32, #tpu.memory_space<vmem>>, vector<16xi32>,
      %get3A_144 = arith.constant 208 : index
      %get3A_145 = tpu.vector_load %arg7[%get3A_144] {strides = array<i32>} : memref<384xi32, #tpu.memory_space<vmem>>, vector<16xi32>,
      %get3A_146 = vector.shape_cast %get3A_145 : vector<16xi32> to vector<16xi32>
      %add3A_147 = vector.broadcast %arg0 : i32 to vector<16xi32>
      %add3A_148 = arith.addi %get3A_146, %add3A_147 : vector<16xi32>
      %swap3A_149 = arith.constant 208 : index
      %swap3A_150 = tpu.vector_load %arg7[%swap3A_149] {strides = array<i32>} : memref<384xi32, #tpu.memory_space<vmem>>, vector<16xi32>,
      %swap3A_151 = vector.shape_cast %swap3A_150 : vector<16xi32> to vector<16xi32>
      %swap3A_152 = vector.shape_cast %add3A_148 : vector<16xi32> to vector<16xi32>
      tpu.vector_store %arg7[%swap3A_149], %swap3A_152 {strides = array<i32>} : memref<384xi32, #tpu.memory_space<vmem>>, vector<16xi32>,
      %get3A_153 = arith.constant 224 : index
      %get3A_154 = tpu.vector_load %arg7[%get3A_153] {strides = array<i32>} : memref<384xi32, #tpu.memory_space<vmem>>, vector<16xi32>,
      %get3A_155 = vector.shape_cast %get3A_154 : vector<16xi32> to vector<16xi32>
      %add3A_156 = vector.broadcast %arg0 : i32 to vector<16xi32>
      %add3A_157 = arith.addi %get3A_155, %add3A_156 : vector<16xi32>
      %swap3A_158 = arith.constant 224 : index
      %swap3A_159 = tpu.vector_load %arg7[%swap3A_158] {strides = array<i32>} : memref<384xi32, #tpu.memory_space<vmem>>, vector<16xi32>,
      %swap3A_160 = vector.shape_cast %swap3A_159 : vector<16xi32> to vector<16xi32>
      %swap3A_161 = vector.shape_cast %add3A_157 : vector<16xi32> to vector<16xi32>
      tpu.vector_store %arg7[%swap3A_158], %swap3A_161 {strides = array<i32>} : memref<384xi32, #tpu.memory_space<vmem>>, vector<16xi32>,
      %get3A_162 = arith.constant 240 : index
      %get3A_163 = tpu.vector_load %arg7[%get3A_162] {strides = array<i32>} : memref<384xi32, #tpu.memory_space<vmem>>, vector<16xi32>,
      %get3A_164 = vector.shape_cast %get3A_163 : vector<16xi32> to vector<16xi32>
      %add3A_165 = vector.broadcast %arg0 : i32 to vector<16xi32>
      %add3A_166 = arith.addi %get3A_164, %add3A_165 : vector<16xi32>
      %swap3A_167 = arith.constant 240 : index
      %swap3A_168 = tpu.vector_load %arg7[%swap3A_167] {strides = array<i32>} : memref<384xi32, #tpu.memory_space<vmem>>, vector<16xi32>,
      %swap3A_169 = vector.shape_cast %swap3A_168 : vector<16xi32> to vector<16xi32>
      %swap3A_170 = vector.shape_cast %add3A_166 : vector<16xi32> to vector<16xi32>
      tpu.vector_store %arg7[%swap3A_167], %swap3A_170 {strides = array<i32>} : memref<384xi32, #tpu.memory_space<vmem>>, vector<16xi32>,
      %get3A_171 = arith.constant 256 : index
      %get3A_172 = tpu.vector_load %arg7[%get3A_171] {strides = array<i32>} : memref<384xi32, #tpu.memory_space<vmem>>, vector<16xi32>,
      %get3A_173 = vector.shape_cast %get3A_172 : vector<16xi32> to vector<16xi32>
      %add3A_174 = vector.broadcast %arg0 : i32 to vector<16xi32>
      %add3A_175 = arith.addi %get3A_173, %add3A_174 : vector<16xi32>
      %swap3A_176 = arith.constant 256 : index
      %swap3A_177 = tpu.vector_load %arg7[%swap3A_176] {strides = array<i32>} : memref<384xi32, #tpu.memory_space<vmem>>, vector<16xi32>,
      %swap3A_178 = vector.shape_cast %swap3A_177 : vector<16xi32> to vector<16xi32>
      %swap3A_179 = vector.shape_cast %add3A_175 : vector<16xi32> to vector<16xi32>
      tpu.vector_store %arg7[%swap3A_176], %swap3A_179 {strides = array<i32>} : memref<384xi32, #tpu.memory_space<vmem>>, vector<16xi32>,
      %get3A_180 = arith.constant 272 : index
      %get3A_181 = tpu.vector_load %arg7[%get3A_180] {strides = array<i32>} : memref<384xi32, #tpu.memory_space<vmem>>, vector<16xi32>,
      %get3A_182 = vector.shape_cast %get3A_181 : vector<16xi32> to vector<16xi32>
      %add3A_183 = vector.broadcast %arg0 : i32 to vector<16xi32>
      %add3A_184 = arith.addi %get3A_182, %add3A_183 : vector<16xi32>
      %swap3A_185 = arith.constant 272 : index
      %swap3A_186 = tpu.vector_load %arg7[%swap3A_185] {strides = array<i32>} : memref<384xi32, #tpu.memory_space<vmem>>, vector<16xi32>,
      %swap3A_187 = vector.shape_cast %swap3A_186 : vector<16xi32> to vector<16xi32>
      %swap3A_188 = vector.shape_cast %add3A_184 : vector<16xi32> to vector<16xi32>
      tpu.vector_store %arg7[%swap3A_185], %swap3A_188 {strides = array<i32>} : memref<384xi32, #tpu.memory_space<vmem>>, vector<16xi32>,
      %get3A_189 = arith.constant 288 : index
      %get3A_190 = tpu.vector_load %arg7[%get3A_189] {strides = array<i32>} : memref<384xi32, #tpu.memory_space<vmem>>, vector<16xi32>,
      %get3A_191 = vector.shape_cast %get3A_190 : vector<16xi32> to vector<16xi32>
      %add3A_192 = vector.broadcast %arg0 : i32 to vector<16xi32>
      %add3A_193 = arith.addi %get3A_191, %add3A_192 : vector<16xi32>
      %swap3A_194 = arith.constant 288 : index
      %swap3A_195 = tpu.vector_load %arg7[%swap3A_194] {strides = array<i32>} : memref<384xi32, #tpu.memory_space<vmem>>, vector<16xi32>,
      %swap3A_196 = vector.shape_cast %swap3A_195 : vector<16xi32> to vector<16xi32>
      %swap3A_197 = vector.shape_cast %add3A_193 : vector<16xi32> to vector<16xi32>
      tpu.vector_store %arg7[%swap3A_194], %swap3A_197 {strides = array<i32>} : memref<384xi32, #tpu.memory_space<vmem>>, vector<16xi32>,
      %get3A_198 = arith.constant 304 : index
      %get3A_199 = tpu.vector_load %arg7[%get3A_198] {strides = array<i32>} : memref<384xi32, #tpu.memory_space<vmem>>, vector<16xi32>,
      %get3A_200 = vector.shape_cast %get3A_199 : vector<16xi32> to vector<16xi32>
      %add3A_201 = vector.broadcast %arg0 : i32 to vector<16xi32>
      %add3A_202 = arith.addi %get3A_200, %add3A_201 : vector<16xi32>
      %swap3A_203 = arith.constant 304 : index
      %swap3A_204 = tpu.vector_load %arg7[%swap3A_203] {strides = array<i32>} : memref<384xi32, #tpu.memory_space<vmem>>, vector<16xi32>,
      %swap3A_205 = vector.shape_cast %swap3A_204 : vector<16xi32> to vector<16xi32>
      %swap3A_206 = vector.shape_cast %add3A_202 : vector<16xi32> to vector<16xi32>
      tpu.vector_store %arg7[%swap3A_203], %swap3A_206 {strides = array<i32>} : memref<384xi32, #tpu.memory_space<vmem>>, vector<16xi32>,
      %get3A_207 = arith.constant 320 : index
      %get3A_208 = tpu.vector_load %arg7[%get3A_207] {strides = array<i32>} : memref<384xi32, #tpu.memory_space<vmem>>, vector<16xi32>,
      %get3A_209 = vector.shape_cast %get3A_208 : vector<16xi32> to vector<16xi32>
      %add3A_210 = vector.broadcast %arg0 : i32 to vector<16xi32>
      %add3A_211 = arith.addi %get3A_209, %add3A_210 : vector<16xi32>
      %swap3A_212 = arith.constant 320 : index
      %swap3A_213 = tpu.vector_load %arg7[%swap3A_212] {strides = array<i32>} : memref<384xi32, #tpu.memory_space<vmem>>, vector<16xi32>,
      %swap3A_214 = vector.shape_cast %swap3A_213 : vector<16xi32> to vector<16xi32>
      %swap3A_215 = vector.shape_cast %add3A_211 : vector<16xi32> to vector<16xi32>
      tpu.vector_store %arg7[%swap3A_212], %swap3A_215 {strides = array<i32>} : memref<384xi32, #tpu.memory_space<vmem>>, vector<16xi32>,
      %get3A_216 = arith.constant 336 : index
      %get3A_217 = tpu.vector_load %arg7[%get3A_216] {strides = array<i32>} : memref<384xi32, #tpu.memory_space<vmem>>, vector<16xi32>,
      %get3A_218 = vector.shape_cast %get3A_217 : vector<16xi32> to vector<16xi32>
      %add3A_219 = vector.broadcast %arg0 : i32 to vector<16xi32>
      %add3A_220 = arith.addi %get3A_218, %add3A_219 : vector<16xi32>
      %swap3A_221 = arith.constant 336 : index
      %swap3A_222 = tpu.vector_load %arg7[%swap3A_221] {strides = array<i32>} : memref<384xi32, #tpu.memory_space<vmem>>, vector<16xi32>,
      %swap3A_223 = vector.shape_cast %swap3A_222 : vector<16xi32> to vector<16xi32>
      %swap3A_224 = vector.shape_cast %add3A_220 : vector<16xi32> to vector<16xi32>
      tpu.vector_store %arg7[%swap3A_221], %swap3A_224 {strides = array<i32>} : memref<384xi32, #tpu.memory_space<vmem>>, vector<16xi32>,
      %get3A_225 = arith.constant 352 : index
      %get3A_226 = tpu.vector_load %arg7[%get3A_225] {strides = array<i32>} : memref<384xi32, #tpu.memory_space<vmem>>, vector<16xi32>,
      %get3A_227 = vector.shape_cast %get3A_226 : vector<16xi32> to vector<16xi32>
      %add3A_228 = vector.broadcast %arg0 : i32 to vector<16xi32>
      %add3A_229 = arith.addi %get3A_227, %add3A_228 : vector<16xi32>
      %swap3A_230 = arith.constant 352 : index
      %swap3A_231 = tpu.vector_load %arg7[%swap3A_230] {strides = array<i32>} : memref<384xi32, #tpu.memory_space<vmem>>, vector<16xi32>,
      %swap3A_232 = vector.shape_cast %swap3A_231 : vector<16xi32> to vector<16xi32>
      %swap3A_233 = vector.shape_cast %add3A_229 : vector<16xi32> to vector<16xi32>
      tpu.vector_store %arg7[%swap3A_230], %swap3A_233 {strides = array<i32>} : memref<384xi32, #tpu.memory_space<vmem>>, vector<16xi32>,
      %get3A_234 = arith.constant 368 : index
      %get3A_235 = tpu.vector_load %arg7[%get3A_234] {strides = array<i32>} : memref<384xi32, #tpu.memory_space<vmem>>, vector<16xi32>,
      %get3A_236 = vector.shape_cast %get3A_235 : vector<16xi32> to vector<16xi32>
      %add3A_237 = vector.broadcast %arg0 : i32 to vector<16xi32>
      %add3A_238 = arith.addi %get3A_236, %add3A_237 : vector<16xi32>
      %swap3A_239 = arith.constant 368 : index
      %swap3A_240 = tpu.vector_load %arg7[%swap3A_239] {strides = array<i32>} : memref<384xi32, #tpu.memory_space<vmem>>, vector<16xi32>,
      %swap3A_241 = vector.shape_cast %swap3A_240 : vector<16xi32> to vector<16xi32>
      %swap3A_242 = vector.shape_cast %add3A_238 : vector<16xi32> to vector<16xi32>
      tpu.vector_store %arg7[%swap3A_239], %swap3A_242 {strides = array<i32>} : memref<384xi32, #tpu.memory_space<vmem>>, vector<16xi32>,
      %dma_start3A = arith.constant 0 : i32
      %dma_start3A_243 = arith.constant 0 : i32
      %dma_start3A_244 = tpu.memref_slice %arg10[%dma_start3A, %dma_start3A_243] : memref<384x32xf32, #tpu.memory_space<vmem>> -> memref<128x32xf32, #tpu.memory_space<vmem>>
      %dma_start3A_245 = arith.constant 0 : i32
      %dma_start3A_246 = tpu.memref_slice %arg7[%dma_start3A_245] : memref<384xi32, #tpu.memory_space<vmem>> -> memref<128xi32, #tpu.memory_space<vmem>>
      %dma_start3A_247 = arith.constant 0 : i32
      %dma_start3A_248 = arith.constant 0 : i32
      %dma_start3A_249 = tpu.memref_slice %arg2[%dma_start3A_247, %dma_start3A_248] : memref<100000x32xf32, #tpu.memory_space<hbm>> -> memref<100000x32xf32, #tpu.memory_space<hbm>>
      tpu.enqueue_indirect_dma source(%dma_start3A_249 : memref<100000x32xf32, #tpu.memory_space<hbm>>) target(%dma_start3A_244 : memref<128x32xf32, #tpu.memory_space<vmem>>) offsets(%dma_start3A_246 : memref<128xi32, #tpu.memory_space<vmem>>) semaphore(%arg13 : memref<!tpu.dma_semaphore, #tpu.memory_space<semaphore_mem>>)
      %dma_start3A_250 = arith.constant 128 : i32
      %dma_start3A_251 = arith.constant 0 : i32
      %dma_start3A_252 = tpu.memref_slice %arg10[%dma_start3A_250, %dma_start3A_251] : memref<384x32xf32, #tpu.memory_space<vmem>> -> memref<128x32xf32, #tpu.memory_space<vmem>>
      %dma_start3A_253 = arith.constant 128 : i32
      %dma_start3A_254 = tpu.memref_slice %arg7[%dma_start3A_253] : memref<384xi32, #tpu.memory_space<vmem>> -> memref<128xi32, #tpu.memory_space<vmem>>
      %dma_start3A_255 = arith.constant 0 : i32
      %dma_start3A_256 = arith.constant 0 : i32
      %dma_start3A_257 = tpu.memref_slice %arg2[%dma_start3A_255, %dma_start3A_256] : memref<100000x32xf32, #tpu.memory_space<hbm>> -> memref<100000x32xf32, #tpu.memory_space<hbm>>
      tpu.enqueue_indirect_dma source(%dma_start3A_257 : memref<100000x32xf32, #tpu.memory_space<hbm>>) target(%dma_start3A_252 : memref<128x32xf32, #tpu.memory_space<vmem>>) offsets(%dma_start3A_254 : memref<128xi32, #tpu.memory_space<vmem>>) semaphore(%arg13 : memref<!tpu.dma_semaphore, #tpu.memory_space<semaphore_mem>>)
      %dma_start3A_258 = arith.constant 256 : i32
      %dma_start3A_259 = arith.constant 0 : i32
      %dma_start3A_260 = tpu.memref_slice %arg10[%dma_start3A_258, %dma_start3A_259] : memref<384x32xf32, #tpu.memory_space<vmem>> -> memref<128x32xf32, #tpu.memory_space<vmem>>
      %dma_start3A_261 = arith.constant 256 : i32
      %dma_start3A_262 = tpu.memref_slice %arg7[%dma_start3A_261] : memref<384xi32, #tpu.memory_space<vmem>> -> memref<128xi32, #tpu.memory_space<vmem>>
      %dma_start3A_263 = arith.constant 0 : i32
      %dma_start3A_264 = arith.constant 0 : i32
      %dma_start3A_265 = tpu.memref_slice %arg2[%dma_start3A_263, %dma_start3A_264] : memref<100000x32xf32, #tpu.memory_space<hbm>> -> memref<100000x32xf32, #tpu.memory_space<hbm>>
      tpu.enqueue_indirect_dma source(%dma_start3A_265 : memref<100000x32xf32, #tpu.memory_space<hbm>>) target(%dma_start3A_260 : memref<128x32xf32, #tpu.memory_space<vmem>>) offsets(%dma_start3A_262 : memref<128xi32, #tpu.memory_space<vmem>>) semaphore(%arg13 : memref<!tpu.dma_semaphore, #tpu.memory_space<semaphore_mem>>)
      %dma_wait3A_266 = arith.constant 0 : i32
      %dma_wait3A_267 = arith.constant 0 : i32
      %dma_wait3A_268 = tpu.memref_slice %arg10[%dma_wait3A_266, %dma_wait3A_267] : memref<384x32xf32, #tpu.memory_space<vmem>> -> memref<128x32xf32, #tpu.memory_space<vmem>>
      %dma_wait3A_269 = arith.constant 0 : i32
      %dma_wait3A_270 = tpu.memref_slice %arg7[%dma_wait3A_269] : memref<384xi32, #tpu.memory_space<vmem>> -> memref<128xi32, #tpu.memory_space<vmem>>
      %dma_wait3A_271 = arith.constant 0 : i32
      %dma_wait3A_272 = arith.constant 0 : i32
      %dma_wait3A_273 = tpu.memref_slice %arg2[%dma_wait3A_271, %dma_wait3A_272] : memref<100000x32xf32, #tpu.memory_space<hbm>> -> memref<100000x32xf32, #tpu.memory_space<hbm>>
      tpu.wait_indirect_dma semaphore(%arg13 : memref<!tpu.dma_semaphore, #tpu.memory_space<semaphore_mem>>) src(%dma_wait3A_273 : memref<100000x32xf32, #tpu.memory_space<hbm>>) dst(%dma_wait3A_268 : memref<128x32xf32, #tpu.memory_space<vmem>>)
      %dma_wait3A_274 = arith.constant 128 : i32
      %dma_wait3A_275 = arith.constant 0 : i32
      %dma_wait3A_276 = tpu.memref_slice %arg10[%dma_wait3A_274, %dma_wait3A_275] : memref<384x32xf32, #tpu.memory_space<vmem>> -> memref<128x32xf32, #tpu.memory_space<vmem>>
      %dma_wait3A_277 = arith.constant 128 : i32
      %dma_wait3A_278 = tpu.memref_slice %arg7[%dma_wait3A_277] : memref<384xi32, #tpu.memory_space<vmem>> -> memref<128xi32, #tpu.memory_space<vmem>>
      %dma_wait3A_279 = arith.constant 0 : i32
      %dma_wait3A_280 = arith.constant 0 : i32
      %dma_wait3A_281 = tpu.memref_slice %arg2[%dma_wait3A_279, %dma_wait3A_280] : memref<100000x32xf32, #tpu.memory_space<hbm>> -> memref<100000x32xf32, #tpu.memory_space<hbm>>
      tpu.wait_indirect_dma semaphore(%arg13 : memref<!tpu.dma_semaphore, #tpu.memory_space<semaphore_mem>>) src(%dma_wait3A_281 : memref<100000x32xf32, #tpu.memory_space<hbm>>) dst(%dma_wait3A_276 : memref<128x32xf32, #tpu.memory_space<vmem>>)
      %dma_wait3A_282 = arith.constant 256 : i32
      %dma_wait3A_283 = arith.constant 0 : i32
      %dma_wait3A_284 = tpu.memref_slice %arg10[%dma_wait3A_282, %dma_wait3A_283] : memref<384x32xf32, #tpu.memory_space<vmem>> -> memref<128x32xf32, #tpu.memory_space<vmem>>
      %dma_wait3A_285 = arith.constant 256 : i32
      %dma_wait3A_286 = tpu.memref_slice %arg7[%dma_wait3A_285] : memref<384xi32, #tpu.memory_space<vmem>> -> memref<128xi32, #tpu.memory_space<vmem>>
      %dma_wait3A_287 = arith.constant 0 : i32
      %dma_wait3A_288 = arith.constant 0 : i32
      %dma_wait3A_289 = tpu.memref_slice %arg2[%dma_wait3A_287, %dma_wait3A_288] : memref<100000x32xf32, #tpu.memory_space<hbm>> -> memref<100000x32xf32, #tpu.memory_space<hbm>>
      tpu.wait_indirect_dma semaphore(%arg13 : memref<!tpu.dma_semaphore, #tpu.memory_space<semaphore_mem>>) src(%dma_wait3A_289 : memref<100000x32xf32, #tpu.memory_space<hbm>>) dst(%dma_wait3A_284 : memref<128x32xf32, #tpu.memory_space<vmem>>)
      %dma_start3A_290 = arith.constant 0 : i32
      %dma_start3A_291 = arith.constant 0 : i32
      %dma_start3A_292 = arith.constant 0 : i32
      %dma_start3A_293 = tpu.memref_slice %arg10[%dma_start3A_291, %dma_start3A_292] : memref<384x32xf32, #tpu.memory_space<vmem>> -> memref<128x32xf32, #tpu.memory_space<vmem>>
      %dma_start3A_294 = arith.constant 0 : i32
      %dma_start3A_295 = tpu.memref_slice %arg8[%dma_start3A_290, %dma_start3A_294] : memref<3x128xi32, #tpu.memory_space<vmem>> -> memref<1x128xi32, #tpu.memory_space<vmem>>
      %dma_start3A_296 = tpu.memref_squeeze %dma_start3A_295 : memref<1x128xi32, #tpu.memory_space<vmem>> -> memref<128xi32, #tpu.memory_space<vmem>>
      %dma_start3A_297 = arith.constant 0 : i32
      %dma_start3A_298 = arith.constant 0 : i32
      %dma_start3A_299 = tpu.memref_slice %arg12[%dma_start3A_297, %dma_start3A_298] : memref<51200x32xf32, #tpu.memory_space<vmem_shared>> -> memref<51200x32xf32, #tpu.memory_space<vmem_shared>>
      tpu.enqueue_indirect_dma source(%dma_start3A_293 : memref<128x32xf32, #tpu.memory_space<vmem>>) target(%dma_start3A_299 : memref<51200x32xf32, #tpu.memory_space<vmem_shared>>) offsets(%dma_start3A_296 : memref<128xi32, #tpu.memory_space<vmem>>) semaphore(%arg14 : memref<!tpu.dma_semaphore, #tpu.memory_space<semaphore_mem>>) {add = true}
      %dma_start3A_300 = arith.constant 1 : i32
      %dma_start3A_301 = arith.constant 128 : i32
      %dma_start3A_302 = arith.constant 0 : i32
      %dma_start3A_303 = tpu.memref_slice %arg10[%dma_start3A_301, %dma_start3A_302] : memref<384x32xf32, #tpu.memory_space<vmem>> -> memref<128x32xf32, #tpu.memory_space<vmem>>
      %dma_start3A_304 = arith.constant 0 : i32
      %dma_start3A_305 = tpu.memref_slice %arg8[%dma_start3A_300, %dma_start3A_304] : memref<3x128xi32, #tpu.memory_space<vmem>> -> memref<1x128xi32, #tpu.memory_space<vmem>>
      %dma_start3A_306 = tpu.memref_squeeze %dma_start3A_305 : memref<1x128xi32, #tpu.memory_space<vmem>> -> memref<128xi32, #tpu.memory_space<vmem>>
      %dma_start3A_307 = arith.constant 0 : i32
      %dma_start3A_308 = arith.constant 0 : i32
      %dma_start3A_309 = tpu.memref_slice %arg12[%dma_start3A_307, %dma_start3A_308] : memref<51200x32xf32, #tpu.memory_space<vmem_shared>> -> memref<51200x32xf32, #tpu.memory_space<vmem_shared>>
      tpu.enqueue_indirect_dma source(%dma_start3A_303 : memref<128x32xf32, #tpu.memory_space<vmem>>) target(%dma_start3A_309 : memref<51200x32xf32, #tpu.memory_space<vmem_shared>>) offsets(%dma_start3A_306 : memref<128xi32, #tpu.memory_space<vmem>>) semaphore(%arg14 : memref<!tpu.dma_semaphore, #tpu.memory_space<semaphore_mem>>) {add = true}
      %dma_start3A_310 = arith.constant 2 : i32
      %dma_start3A_311 = arith.constant 256 : i32
      %dma_start3A_312 = arith.constant 0 : i32
      %dma_start3A_313 = tpu.memref_slice %arg10[%dma_start3A_311, %dma_start3A_312] : memref<384x32xf32, #tpu.memory_space<vmem>> -> memref<128x32xf32, #tpu.memory_space<vmem>>
      %dma_start3A_314 = arith.constant 0 : i32
      %dma_start3A_315 = tpu.memref_slice %arg8[%dma_start3A_310, %dma_start3A_314] : memref<3x128xi32, #tpu.memory_space<vmem>> -> memref<1x128xi32, #tpu.memory_space<vmem>>
      %dma_start3A_316 = tpu.memref_squeeze %dma_start3A_315 : memref<1x128xi32, #tpu.memory_space<vmem>> -> memref<128xi32, #tpu.memory_space<vmem>>
      %dma_start3A_317 = arith.constant 0 : i32
      %dma_start3A_318 = arith.constant 0 : i32
      %dma_start3A_319 = tpu.memref_slice %arg12[%dma_start3A_317, %dma_start3A_318] : memref<51200x32xf32, #tpu.memory_space<vmem_shared>> -> memref<51200x32xf32, #tpu.memory_space<vmem_shared>>
      tpu.enqueue_indirect_dma source(%dma_start3A_313 : memref<128x32xf32, #tpu.memory_space<vmem>>) target(%dma_start3A_319 : memref<51200x32xf32, #tpu.memory_space<vmem_shared>>) offsets(%dma_start3A_316 : memref<128xi32, #tpu.memory_space<vmem>>) semaphore(%arg14 : memref<!tpu.dma_semaphore, #tpu.memory_space<semaphore_mem>>) {add = true}
      %mul3A_320 = arith.constant 2 : i32
      %mul3A_321 = arith.muli %mul3A_320, %scan3A_18 : i32
      %add3A_322 = arith.constant 1 : i32
      %add3A_323 = arith.addi %mul3A_321, %add3A_322 : i32
      %ge3A_324 = arith.constant 1 : i32
      %ge3A_325 = arith.cmpi sge, %scan3A_18, %ge3A_324 : i32
      %convert_element_type3A_326 = arith.extui %ge3A_325 : i1 to i32
      %cond3A_327 = arith.constant 0 : i32
      %cond3A_328 = arith.cmpi ne, %convert_element_type3A_326, %cond3A_327 : i32
      scf.if %cond3A_328 {
        %dma_wait3A_630 = arith.constant 0 : i32
        %dma_wait3A_631 = arith.constant 0 : i32
        %dma_wait3A_632 = tpu.memref_slice %arg2[%dma_wait3A_630, %dma_wait3A_631] : memref<100000x32xf32, #tpu.memory_space<hbm>> -> memref<384x32xf32, #tpu.memory_space<hbm>>
        %dma_wait3A_633 = arith.constant 0 : i32
        %dma_wait3A_634 = arith.constant 0 : i32
        %dma_wait3A_635 = tpu.memref_slice %arg2[%dma_wait3A_633, %dma_wait3A_634] : memref<100000x32xf32, #tpu.memory_space<hbm>> -> memref<384x32xf32, #tpu.memory_space<hbm>>
        tpu.wait_dma2 semaphore(%arg14 : memref<!tpu.dma_semaphore, #tpu.memory_space<semaphore_mem>>) src(%dma_wait3A_635 : memref<384x32xf32, #tpu.memory_space<hbm>>) dst(%arg11 : memref<384x32xf32, #tpu.memory_space<vmem>>)
      } else {
      }
      %mul3A_329 = arith.constant 402 : i32
      %mul3A_330 = arith.muli %arg1, %mul3A_329 : i32
      %mul3A_331 = arith.constant 3 : i32
      %mul3A_332 = arith.muli %add3A_323, %mul3A_331 : i32
      %add3A_333 = arith.addi %mul3A_330, %mul3A_332 : i32
      %mul3A_334 = arith.constant 128 : i32
      %mul3A_335 = arith.muli %add3A_333, %mul3A_334 : i32
      "tpu.region"() ({
        %run_scoped3A = tpu.sem_alloc : memref<!tpu.dma_semaphore, #tpu.memory_space<semaphore_mem>>
        %dma_start3A_630 = tpu.memref_slice %arg3[%mul3A_335] : memref<823296xi32, #tpu.memory_space<hbm>> -> memref<384xi32, #tpu.memory_space<hbm>>
        %dma_start3A_631 = tpu.memref_slice %arg3[%mul3A_335] : memref<823296xi32, #tpu.memory_space<hbm>> -> memref<384xi32, #tpu.memory_space<hbm>>
        tpu.enqueue_dma source(%dma_start3A_631 : memref<384xi32, #tpu.memory_space<hbm>>) target(%arg7 : memref<384xi32, #tpu.memory_space<vmem>>) target_semaphore(%run_scoped3A : memref<!tpu.dma_semaphore, #tpu.memory_space<semaphore_mem>>)
        %dma_wait3A_632 = tpu.memref_slice %arg3[%mul3A_335] : memref<823296xi32, #tpu.memory_space<hbm>> -> memref<384xi32, #tpu.memory_space<hbm>>
        %dma_wait3A_633 = tpu.memref_slice %arg3[%mul3A_335] : memref<823296xi32, #tpu.memory_space<hbm>> -> memref<384xi32, #tpu.memory_space<hbm>>
        tpu.wait_dma2 semaphore(%run_scoped3A : memref<!tpu.dma_semaphore, #tpu.memory_space<semaphore_mem>>) src(%dma_wait3A_633 : memref<384xi32, #tpu.memory_space<hbm>>) dst(%arg7 : memref<384xi32, #tpu.memory_space<vmem>>)
        tpu.yield
      }) : () -> ()
      "tpu.region"() ({
        %run_scoped3A = tpu.sem_alloc : memref<!tpu.dma_semaphore, #tpu.memory_space<semaphore_mem>>
        %dma_start3A_630 = arith.constant 0 : i32
        %dma_start3A_631 = tpu.memref_slice %arg4[%add3A_333, %dma_start3A_630] : memref<6432x128xi32, #tpu.memory_space<hbm>> -> memref<3x128xi32, #tpu.memory_space<hbm>>
        %dma_start3A_632 = arith.constant 0 : i32
        %dma_start3A_633 = tpu.memref_slice %arg4[%add3A_333, %dma_start3A_632] : memref<6432x128xi32, #tpu.memory_space<hbm>> -> memref<3x128xi32, #tpu.memory_space<hbm>>
        tpu.enqueue_dma source(%dma_start3A_633 : memref<3x128xi32, #tpu.memory_space<hbm>>) target(%arg9 : memref<3x128xi32, #tpu.memory_space<vmem>>) target_semaphore(%run_scoped3A : memref<!tpu.dma_semaphore, #tpu.memory_space<semaphore_mem>>)
        %dma_wait3A_634 = arith.constant 0 : i32
        %dma_wait3A_635 = tpu.memref_slice %arg4[%add3A_333, %dma_wait3A_634] : memref<6432x128xi32, #tpu.memory_space<hbm>> -> memref<3x128xi32, #tpu.memory_space<hbm>>
        %dma_wait3A_636 = arith.constant 0 : i32
        %dma_wait3A_637 = tpu.memref_slice %arg4[%add3A_333, %dma_wait3A_636] : memref<6432x128xi32, #tpu.memory_space<hbm>> -> memref<3x128xi32, #tpu.memory_space<hbm>>
        tpu.wait_dma2 semaphore(%run_scoped3A : memref<!tpu.dma_semaphore, #tpu.memory_space<semaphore_mem>>) src(%dma_wait3A_637 : memref<3x128xi32, #tpu.memory_space<hbm>>) dst(%arg9 : memref<3x128xi32, #tpu.memory_space<vmem>>)
        tpu.yield
      }) : () -> ()
      %get3A_336 = arith.constant 0 : index
      %get3A_337 = tpu.vector_load %arg7[%get3A_336] {strides = array<i32>} : memref<384xi32, #tpu.memory_space<vmem>>, vector<16xi32>,
      %get3A_338 = vector.shape_cast %get3A_337 : vector<16xi32> to vector<16xi32>
      %add3A_339 = vector.broadcast %arg0 : i32 to vector<16xi32>
      %add3A_340 = arith.addi %get3A_338, %add3A_339 : vector<16xi32>
      %swap3A_341 = arith.constant 0 : index
      %swap3A_342 = tpu.vector_load %arg7[%swap3A_341] {strides = array<i32>} : memref<384xi32, #tpu.memory_space<vmem>>, vector<16xi32>,
      %swap3A_343 = vector.shape_cast %swap3A_342 : vector<16xi32> to vector<16xi32>
      %swap3A_344 = vector.shape_cast %add3A_340 : vector<16xi32> to vector<16xi32>
      tpu.vector_store %arg7[%swap3A_341], %swap3A_344 {strides = array<i32>} : memref<384xi32, #tpu.memory_space<vmem>>, vector<16xi32>,
      %get3A_345 = arith.constant 16 : index
      %get3A_346 = tpu.vector_load %arg7[%get3A_345] {strides = array<i32>} : memref<384xi32, #tpu.memory_space<vmem>>, vector<16xi32>,
      %get3A_347 = vector.shape_cast %get3A_346 : vector<16xi32> to vector<16xi32>
      %add3A_348 = vector.broadcast %arg0 : i32 to vector<16xi32>
      %add3A_349 = arith.addi %get3A_347, %add3A_348 : vector<16xi32>
      %swap3A_350 = arith.constant 16 : index
      %swap3A_351 = tpu.vector_load %arg7[%swap3A_350] {strides = array<i32>} : memref<384xi32, #tpu.memory_space<vmem>>, vector<16xi32>,
      %swap3A_352 = vector.shape_cast %swap3A_351 : vector<16xi32> to vector<16xi32>
      %swap3A_353 = vector.shape_cast %add3A_349 : vector<16xi32> to vector<16xi32>
      tpu.vector_store %arg7[%swap3A_350], %swap3A_353 {strides = array<i32>} : memref<384xi32, #tpu.memory_space<vmem>>, vector<16xi32>,
      %get3A_354 = arith.constant 32 : index
      %get3A_355 = tpu.vector_load %arg7[%get3A_354] {strides = array<i32>} : memref<384xi32, #tpu.memory_space<vmem>>, vector<16xi32>,
      %get3A_356 = vector.shape_cast %get3A_355 : vector<16xi32> to vector<16xi32>
      %add3A_357 = vector.broadcast %arg0 : i32 to vector<16xi32>
      %add3A_358 = arith.addi %get3A_356, %add3A_357 : vector<16xi32>
      %swap3A_359 = arith.constant 32 : index
      %swap3A_360 = tpu.vector_load %arg7[%swap3A_359] {strides = array<i32>} : memref<384xi32, #tpu.memory_space<vmem>>, vector<16xi32>,
      %swap3A_361 = vector.shape_cast %swap3A_360 : vector<16xi32> to vector<16xi32>
      %swap3A_362 = vector.shape_cast %add3A_358 : vector<16xi32> to vector<16xi32>
      tpu.vector_store %arg7[%swap3A_359], %swap3A_362 {strides = array<i32>} : memref<384xi32, #tpu.memory_space<vmem>>, vector<16xi32>,
      %get3A_363 = arith.constant 48 : index
      %get3A_364 = tpu.vector_load %arg7[%get3A_363] {strides = array<i32>} : memref<384xi32, #tpu.memory_space<vmem>>, vector<16xi32>,
      %get3A_365 = vector.shape_cast %get3A_364 : vector<16xi32> to vector<16xi32>
      %add3A_366 = vector.broadcast %arg0 : i32 to vector<16xi32>
      %add3A_367 = arith.addi %get3A_365, %add3A_366 : vector<16xi32>
      %swap3A_368 = arith.constant 48 : index
      %swap3A_369 = tpu.vector_load %arg7[%swap3A_368] {strides = array<i32>} : memref<384xi32, #tpu.memory_space<vmem>>, vector<16xi32>,
      %swap3A_370 = vector.shape_cast %swap3A_369 : vector<16xi32> to vector<16xi32>
      %swap3A_371 = vector.shape_cast %add3A_367 : vector<16xi32> to vector<16xi32>
      tpu.vector_store %arg7[%swap3A_368], %swap3A_371 {strides = array<i32>} : memref<384xi32, #tpu.memory_space<vmem>>, vector<16xi32>,
      %get3A_372 = arith.constant 64 : index
      %get3A_373 = tpu.vector_load %arg7[%get3A_372] {strides = array<i32>} : memref<384xi32, #tpu.memory_space<vmem>>, vector<16xi32>,
      %get3A_374 = vector.shape_cast %get3A_373 : vector<16xi32> to vector<16xi32>
      %add3A_375 = vector.broadcast %arg0 : i32 to vector<16xi32>
      %add3A_376 = arith.addi %get3A_374, %add3A_375 : vector<16xi32>
      %swap3A_377 = arith.constant 64 : index
      %swap3A_378 = tpu.vector_load %arg7[%swap3A_377] {strides = array<i32>} : memref<384xi32, #tpu.memory_space<vmem>>, vector<16xi32>,
      %swap3A_379 = vector.shape_cast %swap3A_378 : vector<16xi32> to vector<16xi32>
      %swap3A_380 = vector.shape_cast %add3A_376 : vector<16xi32> to vector<16xi32>
      tpu.vector_store %arg7[%swap3A_377], %swap3A_380 {strides = array<i32>} : memref<384xi32, #tpu.memory_space<vmem>>, vector<16xi32>,
      %get3A_381 = arith.constant 80 : index
      %get3A_382 = tpu.vector_load %arg7[%get3A_381] {strides = array<i32>} : memref<384xi32, #tpu.memory_space<vmem>>, vector<16xi32>,
      %get3A_383 = vector.shape_cast %get3A_382 : vector<16xi32> to vector<16xi32>
      %add3A_384 = vector.broadcast %arg0 : i32 to vector<16xi32>
      %add3A_385 = arith.addi %get3A_383, %add3A_384 : vector<16xi32>
      %swap3A_386 = arith.constant 80 : index
      %swap3A_387 = tpu.vector_load %arg7[%swap3A_386] {strides = array<i32>} : memref<384xi32, #tpu.memory_space<vmem>>, vector<16xi32>,
      %swap3A_388 = vector.shape_cast %swap3A_387 : vector<16xi32> to vector<16xi32>
      %swap3A_389 = vector.shape_cast %add3A_385 : vector<16xi32> to vector<16xi32>
      tpu.vector_store %arg7[%swap3A_386], %swap3A_389 {strides = array<i32>} : memref<384xi32, #tpu.memory_space<vmem>>, vector<16xi32>,
      %get3A_390 = arith.constant 96 : index
      %get3A_391 = tpu.vector_load %arg7[%get3A_390] {strides = array<i32>} : memref<384xi32, #tpu.memory_space<vmem>>, vector<16xi32>,
      %get3A_392 = vector.shape_cast %get3A_391 : vector<16xi32> to vector<16xi32>
      %add3A_393 = vector.broadcast %arg0 : i32 to vector<16xi32>
      %add3A_394 = arith.addi %get3A_392, %add3A_393 : vector<16xi32>
      %swap3A_395 = arith.constant 96 : index
      %swap3A_396 = tpu.vector_load %arg7[%swap3A_395] {strides = array<i32>} : memref<384xi32, #tpu.memory_space<vmem>>, vector<16xi32>,
      %swap3A_397 = vector.shape_cast %swap3A_396 : vector<16xi32> to vector<16xi32>
      %swap3A_398 = vector.shape_cast %add3A_394 : vector<16xi32> to vector<16xi32>
      tpu.vector_store %arg7[%swap3A_395], %swap3A_398 {strides = array<i32>} : memref<384xi32, #tpu.memory_space<vmem>>, vector<16xi32>,
      %get3A_399 = arith.constant 112 : index
      %get3A_400 = tpu.vector_load %arg7[%get3A_399] {strides = array<i32>} : memref<384xi32, #tpu.memory_space<vmem>>, vector<16xi32>,
      %get3A_401 = vector.shape_cast %get3A_400 : vector<16xi32> to vector<16xi32>
      %add3A_402 = vector.broadcast %arg0 : i32 to vector<16xi32>
      %add3A_403 = arith.addi %get3A_401, %add3A_402 : vector<16xi32>
      %swap3A_404 = arith.constant 112 : index
      %swap3A_405 = tpu.vector_load %arg7[%swap3A_404] {strides = array<i32>} : memref<384xi32, #tpu.memory_space<vmem>>, vector<16xi32>,
      %swap3A_406 = vector.shape_cast %swap3A_405 : vector<16xi32> to vector<16xi32>
      %swap3A_407 = vector.shape_cast %add3A_403 : vector<16xi32> to vector<16xi32>
      tpu.vector_store %arg7[%swap3A_404], %swap3A_407 {strides = array<i32>} : memref<384xi32, #tpu.memory_space<vmem>>, vector<16xi32>,
      %get3A_408 = arith.constant 128 : index
      %get3A_409 = tpu.vector_load %arg7[%get3A_408] {strides = array<i32>} : memref<384xi32, #tpu.memory_space<vmem>>, vector<16xi32>,
      %get3A_410 = vector.shape_cast %get3A_409 : vector<16xi32> to vector<16xi32>
      %add3A_411 = vector.broadcast %arg0 : i32 to vector<16xi32>
      %add3A_412 = arith.addi %get3A_410, %add3A_411 : vector<16xi32>
      %swap3A_413 = arith.constant 128 : index
      %swap3A_414 = tpu.vector_load %arg7[%swap3A_413] {strides = array<i32>} : memref<384xi32, #tpu.memory_space<vmem>>, vector<16xi32>,
      %swap3A_415 = vector.shape_cast %swap3A_414 : vector<16xi32> to vector<16xi32>
      %swap3A_416 = vector.shape_cast %add3A_412 : vector<16xi32> to vector<16xi32>
      tpu.vector_store %arg7[%swap3A_413], %swap3A_416 {strides = array<i32>} : memref<384xi32, #tpu.memory_space<vmem>>, vector<16xi32>,
      %get3A_417 = arith.constant 144 : index
      %get3A_418 = tpu.vector_load %arg7[%get3A_417] {strides = array<i32>} : memref<384xi32, #tpu.memory_space<vmem>>, vector<16xi32>,
      %get3A_419 = vector.shape_cast %get3A_418 : vector<16xi32> to vector<16xi32>
      %add3A_420 = vector.broadcast %arg0 : i32 to vector<16xi32>
      %add3A_421 = arith.addi %get3A_419, %add3A_420 : vector<16xi32>
      %swap3A_422 = arith.constant 144 : index
      %swap3A_423 = tpu.vector_load %arg7[%swap3A_422] {strides = array<i32>} : memref<384xi32, #tpu.memory_space<vmem>>, vector<16xi32>,
      %swap3A_424 = vector.shape_cast %swap3A_423 : vector<16xi32> to vector<16xi32>
      %swap3A_425 = vector.shape_cast %add3A_421 : vector<16xi32> to vector<16xi32>
      tpu.vector_store %arg7[%swap3A_422], %swap3A_425 {strides = array<i32>} : memref<384xi32, #tpu.memory_space<vmem>>, vector<16xi32>,
      %get3A_426 = arith.constant 160 : index
      %get3A_427 = tpu.vector_load %arg7[%get3A_426] {strides = array<i32>} : memref<384xi32, #tpu.memory_space<vmem>>, vector<16xi32>,
      %get3A_428 = vector.shape_cast %get3A_427 : vector<16xi32> to vector<16xi32>
      %add3A_429 = vector.broadcast %arg0 : i32 to vector<16xi32>
      %add3A_430 = arith.addi %get3A_428, %add3A_429 : vector<16xi32>
      %swap3A_431 = arith.constant 160 : index
      %swap3A_432 = tpu.vector_load %arg7[%swap3A_431] {strides = array<i32>} : memref<384xi32, #tpu.memory_space<vmem>>, vector<16xi32>,
      %swap3A_433 = vector.shape_cast %swap3A_432 : vector<16xi32> to vector<16xi32>
      %swap3A_434 = vector.shape_cast %add3A_430 : vector<16xi32> to vector<16xi32>
      tpu.vector_store %arg7[%swap3A_431], %swap3A_434 {strides = array<i32>} : memref<384xi32, #tpu.memory_space<vmem>>, vector<16xi32>,
      %get3A_435 = arith.constant 176 : index
      %get3A_436 = tpu.vector_load %arg7[%get3A_435] {strides = array<i32>} : memref<384xi32, #tpu.memory_space<vmem>>, vector<16xi32>,
      %get3A_437 = vector.shape_cast %get3A_436 : vector<16xi32> to vector<16xi32>
      %add3A_438 = vector.broadcast %arg0 : i32 to vector<16xi32>
      %add3A_439 = arith.addi %get3A_437, %add3A_438 : vector<16xi32>
      %swap3A_440 = arith.constant 176 : index
      %swap3A_441 = tpu.vector_load %arg7[%swap3A_440] {strides = array<i32>} : memref<384xi32, #tpu.memory_space<vmem>>, vector<16xi32>,
      %swap3A_442 = vector.shape_cast %swap3A_441 : vector<16xi32> to vector<16xi32>
      %swap3A_443 = vector.shape_cast %add3A_439 : vector<16xi32> to vector<16xi32>
      tpu.vector_store %arg7[%swap3A_440], %swap3A_443 {strides = array<i32>} : memref<384xi32, #tpu.memory_space<vmem>>, vector<16xi32>,
      %get3A_444 = arith.constant 192 : index
      %get3A_445 = tpu.vector_load %arg7[%get3A_444] {strides = array<i32>} : memref<384xi32, #tpu.memory_space<vmem>>, vector<16xi32>,
      %get3A_446 = vector.shape_cast %get3A_445 : vector<16xi32> to vector<16xi32>
      %add3A_447 = vector.broadcast %arg0 : i32 to vector<16xi32>
      %add3A_448 = arith.addi %get3A_446, %add3A_447 : vector<16xi32>
      %swap3A_449 = arith.constant 192 : index
      %swap3A_450 = tpu.vector_load %arg7[%swap3A_449] {strides = array<i32>} : memref<384xi32, #tpu.memory_space<vmem>>, vector<16xi32>,
      %swap3A_451 = vector.shape_cast %swap3A_450 : vector<16xi32> to vector<16xi32>
      %swap3A_452 = vector.shape_cast %add3A_448 : vector<16xi32> to vector<16xi32>
      tpu.vector_store %arg7[%swap3A_449], %swap3A_452 {strides = array<i32>} : memref<384xi32, #tpu.memory_space<vmem>>, vector<16xi32>,
      %get3A_453 = arith.constant 208 : index
      %get3A_454 = tpu.vector_load %arg7[%get3A_453] {strides = array<i32>} : memref<384xi32, #tpu.memory_space<vmem>>, vector<16xi32>,
      %get3A_455 = vector.shape_cast %get3A_454 : vector<16xi32> to vector<16xi32>
      %add3A_456 = vector.broadcast %arg0 : i32 to vector<16xi32>
      %add3A_457 = arith.addi %get3A_455, %add3A_456 : vector<16xi32>
      %swap3A_458 = arith.constant 208 : index
      %swap3A_459 = tpu.vector_load %arg7[%swap3A_458] {strides = array<i32>} : memref<384xi32, #tpu.memory_space<vmem>>, vector<16xi32>,
      %swap3A_460 = vector.shape_cast %swap3A_459 : vector<16xi32> to vector<16xi32>
      %swap3A_461 = vector.shape_cast %add3A_457 : vector<16xi32> to vector<16xi32>
      tpu.vector_store %arg7[%swap3A_458], %swap3A_461 {strides = array<i32>} : memref<384xi32, #tpu.memory_space<vmem>>, vector<16xi32>,
      %get3A_462 = arith.constant 224 : index
      %get3A_463 = tpu.vector_load %arg7[%get3A_462] {strides = array<i32>} : memref<384xi32, #tpu.memory_space<vmem>>, vector<16xi32>,
      %get3A_464 = vector.shape_cast %get3A_463 : vector<16xi32> to vector<16xi32>
      %add3A_465 = vector.broadcast %arg0 : i32 to vector<16xi32>
      %add3A_466 = arith.addi %get3A_464, %add3A_465 : vector<16xi32>
      %swap3A_467 = arith.constant 224 : index
      %swap3A_468 = tpu.vector_load %arg7[%swap3A_467] {strides = array<i32>} : memref<384xi32, #tpu.memory_space<vmem>>, vector<16xi32>,
      %swap3A_469 = vector.shape_cast %swap3A_468 : vector<16xi32> to vector<16xi32>
      %swap3A_470 = vector.shape_cast %add3A_466 : vector<16xi32> to vector<16xi32>
      tpu.vector_store %arg7[%swap3A_467], %swap3A_470 {strides = array<i32>} : memref<384xi32, #tpu.memory_space<vmem>>, vector<16xi32>,
      %get3A_471 = arith.constant 240 : index
      %get3A_472 = tpu.vector_load %arg7[%get3A_471] {strides = array<i32>} : memref<384xi32, #tpu.memory_space<vmem>>, vector<16xi32>,
      %get3A_473 = vector.shape_cast %get3A_472 : vector<16xi32> to vector<16xi32>
      %add3A_474 = vector.broadcast %arg0 : i32 to vector<16xi32>
      %add3A_475 = arith.addi %get3A_473, %add3A_474 : vector<16xi32>
      %swap3A_476 = arith.constant 240 : index
      %swap3A_477 = tpu.vector_load %arg7[%swap3A_476] {strides = array<i32>} : memref<384xi32, #tpu.memory_space<vmem>>, vector<16xi32>,
      %swap3A_478 = vector.shape_cast %swap3A_477 : vector<16xi32> to vector<16xi32>
      %swap3A_479 = vector.shape_cast %add3A_475 : vector<16xi32> to vector<16xi32>
      tpu.vector_store %arg7[%swap3A_476], %swap3A_479 {strides = array<i32>} : memref<384xi32, #tpu.memory_space<vmem>>, vector<16xi32>,
      %get3A_480 = arith.constant 256 : index
      %get3A_481 = tpu.vector_load %arg7[%get3A_480] {strides = array<i32>} : memref<384xi32, #tpu.memory_space<vmem>>, vector<16xi32>,
      %get3A_482 = vector.shape_cast %get3A_481 : vector<16xi32> to vector<16xi32>
      %add3A_483 = vector.broadcast %arg0 : i32 to vector<16xi32>
      %add3A_484 = arith.addi %get3A_482, %add3A_483 : vector<16xi32>
      %swap3A_485 = arith.constant 256 : index
      %swap3A_486 = tpu.vector_load %arg7[%swap3A_485] {strides = array<i32>} : memref<384xi32, #tpu.memory_space<vmem>>, vector<16xi32>,
      %swap3A_487 = vector.shape_cast %swap3A_486 : vector<16xi32> to vector<16xi32>
      %swap3A_488 = vector.shape_cast %add3A_484 : vector<16xi32> to vector<16xi32>
      tpu.vector_store %arg7[%swap3A_485], %swap3A_488 {strides = array<i32>} : memref<384xi32, #tpu.memory_space<vmem>>, vector<16xi32>,
      %get3A_489 = arith.constant 272 : index
      %get3A_490 = tpu.vector_load %arg7[%get3A_489] {strides = array<i32>} : memref<384xi32, #tpu.memory_space<vmem>>, vector<16xi32>,
      %get3A_491 = vector.shape_cast %get3A_490 : vector<16xi32> to vector<16xi32>
      %add3A_492 = vector.broadcast %arg0 : i32 to vector<16xi32>
      %add3A_493 = arith.addi %get3A_491, %add3A_492 : vector<16xi32>
      %swap3A_494 = arith.constant 272 : index
      %swap3A_495 = tpu.vector_load %arg7[%swap3A_494] {strides = array<i32>} : memref<384xi32, #tpu.memory_space<vmem>>, vector<16xi32>,
      %swap3A_496 = vector.shape_cast %swap3A_495 : vector<16xi32> to vector<16xi32>
      %swap3A_497 = vector.shape_cast %add3A_493 : vector<16xi32> to vector<16xi32>
      tpu.vector_store %arg7[%swap3A_494], %swap3A_497 {strides = array<i32>} : memref<384xi32, #tpu.memory_space<vmem>>, vector<16xi32>,
      %get3A_498 = arith.constant 288 : index
      %get3A_499 = tpu.vector_load %arg7[%get3A_498] {strides = array<i32>} : memref<384xi32, #tpu.memory_space<vmem>>, vector<16xi32>,
      %get3A_500 = vector.shape_cast %get3A_499 : vector<16xi32> to vector<16xi32>
      %add3A_501 = vector.broadcast %arg0 : i32 to vector<16xi32>
      %add3A_502 = arith.addi %get3A_500, %add3A_501 : vector<16xi32>
      %swap3A_503 = arith.constant 288 : index
      %swap3A_504 = tpu.vector_load %arg7[%swap3A_503] {strides = array<i32>} : memref<384xi32, #tpu.memory_space<vmem>>, vector<16xi32>,
      %swap3A_505 = vector.shape_cast %swap3A_504 : vector<16xi32> to vector<16xi32>
      %swap3A_506 = vector.shape_cast %add3A_502 : vector<16xi32> to vector<16xi32>
      tpu.vector_store %arg7[%swap3A_503], %swap3A_506 {strides = array<i32>} : memref<384xi32, #tpu.memory_space<vmem>>, vector<16xi32>,
      %get3A_507 = arith.constant 304 : index
      %get3A_508 = tpu.vector_load %arg7[%get3A_507] {strides = array<i32>} : memref<384xi32, #tpu.memory_space<vmem>>, vector<16xi32>,
      %get3A_509 = vector.shape_cast %get3A_508 : vector<16xi32> to vector<16xi32>
      %add3A_510 = vector.broadcast %arg0 : i32 to vector<16xi32>
      %add3A_511 = arith.addi %get3A_509, %add3A_510 : vector<16xi32>
      %swap3A_512 = arith.constant 304 : index
      %swap3A_513 = tpu.vector_load %arg7[%swap3A_512] {strides = array<i32>} : memref<384xi32, #tpu.memory_space<vmem>>, vector<16xi32>,
      %swap3A_514 = vector.shape_cast %swap3A_513 : vector<16xi32> to vector<16xi32>
      %swap3A_515 = vector.shape_cast %add3A_511 : vector<16xi32> to vector<16xi32>
      tpu.vector_store %arg7[%swap3A_512], %swap3A_515 {strides = array<i32>} : memref<384xi32, #tpu.memory_space<vmem>>, vector<16xi32>,
      %get3A_516 = arith.constant 320 : index
      %get3A_517 = tpu.vector_load %arg7[%get3A_516] {strides = array<i32>} : memref<384xi32, #tpu.memory_space<vmem>>, vector<16xi32>,
      %get3A_518 = vector.shape_cast %get3A_517 : vector<16xi32> to vector<16xi32>
      %add3A_519 = vector.broadcast %arg0 : i32 to vector<16xi32>
      %add3A_520 = arith.addi %get3A_518, %add3A_519 : vector<16xi32>
      %swap3A_521 = arith.constant 320 : index
      %swap3A_522 = tpu.vector_load %arg7[%swap3A_521] {strides = array<i32>} : memref<384xi32, #tpu.memory_space<vmem>>, vector<16xi32>,
      %swap3A_523 = vector.shape_cast %swap3A_522 : vector<16xi32> to vector<16xi32>
      %swap3A_524 = vector.shape_cast %add3A_520 : vector<16xi32> to vector<16xi32>
      tpu.vector_store %arg7[%swap3A_521], %swap3A_524 {strides = array<i32>} : memref<384xi32, #tpu.memory_space<vmem>>, vector<16xi32>,
      %get3A_525 = arith.constant 336 : index
      %get3A_526 = tpu.vector_load %arg7[%get3A_525] {strides = array<i32>} : memref<384xi32, #tpu.memory_space<vmem>>, vector<16xi32>,
      %get3A_527 = vector.shape_cast %get3A_526 : vector<16xi32> to vector<16xi32>
      %add3A_528 = vector.broadcast %arg0 : i32 to vector<16xi32>
      %add3A_529 = arith.addi %get3A_527, %add3A_528 : vector<16xi32>
      %swap3A_530 = arith.constant 336 : index
      %swap3A_531 = tpu.vector_load %arg7[%swap3A_530] {strides = array<i32>} : memref<384xi32, #tpu.memory_space<vmem>>, vector<16xi32>,
      %swap3A_532 = vector.shape_cast %swap3A_531 : vector<16xi32> to vector<16xi32>
      %swap3A_533 = vector.shape_cast %add3A_529 : vector<16xi32> to vector<16xi32>
      tpu.vector_store %arg7[%swap3A_530], %swap3A_533 {strides = array<i32>} : memref<384xi32, #tpu.memory_space<vmem>>, vector<16xi32>,
      %get3A_534 = arith.constant 352 : index
      %get3A_535 = tpu.vector_load %arg7[%get3A_534] {strides = array<i32>} : memref<384xi32, #tpu.memory_space<vmem>>, vector<16xi32>,
      %get3A_536 = vector.shape_cast %get3A_535 : vector<16xi32> to vector<16xi32>
      %add3A_537 = vector.broadcast %arg0 : i32 to vector<16xi32>
      %add3A_538 = arith.addi %get3A_536, %add3A_537 : vector<16xi32>
      %swap3A_539 = arith.constant 352 : index
      %swap3A_540 = tpu.vector_load %arg7[%swap3A_539] {strides = array<i32>} : memref<384xi32, #tpu.memory_space<vmem>>, vector<16xi32>,
      %swap3A_541 = vector.shape_cast %swap3A_540 : vector<16xi32> to vector<16xi32>
      %swap3A_542 = vector.shape_cast %add3A_538 : vector<16xi32> to vector<16xi32>
      tpu.vector_store %arg7[%swap3A_539], %swap3A_542 {strides = array<i32>} : memref<384xi32, #tpu.memory_space<vmem>>, vector<16xi32>,
      %get3A_543 = arith.constant 368 : index
      %get3A_544 = tpu.vector_load %arg7[%get3A_543] {strides = array<i32>} : memref<384xi32, #tpu.memory_space<vmem>>, vector<16xi32>,
      %get3A_545 = vector.shape_cast %get3A_544 : vector<16xi32> to vector<16xi32>
      %add3A_546 = vector.broadcast %arg0 : i32 to vector<16xi32>
      %add3A_547 = arith.addi %get3A_545, %add3A_546 : vector<16xi32>
      %swap3A_548 = arith.constant 368 : index
      %swap3A_549 = tpu.vector_load %arg7[%swap3A_548] {strides = array<i32>} : memref<384xi32, #tpu.memory_space<vmem>>, vector<16xi32>,
      %swap3A_550 = vector.shape_cast %swap3A_549 : vector<16xi32> to vector<16xi32>
      %swap3A_551 = vector.shape_cast %add3A_547 : vector<16xi32> to vector<16xi32>
      tpu.vector_store %arg7[%swap3A_548], %swap3A_551 {strides = array<i32>} : memref<384xi32, #tpu.memory_space<vmem>>, vector<16xi32>,
      %dma_start3A_552 = arith.constant 0 : i32
      %dma_start3A_553 = arith.constant 0 : i32
      %dma_start3A_554 = tpu.memref_slice %arg11[%dma_start3A_552, %dma_start3A_553] : memref<384x32xf32, #tpu.memory_space<vmem>> -> memref<128x32xf32, #tpu.memory_space<vmem>>
      %dma_start3A_555 = arith.constant 0 : i32
      %dma_start3A_556 = tpu.memref_slice %arg7[%dma_start3A_555] : memref<384xi32, #tpu.memory_space<vmem>> -> memref<128xi32, #tpu.memory_space<vmem>>
      %dma_start3A_557 = arith.constant 0 : i32
      %dma_start3A_558 = arith.constant 0 : i32
      %dma_start3A_559 = tpu.memref_slice %arg2[%dma_start3A_557, %dma_start3A_558] : memref<100000x32xf32, #tpu.memory_space<hbm>> -> memref<100000x32xf32, #tpu.memory_space<hbm>>
      tpu.enqueue_indirect_dma source(%dma_start3A_559 : memref<100000x32xf32, #tpu.memory_space<hbm>>) target(%dma_start3A_554 : memref<128x32xf32, #tpu.memory_space<vmem>>) offsets(%dma_start3A_556 : memref<128xi32, #tpu.memory_space<vmem>>) semaphore(%arg13 : memref<!tpu.dma_semaphore, #tpu.memory_space<semaphore_mem>>)
      %dma_start3A_560 = arith.constant 128 : i32
      %dma_start3A_561 = arith.constant 0 : i32
      %dma_start3A_562 = tpu.memref_slice %arg11[%dma_start3A_560, %dma_start3A_561] : memref<384x32xf32, #tpu.memory_space<vmem>> -> memref<128x32xf32, #tpu.memory_space<vmem>>
      %dma_start3A_563 = arith.constant 128 : i32
      %dma_start3A_564 = tpu.memref_slice %arg7[%dma_start3A_563] : memref<384xi32, #tpu.memory_space<vmem>> -> memref<128xi32, #tpu.memory_space<vmem>>
      %dma_start3A_565 = arith.constant 0 : i32
      %dma_start3A_566 = arith.constant 0 : i32
      %dma_start3A_567 = tpu.memref_slice %arg2[%dma_start3A_565, %dma_start3A_566] : memref<100000x32xf32, #tpu.memory_space<hbm>> -> memref<100000x32xf32, #tpu.memory_space<hbm>>
      tpu.enqueue_indirect_dma source(%dma_start3A_567 : memref<100000x32xf32, #tpu.memory_space<hbm>>) target(%dma_start3A_562 : memref<128x32xf32, #tpu.memory_space<vmem>>) offsets(%dma_start3A_564 : memref<128xi32, #tpu.memory_space<vmem>>) semaphore(%arg13 : memref<!tpu.dma_semaphore, #tpu.memory_space<semaphore_mem>>)
      %dma_start3A_568 = arith.constant 256 : i32
      %dma_start3A_569 = arith.constant 0 : i32
      %dma_start3A_570 = tpu.memref_slice %arg11[%dma_start3A_568, %dma_start3A_569] : memref<384x32xf32, #tpu.memory_space<vmem>> -> memref<128x32xf32, #tpu.memory_space<vmem>>
      %dma_start3A_571 = arith.constant 256 : i32
      %dma_start3A_572 = tpu.memref_slice %arg7[%dma_start3A_571] : memref<384xi32, #tpu.memory_space<vmem>> -> memref<128xi32, #tpu.memory_space<vmem>>
      %dma_start3A_573 = arith.constant 0 : i32
      %dma_start3A_574 = arith.constant 0 : i32
      %dma_start3A_575 = tpu.memref_slice %arg2[%dma_start3A_573, %dma_start3A_574] : memref<100000x32xf32, #tpu.memory_space<hbm>> -> memref<100000x32xf32, #tpu.memory_space<hbm>>
      tpu.enqueue_indirect_dma source(%dma_start3A_575 : memref<100000x32xf32, #tpu.memory_space<hbm>>) target(%dma_start3A_570 : memref<128x32xf32, #tpu.memory_space<vmem>>) offsets(%dma_start3A_572 : memref<128xi32, #tpu.memory_space<vmem>>) semaphore(%arg13 : memref<!tpu.dma_semaphore, #tpu.memory_space<semaphore_mem>>)
      %dma_wait3A_576 = arith.constant 0 : i32
      %dma_wait3A_577 = arith.constant 0 : i32
      %dma_wait3A_578 = tpu.memref_slice %arg11[%dma_wait3A_576, %dma_wait3A_577] : memref<384x32xf32, #tpu.memory_space<vmem>> -> memref<128x32xf32, #tpu.memory_space<vmem>>
      %dma_wait3A_579 = arith.constant 0 : i32
      %dma_wait3A_580 = tpu.memref_slice %arg7[%dma_wait3A_579] : memref<384xi32, #tpu.memory_space<vmem>> -> memref<128xi32, #tpu.memory_space<vmem>>
      %dma_wait3A_581 = arith.constant 0 : i32
      %dma_wait3A_582 = arith.constant 0 : i32
      %dma_wait3A_583 = tpu.memref_slice %arg2[%dma_wait3A_581, %dma_wait3A_582] : memref<100000x32xf32, #tpu.memory_space<hbm>> -> memref<100000x32xf32, #tpu.memory_space<hbm>>
      tpu.wait_indirect_dma semaphore(%arg13 : memref<!tpu.dma_semaphore, #tpu.memory_space<semaphore_mem>>) src(%dma_wait3A_583 : memref<100000x32xf32, #tpu.memory_space<hbm>>) dst(%dma_wait3A_578 : memref<128x32xf32, #tpu.memory_space<vmem>>)
      %dma_wait3A_584 = arith.constant 128 : i32
      %dma_wait3A_585 = arith.constant 0 : i32
      %dma_wait3A_586 = tpu.memref_slice %arg11[%dma_wait3A_584, %dma_wait3A_585] : memref<384x32xf32, #tpu.memory_space<vmem>> -> memref<128x32xf32, #tpu.memory_space<vmem>>
      %dma_wait3A_587 = arith.constant 128 : i32
      %dma_wait3A_588 = tpu.memref_slice %arg7[%dma_wait3A_587] : memref<384xi32, #tpu.memory_space<vmem>> -> memref<128xi32, #tpu.memory_space<vmem>>
      %dma_wait3A_589 = arith.constant 0 : i32
      %dma_wait3A_590 = arith.constant 0 : i32
      %dma_wait3A_591 = tpu.memref_slice %arg2[%dma_wait3A_589, %dma_wait3A_590] : memref<100000x32xf32, #tpu.memory_space<hbm>> -> memref<100000x32xf32, #tpu.memory_space<hbm>>
      tpu.wait_indirect_dma semaphore(%arg13 : memref<!tpu.dma_semaphore, #tpu.memory_space<semaphore_mem>>) src(%dma_wait3A_591 : memref<100000x32xf32, #tpu.memory_space<hbm>>) dst(%dma_wait3A_586 : memref<128x32xf32, #tpu.memory_space<vmem>>)
      %dma_wait3A_592 = arith.constant 256 : i32
      %dma_wait3A_593 = arith.constant 0 : i32
      %dma_wait3A_594 = tpu.memref_slice %arg11[%dma_wait3A_592, %dma_wait3A_593] : memref<384x32xf32, #tpu.memory_space<vmem>> -> memref<128x32xf32, #tpu.memory_space<vmem>>
      %dma_wait3A_595 = arith.constant 256 : i32
      %dma_wait3A_596 = tpu.memref_slice %arg7[%dma_wait3A_595] : memref<384xi32, #tpu.memory_space<vmem>> -> memref<128xi32, #tpu.memory_space<vmem>>
      %dma_wait3A_597 = arith.constant 0 : i32
      %dma_wait3A_598 = arith.constant 0 : i32
      %dma_wait3A_599 = tpu.memref_slice %arg2[%dma_wait3A_597, %dma_wait3A_598] : memref<100000x32xf32, #tpu.memory_space<hbm>> -> memref<100000x32xf32, #tpu.memory_space<hbm>>
      tpu.wait_indirect_dma semaphore(%arg13 : memref<!tpu.dma_semaphore, #tpu.memory_space<semaphore_mem>>) src(%dma_wait3A_599 : memref<100000x32xf32, #tpu.memory_space<hbm>>) dst(%dma_wait3A_594 : memref<128x32xf32, #tpu.memory_space<vmem>>)
      %dma_start3A_600 = arith.constant 0 : i32
      %dma_start3A_601 = arith.constant 0 : i32
      %dma_start3A_602 = arith.constant 0 : i32
      %dma_start3A_603 = tpu.memref_slice %arg11[%dma_start3A_601, %dma_start3A_602] : memref<384x32xf32, #tpu.memory_space<vmem>> -> memref<128x32xf32, #tpu.memory_space<vmem>>
      %dma_start3A_604 = arith.constant 0 : i32
      %dma_start3A_605 = tpu.memref_slice %arg9[%dma_start3A_600, %dma_start3A_604] : memref<3x128xi32, #tpu.memory_space<vmem>> -> memref<1x128xi32, #tpu.memory_space<vmem>>
      %dma_start3A_606 = tpu.memref_squeeze %dma_start3A_605 : memref<1x128xi32, #tpu.memory_space<vmem>> -> memref<128xi32, #tpu.memory_space<vmem>>
      %dma_start3A_607 = arith.constant 0 : i32
      %dma_start3A_608 = arith.constant 0 : i32
      %dma_start3A_609 = tpu.memref_slice %arg12[%dma_start3A_607, %dma_start3A_608] : memref<51200x32xf32, #tpu.memory_space<vmem_shared>> -> memref<51200x32xf32, #tpu.memory_space<vmem_shared>>
      tpu.enqueue_indirect_dma source(%dma_start3A_603 : memref<128x32xf32, #tpu.memory_space<vmem>>) target(%dma_start3A_609 : memref<51200x32xf32, #tpu.memory_space<vmem_shared>>) offsets(%dma_start3A_606 : memref<128xi32, #tpu.memory_space<vmem>>) semaphore(%arg14 : memref<!tpu.dma_semaphore, #tpu.memory_space<semaphore_mem>>) {add = true}
      %dma_start3A_610 = arith.constant 1 : i32
      %dma_start3A_611 = arith.constant 128 : i32
      %dma_start3A_612 = arith.constant 0 : i32
      %dma_start3A_613 = tpu.memref_slice %arg11[%dma_start3A_611, %dma_start3A_612] : memref<384x32xf32, #tpu.memory_space<vmem>> -> memref<128x32xf32, #tpu.memory_space<vmem>>
      %dma_start3A_614 = arith.constant 0 : i32
      %dma_start3A_615 = tpu.memref_slice %arg9[%dma_start3A_610, %dma_start3A_614] : memref<3x128xi32, #tpu.memory_space<vmem>> -> memref<1x128xi32, #tpu.memory_space<vmem>>
      %dma_start3A_616 = tpu.memref_squeeze %dma_start3A_615 : memref<1x128xi32, #tpu.memory_space<vmem>> -> memref<128xi32, #tpu.memory_space<vmem>>
      %dma_start3A_617 = arith.constant 0 : i32
      %dma_start3A_618 = arith.constant 0 : i32
      %dma_start3A_619 = tpu.memref_slice %arg12[%dma_start3A_617, %dma_start3A_618] : memref<51200x32xf32, #tpu.memory_space<vmem_shared>> -> memref<51200x32xf32, #tpu.memory_space<vmem_shared>>
      tpu.enqueue_indirect_dma source(%dma_start3A_613 : memref<128x32xf32, #tpu.memory_space<vmem>>) target(%dma_start3A_619 : memref<51200x32xf32, #tpu.memory_space<vmem_shared>>) offsets(%dma_start3A_616 : memref<128xi32, #tpu.memory_space<vmem>>) semaphore(%arg14 : memref<!tpu.dma_semaphore, #tpu.memory_space<semaphore_mem>>) {add = true}
      %dma_start3A_620 = arith.constant 2 : i32
      %dma_start3A_621 = arith.constant 256 : i32
      %dma_start3A_622 = arith.constant 0 : i32
      %dma_start3A_623 = tpu.memref_slice %arg11[%dma_start3A_621, %dma_start3A_622] : memref<384x32xf32, #tpu.memory_space<vmem>> -> memref<128x32xf32, #tpu.memory_space<vmem>>
      %dma_start3A_624 = arith.constant 0 : i32
      %dma_start3A_625 = tpu.memref_slice %arg9[%dma_start3A_620, %dma_start3A_624] : memref<3x128xi32, #tpu.memory_space<vmem>> -> memref<1x128xi32, #tpu.memory_space<vmem>>
      %dma_start3A_626 = tpu.memref_squeeze %dma_start3A_625 : memref<1x128xi32, #tpu.memory_space<vmem>> -> memref<128xi32, #tpu.memory_space<vmem>>
      %dma_start3A_627 = arith.constant 0 : i32
      %dma_start3A_628 = arith.constant 0 : i32
      %dma_start3A_629 = tpu.memref_slice %arg12[%dma_start3A_627, %dma_start3A_628] : memref<51200x32xf32, #tpu.memory_space<vmem_shared>> -> memref<51200x32xf32, #tpu.memory_space<vmem_shared>>
      tpu.enqueue_indirect_dma source(%dma_start3A_623 : memref<128x32xf32, #tpu.memory_space<vmem>>) target(%dma_start3A_629 : memref<51200x32xf32, #tpu.memory_space<vmem_shared>>) offsets(%dma_start3A_626 : memref<128xi32, #tpu.memory_space<vmem>>) semaphore(%arg14 : memref<!tpu.dma_semaphore, #tpu.memory_space<semaphore_mem>>) {add = true}
    }
    %scan3A_5 = arith.constant 67 : i32
    %dma_wait3A = arith.constant 0 : i32
    %dma_wait3A_6 = arith.constant 0 : i32
    %dma_wait3A_7 = tpu.memref_slice %arg2[%dma_wait3A, %dma_wait3A_6] : memref<100000x32xf32, #tpu.memory_space<hbm>> -> memref<384x32xf32, #tpu.memory_space<hbm>>
    %dma_wait3A_8 = arith.constant 0 : i32
    %dma_wait3A_9 = arith.constant 0 : i32
    %dma_wait3A_10 = tpu.memref_slice %arg2[%dma_wait3A_8, %dma_wait3A_9] : memref<100000x32xf32, #tpu.memory_space<hbm>> -> memref<384x32xf32, #tpu.memory_space<hbm>>
    tpu.wait_dma2 semaphore(%arg14 : memref<!tpu.dma_semaphore, #tpu.memory_space<semaphore_mem>>) src(%dma_wait3A_10 : memref<384x32xf32, #tpu.memory_space<hbm>>) dst(%arg10 : memref<384x32xf32, #tpu.memory_space<vmem>>)
    %dma_wait3A_11 = arith.constant 0 : i32
    %dma_wait3A_12 = arith.constant 0 : i32
    %dma_wait3A_13 = tpu.memref_slice %arg2[%dma_wait3A_11, %dma_wait3A_12] : memref<100000x32xf32, #tpu.memory_space<hbm>> -> memref<384x32xf32, #tpu.memory_space<hbm>>
    %dma_wait3A_14 = arith.constant 0 : i32
    %dma_wait3A_15 = arith.constant 0 : i32
    %dma_wait3A_16 = tpu.memref_slice %arg2[%dma_wait3A_14, %dma_wait3A_15] : memref<100000x32xf32, #tpu.memory_space<hbm>> -> memref<384x32xf32, #tpu.memory_space<hbm>>
    tpu.wait_dma2 semaphore(%arg14 : memref<!tpu.dma_semaphore, #tpu.memory_space<semaphore_mem>>) src(%dma_wait3A_16 : memref<384x32xf32, #tpu.memory_space<hbm>>) dst(%arg11 : memref<384x32xf32, #tpu.memory_space<vmem>>)
    %barrier3A_17 = arith.constant 0 : index
    tpu.barrier barrier_id(%barrier3A_17)
    "tpu.region"() ({
      %run_scoped3A = tpu.sem_alloc : memref<!tpu.dma_semaphore, #tpu.memory_space<semaphore_mem>>
      %dma_start3A = arith.constant 0 : i32
      %dma_start3A_18 = tpu.memref_slice %arg6[%arg0, %mul3A_0, %dma_start3A] : memref<2x51200x32xf32, #tpu.memory_space<hbm>> -> memref<1x3200x32xf32, #tpu.memory_space<hbm>>
      %dma_start3A_19 = tpu.memref_squeeze %dma_start3A_18 : memref<1x3200x32xf32, #tpu.memory_space<hbm>> -> memref<3200x32xf32, #tpu.memory_space<hbm>>
      %dma_start3A_20 = arith.constant 0 : i32
      %dma_start3A_21 = tpu.memref_slice %arg12[%mul3A_0, %dma_start3A_20] : memref<51200x32xf32, #tpu.memory_space<vmem_shared>> -> memref<3200x32xf32, #tpu.memory_space<vmem_shared>>
      tpu.enqueue_dma source(%dma_start3A_21 : memref<3200x32xf32, #tpu.memory_space<vmem_shared>>) target(%dma_start3A_19 : memref<3200x32xf32, #tpu.memory_space<hbm>>) target_semaphore(%run_scoped3A : memref<!tpu.dma_semaphore, #tpu.memory_space<semaphore_mem>>)
      %dma_wait3A_22 = arith.constant 0 : i32
      %dma_wait3A_23 = tpu.memref_slice %arg6[%arg0, %mul3A_0, %dma_wait3A_22] : memref<2x51200x32xf32, #tpu.memory_space<hbm>> -> memref<1x3200x32xf32, #tpu.memory_space<hbm>>
      %dma_wait3A_24 = tpu.memref_squeeze %dma_wait3A_23 : memref<1x3200x32xf32, #tpu.memory_space<hbm>> -> memref<3200x32xf32, #tpu.memory_space<hbm>>
      %dma_wait3A_25 = arith.constant 0 : i32
      %dma_wait3A_26 = tpu.memref_slice %arg12[%mul3A_0, %dma_wait3A_25] : memref<51200x32xf32, #tpu.memory_space<vmem_shared>> -> memref<3200x32xf32, #tpu.memory_space<vmem_shared>>
      tpu.wait_dma2 semaphore(%run_scoped3A : memref<!tpu.dma_semaphore, #tpu.memory_space<semaphore_mem>>) src(%dma_wait3A_26 : memref<3200x32xf32, #tpu.memory_space<vmem_shared>>) dst(%dma_wait3A_24 : memref<3200x32xf32, #tpu.memory_space<hbm>>)
      tpu.yield
    }) : () -> ()
    return
  }
}

module attributes {stable_mosaic.version = 14 : i64} {
  func.func @_sage_dense_body(%arg0: i32, %arg1: memref<2x1024x32xf32, #tpu.memory_space<vmem>>, %arg2: memref<32x1024xf32, #tpu.memory_space<vmem>>, %arg3: memref<1024x64xf32, #tpu.memory_space<vmem>>, %arg4: memref<64x64xf32, #tpu.memory_space<vmem>>, %arg5: memref<64x64xf32, #tpu.memory_space<vmem>>, %arg6: memref<1x64xf32, #tpu.memory_space<vmem>>, %arg7: memref<1024x64xf32, #tpu.memory_space<vmem>>) attributes {dimension_semantics = [#tpu.dimension_semantics<arbitrary>], iteration_bounds = array<i64: 49>, scalar_prefetch = 0 : i64, scratch_operands = 0 : i64, tpu.core_type = #tpu.core_type<tc>, window_params = [{transform_indices = @transform_0, window_bounds = array<i64: 2, 1024, 32>}, {transform_indices = @transform_1, window_bounds = array<i64: 32, 1024>}, {transform_indices = @transform_2, window_bounds = array<i64: 1024, 64>}, {pipeline_mode = #tpu.pipeline_mode<synchronous>, transform_indices = @transform_3, window_bounds = array<i64: 64, 64>}, {pipeline_mode = #tpu.pipeline_mode<synchronous>, transform_indices = @transform_4, window_bounds = array<i64: 64, 64>}, {pipeline_mode = #tpu.pipeline_mode<synchronous>, transform_indices = @transform_5, window_bounds = array<i64: 1, 64>}, {transform_indices = @transform_6, window_bounds = array<i64: 1024, 64>}]} {
    %get3A = arith.constant 0 : index
    %get3A_0 = arith.constant 0 : index
    %get3A_1 = vector.load %arg2[%get3A, %get3A_0] : memref<32x1024xf32, #tpu.memory_space<vmem>>, vector<32x1024xf32>
    %reduce_sum3A = arith.constant dense<0.000000e+00> : vector<1024xf32>
    %reduce_sum3A_2 = vector.multi_reduction <add>, %get3A_1, %reduce_sum3A [0] : vector<32x1024xf32> to vector<1024xf32>
    %broadcast_in_dim3A = vector.shape_cast %reduce_sum3A_2 : vector<1024xf32> to vector<1024x1xf32>
    %max3A = arith.constant 1.000000e+00 : f32
    %max3A_3 = vector.broadcast %max3A : f32 to vector<1024x1xf32>
    %max3A_4 = arith.maximumf %broadcast_in_dim3A, %max3A_3 : vector<1024x1xf32>
    %div3A = arith.constant 1.000000e+00 : f32
    %div3A_5 = vector.broadcast %div3A : f32 to vector<1024x1xf32>
    %div3A_6 = arith.divf %div3A_5, %max3A_4 : vector<1024x1xf32>
    %get3A_7 = arith.constant 0 : index
    %get3A_8 = arith.constant 0 : index
    %get3A_9 = arith.constant 0 : index
    %get3A_10 = vector.load %arg1[%get3A_7, %get3A_8, %get3A_9] : memref<2x1024x32xf32, #tpu.memory_space<vmem>>, vector<1x1024x32xf32>
    %get3A_11 = vector.shape_cast %get3A_10 : vector<1x1024x32xf32> to vector<1024x32xf32>
    %mul3A = vector.broadcast %div3A_6 : vector<1024x1xf32> to vector<1024x32xf32>
    %mul3A_12 = arith.mulf %get3A_11, %mul3A : vector<1024x32xf32>
    %get3A_13 = arith.constant 0 : index
    %get3A_14 = arith.constant 0 : index
    %get3A_15 = vector.load %arg4[%get3A_13, %get3A_14] : memref<64x64xf32, #tpu.memory_space<vmem>>, vector<32x64xf32>
    %dot_general3A = arith.constant dense<0.000000e+00> : vector<1024x64xf32>
    %dot_general3A_16 = tpu.matmul %mul3A_12, %get3A_15, %dot_general3A {dimension_numbers = #tpu.dot_dimension_numbers<[1], [0], [0], [1], [0, 0, 1, 1], [], []>, transpose_lhs_hint = false} : vector<1024x32xf32>, vector<32x64xf32>, vector<1024x64xf32> -> vector<1024x64xf32>
    %get3A_17 = arith.constant 1 : index
    %get3A_18 = arith.constant 0 : index
    %get3A_19 = arith.constant 0 : index
    %get3A_20 = vector.load %arg1[%get3A_17, %get3A_18, %get3A_19] : memref<2x1024x32xf32, #tpu.memory_space<vmem>>, vector<1x1024x32xf32>
    %get3A_21 = vector.shape_cast %get3A_20 : vector<1x1024x32xf32> to vector<1024x32xf32>
    %mul3A_22 = vector.broadcast %div3A_6 : vector<1024x1xf32> to vector<1024x32xf32>
    %mul3A_23 = arith.mulf %get3A_21, %mul3A_22 : vector<1024x32xf32>
    %get3A_24 = arith.constant 32 : index
    %get3A_25 = arith.constant 0 : index
    %get3A_26 = vector.load %arg4[%get3A_24, %get3A_25] : memref<64x64xf32, #tpu.memory_space<vmem>>, vector<32x64xf32>
    %dot_general3A_27 = arith.constant dense<0.000000e+00> : vector<1024x64xf32>
    %dot_general3A_28 = tpu.matmul %mul3A_23, %get3A_26, %dot_general3A_27 {dimension_numbers = #tpu.dot_dimension_numbers<[1], [0], [0], [1], [0, 0, 1, 1], [], []>, transpose_lhs_hint = false} : vector<1024x32xf32>, vector<32x64xf32>, vector<1024x64xf32> -> vector<1024x64xf32>
    %add3A = arith.addf %dot_general3A_16, %dot_general3A_28 : vector<1024x64xf32>
    %get3A_29 = arith.constant 0 : index
    %get3A_30 = arith.constant 0 : index
    %get3A_31 = vector.load %arg3[%get3A_29, %get3A_30] : memref<1024x64xf32, #tpu.memory_space<vmem>>, vector<1024x64xf32>
    %get3A_32 = arith.constant 0 : index
    %get3A_33 = arith.constant 0 : index
    %get3A_34 = vector.load %arg5[%get3A_32, %get3A_33] : memref<64x64xf32, #tpu.memory_space<vmem>>, vector<64x64xf32>
    %dot_general3A_35 = arith.constant dense<0.000000e+00> : vector<1024x64xf32>
    %dot_general3A_36 = tpu.matmul %get3A_31, %get3A_34, %dot_general3A_35 {dimension_numbers = #tpu.dot_dimension_numbers<[1], [0], [0], [1], [0, 0, 1, 1], [], []>, transpose_lhs_hint = false} : vector<1024x64xf32>, vector<64x64xf32>, vector<1024x64xf32> -> vector<1024x64xf32>
    %add3A_37 = arith.addf %add3A, %dot_general3A_36 : vector<1024x64xf32>
    %get3A_38 = arith.constant 0 : index
    %get3A_39 = arith.constant 0 : index
    %get3A_40 = vector.load %arg6[%get3A_38, %get3A_39] : memref<1x64xf32, #tpu.memory_space<vmem>>, vector<1x64xf32>
    %add3A_41 = vector.broadcast %get3A_40 : vector<1x64xf32> to vector<1024x64xf32>
    %add3A_42 = arith.addf %add3A_37, %add3A_41 : vector<1024x64xf32>
    %swap3A = arith.constant 0 : index
    %swap3A_43 = arith.constant 0 : index
    %swap3A_44 = vector.load %arg7[%swap3A, %swap3A_43] : memref<1024x64xf32, #tpu.memory_space<vmem>>, vector<1024x64xf32>
    tpu.vector_store %arg7[%swap3A, %swap3A_43], %add3A_42 {strides = array<i32>} : memref<1024x64xf32, #tpu.memory_space<vmem>>, vector<1024x64xf32>,
    return
  }
  func.func @transform_0(%arg0: i32) -> (i32, i32, i32) {
    %c0_i32 = arith.constant 0 : i32
    %c0_i32_0 = arith.constant 0 : i32
    %c0_i32_1 = arith.constant 0 : i32
    return %c0_i32, %arg0, %c0_i32_0 : i32, i32, i32
  }
  func.func @transform_1(%arg0: i32) -> (i32, i32) {
    %c0_i32 = arith.constant 0 : i32
    %c0_i32_0 = arith.constant 0 : i32
    return %c0_i32, %arg0 : i32, i32
  }
  func.func @transform_2(%arg0: i32) -> (i32, i32) {
    %c0_i32 = arith.constant 0 : i32
    %c0_i32_0 = arith.constant 0 : i32
    return %arg0, %c0_i32 : i32, i32
  }
  func.func @transform_3(%arg0: i32) -> (i32, i32) {
    %c0_i32 = arith.constant 0 : i32
    %c0_i32_0 = arith.constant 0 : i32
    %c0_i32_1 = arith.constant 0 : i32
    return %c0_i32, %c0_i32_0 : i32, i32
  }
  func.func @transform_4(%arg0: i32) -> (i32, i32) {
    %c0_i32 = arith.constant 0 : i32
    %c0_i32_0 = arith.constant 0 : i32
    %c0_i32_1 = arith.constant 0 : i32
    return %c0_i32, %c0_i32_0 : i32, i32
  }
  func.func @transform_5(%arg0: i32) -> (i32, i32) {
    %c0_i32 = arith.constant 0 : i32
    %c0_i32_0 = arith.constant 0 : i32
    %c0_i32_1 = arith.constant 0 : i32
    return %c0_i32, %c0_i32_0 : i32, i32
  }
  func.func @transform_6(%arg0: i32) -> (i32, i32) {
    %c0_i32 = arith.constant 0 : i32
    %c0_i32_0 = arith.constant 0 : i32
    return %arg0, %c0_i32 : i32, i32
  }
}

module attributes {stable_mosaic.version = 14 : i64} {
  func.func @_final_body(%arg0: i32, %arg1: memref<2x1024x32xf32, #tpu.memory_space<vmem>>, %arg2: memref<32x1024xf32, #tpu.memory_space<vmem>>, %arg3: memref<1024x64xf32, #tpu.memory_space<vmem>>, %arg4: memref<64x64xf32, #tpu.memory_space<vmem>>, %arg5: memref<64x64xf32, #tpu.memory_space<vmem>>, %arg6: memref<1x64xf32, #tpu.memory_space<vmem>>, %arg7: memref<64x16xf32, #tpu.memory_space<vmem>>, %arg8: memref<1x16xf32, #tpu.memory_space<vmem>>, %arg9: memref<1024x16xf32, #tpu.memory_space<vmem>>) attributes {dimension_semantics = [#tpu.dimension_semantics<arbitrary>], iteration_bounds = array<i64: 49>, scalar_prefetch = 0 : i64, scratch_operands = 0 : i64, tpu.core_type = #tpu.core_type<tc>, window_params = [{transform_indices = @transform_0, window_bounds = array<i64: 2, 1024, 32>}, {transform_indices = @transform_1, window_bounds = array<i64: 32, 1024>}, {transform_indices = @transform_2, window_bounds = array<i64: 1024, 64>}, {pipeline_mode = #tpu.pipeline_mode<synchronous>, transform_indices = @transform_3, window_bounds = array<i64: 64, 64>}, {pipeline_mode = #tpu.pipeline_mode<synchronous>, transform_indices = @transform_4, window_bounds = array<i64: 64, 64>}, {pipeline_mode = #tpu.pipeline_mode<synchronous>, transform_indices = @transform_5, window_bounds = array<i64: 1, 64>}, {pipeline_mode = #tpu.pipeline_mode<synchronous>, transform_indices = @transform_6, window_bounds = array<i64: 64, 16>}, {pipeline_mode = #tpu.pipeline_mode<synchronous>, transform_indices = @transform_7, window_bounds = array<i64: 1, 16>}, {transform_indices = @transform_8, window_bounds = array<i64: 1024, 16>}]} {
    %get3A = arith.constant 0 : index
    %get3A_0 = arith.constant 0 : index
    %get3A_1 = vector.load %arg2[%get3A, %get3A_0] : memref<32x1024xf32, #tpu.memory_space<vmem>>, vector<32x1024xf32>
    %reduce_sum3A = arith.constant dense<0.000000e+00> : vector<1024xf32>
    %reduce_sum3A_2 = vector.multi_reduction <add>, %get3A_1, %reduce_sum3A [0] : vector<32x1024xf32> to vector<1024xf32>
    %broadcast_in_dim3A = vector.shape_cast %reduce_sum3A_2 : vector<1024xf32> to vector<1024x1xf32>
    %max3A = arith.constant 1.000000e+00 : f32
    %max3A_3 = vector.broadcast %max3A : f32 to vector<1024x1xf32>
    %max3A_4 = arith.maximumf %broadcast_in_dim3A, %max3A_3 : vector<1024x1xf32>
    %div3A = arith.constant 1.000000e+00 : f32
    %div3A_5 = vector.broadcast %div3A : f32 to vector<1024x1xf32>
    %div3A_6 = arith.divf %div3A_5, %max3A_4 : vector<1024x1xf32>
    %get3A_7 = arith.constant 0 : index
    %get3A_8 = arith.constant 0 : index
    %get3A_9 = arith.constant 0 : index
    %get3A_10 = vector.load %arg1[%get3A_7, %get3A_8, %get3A_9] : memref<2x1024x32xf32, #tpu.memory_space<vmem>>, vector<1x1024x32xf32>
    %get3A_11 = vector.shape_cast %get3A_10 : vector<1x1024x32xf32> to vector<1024x32xf32>
    %mul3A = vector.broadcast %div3A_6 : vector<1024x1xf32> to vector<1024x32xf32>
    %mul3A_12 = arith.mulf %get3A_11, %mul3A : vector<1024x32xf32>
    %get3A_13 = arith.constant 0 : index
    %get3A_14 = arith.constant 0 : index
    %get3A_15 = vector.load %arg4[%get3A_13, %get3A_14] : memref<64x64xf32, #tpu.memory_space<vmem>>, vector<32x64xf32>
    %dot_general3A = arith.constant dense<0.000000e+00> : vector<1024x64xf32>
    %dot_general3A_16 = tpu.matmul %mul3A_12, %get3A_15, %dot_general3A {dimension_numbers = #tpu.dot_dimension_numbers<[1], [0], [0], [1], [0, 0, 1, 1], [], []>, transpose_lhs_hint = false} : vector<1024x32xf32>, vector<32x64xf32>, vector<1024x64xf32> -> vector<1024x64xf32>
    %get3A_17 = arith.constant 1 : index
    %get3A_18 = arith.constant 0 : index
    %get3A_19 = arith.constant 0 : index
    %get3A_20 = vector.load %arg1[%get3A_17, %get3A_18, %get3A_19] : memref<2x1024x32xf32, #tpu.memory_space<vmem>>, vector<1x1024x32xf32>
    %get3A_21 = vector.shape_cast %get3A_20 : vector<1x1024x32xf32> to vector<1024x32xf32>
    %mul3A_22 = vector.broadcast %div3A_6 : vector<1024x1xf32> to vector<1024x32xf32>
    %mul3A_23 = arith.mulf %get3A_21, %mul3A_22 : vector<1024x32xf32>
    %get3A_24 = arith.constant 32 : index
    %get3A_25 = arith.constant 0 : index
    %get3A_26 = vector.load %arg4[%get3A_24, %get3A_25] : memref<64x64xf32, #tpu.memory_space<vmem>>, vector<32x64xf32>
    %dot_general3A_27 = arith.constant dense<0.000000e+00> : vector<1024x64xf32>
    %dot_general3A_28 = tpu.matmul %mul3A_23, %get3A_26, %dot_general3A_27 {dimension_numbers = #tpu.dot_dimension_numbers<[1], [0], [0], [1], [0, 0, 1, 1], [], []>, transpose_lhs_hint = false} : vector<1024x32xf32>, vector<32x64xf32>, vector<1024x64xf32> -> vector<1024x64xf32>
    %add3A = arith.addf %dot_general3A_16, %dot_general3A_28 : vector<1024x64xf32>
    %get3A_29 = arith.constant 0 : index
    %get3A_30 = arith.constant 0 : index
    %get3A_31 = vector.load %arg3[%get3A_29, %get3A_30] : memref<1024x64xf32, #tpu.memory_space<vmem>>, vector<1024x64xf32>
    %get3A_32 = arith.constant 0 : index
    %get3A_33 = arith.constant 0 : index
    %get3A_34 = vector.load %arg5[%get3A_32, %get3A_33] : memref<64x64xf32, #tpu.memory_space<vmem>>, vector<64x64xf32>
    %dot_general3A_35 = arith.constant dense<0.000000e+00> : vector<1024x64xf32>
    %dot_general3A_36 = tpu.matmul %get3A_31, %get3A_34, %dot_general3A_35 {dimension_numbers = #tpu.dot_dimension_numbers<[1], [0], [0], [1], [0, 0, 1, 1], [], []>, transpose_lhs_hint = false} : vector<1024x64xf32>, vector<64x64xf32>, vector<1024x64xf32> -> vector<1024x64xf32>
    %add3A_37 = arith.addf %add3A, %dot_general3A_36 : vector<1024x64xf32>
    %get3A_38 = arith.constant 0 : index
    %get3A_39 = arith.constant 0 : index
    %get3A_40 = vector.load %arg6[%get3A_38, %get3A_39] : memref<1x64xf32, #tpu.memory_space<vmem>>, vector<1x64xf32>
    %add3A_41 = vector.broadcast %get3A_40 : vector<1x64xf32> to vector<1024x64xf32>
    %add3A_42 = arith.addf %add3A_37, %add3A_41 : vector<1024x64xf32>
    %get3A_43 = arith.constant 0 : index
    %get3A_44 = arith.constant 0 : index
    %get3A_45 = vector.load %arg7[%get3A_43, %get3A_44] : memref<64x16xf32, #tpu.memory_space<vmem>>, vector<64x16xf32>
    %dot_general3A_46 = arith.constant dense<0.000000e+00> : vector<1024x16xf32>
    %dot_general3A_47 = tpu.matmul %add3A_42, %get3A_45, %dot_general3A_46 {dimension_numbers = #tpu.dot_dimension_numbers<[1], [0], [0], [1], [0, 0, 1, 1], [], []>, transpose_lhs_hint = false} : vector<1024x64xf32>, vector<64x16xf32>, vector<1024x16xf32> -> vector<1024x16xf32>
    %get3A_48 = arith.constant 0 : index
    %get3A_49 = arith.constant 0 : index
    %get3A_50 = vector.load %arg8[%get3A_48, %get3A_49] : memref<1x16xf32, #tpu.memory_space<vmem>>, vector<1x16xf32>
    %add3A_51 = vector.broadcast %get3A_50 : vector<1x16xf32> to vector<1024x16xf32>
    %add3A_52 = arith.addf %dot_general3A_47, %add3A_51 : vector<1024x16xf32>
    %reduce_max3A = arith.constant dense<0xFF800000> : vector<1024xf32>
    %reduce_max3A_53 = vector.multi_reduction <maximumf>, %add3A_52, %reduce_max3A [1] : vector<1024x16xf32> to vector<1024xf32>
    %broadcast_in_dim3A_54 = vector.shape_cast %reduce_max3A_53 : vector<1024xf32> to vector<1024x1xf32>
    %sub3A = vector.broadcast %broadcast_in_dim3A_54 : vector<1024x1xf32> to vector<1024x16xf32>
    %sub3A_55 = arith.subf %add3A_52, %sub3A : vector<1024x16xf32>
    %exp3A = math.exp %sub3A_55 : vector<1024x16xf32>
    %reduce_sum3A_56 = arith.constant dense<0.000000e+00> : vector<1024xf32>
    %reduce_sum3A_57 = vector.multi_reduction <add>, %exp3A, %reduce_sum3A_56 [1] : vector<1024x16xf32> to vector<1024xf32>
    %broadcast_in_dim3A_58 = vector.shape_cast %reduce_sum3A_57 : vector<1024xf32> to vector<1024x1xf32>
    %div3A_59 = vector.broadcast %broadcast_in_dim3A_58 : vector<1024x1xf32> to vector<1024x16xf32>
    %div3A_60 = arith.divf %exp3A, %div3A_59 : vector<1024x16xf32>
    %swap3A = arith.constant 0 : index
    %swap3A_61 = arith.constant 0 : index
    %swap3A_62 = vector.load %arg9[%swap3A, %swap3A_61] : memref<1024x16xf32, #tpu.memory_space<vmem>>, vector<1024x16xf32>
    tpu.vector_store %arg9[%swap3A, %swap3A_61], %div3A_60 {strides = array<i32>} : memref<1024x16xf32, #tpu.memory_space<vmem>>, vector<1024x16xf32>,
    return
  }
  func.func @transform_0(%arg0: i32) -> (i32, i32, i32) {
    %c0_i32 = arith.constant 0 : i32
    %c0_i32_0 = arith.constant 0 : i32
    %c0_i32_1 = arith.constant 0 : i32
    return %c0_i32, %arg0, %c0_i32_0 : i32, i32, i32
  }
  func.func @transform_1(%arg0: i32) -> (i32, i32) {
    %c0_i32 = arith.constant 0 : i32
    %c0_i32_0 = arith.constant 0 : i32
    return %c0_i32, %arg0 : i32, i32
  }
  func.func @transform_2(%arg0: i32) -> (i32, i32) {
    %c0_i32 = arith.constant 0 : i32
    %c0_i32_0 = arith.constant 0 : i32
    return %arg0, %c0_i32 : i32, i32
  }
  func.func @transform_3(%arg0: i32) -> (i32, i32) {
    %c0_i32 = arith.constant 0 : i32
    %c0_i32_0 = arith.constant 0 : i32
    %c0_i32_1 = arith.constant 0 : i32
    return %c0_i32, %c0_i32_0 : i32, i32
  }
  func.func @transform_4(%arg0: i32) -> (i32, i32) {
    %c0_i32 = arith.constant 0 : i32
    %c0_i32_0 = arith.constant 0 : i32
    %c0_i32_1 = arith.constant 0 : i32
    return %c0_i32, %c0_i32_0 : i32, i32
  }
  func.func @transform_5(%arg0: i32) -> (i32, i32) {
    %c0_i32 = arith.constant 0 : i32
    %c0_i32_0 = arith.constant 0 : i32
    %c0_i32_1 = arith.constant 0 : i32
    return %c0_i32, %c0_i32_0 : i32, i32
  }
  func.func @transform_6(%arg0: i32) -> (i32, i32) {
    %c0_i32 = arith.constant 0 : i32
    %c0_i32_0 = arith.constant 0 : i32
    %c0_i32_1 = arith.constant 0 : i32
    return %c0_i32, %c0_i32_0 : i32, i32
  }
  func.func @transform_7(%arg0: i32) -> (i32, i32) {
    %c0_i32 = arith.constant 0 : i32
    %c0_i32_0 = arith.constant 0 : i32
    %c0_i32_1 = arith.constant 0 : i32
    return %c0_i32, %c0_i32_0 : i32, i32
  }
  func.func @transform_8(%arg0: i32) -> (i32, i32) {
    %c0_i32 = arith.constant 0 : i32
    %c0_i32_0 = arith.constant 0 : i32
    return %arg0, %c0_i32 : i32, i32
  }
}

</mosaic_0001>

<sc_bundles>
// kernel: kernel.10.cloned.1.call-start
scs
__scs_entry_jumppad:
0x0: {  	(pc) =	sbr.rel $0x88, $3  }
0x1: {  	(tag) =	ssettag $0x0;
	lr =	simm.s32 $0x1  }
0x2: {  	[smem:$0x3F90] =	sst lr;
	_ =	strace $0xD0000000  }
0x3: {  	_ = 	snop  }
0x4: {  	_ = 	snop  }
0x5: {  	_ = 	snop  }
0x6: {  	_ = 	snop  }
0x7: {  	_ = 	snop  }
__scs_overlays_trampoline_lowered:
0x8: {  	[smem:$0x3F9F] =	sst s0  }
0x9: {  	[smem:$0x3FA0] =	sst s1  }
0xa: {  	[smem:$0x3FA1] =	sst s2  }
0xb: {  	[smem:$0x3FA2] =	sst s3  }
0xc: {  	[smem:$0x3FA3] =	sst s4  }
0xd: {  	[smem:$0x3FA4] =	sst s5  }
0xe: {  	[smem:$0x3FA5] =	sst s6  }
0xf: {  	[smem:$0x3FA6] =	sst s7  }
0x10: {  	[smem:$0x3FA7] =	sst s8  }
0x11: {  	[smem:$0x3FA8] =	sst s9;
	s0 =	simm.s32 @!p0 $0x0  }
0x12: {  	s1 =	sld [smem:$0x3F8E];
	s0 =	simm.s32 @p0 $0x1  }
0x13: {  	[smem:$0x3FA9] =	sst s0;
	s0 =	simm.s32 @!p1 $0x0  }
0x14: {  	s2 =	sld [smem:$0x3F8D];
	s0 =	simm.s32 @p1 $0x1  }
0x15: {  	[smem:$0x3FAA] =	sst s0;
	s0 =	simm.s32 @!p2 $0x0  }
0x16: {  	s3 =	sld [smem:$0x3FDB];
	s0 =	simm.s32 @p2 $0x1  }
0x17: {  	s4 =	simm.s32 $0x1BF5;
	[smem:$0x3FAC] =	sst s0  }
0x18: {  	s0 =	sld [smem:$0x3F8F];
	_ =	swait.ge [sflag:s4], $0x0  }
0x19: {  	s7 =	sld [smem:$0x3F90]  }
0x1a: {  	s8 =	sadd.s32 $0xFFFFE003, lr  }
0x1b: {  	s9 =	sadd.s32 $0xFFFFFEF7, lr;
	s5 =	simm.s32 $0xFFFFFFFF;
	p2 =	slt.u32 s8, $0xFFFFF086  }
0x1c: {  	p1 =	slt.u32 s9, $0xF7A;
	s5 =	simm.s32 @!p2 $0x0  }
0x1d: {  	s5 =	simm.s32 @p1 $0x1;
	p0 =	seq.s32 s7, s2  }
0x1e: {  	s7 =	smul.u32 @!p0 $0xF7A, s2;
	p2 =	seq.s32 @!p0 s5, $0x0  }
0x1f: {  	s9 =	smul.u32 $0xF7A, s1;
	s8 =	simm.s32 @!p0 $0x1BF5;
	p2 =	por !p2, p0  }
0x20: {  	[sflag:s8] =	ssyncset.s32 @!p0 $0xFFFFF086;
	s6 =	sadd.s32 @!p0 s3, s7;
	s7 =	simm.s32 @!p0 $0x108  }
0x21: {  	s3 =	sadd.s32 s3, s9;
	s6 =	sadd.s32 @!p0 $0x88, s6;
	s7 =	simm.s32 @p2 $0x1082  }
0x22: {  	[simem:s7], [sflag:s8] =	dma.local @!p0 [hbm:s6], $0xF7A  }
0x23: {  	s9 =	sor.u32 $0xD0000000, s2;
	s6 =	simm.s32 $0x108;
	_ =	swait.ge @!p0 [sflag:s8], $0x0  }
0x24: {  	s3 =	sadd.s32 $0x88, s3;
	s6 =	simm.s32 @!p1 $0x1082;
	[sflag:s4] =	ssyncset.s32 $0xFFFFF086  }
0x25: {  	[simem:s6], [sflag:s4] =	dma.local [hbm:s3], $0xF7A  }
0x26: {  	[smem:$0x3F90] =	sst s1;
	(tag) =	ssettag s2;
	_ =	strace s9  }
0x27: {  	s1 =	sld [smem:$0x3FA0]  }
0x28: {  	s2 =	sld [smem:$0x3FA1]  }
0x29: {  	s4 =	sld [smem:$0x3FA3]  }
0x2a: {  	p0 =	seq.s32 s5, $0x0;
	s5 =	sld [smem:$0x3FA4]  }
0x2b: {  	s6 =	sld [smem:$0x3FA5]  }
0x2c: {  	s7 =	sld [smem:$0x3FA6]  }
0x2d: {  	s3 =	simm.s32 $0x108;
	s8 =	sld [smem:$0x3FA7]  }
0x2e: {  	s3 =	simm.s32 @!p0 $0x1082;
	s9 =	sld [smem:$0x3FA8]  }
0x2f: {  	lr =	sadd.s32 s0, s3;
	s0 =	sld [smem:$0x3F9F]  }
0x30: {  	s3 =	sld [smem:$0x3FA2]  }
0x31: {  	[smem:$0x3FAB] =	sst s10  }
0x32: {  	s10 =	sld [smem:$0x3FA9];
	_ =	sdelay $0x3  }
0x33: {  	p0 =	seq.s32 s10, $0x1;
	s10 =	sld [smem:$0x3FAB];
	_ =	sdelay $0x3  }
0x34: {  	[smem:$0x3FAB] =	sst s10  }
0x35: {  	s10 =	sld [smem:$0x3FAA];
	_ =	sdelay $0x3  }
0x36: {  	p1 =	seq.s32 s10, $0x1;
	s10 =	sld [smem:$0x3FAB];
	_ =	sdelay $0x3  }
0x37: {  	[smem:$0x3FAB] =	sst s10  }
0x38: {  	s10 =	sld [smem:$0x3FAC]  }
0x39: {  	_ = 	snop;
	(pc) =	sbr.ind lr, $3  }
0x3a: {  	_ = 	snop  }
0x3b: {  	_ = 	snop  }
0x3c: {  	p2 =	seq.s32 s10, $0x1;
	s10 =	sld [smem:$0x3FAB]  }
0x3d: {  	_ =	shalt  }
0x3e: {  	_ =	shalt  }
0x3f: {  	_ =	shalt  }
0x40: {  	_ =	shalt  }
0x41: {  	_ =	shalt  }
0x42: {  	_ =	shalt  }
0x43: {  	_ =	shalt  }
0x44: {  	_ =	shalt  }
0x45: {  	_ =	shalt  }
0x46: {  	_ =	shalt  }
0x47: {  	_ =	shalt  }
0x48: {  	_ =	shalt  }
0x49: {  	_ =	shalt  }
0x4a: {  	_ =	shalt  }
0x4b: {  	_ =	shalt  }
0x4c: {  	_ =	shalt  }
0x4d: {  	_ =	shalt  }
0x4e: {  	_ =	shalt  }
0x4f: {  	_ =	shalt  }
0x50: {  	_ =	shalt  }
0x51: {  	_ =	shalt  }
0x52: {  	_ =	shalt  }
0x53: {  	_ =	shalt  }
0x54: {  	_ =	shalt  }
0x55: {  	_ =	shalt  }
0x56: {  	_ =	shalt  }
0x57: {  	_ =	shalt  }
0x58: {  	_ =	shalt  }
0x59: {  	_ =	shalt  }
0x5a: {  	_ =	shalt  }
0x5b: {  	_ =	shalt  }
0x5c: {  	_ =	shalt  }
0x5d: {  	_ =	shalt  }
0x5e: {  	_ =	shalt  }
0x5f: {  	_ =	shalt  }
0x60: {  	_ =	shalt  }
0x61: {  	_ =	shalt  }
0x62: {  	_ =	shalt  }
0x63: {  	_ =	shalt  }
0x64: {  	_ =	shalt  }
0x65: {  	_ =	shalt  }
0x66: {  	_ =	shalt  }
0x67: {  	_ =	shalt  }
0x68: {  	_ =	shalt  }
0x69: {  	_ =	shalt  }
0x6a: {  	_ =	shalt  }
0x6b: {  	_ =	shalt  }
0x6c: {  	_ =	shalt  }
0x6d: {  	_ =	shalt  }
0x6e: {  	_ =	shalt  }
0x6f: {  	_ =	shalt  }
0x70: {  	_ =	shalt  }
0x71: {  	_ =	shalt  }
0x72: {  	_ =	shalt  }
0x73: {  	_ =	shalt  }
0x74: {  	_ =	shalt  }
0x75: {  	_ =	shalt  }
0x76: {  	_ =	shalt  }
0x77: {  	_ =	shalt  }
0x78: {  	_ =	shalt  }
0x79: {  	_ =	shalt  }
0x7a: {  	_ =	shalt  }
0x7b: {  	_ =	shalt  }
0x7c: {  	_ =	shalt  }
0x7d: {  	_ =	shalt  }
0x7e: {  	_ =	shalt  }
0x7f: {  	_ =	shalt  }
0x80: {  	_ =	shalt  }
0x81: {  	_ =	shalt  }
0x82: {  	_ =	shalt  }
0x83: {  	_ =	shalt  }
0x84: {  	_ =	shalt  }
0x85: {  	_ =	shalt  }
0x86: {  	_ =	shalt  }
0x87: {  	_ =	shalt  }
.Lfunc_end0:
.L_simem_size_0:
called_computation_lowered:
.L_overlay_start_0:
0x88: {  	s2 =	sld [smem:$0x3FD9]  }
0x89: {  	s3 =	sld [smem:$0x3FFE];
	_ =	sdelay $0x1  }
0x8a: {  	s1 =	srdreg.scid  }
0x8b: {  	s0 =	sand.u32 $0x1, s1  }
0x8c: {  	s17 =	sshll.u32 s0, $0xA;
	s2 =	sadd.s32 s3, s2  }
0x8d: {  	s2 =	sadd.s32 s2, s17  }
0x8e: {  	[smem:$0x3FB7] =	sst s2  }
0x8f: {  	_ = 	snop  }
0x90: {  	s2 =	sld [smem:$0x3FD0];
	(tm) =	ssettm $0x1  }
0x91: {  	s18 =	sld [smem:$0x3FFB];
	_ =	sdelay $0x3  }
0x92: {  	_ =	strace s18  }
0x93: {  	s3 =	sld [smem:$0x3FFC];
	_ =	sdelay $0x3  }
0x94: {  	_ =	strace s3  }
0x95: {  	s3 =	sld [smem:$0x3FFD];
	_ =	sdelay $0x3  }
0x96: {  	_ =	strace s3  }
0x97: {  	_ =	strace $0x8FFFFFFF  }
0x98: {  	s19 =	sld [smem:$0x3FDB];
	_ =	sdelay $0x1  }
0x99: {  	s4 =	simm.s32 $_scs_section_size  }
0x9a: {  	s5 =	simm.s32 $_size__tile_overlayer_lowered;
	s6 =	simm.s32 $_tile_overlayer_lowered  }
0x9b: {  	s22 =	simm.s32 $0x1BFF;
	s21 =	sshll.u32 s6, $0x1;
	s3 =	sadd.s32 s4, s19  }
0x9c: {  	s7 =	simm.s32 $0x0;
	s20 =	sshll.u32 s5, $0x1;
	s5 =	sadd.s32 s21, s3  }
0x9d: {  	[timem:s7], [sflag:s22] =	dma.local [hbm:s5], s20  }
0x9e: {  	_ =	swait.ge [sflag:s22], s20  }
0x9f: {  	s4 =	ssub.s32 $0x0, s20;
	[sflag:s22] =	ssyncset.done $0x0  }
0xa0: {  	[sflag:s22] =	ssyncadd.s32 s4;
	_ =	sdelay $0x1  }
0xa1: {  	s23 =	simm.s32 $0x1B8B  }
0xa2: {  	_ =	swait.ge [sflag:s23], $0x1  }
0xa3: {  	[sflag:s23] =	ssyncset.done $0x0  }
0xa4: {  	s25 =	simm.s32 $0x1B8E;
	s24 =	sld [smem:$0x3FFE];
	[sflag:s23] =	ssyncadd.s32 $0xFFFFFFFF  }
0xa5: {  	s26 =	simm.s32 $execute0_lowered;
	[smem:$0x3FD2] =	sst s25  }
0xa6: {  	s5 =	sshll.u32 s26, $0x1;
	_ =	strace $0x80000046;
	[dreg:$0x1] =	wrdreg $0xFFFFFFFF  }
0xa7: {  	s28 =	simm.s32 $_size_execute0_lowered;
	s3 =	sadd.s32 s3, s5;
	[dreg:$0x0] =	wrdreg $0x0  }
0xa8: {  	s5 =	sshll.u32 s28, $0x1;
	[dreg:$0x2] =	wrdreg s3  }
0xa9: {  	[dreg:$0x3] =	wrdreg s5  }
0xaa: {  	[dreg:$0x4] =	wrdreg $0xC0  }
0xab: {  	_ =	task [dreg:s7], $0x5FFFF  }
0xac: {  	[dreg:$0x1] =	wrdreg $0xFFFFFFFF  }
0xad: {  	[dreg:$0x0] =	wrdreg $0x60  }
0xae: {  	[dreg:$0x2] =	wrdreg s24  }
0xaf: {  	[dreg:$0x3] =	wrdreg s2  }
0xb0: {  	[dreg:$0x4] =	wrdreg $0xA  }
0xb1: {  	_ =	task.clear_ibuf [dreg:s7], $0x5FFFF;
	_ =	strace $0x90000046  }
0xb2: {  	s29 =	simm.s32 $0xA;
	_ =	strace $0x80000048  }
0xb3: {  	_ =	swait.ge [sflag:s29], $0x1  }
0xb4: {  	[sflag:s29] =	ssyncadd.s32 $0xFFFFFFFF  }
0xb5: {  	_ =	strace $0x90000048  }
0xb6: {  	_ =	sfence  }
0xb7: {  	s30 =	sld [smem:$0x0];
	_ =	sdelay $0x2  }
0xb8: {  	s31 =	sshll.u32 s1, $0xD;
	s1 =	sshrl.u32 s1, $0x2  }
0xb9: {  	s3 =	sand.u32 $0x4000, s31;
	s1 =	sadd.s32 s1, s30  }
0xba: {  	s0 =	sor.u32 s3, s0;
	s1 =	sshll.u32 s1, $0x11  }
0xbb: {  	s0 =	sor.u32 s1, s0  }
0xbc: {  	s0 =	sadd.s32 $0x8F2B, s0  }
0xbd: {  	[sflag:s0] =	ssyncadd.remote.s32 $0x1  }
0xbe: {  	_ =	sfence.sel $0xFFFF  }
0xbf: {  	[dreg:$0x0] =	wrdreg $0xFFFFFFFF;
	(pc) =	sbr.abs _section_cstart, $3  }
0xc0: {  	[dreg:$0x1] =	wrdreg $0xFFFFFFFF  }
0xc1: {  	_ =	task.clear_ibuf [dreg:s7], $0x2FFFF;
	_ =	strace $0x9FFFFFFF  }
0xc2: {  	(tm) =	ssettm $0x7FFFFFFF  }
0xc3: {  	_ =	shalt  }
tec
execute0_lowered:
.L_overlay_start_1:
0x0: {  	(tag) =	ssettag $0x1  }
0x1: {  	s4 =	rddreg [dreg:$0x0]  }
0x2: {  	s5 =	rddreg [dreg:$0x1]  }
0x3: {  	s0 =	rddreg [dreg:$0x2]  }
0x4: {  	s1 =	stileid.u32;
	s3 =	srdreg.scid;
	s2 =	simm.s32 $0x0  }
0x5: {  	s11 =	simm.s32 $0x100;
	s12 =	simm.s32 $0x1280;
	s13 =	simm.s32 $0x180  }
0x6: {  	s14 =	simm.s32 $0x1A80;
	s15 =	simm.s32 $0x200;
	s16 =	simm.s32 $0x2280  }
0x7: {  	s17 =	simm.s32 $0x1;
	s18 =	simm.s32 $0x2A80;
	s19 =	simm.s32 $0x3280  }
0x8: {  	s20 =	simm.s32 $0x3A80;
	s21 =	simm.s32 $0x4280;
	s22 =	simm.s32 $0x4A80  }
0x9: {  	s23 =	simm.s32 $0x2;
	s6 =	smul.u32 $0xC800, s1;
	s7 =	sand.u32 $0x1, s3  }
0xa: {  	[smem:$0x7FF] =	sst s2;
	s9 =	smul.u32 $0xC80, s1;
	s3 =	sadd.s32 $0x13BE00, s4  }
0xb: {  	s24 =	simm.s32 $0x0;
	s8 =	smul.u32 $0x6400, s7;
	_ =	strace $0x80000047  }
0xc: {  	s10 =	ssub.s32 $0x2, s7;
	s7 =	smul.u32 $0x640, s7;
	s4 =	sadd.s32 s6, s4  }
0xd: {  	s31 =	sshrl.u32 s10, $0x1;
	s5 =	sadd.s32 s9, s5;
	s9 =	simm.s32 $0x280  }
0xe: {  	s6 =	ssub.s32 s10, s31;
	s8 =	sadd.s32 s8, s4;
	s7 =	sadd.s32 s7, s5  }
0xf: {  	s10 =	simm.s32 $0xA80;
	s4 =	smax.u32 s6, $0x1;
	s5 =	sadd.s32 $0x3600, s8  }
0x10: {  	s6 =	sadd.s32 $0x50, s7;
	s7 =	simm.s32 $0x3;
	s8 =	simm.s32 $0x80  }
.LBB2_1:
0x11: {  	p0 =	por $0x1, $0x1  }
0x12: {  	s25 =	simm.s32 @!p0 $0x2  }
0x13: {  	_ =	swait.ge @!p0 [sflag:s25], $0x2800  }
0x14: {  	[sflag:s25] =	ssyncset.done @!p0 $0x0  }
0x15: {  	s26 =	sadd.s32 $0xFFFFFFB0, s6;
	[sflag:s25] =	ssyncadd.s32 @!p0 $0xFFFFD800  }
0x16: {  	[tilespmem:s2], [sflag:$0x3] =	stream.linear.gather [hbm4b:s26+s2], $0x280, $0x38;
	[tilespmem:$0x5280] =	vst v63  }
0x17: {  	_ =	swait.ge [sflag:s7], $0x280  }
0x18: {  	[sflag:s7] =	ssyncset.done $0x0  }
0x19: {  	[sflag:s7] =	ssyncadd.s32 $0xFFFFFD80  }
0x1a: {  	[tilespmem:s9], [sflag:$0x1] =	stream.indirect.gather [hbm4b:s3+s8], $0x10, s2, s8, $0xb8;
	[tilespmem:$0x5280] =	vst v63  }
0x1b: {  	_ = 	snop  }
0x1c: {  	[tilespmem:s10], [sflag:$0x1] =	stream.indirect.gather [hbm4b:s3+s8], $0x10, s8, s8, $0xb8;
	[tilespmem:$0x5280] =	vst v63  }
0x1d: {  	_ = 	snop  }
0x1e: {  	[tilespmem:s12], [sflag:$0x1] =	stream.indirect.gather [hbm4b:s3+s8], $0x10, s11, s8, $0xb8;
	[tilespmem:$0x5280] =	vst v63  }
0x1f: {  	_ = 	snop  }
0x20: {  	[tilespmem:s14], [sflag:$0x1] =	stream.indirect.gather [hbm4b:s3+s8], $0x10, s13, s8, $0xb8;
	[tilespmem:$0x5280] =	vst v63  }
0x21: {  	_ = 	snop  }
0x22: {  	[tilespmem:s16], [sflag:$0x1] =	stream.indirect.gather [hbm4b:s3+s8], $0x10, s15, s8, $0xb8;
	[tilespmem:$0x5280] =	vst v63  }
0x23: {  	_ =	swait.ge [sflag:s17], $0x800  }
0x24: {  	[sflag:s17] =	ssyncset.done $0x0  }
0x25: {  	[sflag:s17] =	ssyncadd.s32 $0xFFFFF800  }
0x26: {  	_ =	swait.ge [sflag:s17], $0x800  }
0x27: {  	[sflag:s17] =	ssyncset.done $0x0  }
0x28: {  	[sflag:s17] =	ssyncadd.s32 $0xFFFFF800  }
0x29: {  	_ =	swait.ge [sflag:s17], $0x800  }
0x2a: {  	[sflag:s17] =	ssyncset.done $0x0  }
0x2b: {  	[sflag:s17] =	ssyncadd.s32 $0xFFFFF800  }
0x2c: {  	_ =	swait.ge [sflag:s17], $0x800  }
0x2d: {  	[sflag:s17] =	ssyncset.done $0x0  }
0x2e: {  	[sflag:s17] =	ssyncadd.s32 $0xFFFFF800  }
0x2f: {  	_ =	swait.ge [sflag:s17], $0x800  }
0x30: {  	[sflag:s17] =	ssyncset.done $0x0  }
0x31: {  	s29 =	sadd.s32 $0x0, s5;
	[sflag:s17] =	ssyncadd.s32 $0xFFFFF800  }
0x32: {  	[hbm4b:s29+s2] =	stream.linear.scatter [tilespmem:s9], [sflag:$0x2], $0x2800, $0x38;
	[tilespmem:$0x5280] =	vst v63  }
0x33: {  	_ =	swait.ge @!p0 [sflag:s25], $0x2800  }
0x34: {  	[sflag:s25] =	ssyncset.done @!p0 $0x0  }
0x35: {  	[sflag:s25] =	ssyncadd.s32 @!p0 $0xFFFFD800  }
0x36: {  	[tilespmem:s2], [sflag:$0x3] =	stream.linear.gather [hbm4b:s6+s2], $0x280, $0x38;
	[tilespmem:$0x5280] =	vst v63  }
0x37: {  	_ =	swait.ge [sflag:s7], $0x280  }
0x38: {  	[sflag:s7] =	ssyncset.done $0x0  }
0x39: {  	[sflag:s7] =	ssyncadd.s32 $0xFFFFFD80  }
0x3a: {  	[tilespmem:s18], [sflag:$0x1] =	stream.indirect.gather [hbm4b:s3+s8], $0x10, s2, s8, $0xb8;
	[tilespmem:$0x5280] =	vst v63  }
0x3b: {  	_ = 	snop  }
0x3c: {  	[tilespmem:s19], [sflag:$0x1] =	stream.indirect.gather [hbm4b:s3+s8], $0x10, s8, s8, $0xb8;
	[tilespmem:$0x5280] =	vst v63  }
0x3d: {  	_ = 	snop  }
0x3e: {  	[tilespmem:s20], [sflag:$0x1] =	stream.indirect.gather [hbm4b:s3+s8], $0x10, s11, s8, $0xb8;
	[tilespmem:$0x5280] =	vst v63  }
0x3f: {  	_ = 	snop  }
0x40: {  	[tilespmem:s21], [sflag:$0x1] =	stream.indirect.gather [hbm4b:s3+s8], $0x10, s13, s8, $0xb8;
	[tilespmem:$0x5280] =	vst v63  }
0x41: {  	_ = 	snop  }
0x42: {  	[tilespmem:s22], [sflag:$0x1] =	stream.indirect.gather [hbm4b:s3+s8], $0x10, s15, s8, $0xb8;
	[tilespmem:$0x5280] =	vst v63  }
0x43: {  	_ =	swait.ge [sflag:s17], $0x800  }
0x44: {  	[sflag:s17] =	ssyncset.done $0x0  }
0x45: {  	[sflag:s17] =	ssyncadd.s32 $0xFFFFF800  }
0x46: {  	_ =	swait.ge [sflag:s17], $0x800  }
0x47: {  	[sflag:s17] =	ssyncset.done $0x0  }
0x48: {  	[sflag:s17] =	ssyncadd.s32 $0xFFFFF800  }
0x49: {  	_ =	swait.ge [sflag:s17], $0x800  }
0x4a: {  	[sflag:s17] =	ssyncset.done $0x0  }
0x4b: {  	[sflag:s17] =	ssyncadd.s32 $0xFFFFF800  }
0x4c: {  	_ =	swait.ge [sflag:s17], $0x800  }
0x4d: {  	[sflag:s17] =	ssyncset.done $0x0  }
0x4e: {  	s28 =	simm.s32 $0x1400;
	[sflag:s17] =	ssyncadd.s32 $0xFFFFF800  }
0x4f: {  	p1 =	por $0x0, $0x0;
	s31 =	sadd.s32 $0x500, s29;
	_ =	swait.ge [sflag:s17], $0x800  }
0x50: {  	s26 =	simm.s32 $0xA00;
	s25 =	sadd.s32 $0xA0, s6;
	[sflag:s17] =	ssyncset.done $0x0  }
.LBB2_2:
0x51: {  	s29 =	simm.s32 @!p1 $0x2  }
0x52: {  	[sflag:s17] =	ssyncadd.s32 $0xFFFFF800;
	s30 =	smov.u32 s28;
	s28 =	sadd.s32 $0xA00, s28  }
0x53: {  	[hbm4b:s31+s2] =	stream.linear.scatter [tilespmem:s18], [sflag:$0x2], $0x2800, $0x38;
	[tilespmem:$0x5280] =	vst v63  }
0x54: {  	p0 =	sne.s32 s28, $0x6400;
	_ =	swait.ge @!p1 [sflag:s29], $0x2800  }
0x55: {  	[sflag:s29] =	ssyncset.done @!p1 $0x0  }
0x56: {  	s31 =	sadd.s32 $0xFFFFFFB0, s25;
	[sflag:s29] =	ssyncadd.s32 @!p1 $0xFFFFD800  }
0x57: {  	[tilespmem:s2], [sflag:$0x3] =	stream.linear.gather [hbm4b:s31+s2], $0x280, $0x38;
	[tilespmem:$0x5280] =	vst v63  }
0x58: {  	_ =	swait.ge [sflag:s7], $0x280  }
0x59: {  	[sflag:s7] =	ssyncset.done $0x0  }
0x5a: {  	[sflag:s7] =	ssyncadd.s32 $0xFFFFFD80  }
0x5b: {  	[tilespmem:s9], [sflag:$0x1] =	stream.indirect.gather [hbm4b:s3+s8], $0x10, s2, s8, $0xb8;
	[tilespmem:$0x5280] =	vst v63  }
0x5c: {  	_ = 	snop  }
0x5d: {  	[tilespmem:s10], [sflag:$0x1] =	stream.indirect.gather [hbm4b:s3+s8], $0x10, s8, s8, $0xb8;
	[tilespmem:$0x5280] =	vst v63  }
0x5e: {  	_ = 	snop  }
0x5f: {  	[tilespmem:s12], [sflag:$0x1] =	stream.indirect.gather [hbm4b:s3+s8], $0x10, s11, s8, $0xb8;
	[tilespmem:$0x5280] =	vst v63  }
0x60: {  	_ = 	snop  }
0x61: {  	[tilespmem:s14], [sflag:$0x1] =	stream.indirect.gather [hbm4b:s3+s8], $0x10, s13, s8, $0xb8;
	[tilespmem:$0x5280] =	vst v63  }
0x62: {  	_ = 	snop  }
0x63: {  	[tilespmem:s16], [sflag:$0x1] =	stream.indirect.gather [hbm4b:s3+s8], $0x10, s15, s8, $0xb8;
	[tilespmem:$0x5280] =	vst v63  }
0x64: {  	_ =	swait.ge [sflag:s17], $0x800  }
0x65: {  	[sflag:s17] =	ssyncset.done $0x0  }
0x66: {  	[sflag:s17] =	ssyncadd.s32 $0xFFFFF800  }
0x67: {  	_ =	swait.ge [sflag:s17], $0x800  }
0x68: {  	[sflag:s17] =	ssyncset.done $0x0  }
0x69: {  	[sflag:s17] =	ssyncadd.s32 $0xFFFFF800  }
0x6a: {  	_ =	swait.ge [sflag:s17], $0x800  }
0x6b: {  	[sflag:s17] =	ssyncset.done $0x0  }
0x6c: {  	[sflag:s17] =	ssyncadd.s32 $0xFFFFF800  }
0x6d: {  	_ =	swait.ge [sflag:s17], $0x800  }
0x6e: {  	[sflag:s17] =	ssyncset.done $0x0  }
0x6f: {  	[sflag:s17] =	ssyncadd.s32 $0xFFFFF800  }
0x70: {  	_ =	swait.ge [sflag:s17], $0x800  }
0x71: {  	[sflag:s17] =	ssyncset.done $0x0  }
0x72: {  	s31 =	sadd.s32 s26, s5;
	s26 =	smov.u32 s30;
	[sflag:s17] =	ssyncadd.s32 $0xFFFFF800  }
0x73: {  	[hbm4b:s31+s2] =	stream.linear.scatter [tilespmem:s9], [sflag:$0x2], $0x2800, $0x38;
	[tilespmem:$0x5280] =	vst v63  }
0x74: {  	_ =	swait.ge @!p1 [sflag:s29], $0x2800  }
0x75: {  	[sflag:s29] =	ssyncset.done @!p1 $0x0  }
0x76: {  	[sflag:s29] =	ssyncadd.s32 @!p1 $0xFFFFD800  }
0x77: {  	[tilespmem:s2], [sflag:$0x3] =	stream.linear.gather [hbm4b:s25+s2], $0x280, $0x38;
	[tilespmem:$0x5280] =	vst v63  }
0x78: {  	_ =	swait.ge [sflag:s7], $0x280  }
0x79: {  	[sflag:s7] =	ssyncset.done $0x0  }
0x7a: {  	[sflag:s7] =	ssyncadd.s32 $0xFFFFFD80  }
0x7b: {  	[tilespmem:s18], [sflag:$0x1] =	stream.indirect.gather [hbm4b:s3+s8], $0x10, s2, s8, $0xb8;
	[tilespmem:$0x5280] =	vst v63  }
0x7c: {  	_ = 	snop  }
0x7d: {  	[tilespmem:s19], [sflag:$0x1] =	stream.indirect.gather [hbm4b:s3+s8], $0x10, s8, s8, $0xb8;
	[tilespmem:$0x5280] =	vst v63  }
0x7e: {  	_ = 	snop  }
0x7f: {  	[tilespmem:s20], [sflag:$0x1] =	stream.indirect.gather [hbm4b:s3+s8], $0x10, s11, s8, $0xb8;
	[tilespmem:$0x5280] =	vst v63  }
0x80: {  	_ = 	snop  }
0x81: {  	[tilespmem:s21], [sflag:$0x1] =	stream.indirect.gather [hbm4b:s3+s8], $0x10, s13, s8, $0xb8;
	[tilespmem:$0x5280] =	vst v63  }
0x82: {  	_ = 	snop  }
0x83: {  	[tilespmem:s22], [sflag:$0x1] =	stream.indirect.gather [hbm4b:s3+s8], $0x10, s15, s8, $0xb8;
	[tilespmem:$0x5280] =	vst v63  }
0x84: {  	_ =	swait.ge [sflag:s17], $0x800  }
0x85: {  	[sflag:s17] =	ssyncset.done $0x0  }
0x86: {  	[sflag:s17] =	ssyncadd.s32 $0xFFFFF800  }
0x87: {  	_ =	swait.ge [sflag:s17], $0x800  }
0x88: {  	[sflag:s17] =	ssyncset.done $0x0  }
0x89: {  	[sflag:s17] =	ssyncadd.s32 $0xFFFFF800  }
0x8a: {  	_ =	swait.ge [sflag:s17], $0x800  }
0x8b: {  	[sflag:s17] =	ssyncset.done $0x0  }
0x8c: {  	[sflag:s17] =	ssyncadd.s32 $0xFFFFF800  }
.Ltmp0:
0x8d: {  	_ =	swait.ge [sflag:s17], $0x800;
	(pc) =	sbr.rel @p0 .LBB2_2-.Ltmp0, $4  }
0x8e: {  	[sflag:s17] =	ssyncset.done $0x0  }
0x8f: {  	[sflag:s17] =	ssyncadd.s32 $0xFFFFF800  }
0x90: {  	s25 =	sadd.s32 $0xA0, s25;
	_ =	swait.ge [sflag:s17], $0x800  }
0x91: {  	s31 =	sadd.s32 $0x500, s31;
	p1 =	seq.s32 s26, $0x0;
	[sflag:s17] =	ssyncset.done $0x0  }
0x92: {  	s28 =	simm.s32 @!p1 $0x2;
	[sflag:s17] =	ssyncadd.s32 $0xFFFFF800  }
0x93: {  	[hbm4b:s31+s2] =	stream.linear.scatter [tilespmem:s18], [sflag:$0x2], $0x2800, $0x38;
	[tilespmem:$0x5280] =	vst v63  }
0x94: {  	_ =	swait.ge @!p1 [sflag:s28], $0x2800  }
0x95: {  	[sflag:s28] =	ssyncset.done @!p1 $0x0  }
0x96: {  	s29 =	sadd.s32 $0xFFFFFFB0, s25;
	[sflag:s28] =	ssyncadd.s32 @!p1 $0xFFFFD800  }
0x97: {  	[tilespmem:s2], [sflag:$0x3] =	stream.linear.gather [hbm4b:s29+s2], $0x280, $0x38;
	[tilespmem:$0x5280] =	vst v63  }
0x98: {  	_ =	swait.ge [sflag:s7], $0x280  }
0x99: {  	[sflag:s7] =	ssyncset.done $0x0  }
0x9a: {  	[sflag:s7] =	ssyncadd.s32 $0xFFFFFD80  }
0x9b: {  	[tilespmem:s9], [sflag:$0x1] =	stream.indirect.gather [hbm4b:s3+s8], $0x10, s2, s8, $0xb8;
	[tilespmem:$0x5280] =	vst v63  }
0x9c: {  	_ = 	snop  }
0x9d: {  	[tilespmem:s10], [sflag:$0x1] =	stream.indirect.gather [hbm4b:s3+s8], $0x10, s8, s8, $0xb8;
	[tilespmem:$0x5280] =	vst v63  }
0x9e: {  	_ = 	snop  }
0x9f: {  	[tilespmem:s12], [sflag:$0x1] =	stream.indirect.gather [hbm4b:s3+s8], $0x10, s11, s8, $0xb8;
	[tilespmem:$0x5280] =	vst v63  }
0xa0: {  	_ = 	snop  }
0xa1: {  	[tilespmem:s14], [sflag:$0x1] =	stream.indirect.gather [hbm4b:s3+s8], $0x10, s13, s8, $0xb8;
	[tilespmem:$0x5280] =	vst v63  }
0xa2: {  	_ = 	snop  }
0xa3: {  	[tilespmem:s16], [sflag:$0x1] =	stream.indirect.gather [hbm4b:s3+s8], $0x10, s15, s8, $0xb8;
	[tilespmem:$0x5280] =	vst v63  }
0xa4: {  	_ =	swait.ge [sflag:s17], $0x800  }
0xa5: {  	[sflag:s17] =	ssyncset.done $0x0  }
0xa6: {  	[sflag:s17] =	ssyncadd.s32 $0xFFFFF800  }
0xa7: {  	_ =	swait.ge [sflag:s17], $0x800  }
0xa8: {  	[sflag:s17] =	ssyncset.done $0x0  }
0xa9: {  	[sflag:s17] =	ssyncadd.s32 $0xFFFFF800  }
0xaa: {  	_ =	swait.ge [sflag:s17], $0x800  }
0xab: {  	[sflag:s17] =	ssyncset.done $0x0  }
0xac: {  	[sflag:s17] =	ssyncadd.s32 $0xFFFFF800  }
0xad: {  	_ =	swait.ge [sflag:s17], $0x800  }
0xae: {  	[sflag:s17] =	ssyncset.done $0x0  }
0xaf: {  	[sflag:s17] =	ssyncadd.s32 $0xFFFFF800  }
0xb0: {  	_ =	swait.ge [sflag:s17], $0x800  }
0xb1: {  	[sflag:s17] =	ssyncset.done $0x0  }
0xb2: {  	s26 =	sadd.s32 s26, s5;
	[sflag:s17] =	ssyncadd.s32 $0xFFFFF800  }
0xb3: {  	[hbm4b:s26+s2] =	stream.linear.scatter [tilespmem:s9], [sflag:$0x2], $0x2800, $0x38;
	[tilespmem:$0x5280] =	vst v63  }
0xb4: {  	_ =	swait.ge @!p1 [sflag:s28], $0x2800  }
0xb5: {  	[sflag:s28] =	ssyncset.done @!p1 $0x0  }
0xb6: {  	[sflag:s28] =	ssyncadd.s32 @!p1 $0xFFFFD800  }
0xb7: {  	[tilespmem:s2], [sflag:$0x3] =	stream.linear.gather [hbm4b:s25+s2], $0x280, $0x38;
	[tilespmem:$0x5280] =	vst v63  }
0xb8: {  	_ =	swait.ge [sflag:s7], $0x280  }
0xb9: {  	[sflag:s7] =	ssyncset.done $0x0  }
0xba: {  	[sflag:s7] =	ssyncadd.s32 $0xFFFFFD80  }
0xbb: {  	[tilespmem:s18], [sflag:$0x1] =	stream.indirect.gather [hbm4b:s3+s8], $0x10, s2, s8, $0xb8;
	[tilespmem:$0x5280] =	vst v63  }
0xbc: {  	_ = 	snop  }
0xbd: {  	[tilespmem:s19], [sflag:$0x1] =	stream.indirect.gather [hbm4b:s3+s8], $0x10, s8, s8, $0xb8;
	[tilespmem:$0x5280] =	vst v63  }
0xbe: {  	_ = 	snop  }
0xbf: {  	[tilespmem:s20], [sflag:$0x1] =	stream.indirect.gather [hbm4b:s3+s8], $0x10, s11, s8, $0xb8;
	[tilespmem:$0x5280] =	vst v63  }
0xc0: {  	_ = 	snop  }
0xc1: {  	[tilespmem:s21], [sflag:$0x1] =	stream.indirect.gather [hbm4b:s3+s8], $0x10, s13, s8, $0xb8;
	[tilespmem:$0x5280] =	vst v63  }
0xc2: {  	_ = 	snop  }
0xc3: {  	[tilespmem:s22], [sflag:$0x1] =	stream.indirect.gather [hbm4b:s3+s8], $0x10, s15, s8, $0xb8;
	[tilespmem:$0x5280] =	vst v63  }
0xc4: {  	_ =	swait.ge [sflag:s17], $0x800  }
0xc5: {  	[sflag:s17] =	ssyncset.done $0x0  }
0xc6: {  	[sflag:s17] =	ssyncadd.s32 $0xFFFFF800  }
0xc7: {  	_ =	swait.ge [sflag:s17], $0x800  }
0xc8: {  	[sflag:s17] =	ssyncset.done $0x0  }
0xc9: {  	[sflag:s17] =	ssyncadd.s32 $0xFFFFF800  }
0xca: {  	_ =	swait.ge [sflag:s17], $0x800  }
0xcb: {  	[sflag:s17] =	ssyncset.done $0x0  }
0xcc: {  	[sflag:s17] =	ssyncadd.s32 $0xFFFFF800  }
0xcd: {  	_ =	swait.ge [sflag:s17], $0x800  }
0xce: {  	[sflag:s17] =	ssyncset.done $0x0  }
0xcf: {  	[sflag:s17] =	ssyncadd.s32 $0xFFFFF800  }
0xd0: {  	_ =	swait.ge [sflag:s17], $0x800  }
0xd1: {  	[sflag:s17] =	ssyncset.done $0x0  }
0xd2: {  	s24 =	sadd.s32 $0x1, s24;
	s31 =	sadd.s32 $0x500, s26;
	[sflag:s17] =	ssyncadd.s32 $0xFFFFF800  }
0xd3: {  	[hbm4b:s31+s2] =	stream.linear.scatter [tilespmem:s18], [sflag:$0x2], $0x2800, $0x38;
	[tilespmem:$0x5280] =	vst v63  }
0xd4: {  	p0 =	sne.s32 s24, s4;
	_ =	swait.ge [sflag:s23], $0x2800  }
.Ltmp1:
0xd5: {  	[sflag:s23] =	ssyncset.done $0x0;
	(pc) =	sbr.rel @p0 .LBB2_1-.Ltmp1, $4  }
0xd6: {  	[sflag:s23] =	ssyncadd.s32 $0xFFFFD800  }
0xd7: {  	_ =	swait.ge [sflag:s23], $0x2800  }
0xd8: {  	[sflag:s23] =	ssyncset.done $0x0  }
0xd9: {  	[sflag:s23] =	ssyncadd.s32 $0xFFFFD800  }
0xda: {  	_ =	sfence.sel $0x180000  }
0xdb: {  	[bflag:$0x0] =	sbarrier.arrive $0xFFFF  }
0xdc: {  	p0 =	sne.s32 s1, $0x0;
	_ =	strace $0x90000047  }
0xdd: {  	s0 =	sadd.s32 @!p0 $0x100000, s0;
	[bflag:$0x2] =	sbarrier.arrive $0xFFFF  }
0xde: {  	[sflag:s0] =	ssyncadd.tile.s32 @!p0 $0x1;
	_ =	shalt  }
.Lfunc_end2:
_tile_overlayer_lowered:
.L_overlay_start_2:
0xdf: {  	(tag) =	ssettag $0x2  }
0xe0: {  	s0 =	rddreg [dreg:$0x0];
	s2 =	stileid.u32  }
0xe1: {  	s1 =	rddreg [dreg:$0x1];
	p0 =	sne.s32 s2, $0x0  }
0xe2: {  	s3 =	rddreg [dreg:$0x2];
	[bflag:$0x3] =	sbarrier.arrive $0xFFFF;
	s2 =	simm.s32 @!p0 $0x1C03  }
0xe3: {  	[timem:s3], [sflag:s2] =	dma.local @!p0 [hbm:s0], s1  }
0xe4: {  	s0 =	simm.s32 @!p0 $0x3  }
0xe5: {  	_ =	swait.ge @!p0 [sflag:s0], s1  }
0xe6: {  	s1 =	ssub.s32 @!p0 $0x0, s1;
	[sflag:s0] =	ssyncset.done @!p0 $0x0  }
0xe7: {  	[sflag:s0] =	ssyncadd.s32 @!p0 s1  }
0xe8: {  	[bflag:$0x3] =	sbarrier.arrive $0xFFFF  }
0xe9: {  	_ =	shalt  }

// kernel: kernel.13.cloned.1.call-start
scs
__scs_entry_jumppad:
0x0: {  	(pc) =	sbr.rel $0x88, $3  }
0x1: {  	(tag) =	ssettag $0x0;
	lr =	simm.s32 $0x1  }
0x2: {  	[smem:$0x3F90] =	sst lr;
	_ =	strace $0xD0000000  }
0x3: {  	_ = 	snop  }
0x4: {  	_ = 	snop  }
0x5: {  	_ = 	snop  }
0x6: {  	_ = 	snop  }
0x7: {  	_ = 	snop  }
__scs_overlays_trampoline_lowered:
0x8: {  	[smem:$0x3F9F] =	sst s0  }
0x9: {  	[smem:$0x3FA0] =	sst s1  }
0xa: {  	[smem:$0x3FA1] =	sst s2  }
0xb: {  	[smem:$0x3FA2] =	sst s3  }
0xc: {  	[smem:$0x3FA3] =	sst s4  }
0xd: {  	[smem:$0x3FA4] =	sst s5  }
0xe: {  	[smem:$0x3FA5] =	sst s6  }
0xf: {  	[smem:$0x3FA6] =	sst s7  }
0x10: {  	[smem:$0x3FA7] =	sst s8  }
0x11: {  	[smem:$0x3FA8] =	sst s9;
	s0 =	simm.s32 @!p0 $0x0  }
0x12: {  	s1 =	sld [smem:$0x3F8E];
	s0 =	simm.s32 @p0 $0x1  }
0x13: {  	[smem:$0x3FA9] =	sst s0;
	s0 =	simm.s32 @!p1 $0x0  }
0x14: {  	s2 =	sld [smem:$0x3F8D];
	s0 =	simm.s32 @p1 $0x1  }
0x15: {  	[smem:$0x3FAA] =	sst s0;
	s0 =	simm.s32 @!p2 $0x0  }
0x16: {  	s3 =	sld [smem:$0x3FDB];
	s0 =	simm.s32 @p2 $0x1  }
0x17: {  	s4 =	simm.s32 $0x1BF5;
	[smem:$0x3FAC] =	sst s0  }
0x18: {  	s0 =	sld [smem:$0x3F8F];
	_ =	swait.ge [sflag:s4], $0x0  }
0x19: {  	s7 =	sld [smem:$0x3F90]  }
0x1a: {  	s8 =	sadd.s32 $0xFFFFE003, lr  }
0x1b: {  	s9 =	sadd.s32 $0xFFFFFEF7, lr;
	s5 =	simm.s32 $0xFFFFFFFF;
	p2 =	slt.u32 s8, $0xFFFFF086  }
0x1c: {  	p1 =	slt.u32 s9, $0xF7A;
	s5 =	simm.s32 @!p2 $0x0  }
0x1d: {  	s5 =	simm.s32 @p1 $0x1;
	p0 =	seq.s32 s7, s2  }
0x1e: {  	s7 =	smul.u32 @!p0 $0xF7A, s2;
	p2 =	seq.s32 @!p0 s5, $0x0  }
0x1f: {  	s9 =	smul.u32 $0xF7A, s1;
	s8 =	simm.s32 @!p0 $0x1BF5;
	p2 =	por !p2, p0  }
0x20: {  	[sflag:s8] =	ssyncset.s32 @!p0 $0xFFFFF086;
	s6 =	sadd.s32 @!p0 s3, s7;
	s7 =	simm.s32 @!p0 $0x108  }
0x21: {  	s3 =	sadd.s32 s3, s9;
	s6 =	sadd.s32 @!p0 $0x88, s6;
	s7 =	simm.s32 @p2 $0x1082  }
0x22: {  	[simem:s7], [sflag:s8] =	dma.local @!p0 [hbm:s6], $0xF7A  }
0x23: {  	s9 =	sor.u32 $0xD0000000, s2;
	s6 =	simm.s32 $0x108;
	_ =	swait.ge @!p0 [sflag:s8], $0x0  }
0x24: {  	s3 =	sadd.s32 $0x88, s3;
	s6 =	simm.s32 @!p1 $0x1082;
	[sflag:s4] =	ssyncset.s32 $0xFFFFF086  }
0x25: {  	[simem:s6], [sflag:s4] =	dma.local [hbm:s3], $0xF7A  }
0x26: {  	[smem:$0x3F90] =	sst s1;
	(tag) =	ssettag s2;
	_ =	strace s9  }
0x27: {  	s1 =	sld [smem:$0x3FA0]  }
0x28: {  	s2 =	sld [smem:$0x3FA1]  }
0x29: {  	s4 =	sld [smem:$0x3FA3]  }
0x2a: {  	p0 =	seq.s32 s5, $0x0;
	s5 =	sld [smem:$0x3FA4]  }
0x2b: {  	s6 =	sld [smem:$0x3FA5]  }
0x2c: {  	s7 =	sld [smem:$0x3FA6]  }
0x2d: {  	s3 =	simm.s32 $0x108;
	s8 =	sld [smem:$0x3FA7]  }
0x2e: {  	s3 =	simm.s32 @!p0 $0x1082;
	s9 =	sld [smem:$0x3FA8]  }
0x2f: {  	lr =	sadd.s32 s0, s3;
	s0 =	sld [smem:$0x3F9F]  }
0x30: {  	s3 =	sld [smem:$0x3FA2]  }
0x31: {  	[smem:$0x3FAB] =	sst s10  }
0x32: {  	s10 =	sld [smem:$0x3FA9];
	_ =	sdelay $0x3  }
0x33: {  	p0 =	seq.s32 s10, $0x1;
	s10 =	sld [smem:$0x3FAB];
	_ =	sdelay $0x3  }
0x34: {  	[smem:$0x3FAB] =	sst s10  }
0x35: {  	s10 =	sld [smem:$0x3FAA];
	_ =	sdelay $0x3  }
0x36: {  	p1 =	seq.s32 s10, $0x1;
	s10 =	sld [smem:$0x3FAB];
	_ =	sdelay $0x3  }
0x37: {  	[smem:$0x3FAB] =	sst s10  }
0x38: {  	s10 =	sld [smem:$0x3FAC]  }
0x39: {  	_ = 	snop;
	(pc) =	sbr.ind lr, $3  }
0x3a: {  	_ = 	snop  }
0x3b: {  	_ = 	snop  }
0x3c: {  	p2 =	seq.s32 s10, $0x1;
	s10 =	sld [smem:$0x3FAB]  }
0x3d: {  	_ =	shalt  }
0x3e: {  	_ =	shalt  }
0x3f: {  	_ =	shalt  }
0x40: {  	_ =	shalt  }
0x41: {  	_ =	shalt  }
0x42: {  	_ =	shalt  }
0x43: {  	_ =	shalt  }
0x44: {  	_ =	shalt  }
0x45: {  	_ =	shalt  }
0x46: {  	_ =	shalt  }
0x47: {  	_ =	shalt  }
0x48: {  	_ =	shalt  }
0x49: {  	_ =	shalt  }
0x4a: {  	_ =	shalt  }
0x4b: {  	_ =	shalt  }
0x4c: {  	_ =	shalt  }
0x4d: {  	_ =	shalt  }
0x4e: {  	_ =	shalt  }
0x4f: {  	_ =	shalt  }
0x50: {  	_ =	shalt  }
0x51: {  	_ =	shalt  }
0x52: {  	_ =	shalt  }
0x53: {  	_ =	shalt  }
0x54: {  	_ =	shalt  }
0x55: {  	_ =	shalt  }
0x56: {  	_ =	shalt  }
0x57: {  	_ =	shalt  }
0x58: {  	_ =	shalt  }
0x59: {  	_ =	shalt  }
0x5a: {  	_ =	shalt  }
0x5b: {  	_ =	shalt  }
0x5c: {  	_ =	shalt  }
0x5d: {  	_ =	shalt  }
0x5e: {  	_ =	shalt  }
0x5f: {  	_ =	shalt  }
0x60: {  	_ =	shalt  }
0x61: {  	_ =	shalt  }
0x62: {  	_ =	shalt  }
0x63: {  	_ =	shalt  }
0x64: {  	_ =	shalt  }
0x65: {  	_ =	shalt  }
0x66: {  	_ =	shalt  }
0x67: {  	_ =	shalt  }
0x68: {  	_ =	shalt  }
0x69: {  	_ =	shalt  }
0x6a: {  	_ =	shalt  }
0x6b: {  	_ =	shalt  }
0x6c: {  	_ =	shalt  }
0x6d: {  	_ =	shalt  }
0x6e: {  	_ =	shalt  }
0x6f: {  	_ =	shalt  }
0x70: {  	_ =	shalt  }
0x71: {  	_ =	shalt  }
0x72: {  	_ =	shalt  }
0x73: {  	_ =	shalt  }
0x74: {  	_ =	shalt  }
0x75: {  	_ =	shalt  }
0x76: {  	_ =	shalt  }
0x77: {  	_ =	shalt  }
0x78: {  	_ =	shalt  }
0x79: {  	_ =	shalt  }
0x7a: {  	_ =	shalt  }
0x7b: {  	_ =	shalt  }
0x7c: {  	_ =	shalt  }
0x7d: {  	_ =	shalt  }
0x7e: {  	_ =	shalt  }
0x7f: {  	_ =	shalt  }
0x80: {  	_ =	shalt  }
0x81: {  	_ =	shalt  }
0x82: {  	_ =	shalt  }
0x83: {  	_ =	shalt  }
0x84: {  	_ =	shalt  }
0x85: {  	_ =	shalt  }
0x86: {  	_ =	shalt  }
0x87: {  	_ =	shalt  }
.Lfunc_end0:
.L_simem_size_0:
called_computation.1_lowered:
.L_overlay_start_0:
0x88: {  	s2 =	sld [smem:$0x3FD9]  }
0x89: {  	s3 =	sld [smem:$0x3FFE];
	_ =	sdelay $0x1  }
0x8a: {  	s1 =	srdreg.scid  }
0x8b: {  	s0 =	sand.u32 $0x1, s1  }
0x8c: {  	s17 =	sshll.u32 s0, $0xA;
	s2 =	sadd.s32 s3, s2  }
0x8d: {  	s2 =	sadd.s32 s2, s17  }
0x8e: {  	[smem:$0x3FB7] =	sst s2  }
0x8f: {  	_ = 	snop  }
0x90: {  	(tm) =	ssettm $0x1  }
0x91: {  	s18 =	sld [smem:$0x3FFB];
	_ =	sdelay $0x3  }
0x92: {  	_ =	strace s18  }
0x93: {  	s2 =	sld [smem:$0x3FFC];
	_ =	sdelay $0x3  }
0x94: {  	_ =	strace s2  }
0x95: {  	s2 =	sld [smem:$0x3FFD];
	_ =	sdelay $0x3  }
0x96: {  	_ =	strace s2  }
0x97: {  	_ =	strace $0x8FFFFFFF  }
0x98: {  	s19 =	sld [smem:$0x3FDB];
	_ =	sdelay $0x1  }
0x99: {  	s20 =	simm.s32 $_scs_section_size  }
0x9a: {  	s4 =	simm.s32 $_size__tile_overlayer_lowered;
	s5 =	simm.s32 $_tile_overlayer_lowered  }
0x9b: {  	s6 =	simm.s32 $0x1BFF;
	s21 =	sshll.u32 s5, $0x1;
	s3 =	sadd.s32 s20, s19  }
0x9c: {  	s22 =	simm.s32 $0x0;
	s4 =	sshll.u32 s4, $0x1;
	s5 =	sadd.s32 s21, s3  }
0x9d: {  	[timem:s22], [sflag:s6] =	dma.local [hbm:s5], s4  }
0x9e: {  	_ =	swait.ge [sflag:s6], s4  }
0x9f: {  	s4 =	ssub.s32 $0x0, s4;
	[sflag:s6] =	ssyncset.done $0x0  }
0xa0: {  	[sflag:s6] =	ssyncadd.s32 s4;
	_ =	sdelay $0x1  }
0xa1: {  	s23 =	simm.s32 $0x1B8B  }
0xa2: {  	_ =	swait.ge [sflag:s23], $0x1  }
0xa3: {  	[sflag:s23] =	ssyncset.done $0x0  }
0xa4: {  	[sflag:s23] =	ssyncadd.s32 $0xFFFFFFFF  }
0xa5: {  	s4 =	sld [smem:$0x0]  }
0xa6: {  	s5 =	sand.u32 $0xFFFFFFFE, s1  }
0xa7: {  	p0 =	sne.s32 s1, s5  }
0xa8: {  	s5 =	sshll.u32 @p0 s5, $0xE  }
0xa9: {  	s5 =	sadd.s32 @p0 $0x11B8D, s5;
	s6 =	sshll.u32 @p0 s4, $0x11  }
0xaa: {  	s5 =	sor.u32 @p0 s6, s5  }
0xab: {  	[sflag:s5] =	ssyncadd.remote.s32 @p0 $0x1;
	_ =	sdelay $0x1  }
0xac: {  	s5 =	simm.s32 @p0 $0x1B8D  }
0xad: {  	_ =	swait.eq @p0 [sflag:s5], $0x1  }
0xae: {  	[sflag:s5] =	ssyncadd.s32 @p0 $0xFFFFFFFF  }
0xaf: {  	s6 =	sshll.u32 @!p0 s1, $0xE  }
0xb0: {  	s6 =	sor.u32 @!p0 $0x4000, s6;
	s5 =	simm.s32 @!p0 $0x1B8D  }
0xb1: {  	s4 =	sshll.u32 @!p0 s4, $0x11;
	s6 =	sadd.s32 @!p0 $0x11B8D, s6;
	_ =	swait.eq @!p0 [sflag:s5], $0x1  }
0xb2: {  	s4 =	sor.u32 @!p0 s4, s6;
	[sflag:s5] =	ssyncadd.s32 @!p0 $0xFFFFFFFF  }
0xb3: {  	s25 =	simm.s32 $0x1B8E;
	s24 =	sld [smem:$0x3FFE];
	[sflag:s4] =	ssyncadd.remote.s32 @!p0 $0x1  }
0xb4: {  	s26 =	simm.s32 $execute0_lowered;
	[smem:$0x3FD2] =	sst s25  }
0xb5: {  	s5 =	sshll.u32 s26, $0x1;
	_ =	strace $0x80000049;
	[dreg:$0x1] =	wrdreg $0xFFFFFFFF  }
0xb6: {  	s28 =	simm.s32 $_size_execute0_lowered;
	s3 =	sadd.s32 s3, s5;
	[dreg:$0x0] =	wrdreg $0x0  }
0xb7: {  	s5 =	sshll.u32 s28, $0x1;
	[dreg:$0x2] =	wrdreg s3  }
0xb8: {  	[dreg:$0x3] =	wrdreg s5  }
0xb9: {  	[dreg:$0x4] =	wrdreg $0xC0  }
0xba: {  	_ =	task [dreg:s22], $0x5FFFF  }
0xbb: {  	[dreg:$0x1] =	wrdreg $0xFFFFFFFF  }
0xbc: {  	[dreg:$0x0] =	wrdreg $0x60  }
0xbd: {  	[dreg:$0x2] =	wrdreg s24  }
0xbe: {  	[dreg:$0x3] =	wrdreg $0x9  }
0xbf: {  	_ =	task.clear_ibuf [dreg:s22], $0x4FFFF;
	_ =	strace $0x90000049  }
0xc0: {  	s29 =	simm.s32 $0x9;
	_ =	strace $0x8000004B  }
0xc1: {  	_ =	swait.ge [sflag:s29], $0x1  }
0xc2: {  	[sflag:s29] =	ssyncadd.s32 $0xFFFFFFFF  }
0xc3: {  	_ =	strace $0x9000004B  }
0xc4: {  	_ =	sfence  }
0xc5: {  	s30 =	sld [smem:$0x0];
	_ =	sdelay $0x2  }
0xc6: {  	s31 =	sshll.u32 s1, $0xD;
	s1 =	sshrl.u32 s1, $0x2  }
0xc7: {  	s4 =	sand.u32 $0x4000, s31;
	s1 =	sadd.s32 s1, s30  }
0xc8: {  	s0 =	sor.u32 s4, s0;
	s1 =	sshll.u32 s1, $0x11  }
0xc9: {  	s0 =	sor.u32 s1, s0  }
0xca: {  	s0 =	sadd.s32 $0x8F2B, s0  }
0xcb: {  	[sflag:s0] =	ssyncadd.remote.s32 $0x1  }
0xcc: {  	_ =	sfence.sel $0xFFFF  }
0xcd: {  	[dreg:$0x0] =	wrdreg $0xFFFFFFFF;
	(pc) =	sbr.abs _section_cstart, $3  }
0xce: {  	[dreg:$0x1] =	wrdreg $0xFFFFFFFF  }
0xcf: {  	_ =	task.clear_ibuf [dreg:s22], $0x2FFFF;
	_ =	strace $0x9FFFFFFF  }
0xd0: {  	(tm) =	ssettm $0x7FFFFFFF  }
0xd1: {  	_ =	shalt  }
tec
execute0_lowered:
.L_overlay_start_1:
0x0: {  	(tag) =	ssettag $0x1  }
0x1: {  	s0 =	stileid.u32;
	s1 =	srdreg.scid  }
0x2: {  	s3 =	rddreg [dreg:$0x0];
	s2 =	simm.s32 $0x0;
	s10 =	simm.s32 $0xC980  }
0x3: {  	s11 =	simm.s32 $0x0;
	s4 =	sand.u32 $0x1, s1;
	s5 =	sshll.u32 s0, $0x1  }
0x4: {  	s1 =	rddreg [dreg:$0x1];
	s6 =	smul.u32 $0x1920, s0;
	s5 =	sor.u32 s4, s5  }
0x5: {  	[smem:$0x7FF] =	sst s2;
	s7 =	ssub.s32 $0x2, s4;
	s5 =	smul.u32 $0xC800, s5  }
0x6: {  	_ =	strace $0x8000004A;
	s9 =	smul.u32 $0xC90, s4;
	s8 =	sshrl.u32 s7, $0x1  }
0x7: {  	s6 =	sadd.s32 s6, s3;
	s7 =	ssub.s32 s7, s8;
	s5 =	sshrl.u32 s5, $0x3  }
0x8: {  	s31 =	sadd.s32 s9, s6;
	s8 =	simm.s32 $0x1;
	s5 =	sadd.s32 s5, s3  }
0x9: {  	s9 =	simm.s32 $0x180;
	s6 =	sadd.s32 $0xE4800, s31;
	s3 =	sadd.s32 $0x163000, s5  }
0xa: {  	v0 =	vimm.f32 $0.0e+00;
	s4 =	sadd.s32 $0x195000, s5;
	s5 =	smax.u32 s7, $0x1;
	s7 =	sadd.s32 $0x116C00, s31  }
.LBB2_1:
0xb: {  	s13 =	simm.s32 $0x0;
	s12 =	simm.s32 $0x200  }
.LBB2_2:
0xc: {  	p0 =	sne.s32 s12, $0x3000;
	[tilespmem:s13+$0xC9F0] =	vst v0  }
0xd: {  	[tilespmem:s13+$0x180] =	vst v0  }
0xe: {  	[tilespmem:s13+$0xC980] =	vst v0  }
0xf: {  	[tilespmem:s13+$0x190] =	vst v0  }
0x10: {  	[tilespmem:s13+$0xC990] =	vst v0  }
0x11: {  	[tilespmem:s13+$0x1A0] =	vst v0  }
0x12: {  	[tilespmem:s13+$0xC9A0] =	vst v0  }
0x13: {  	[tilespmem:s13+$0x1B0] =	vst v0  }
0x14: {  	[tilespmem:s13+$0xC9B0] =	vst v0  }
0x15: {  	[tilespmem:s13+$0x1C0] =	vst v0  }
0x16: {  	[tilespmem:s13+$0xC9C0] =	vst v0  }
.Ltmp0:
0x17: {  	[tilespmem:s13+$0x1D0] =	vst v0;
	(pc) =	sbr.rel @p0 .LBB2_2-.Ltmp0, $4  }
0x18: {  	[tilespmem:s13+$0xC9D0] =	vst v0  }
0x19: {  	[tilespmem:s13+$0x1E0] =	vst v0  }
0x1a: {  	[tilespmem:s13+$0xC9E0] =	vst v0  }
0x1b: {  	[tilespmem:s13+$0x1F0] =	vst v0;
	s13 =	sshra.s32 s12, $0x2;
	s12 =	sadd.s32 $0x200, s12  }
0x1c: {  	[tilespmem:s13+$0xC9F0] =	vst v0  }
0x1d: {  	[tilespmem:s13+$0x180] =	vst v0  }
0x1e: {  	[tilespmem:s13+$0xC980] =	vst v0  }
0x1f: {  	[tilespmem:s13+$0x190] =	vst v0  }
0x20: {  	[tilespmem:s13+$0xC990] =	vst v0  }
0x21: {  	[tilespmem:s13+$0x1A0] =	vst v0  }
0x22: {  	[tilespmem:s13+$0xC9A0] =	vst v0  }
0x23: {  	[tilespmem:s13+$0x1B0] =	vst v0  }
0x24: {  	[tilespmem:s13+$0xC9B0] =	vst v0  }
0x25: {  	[tilespmem:s13+$0x1C0] =	vst v0  }
0x26: {  	[tilespmem:s13+$0xC9C0] =	vst v0  }
0x27: {  	[tilespmem:s13+$0x1D0] =	vst v0  }
0x28: {  	[tilespmem:s13+$0xC9D0] =	vst v0  }
0x29: {  	[tilespmem:s13+$0x1E0] =	vst v0  }
0x2a: {  	[tilespmem:s13+$0xC9E0] =	vst v0  }
0x2b: {  	s12 =	simm.s32 $0x0;
	[tilespmem:s13+$0x1F0] =	vst v0;
	s13 =	simm.s32 $0x0  }
.LBB2_4:
0x2c: {  	s14 =	sadd.s32 s13, s6  }
0x2d: {  	[tilespmem:s12], [sflag:$0x1] =	stream.linear.gather [hbm4b:s14+s12], $0x180, $0x38;
	[tilespmem:$0x19180] =	vst v63  }
0x2e: {  	_ =	swait.ge [sflag:s8], $0x180  }
0x2f: {  	[sflag:s8] =	ssyncset.done $0x0  }
0x30: {  	[sflag:s8] =	ssyncadd.s32 $0xFFFFFE80  }
0x31: {  	v1 =	vld [tilespmem:$0x0];
	_ =	sdelay $0x4  }
0x32: {  	(xrf1) =	vunique.msk.u32 $0xffff, v1;
	_ =	sdelay $0xd  }
0x33: {  	_, v2, vm0 =	vpop (xrf1);
	_ =	sdelay $0x3  }
0x34: {  	v2 =	vcvt.s32.f32 v2;
	_ =	sdelay $0x1  }
0x35: {  	[tilespmem:v1+s9+$0x0] =	vst.idx.add.f32.msk vm0, v2  }
0x36: {  	v1 =	vld [tilespmem:$0x10];
	_ =	sdelay $0x4  }
0x37: {  	(xrf1) =	vunique.msk.u32 $0xffff, v1;
	_ =	sdelay $0xd  }
0x38: {  	_, v2, vm0 =	vpop (xrf1);
	_ =	sdelay $0x3  }
0x39: {  	v2 =	vcvt.s32.f32 v2;
	_ =	sdelay $0x1  }
0x3a: {  	[tilespmem:v1+s9+$0x0] =	vst.idx.add.f32.msk vm0, v2  }
0x3b: {  	v1 =	vld [tilespmem:$0x20];
	_ =	sdelay $0x4  }
0x3c: {  	(xrf1) =	vunique.msk.u32 $0xffff, v1;
	_ =	sdelay $0xd  }
0x3d: {  	_, v2, vm0 =	vpop (xrf1);
	_ =	sdelay $0x3  }
0x3e: {  	v2 =	vcvt.s32.f32 v2;
	_ =	sdelay $0x1  }
0x3f: {  	[tilespmem:v1+s9+$0x0] =	vst.idx.add.f32.msk vm0, v2  }
0x40: {  	v1 =	vld [tilespmem:$0x30];
	_ =	sdelay $0x4  }
0x41: {  	(xrf1) =	vunique.msk.u32 $0xffff, v1;
	_ =	sdelay $0xd  }
0x42: {  	_, v2, vm0 =	vpop (xrf1);
	_ =	sdelay $0x3  }
0x43: {  	v2 =	vcvt.s32.f32 v2;
	_ =	sdelay $0x1  }
0x44: {  	[tilespmem:v1+s9+$0x0] =	vst.idx.add.f32.msk vm0, v2  }
0x45: {  	v1 =	vld [tilespmem:$0x40];
	_ =	sdelay $0x4  }
0x46: {  	(xrf1) =	vunique.msk.u32 $0xffff, v1;
	_ =	sdelay $0xd  }
0x47: {  	_, v2, vm0 =	vpop (xrf1);
	_ =	sdelay $0x3  }
0x48: {  	v2 =	vcvt.s32.f32 v2;
	_ =	sdelay $0x1  }
0x49: {  	[tilespmem:v1+s9+$0x0] =	vst.idx.add.f32.msk vm0, v2  }
0x4a: {  	v1 =	vld [tilespmem:$0x50];
	_ =	sdelay $0x4  }
0x4b: {  	(xrf1) =	vunique.msk.u32 $0xffff, v1;
	_ =	sdelay $0xd  }
0x4c: {  	_, v2, vm0 =	vpop (xrf1);
	_ =	sdelay $0x3  }
0x4d: {  	v2 =	vcvt.s32.f32 v2;
	_ =	sdelay $0x1  }
0x4e: {  	[tilespmem:v1+s9+$0x0] =	vst.idx.add.f32.msk vm0, v2  }
0x4f: {  	v1 =	vld [tilespmem:$0x60];
	_ =	sdelay $0x4  }
0x50: {  	(xrf1) =	vunique.msk.u32 $0xffff, v1;
	_ =	sdelay $0xd  }
0x51: {  	_, v2, vm0 =	vpop (xrf1);
	_ =	sdelay $0x3  }
0x52: {  	v2 =	vcvt.s32.f32 v2;
	_ =	sdelay $0x1  }
0x53: {  	[tilespmem:v1+s9+$0x0] =	vst.idx.add.f32.msk vm0, v2  }
0x54: {  	v1 =	vld [tilespmem:$0x70];
	_ =	sdelay $0x4  }
0x55: {  	(xrf1) =	vunique.msk.u32 $0xffff, v1;
	_ =	sdelay $0xd  }
0x56: {  	_, v2, vm0 =	vpop (xrf1);
	_ =	sdelay $0x3  }
0x57: {  	v2 =	vcvt.s32.f32 v2;
	_ =	sdelay $0x1  }
0x58: {  	[tilespmem:v1+s9+$0x0] =	vst.idx.add.f32.msk vm0, v2  }
0x59: {  	v1 =	vld [tilespmem:$0x80];
	_ =	sdelay $0x4  }
0x5a: {  	(xrf1) =	vunique.msk.u32 $0xffff, v1;
	_ =	sdelay $0xd  }
0x5b: {  	_, v2, vm0 =	vpop (xrf1);
	_ =	sdelay $0x3  }
0x5c: {  	v2 =	vcvt.s32.f32 v2;
	_ =	sdelay $0x1  }
0x5d: {  	[tilespmem:v1+s9+$0x0] =	vst.idx.add.f32.msk vm0, v2  }
0x5e: {  	v1 =	vld [tilespmem:$0x90];
	_ =	sdelay $0x4  }
0x5f: {  	(xrf1) =	vunique.msk.u32 $0xffff, v1;
	_ =	sdelay $0xd  }
0x60: {  	_, v2, vm0 =	vpop (xrf1);
	_ =	sdelay $0x3  }
0x61: {  	v2 =	vcvt.s32.f32 v2;
	_ =	sdelay $0x1  }
0x62: {  	[tilespmem:v1+s9+$0x0] =	vst.idx.add.f32.msk vm0, v2  }
0x63: {  	v1 =	vld [tilespmem:$0xA0];
	_ =	sdelay $0x4  }
0x64: {  	(xrf1) =	vunique.msk.u32 $0xffff, v1;
	_ =	sdelay $0xd  }
0x65: {  	_, v2, vm0 =	vpop (xrf1);
	_ =	sdelay $0x3  }
0x66: {  	v2 =	vcvt.s32.f32 v2;
	_ =	sdelay $0x1  }
0x67: {  	[tilespmem:v1+s9+$0x0] =	vst.idx.add.f32.msk vm0, v2  }
0x68: {  	v1 =	vld [tilespmem:$0xB0];
	_ =	sdelay $0x4  }
0x69: {  	(xrf1) =	vunique.msk.u32 $0xffff, v1;
	_ =	sdelay $0xd  }
0x6a: {  	_, v2, vm0 =	vpop (xrf1);
	_ =	sdelay $0x3  }
0x6b: {  	v2 =	vcvt.s32.f32 v2;
	_ =	sdelay $0x1  }
0x6c: {  	[tilespmem:v1+s9+$0x0] =	vst.idx.add.f32.msk vm0, v2  }
0x6d: {  	v1 =	vld [tilespmem:$0xC0];
	_ =	sdelay $0x4  }
0x6e: {  	(xrf1) =	vunique.msk.u32 $0xffff, v1;
	_ =	sdelay $0xd  }
0x6f: {  	_, v2, vm0 =	vpop (xrf1);
	_ =	sdelay $0x3  }
0x70: {  	v2 =	vcvt.s32.f32 v2;
	_ =	sdelay $0x1  }
0x71: {  	[tilespmem:v1+s9+$0x0] =	vst.idx.add.f32.msk vm0, v2  }
0x72: {  	v1 =	vld [tilespmem:$0xD0];
	_ =	sdelay $0x4  }
0x73: {  	(xrf1) =	vunique.msk.u32 $0xffff, v1;
	_ =	sdelay $0xd  }
0x74: {  	_, v2, vm0 =	vpop (xrf1);
	_ =	sdelay $0x3  }
0x75: {  	v2 =	vcvt.s32.f32 v2;
	_ =	sdelay $0x1  }
0x76: {  	[tilespmem:v1+s9+$0x0] =	vst.idx.add.f32.msk vm0, v2  }
0x77: {  	v1 =	vld [tilespmem:$0xE0];
	_ =	sdelay $0x4  }
0x78: {  	(xrf1) =	vunique.msk.u32 $0xffff, v1;
	_ =	sdelay $0xd  }
0x79: {  	_, v2, vm0 =	vpop (xrf1);
	_ =	sdelay $0x3  }
0x7a: {  	v2 =	vcvt.s32.f32 v2;
	_ =	sdelay $0x1  }
0x7b: {  	[tilespmem:v1+s9+$0x0] =	vst.idx.add.f32.msk vm0, v2  }
0x7c: {  	v1 =	vld [tilespmem:$0xF0];
	_ =	sdelay $0x4  }
0x7d: {  	(xrf1) =	vunique.msk.u32 $0xffff, v1;
	_ =	sdelay $0xd  }
0x7e: {  	_, v2, vm0 =	vpop (xrf1);
	_ =	sdelay $0x3  }
0x7f: {  	v2 =	vcvt.s32.f32 v2;
	_ =	sdelay $0x1  }
0x80: {  	[tilespmem:v1+s9+$0x0] =	vst.idx.add.f32.msk vm0, v2  }
0x81: {  	v1 =	vld [tilespmem:$0x100];
	_ =	sdelay $0x4  }
0x82: {  	(xrf1) =	vunique.msk.u32 $0xffff, v1;
	_ =	sdelay $0xd  }
0x83: {  	_, v2, vm0 =	vpop (xrf1);
	_ =	sdelay $0x3  }
0x84: {  	v2 =	vcvt.s32.f32 v2;
	_ =	sdelay $0x1  }
0x85: {  	[tilespmem:v1+s9+$0x0] =	vst.idx.add.f32.msk vm0, v2  }
0x86: {  	v1 =	vld [tilespmem:$0x110];
	_ =	sdelay $0x4  }
0x87: {  	(xrf1) =	vunique.msk.u32 $0xffff, v1;
	_ =	sdelay $0xd  }
0x88: {  	_, v2, vm0 =	vpop (xrf1);
	_ =	sdelay $0x3  }
0x89: {  	v2 =	vcvt.s32.f32 v2;
	_ =	sdelay $0x1  }
0x8a: {  	[tilespmem:v1+s9+$0x0] =	vst.idx.add.f32.msk vm0, v2  }
0x8b: {  	v1 =	vld [tilespmem:$0x120];
	_ =	sdelay $0x4  }
0x8c: {  	(xrf1) =	vunique.msk.u32 $0xffff, v1;
	_ =	sdelay $0xd  }
0x8d: {  	_, v2, vm0 =	vpop (xrf1);
	_ =	sdelay $0x3  }
0x8e: {  	v2 =	vcvt.s32.f32 v2;
	_ =	sdelay $0x1  }
0x8f: {  	[tilespmem:v1+s9+$0x0] =	vst.idx.add.f32.msk vm0, v2  }
0x90: {  	v1 =	vld [tilespmem:$0x130];
	_ =	sdelay $0x4  }
0x91: {  	(xrf1) =	vunique.msk.u32 $0xffff, v1;
	_ =	sdelay $0xd  }
0x92: {  	_, v2, vm0 =	vpop (xrf1);
	_ =	sdelay $0x3  }
0x93: {  	v2 =	vcvt.s32.f32 v2;
	_ =	sdelay $0x1  }
0x94: {  	[tilespmem:v1+s9+$0x0] =	vst.idx.add.f32.msk vm0, v2  }
0x95: {  	v1 =	vld [tilespmem:$0x140];
	_ =	sdelay $0x4  }
0x96: {  	(xrf1) =	vunique.msk.u32 $0xffff, v1;
	_ =	sdelay $0xd  }
0x97: {  	_, v2, vm0 =	vpop (xrf1);
	_ =	sdelay $0x3  }
0x98: {  	v2 =	vcvt.s32.f32 v2;
	_ =	sdelay $0x1  }
0x99: {  	[tilespmem:v1+s9+$0x0] =	vst.idx.add.f32.msk vm0, v2  }
0x9a: {  	v1 =	vld [tilespmem:$0x150];
	_ =	sdelay $0x4  }
0x9b: {  	(xrf1) =	vunique.msk.u32 $0xffff, v1;
	_ =	sdelay $0xd  }
0x9c: {  	_, v2, vm0 =	vpop (xrf1);
	_ =	sdelay $0x3  }
0x9d: {  	v2 =	vcvt.s32.f32 v2;
	_ =	sdelay $0x1  }
0x9e: {  	[tilespmem:v1+s9+$0x0] =	vst.idx.add.f32.msk vm0, v2  }
0x9f: {  	v1 =	vld [tilespmem:$0x160];
	_ =	sdelay $0x4  }
0xa0: {  	(xrf1) =	vunique.msk.u32 $0xffff, v1;
	_ =	sdelay $0xd  }
0xa1: {  	_, v2, vm0 =	vpop (xrf1);
	_ =	sdelay $0x3  }
0xa2: {  	v2 =	vcvt.s32.f32 v2;
	_ =	sdelay $0x1  }
0xa3: {  	[tilespmem:v1+s9+$0x0] =	vst.idx.add.f32.msk vm0, v2  }
0xa4: {  	v1 =	vld [tilespmem:$0x170];
	_ =	sdelay $0x4  }
0xa5: {  	(xrf1) =	vunique.msk.u32 $0xffff, v1;
	_ =	sdelay $0xd  }
0xa6: {  	_, v2, vm0 =	vpop (xrf1)  }
0xa7: {  	p0 =	sne.s32 s13, $0xC60  }
.Ltmp1:
0xa8: {  	_ = 	snop;
	(pc) =	sbr.rel @p0 .LBB2_4-.Ltmp1, $3  }
0xa9: {  	_ = 	snop  }
0xaa: {  	v2 =	vcvt.s32.f32 v2;
	_ =	sdelay $0x1  }
0xab: {  	s13 =	sadd.s32 $0x30, s13;
	[tilespmem:v1+s9+$0x0] =	vst.idx.add.f32.msk vm0, v2  }
.LBB2_5:
0xac: {  	s13 =	sadd.s32 s12, s7  }
0xad: {  	[tilespmem:s2], [sflag:$0x1] =	stream.linear.gather [hbm4b:s13+s2], $0x180, $0x38;
	[tilespmem:$0x19180] =	vst v63  }
0xae: {  	_ =	swait.ge [sflag:s8], $0x180  }
0xaf: {  	[sflag:s8] =	ssyncset.done $0x0  }
0xb0: {  	[sflag:s8] =	ssyncadd.s32 $0xFFFFFE80  }
0xb1: {  	v1 =	vld [tilespmem:$0x0];
	_ =	sdelay $0x4  }
0xb2: {  	(xrf1) =	vunique.msk.u32 $0xffff, v1;
	_ =	sdelay $0xd  }
0xb3: {  	_, v2, vm0 =	vpop (xrf1);
	_ =	sdelay $0x3  }
0xb4: {  	v2 =	vcvt.s32.f32 v2;
	_ =	sdelay $0x1  }
0xb5: {  	[tilespmem:v1+s10+$0x0] =	vst.idx.add.f32.msk vm0, v2  }
0xb6: {  	v1 =	vld [tilespmem:$0x10];
	_ =	sdelay $0x4  }
0xb7: {  	(xrf1) =	vunique.msk.u32 $0xffff, v1;
	_ =	sdelay $0xd  }
0xb8: {  	_, v2, vm0 =	vpop (xrf1);
	_ =	sdelay $0x3  }
0xb9: {  	v2 =	vcvt.s32.f32 v2;
	_ =	sdelay $0x1  }
0xba: {  	[tilespmem:v1+s10+$0x0] =	vst.idx.add.f32.msk vm0, v2  }
0xbb: {  	v1 =	vld [tilespmem:$0x20];
	_ =	sdelay $0x4  }
0xbc: {  	(xrf1) =	vunique.msk.u32 $0xffff, v1;
	_ =	sdelay $0xd  }
0xbd: {  	_, v2, vm0 =	vpop (xrf1);
	_ =	sdelay $0x3  }
0xbe: {  	v2 =	vcvt.s32.f32 v2;
	_ =	sdelay $0x1  }
0xbf: {  	[tilespmem:v1+s10+$0x0] =	vst.idx.add.f32.msk vm0, v2  }
0xc0: {  	v1 =	vld [tilespmem:$0x30];
	_ =	sdelay $0x4  }
0xc1: {  	(xrf1) =	vunique.msk.u32 $0xffff, v1;
	_ =	sdelay $0xd  }
0xc2: {  	_, v2, vm0 =	vpop (xrf1);
	_ =	sdelay $0x3  }
0xc3: {  	v2 =	vcvt.s32.f32 v2;
	_ =	sdelay $0x1  }
0xc4: {  	[tilespmem:v1+s10+$0x0] =	vst.idx.add.f32.msk vm0, v2  }
0xc5: {  	v1 =	vld [tilespmem:$0x40];
	_ =	sdelay $0x4  }
0xc6: {  	(xrf1) =	vunique.msk.u32 $0xffff, v1;
	_ =	sdelay $0xd  }
0xc7: {  	_, v2, vm0 =	vpop (xrf1);
	_ =	sdelay $0x3  }
0xc8: {  	v2 =	vcvt.s32.f32 v2;
	_ =	sdelay $0x1  }
0xc9: {  	[tilespmem:v1+s10+$0x0] =	vst.idx.add.f32.msk vm0, v2  }
0xca: {  	v1 =	vld [tilespmem:$0x50];
	_ =	sdelay $0x4  }
0xcb: {  	(xrf1) =	vunique.msk.u32 $0xffff, v1;
	_ =	sdelay $0xd  }
0xcc: {  	_, v2, vm0 =	vpop (xrf1);
	_ =	sdelay $0x3  }
0xcd: {  	v2 =	vcvt.s32.f32 v2;
	_ =	sdelay $0x1  }
0xce: {  	[tilespmem:v1+s10+$0x0] =	vst.idx.add.f32.msk vm0, v2  }
0xcf: {  	v1 =	vld [tilespmem:$0x60];
	_ =	sdelay $0x4  }
0xd0: {  	(xrf1) =	vunique.msk.u32 $0xffff, v1;
	_ =	sdelay $0xd  }
0xd1: {  	_, v2, vm0 =	vpop (xrf1);
	_ =	sdelay $0x3  }
0xd2: {  	v2 =	vcvt.s32.f32 v2;
	_ =	sdelay $0x1  }
0xd3: {  	[tilespmem:v1+s10+$0x0] =	vst.idx.add.f32.msk vm0, v2  }
0xd4: {  	v1 =	vld [tilespmem:$0x70];
	_ =	sdelay $0x4  }
0xd5: {  	(xrf1) =	vunique.msk.u32 $0xffff, v1;
	_ =	sdelay $0xd  }
0xd6: {  	_, v2, vm0 =	vpop (xrf1);
	_ =	sdelay $0x3  }
0xd7: {  	v2 =	vcvt.s32.f32 v2;
	_ =	sdelay $0x1  }
0xd8: {  	[tilespmem:v1+s10+$0x0] =	vst.idx.add.f32.msk vm0, v2  }
0xd9: {  	v1 =	vld [tilespmem:$0x80];
	_ =	sdelay $0x4  }
0xda: {  	(xrf1) =	vunique.msk.u32 $0xffff, v1;
	_ =	sdelay $0xd  }
0xdb: {  	_, v2, vm0 =	vpop (xrf1);
	_ =	sdelay $0x3  }
0xdc: {  	v2 =	vcvt.s32.f32 v2;
	_ =	sdelay $0x1  }
0xdd: {  	[tilespmem:v1+s10+$0x0] =	vst.idx.add.f32.msk vm0, v2  }
0xde: {  	v1 =	vld [tilespmem:$0x90];
	_ =	sdelay $0x4  }
0xdf: {  	(xrf1) =	vunique.msk.u32 $0xffff, v1;
	_ =	sdelay $0xd  }
0xe0: {  	_, v2, vm0 =	vpop (xrf1);
	_ =	sdelay $0x3  }
0xe1: {  	v2 =	vcvt.s32.f32 v2;
	_ =	sdelay $0x1  }
0xe2: {  	[tilespmem:v1+s10+$0x0] =	vst.idx.add.f32.msk vm0, v2  }
0xe3: {  	v1 =	vld [tilespmem:$0xA0];
	_ =	sdelay $0x4  }
0xe4: {  	(xrf1) =	vunique.msk.u32 $0xffff, v1;
	_ =	sdelay $0xd  }
0xe5: {  	_, v2, vm0 =	vpop (xrf1);
	_ =	sdelay $0x3  }
0xe6: {  	v2 =	vcvt.s32.f32 v2;
	_ =	sdelay $0x1  }
0xe7: {  	[tilespmem:v1+s10+$0x0] =	vst.idx.add.f32.msk vm0, v2  }
0xe8: {  	v1 =	vld [tilespmem:$0xB0];
	_ =	sdelay $0x4  }
0xe9: {  	(xrf1) =	vunique.msk.u32 $0xffff, v1;
	_ =	sdelay $0xd  }
0xea: {  	_, v2, vm0 =	vpop (xrf1);
	_ =	sdelay $0x3  }
0xeb: {  	v2 =	vcvt.s32.f32 v2;
	_ =	sdelay $0x1  }
0xec: {  	[tilespmem:v1+s10+$0x0] =	vst.idx.add.f32.msk vm0, v2  }
0xed: {  	v1 =	vld [tilespmem:$0xC0];
	_ =	sdelay $0x4  }
0xee: {  	(xrf1) =	vunique.msk.u32 $0xffff, v1;
	_ =	sdelay $0xd  }
0xef: {  	_, v2, vm0 =	vpop (xrf1);
	_ =	sdelay $0x3  }
0xf0: {  	v2 =	vcvt.s32.f32 v2;
	_ =	sdelay $0x1  }
0xf1: {  	[tilespmem:v1+s10+$0x0] =	vst.idx.add.f32.msk vm0, v2  }
0xf2: {  	v1 =	vld [tilespmem:$0xD0];
	_ =	sdelay $0x4  }
0xf3: {  	(xrf1) =	vunique.msk.u32 $0xffff, v1;
	_ =	sdelay $0xd  }
0xf4: {  	_, v2, vm0 =	vpop (xrf1);
	_ =	sdelay $0x3  }
0xf5: {  	v2 =	vcvt.s32.f32 v2;
	_ =	sdelay $0x1  }
0xf6: {  	[tilespmem:v1+s10+$0x0] =	vst.idx.add.f32.msk vm0, v2  }
0xf7: {  	v1 =	vld [tilespmem:$0xE0];
	_ =	sdelay $0x4  }
0xf8: {  	(xrf1) =	vunique.msk.u32 $0xffff, v1;
	_ =	sdelay $0xd  }
0xf9: {  	_, v2, vm0 =	vpop (xrf1);
	_ =	sdelay $0x3  }
0xfa: {  	v2 =	vcvt.s32.f32 v2;
	_ =	sdelay $0x1  }
0xfb: {  	[tilespmem:v1+s10+$0x0] =	vst.idx.add.f32.msk vm0, v2  }
0xfc: {  	v1 =	vld [tilespmem:$0xF0];
	_ =	sdelay $0x4  }
0xfd: {  	(xrf1) =	vunique.msk.u32 $0xffff, v1;
	_ =	sdelay $0xd  }
0xfe: {  	_, v2, vm0 =	vpop (xrf1);
	_ =	sdelay $0x3  }
0xff: {  	v2 =	vcvt.s32.f32 v2;
	_ =	sdelay $0x1  }
0x100: {  	[tilespmem:v1+s10+$0x0] =	vst.idx.add.f32.msk vm0, v2  }
0x101: {  	v1 =	vld [tilespmem:$0x100];
	_ =	sdelay $0x4  }
0x102: {  	(xrf1) =	vunique.msk.u32 $0xffff, v1;
	_ =	sdelay $0xd  }
0x103: {  	_, v2, vm0 =	vpop (xrf1);
	_ =	sdelay $0x3  }
0x104: {  	v2 =	vcvt.s32.f32 v2;
	_ =	sdelay $0x1  }
0x105: {  	[tilespmem:v1+s10+$0x0] =	vst.idx.add.f32.msk vm0, v2  }
0x106: {  	v1 =	vld [tilespmem:$0x110];
	_ =	sdelay $0x4  }
0x107: {  	(xrf1) =	vunique.msk.u32 $0xffff, v1;
	_ =	sdelay $0xd  }
0x108: {  	_, v2, vm0 =	vpop (xrf1);
	_ =	sdelay $0x3  }
0x109: {  	v2 =	vcvt.s32.f32 v2;
	_ =	sdelay $0x1  }
0x10a: {  	[tilespmem:v1+s10+$0x0] =	vst.idx.add.f32.msk vm0, v2  }
0x10b: {  	v1 =	vld [tilespmem:$0x120];
	_ =	sdelay $0x4  }
0x10c: {  	(xrf1) =	vunique.msk.u32 $0xffff, v1;
	_ =	sdelay $0xd  }
0x10d: {  	_, v2, vm0 =	vpop (xrf1);
	_ =	sdelay $0x3  }
0x10e: {  	v2 =	vcvt.s32.f32 v2;
	_ =	sdelay $0x1  }
0x10f: {  	[tilespmem:v1+s10+$0x0] =	vst.idx.add.f32.msk vm0, v2  }
0x110: {  	v1 =	vld [tilespmem:$0x130];
	_ =	sdelay $0x4  }
0x111: {  	(xrf1) =	vunique.msk.u32 $0xffff, v1;
	_ =	sdelay $0xd  }
0x112: {  	_, v2, vm0 =	vpop (xrf1);
	_ =	sdelay $0x3  }
0x113: {  	v2 =	vcvt.s32.f32 v2;
	_ =	sdelay $0x1  }
0x114: {  	[tilespmem:v1+s10+$0x0] =	vst.idx.add.f32.msk vm0, v2  }
0x115: {  	v1 =	vld [tilespmem:$0x140];
	_ =	sdelay $0x4  }
0x116: {  	(xrf1) =	vunique.msk.u32 $0xffff, v1;
	_ =	sdelay $0xd  }
0x117: {  	_, v2, vm0 =	vpop (xrf1);
	_ =	sdelay $0x3  }
0x118: {  	v2 =	vcvt.s32.f32 v2;
	_ =	sdelay $0x1  }
0x119: {  	[tilespmem:v1+s10+$0x0] =	vst.idx.add.f32.msk vm0, v2  }
0x11a: {  	v1 =	vld [tilespmem:$0x150];
	_ =	sdelay $0x4  }
0x11b: {  	(xrf1) =	vunique.msk.u32 $0xffff, v1;
	_ =	sdelay $0xd  }
0x11c: {  	_, v2, vm0 =	vpop (xrf1);
	_ =	sdelay $0x3  }
0x11d: {  	v2 =	vcvt.s32.f32 v2;
	_ =	sdelay $0x1  }
0x11e: {  	[tilespmem:v1+s10+$0x0] =	vst.idx.add.f32.msk vm0, v2  }
0x11f: {  	v1 =	vld [tilespmem:$0x160];
	_ =	sdelay $0x4  }
0x120: {  	(xrf1) =	vunique.msk.u32 $0xffff, v1;
	_ =	sdelay $0xd  }
0x121: {  	_, v2, vm0 =	vpop (xrf1);
	_ =	sdelay $0x3  }
0x122: {  	v2 =	vcvt.s32.f32 v2;
	_ =	sdelay $0x1  }
0x123: {  	[tilespmem:v1+s10+$0x0] =	vst.idx.add.f32.msk vm0, v2  }
0x124: {  	v1 =	vld [tilespmem:$0x170];
	_ =	sdelay $0x4  }
0x125: {  	(xrf1) =	vunique.msk.u32 $0xffff, v1;
	_ =	sdelay $0xd  }
0x126: {  	_, v2, vm0 =	vpop (xrf1)  }
0x127: {  	p0 =	sne.s32 s12, $0xC60  }
.Ltmp2:
0x128: {  	_ = 	snop;
	(pc) =	sbr.rel @p0 .LBB2_5-.Ltmp2, $3  }
0x129: {  	_ = 	snop  }
0x12a: {  	v2 =	vcvt.s32.f32 v2;
	_ =	sdelay $0x1  }
0x12b: {  	s12 =	sadd.s32 $0x30, s12;
	[tilespmem:v1+s10+$0x0] =	vst.idx.add.f32.msk vm0, v2  }
0x12c: {  	[hbm4b:s3+s2] =	stream.linear.scatter [tilespmem:s9], [sflag:$0x1], $0xC800, $0x38;
	[tilespmem:$0x19180] =	vst v63  }
0x12d: {  	s11 =	sadd.s32 $0x1, s11;
	_ =	swait.ge [sflag:s8], $0xC800  }
0x12e: {  	p0 =	sne.s32 s11, s5;
	[sflag:s8] =	ssyncset.done $0x0  }
.Ltmp3:
0x12f: {  	[sflag:s8] =	ssyncadd.s32 $0xFFFF3800;
	(pc) =	sbr.rel @p0 .LBB2_1-.Ltmp3, $4  }
0x130: {  	[hbm4b:s4+s2] =	stream.linear.scatter [tilespmem:s10], [sflag:$0x1], $0xC800, $0x38;
	[tilespmem:$0x19180] =	vst v63  }
0x131: {  	_ =	swait.ge [sflag:s8], $0xC800  }
0x132: {  	[sflag:s8] =	ssyncset.done $0x0  }
0x133: {  	[sflag:s8] =	ssyncadd.s32 $0xFFFF3800  }
0x134: {  	_ =	sfence.sel $0x180000  }
0x135: {  	[bflag:$0x0] =	sbarrier.arrive $0xFFFF  }
0x136: {  	p0 =	sne.s32 s0, $0x0;
	_ =	strace $0x9000004A  }
0x137: {  	s0 =	sadd.s32 @!p0 $0x100000, s1;
	[bflag:$0x2] =	sbarrier.arrive $0xFFFF  }
0x138: {  	[sflag:s0] =	ssyncadd.tile.s32 @!p0 $0x1;
	_ =	shalt  }
.Lfunc_end2:
_tile_overlayer_lowered:
.L_overlay_start_2:
0x139: {  	(tag) =	ssettag $0x2  }
0x13a: {  	s0 =	rddreg [dreg:$0x0];
	s2 =	stileid.u32  }
0x13b: {  	s1 =	rddreg [dreg:$0x1];
	p0 =	sne.s32 s2, $0x0  }
0x13c: {  	s3 =	rddreg [dreg:$0x2];
	[bflag:$0x3] =	sbarrier.arrive $0xFFFF;
	s2 =	simm.s32 @!p0 $0x1C01  }
0x13d: {  	[timem:s3], [sflag:s2] =	dma.local @!p0 [hbm:s0], s1  }
0x13e: {  	s0 =	simm.s32 @!p0 $0x1  }
0x13f: {  	_ =	swait.ge @!p0 [sflag:s0], s1  }
0x140: {  	s1 =	ssub.s32 @!p0 $0x0, s1;
	[sflag:s0] =	ssyncset.done @!p0 $0x0  }
0x141: {  	[sflag:s0] =	ssyncadd.s32 @!p0 s1  }
0x142: {  	[bflag:$0x3] =	sbarrier.arrive $0xFFFF  }
0x143: {  	_ =	shalt  }

// kernel: kernel.16.cloned.1.call-start
scs
__scs_entry_jumppad:
0x0: {  	(pc) =	sbr.rel $0x88, $3  }
0x1: {  	(tag) =	ssettag $0x0;
	lr =	simm.s32 $0x1  }
0x2: {  	[smem:$0x3F90] =	sst lr;
	_ =	strace $0xD0000000  }
0x3: {  	_ = 	snop  }
0x4: {  	_ = 	snop  }
0x5: {  	_ = 	snop  }
0x6: {  	_ = 	snop  }
0x7: {  	_ = 	snop  }
__scs_overlays_trampoline_lowered:
0x8: {  	[smem:$0x3F9F] =	sst s0  }
0x9: {  	[smem:$0x3FA0] =	sst s1  }
0xa: {  	[smem:$0x3FA1] =	sst s2  }
0xb: {  	[smem:$0x3FA2] =	sst s3  }
0xc: {  	[smem:$0x3FA3] =	sst s4  }
0xd: {  	[smem:$0x3FA4] =	sst s5  }
0xe: {  	[smem:$0x3FA5] =	sst s6  }
0xf: {  	[smem:$0x3FA6] =	sst s7  }
0x10: {  	[smem:$0x3FA7] =	sst s8  }
0x11: {  	[smem:$0x3FA8] =	sst s9;
	s0 =	simm.s32 @!p0 $0x0  }
0x12: {  	s1 =	sld [smem:$0x3F8E];
	s0 =	simm.s32 @p0 $0x1  }
0x13: {  	[smem:$0x3FA9] =	sst s0;
	s0 =	simm.s32 @!p1 $0x0  }
0x14: {  	s2 =	sld [smem:$0x3F8D];
	s0 =	simm.s32 @p1 $0x1  }
0x15: {  	[smem:$0x3FAA] =	sst s0;
	s0 =	simm.s32 @!p2 $0x0  }
0x16: {  	s3 =	sld [smem:$0x3FDB];
	s0 =	simm.s32 @p2 $0x1  }
0x17: {  	s4 =	simm.s32 $0x1BF5;
	[smem:$0x3FAC] =	sst s0  }
0x18: {  	s0 =	sld [smem:$0x3F8F];
	_ =	swait.ge [sflag:s4], $0x0  }
0x19: {  	s7 =	sld [smem:$0x3F90]  }
0x1a: {  	s8 =	sadd.s32 $0xFFFFE003, lr  }
0x1b: {  	s9 =	sadd.s32 $0xFFFFFEF7, lr;
	s5 =	simm.s32 $0xFFFFFFFF;
	p2 =	slt.u32 s8, $0xFFFFF086  }
0x1c: {  	p1 =	slt.u32 s9, $0xF7A;
	s5 =	simm.s32 @!p2 $0x0  }
0x1d: {  	s5 =	simm.s32 @p1 $0x1;
	p0 =	seq.s32 s7, s2  }
0x1e: {  	s7 =	smul.u32 @!p0 $0xF7A, s2;
	p2 =	seq.s32 @!p0 s5, $0x0  }
0x1f: {  	s9 =	smul.u32 $0xF7A, s1;
	s8 =	simm.s32 @!p0 $0x1BF5;
	p2 =	por !p2, p0  }
0x20: {  	[sflag:s8] =	ssyncset.s32 @!p0 $0xFFFFF086;
	s6 =	sadd.s32 @!p0 s3, s7;
	s7 =	simm.s32 @!p0 $0x108  }
0x21: {  	s3 =	sadd.s32 s3, s9;
	s6 =	sadd.s32 @!p0 $0x88, s6;
	s7 =	simm.s32 @p2 $0x1082  }
0x22: {  	[simem:s7], [sflag:s8] =	dma.local @!p0 [hbm:s6], $0xF7A  }
0x23: {  	s9 =	sor.u32 $0xD0000000, s2;
	s6 =	simm.s32 $0x108;
	_ =	swait.ge @!p0 [sflag:s8], $0x0  }
0x24: {  	s3 =	sadd.s32 $0x88, s3;
	s6 =	simm.s32 @!p1 $0x1082;
	[sflag:s4] =	ssyncset.s32 $0xFFFFF086  }
0x25: {  	[simem:s6], [sflag:s4] =	dma.local [hbm:s3], $0xF7A  }
0x26: {  	[smem:$0x3F90] =	sst s1;
	(tag) =	ssettag s2;
	_ =	strace s9  }
0x27: {  	s1 =	sld [smem:$0x3FA0]  }
0x28: {  	s2 =	sld [smem:$0x3FA1]  }
0x29: {  	s4 =	sld [smem:$0x3FA3]  }
0x2a: {  	p0 =	seq.s32 s5, $0x0;
	s5 =	sld [smem:$0x3FA4]  }
0x2b: {  	s6 =	sld [smem:$0x3FA5]  }
0x2c: {  	s7 =	sld [smem:$0x3FA6]  }
0x2d: {  	s3 =	simm.s32 $0x108;
	s8 =	sld [smem:$0x3FA7]  }
0x2e: {  	s3 =	simm.s32 @!p0 $0x1082;
	s9 =	sld [smem:$0x3FA8]  }
0x2f: {  	lr =	sadd.s32 s0, s3;
	s0 =	sld [smem:$0x3F9F]  }
0x30: {  	s3 =	sld [smem:$0x3FA2]  }
0x31: {  	[smem:$0x3FAB] =	sst s10  }
0x32: {  	s10 =	sld [smem:$0x3FA9];
	_ =	sdelay $0x3  }
0x33: {  	p0 =	seq.s32 s10, $0x1;
	s10 =	sld [smem:$0x3FAB];
	_ =	sdelay $0x3  }
0x34: {  	[smem:$0x3FAB] =	sst s10  }
0x35: {  	s10 =	sld [smem:$0x3FAA];
	_ =	sdelay $0x3  }
0x36: {  	p1 =	seq.s32 s10, $0x1;
	s10 =	sld [smem:$0x3FAB];
	_ =	sdelay $0x3  }
0x37: {  	[smem:$0x3FAB] =	sst s10  }
0x38: {  	s10 =	sld [smem:$0x3FAC]  }
0x39: {  	_ = 	snop;
	(pc) =	sbr.ind lr, $3  }
0x3a: {  	_ = 	snop  }
0x3b: {  	_ = 	snop  }
0x3c: {  	p2 =	seq.s32 s10, $0x1;
	s10 =	sld [smem:$0x3FAB]  }
0x3d: {  	_ =	shalt  }
0x3e: {  	_ =	shalt  }
0x3f: {  	_ =	shalt  }
0x40: {  	_ =	shalt  }
0x41: {  	_ =	shalt  }
0x42: {  	_ =	shalt  }
0x43: {  	_ =	shalt  }
0x44: {  	_ =	shalt  }
0x45: {  	_ =	shalt  }
0x46: {  	_ =	shalt  }
0x47: {  	_ =	shalt  }
0x48: {  	_ =	shalt  }
0x49: {  	_ =	shalt  }
0x4a: {  	_ =	shalt  }
0x4b: {  	_ =	shalt  }
0x4c: {  	_ =	shalt  }
0x4d: {  	_ =	shalt  }
0x4e: {  	_ =	shalt  }
0x4f: {  	_ =	shalt  }
0x50: {  	_ =	shalt  }
0x51: {  	_ =	shalt  }
0x52: {  	_ =	shalt  }
0x53: {  	_ =	shalt  }
0x54: {  	_ =	shalt  }
0x55: {  	_ =	shalt  }
0x56: {  	_ =	shalt  }
0x57: {  	_ =	shalt  }
0x58: {  	_ =	shalt  }
0x59: {  	_ =	shalt  }
0x5a: {  	_ =	shalt  }
0x5b: {  	_ =	shalt  }
0x5c: {  	_ =	shalt  }
0x5d: {  	_ =	shalt  }
0x5e: {  	_ =	shalt  }
0x5f: {  	_ =	shalt  }
0x60: {  	_ =	shalt  }
0x61: {  	_ =	shalt  }
0x62: {  	_ =	shalt  }
0x63: {  	_ =	shalt  }
0x64: {  	_ =	shalt  }
0x65: {  	_ =	shalt  }
0x66: {  	_ =	shalt  }
0x67: {  	_ =	shalt  }
0x68: {  	_ =	shalt  }
0x69: {  	_ =	shalt  }
0x6a: {  	_ =	shalt  }
0x6b: {  	_ =	shalt  }
0x6c: {  	_ =	shalt  }
0x6d: {  	_ =	shalt  }
0x6e: {  	_ =	shalt  }
0x6f: {  	_ =	shalt  }
0x70: {  	_ =	shalt  }
0x71: {  	_ =	shalt  }
0x72: {  	_ =	shalt  }
0x73: {  	_ =	shalt  }
0x74: {  	_ =	shalt  }
0x75: {  	_ =	shalt  }
0x76: {  	_ =	shalt  }
0x77: {  	_ =	shalt  }
0x78: {  	_ =	shalt  }
0x79: {  	_ =	shalt  }
0x7a: {  	_ =	shalt  }
0x7b: {  	_ =	shalt  }
0x7c: {  	_ =	shalt  }
0x7d: {  	_ =	shalt  }
0x7e: {  	_ =	shalt  }
0x7f: {  	_ =	shalt  }
0x80: {  	_ =	shalt  }
0x81: {  	_ =	shalt  }
0x82: {  	_ =	shalt  }
0x83: {  	_ =	shalt  }
0x84: {  	_ =	shalt  }
0x85: {  	_ =	shalt  }
0x86: {  	_ =	shalt  }
0x87: {  	_ =	shalt  }
.Lfunc_end0:
.L_simem_size_0:
called_computation.2_lowered:
.L_overlay_start_0:
0x88: {  	s2 =	sld [smem:$0x3FD9]  }
0x89: {  	s3 =	sld [smem:$0x3FFE];
	_ =	sdelay $0x1  }
0x8a: {  	s1 =	srdreg.scid  }
0x8b: {  	s0 =	sand.u32 $0x1, s1  }
0x8c: {  	s17 =	sshll.u32 s0, $0xA;
	s2 =	sadd.s32 s3, s2  }
0x8d: {  	s2 =	sadd.s32 s2, s17  }
0x8e: {  	[smem:$0x3FB7] =	sst s2  }
0x8f: {  	_ = 	snop  }
0x90: {  	s18 =	sld [smem:$0x3FD0];
	(tm) =	ssettm $0x1  }
0x91: {  	s19 =	sld [smem:$0x3FFB];
	_ =	sdelay $0x3  }
0x92: {  	_ =	strace s19  }
0x93: {  	s2 =	sld [smem:$0x3FFC];
	_ =	sdelay $0x3  }
0x94: {  	_ =	strace s2  }
0x95: {  	s2 =	sld [smem:$0x3FFD];
	_ =	sdelay $0x3  }
0x96: {  	_ =	strace s2  }
0x97: {  	_ =	strace $0x8FFFFFFF  }
0x98: {  	s20 =	sld [smem:$0x3FDB];
	_ =	sdelay $0x1  }
0x99: {  	s4 =	simm.s32 $_scs_section_size  }
0x9a: {  	s5 =	simm.s32 $_size__tile_overlayer_lowered;
	s6 =	simm.s32 $_tile_overlayer_lowered  }
0x9b: {  	s7 =	simm.s32 $0x1BFF;
	s21 =	sshll.u32 s6, $0x1;
	s4 =	sadd.s32 s4, s20  }
0x9c: {  	s22 =	simm.s32 $0x0;
	s5 =	sshll.u32 s5, $0x1;
	s6 =	sadd.s32 s21, s4  }
0x9d: {  	[timem:s22], [sflag:s7] =	dma.local [hbm:s6], s5  }
0x9e: {  	_ =	swait.ge [sflag:s7], s5  }
0x9f: {  	s5 =	ssub.s32 $0x0, s5;
	[sflag:s7] =	ssyncset.done $0x0  }
0xa0: {  	[sflag:s7] =	ssyncadd.s32 s5;
	_ =	sdelay $0x1  }
0xa1: {  	s23 =	simm.s32 $0x1B8B  }
0xa2: {  	_ =	swait.ge [sflag:s23], $0x1  }
0xa3: {  	[sflag:s23] =	ssyncset.done $0x0  }
0xa4: {  	[sflag:s23] =	ssyncadd.s32 $0xFFFFFFFF  }
0xa5: {  	s5 =	sld [smem:$0x0]  }
0xa6: {  	s6 =	sand.u32 $0xFFFFFFFE, s1  }
0xa7: {  	p0 =	sne.s32 s1, s6  }
0xa8: {  	s6 =	sshll.u32 @p0 s6, $0xE  }
0xa9: {  	s6 =	sadd.s32 @p0 $0x11B8D, s6;
	s7 =	sshll.u32 @p0 s5, $0x11  }
0xaa: {  	s6 =	sor.u32 @p0 s7, s6  }
0xab: {  	[sflag:s6] =	ssyncadd.remote.s32 @p0 $0x1;
	_ =	sdelay $0x1  }
0xac: {  	s6 =	simm.s32 @p0 $0x1B8D  }
0xad: {  	_ =	swait.eq @p0 [sflag:s6], $0x1  }
0xae: {  	[sflag:s6] =	ssyncadd.s32 @p0 $0xFFFFFFFF  }
0xaf: {  	s7 =	sshll.u32 @!p0 s1, $0xE  }
0xb0: {  	s7 =	sor.u32 @!p0 $0x4000, s7;
	s6 =	simm.s32 @!p0 $0x1B8D  }
0xb1: {  	s5 =	sshll.u32 @!p0 s5, $0x11;
	s7 =	sadd.s32 @!p0 $0x11B8D, s7;
	_ =	swait.eq @!p0 [sflag:s6], $0x1  }
0xb2: {  	s5 =	sor.u32 @!p0 s5, s7;
	[sflag:s6] =	ssyncadd.s32 @!p0 $0xFFFFFFFF  }
0xb3: {  	s25 =	simm.s32 $0x1B8E;
	s24 =	sld [smem:$0x3FFE];
	[sflag:s5] =	ssyncadd.remote.s32 @!p0 $0x1  }
0xb4: {  	s26 =	simm.s32 $execute0_lowered;
	[smem:$0x3FD2] =	sst s25  }
0xb5: {  	s6 =	sshll.u32 s26, $0x1;
	_ =	strace $0x8000004C;
	[dreg:$0x1] =	wrdreg $0xFFFFFFFF  }
0xb6: {  	s28 =	simm.s32 $_size_execute0_lowered;
	s4 =	sadd.s32 s4, s6;
	[dreg:$0x0] =	wrdreg $0x0  }
0xb7: {  	s6 =	sshll.u32 s28, $0x1;
	[dreg:$0x2] =	wrdreg s4  }
0xb8: {  	[dreg:$0x3] =	wrdreg s6  }
0xb9: {  	[dreg:$0x4] =	wrdreg $0xC0  }
0xba: {  	_ =	task [dreg:s22], $0x5FFFF  }
0xbb: {  	[dreg:$0x1] =	wrdreg $0xFFFFFFFF  }
0xbc: {  	[dreg:$0x0] =	wrdreg $0x60  }
0xbd: {  	[dreg:$0x2] =	wrdreg s24  }
0xbe: {  	[dreg:$0x3] =	wrdreg s18  }
0xbf: {  	[dreg:$0x4] =	wrdreg $0x64800  }
0xc0: {  	[dreg:$0x5] =	wrdreg $0xB  }
0xc1: {  	_ =	task.clear_ibuf [dreg:s22], $0x6FFFF;
	_ =	strace $0x9000004C  }
0xc2: {  	s29 =	simm.s32 $0xB;
	_ =	strace $0x8000004E  }
0xc3: {  	_ =	swait.ge [sflag:s29], $0x1  }
0xc4: {  	[sflag:s29] =	ssyncadd.s32 $0xFFFFFFFF  }
0xc5: {  	_ =	strace $0x9000004E  }
0xc6: {  	_ =	sfence  }
0xc7: {  	s30 =	sld [smem:$0x0];
	_ =	sdelay $0x2  }
0xc8: {  	s31 =	sshll.u32 s1, $0xD;
	s1 =	sshrl.u32 s1, $0x2  }
0xc9: {  	s4 =	sand.u32 $0x4000, s31;
	s1 =	sadd.s32 s1, s30  }
0xca: {  	s0 =	sor.u32 s4, s0;
	s1 =	sshll.u32 s1, $0x11  }
0xcb: {  	s0 =	sor.u32 s1, s0  }
0xcc: {  	s0 =	sadd.s32 $0x8F2B, s0  }
0xcd: {  	[sflag:s0] =	ssyncadd.remote.s32 $0x1  }
0xce: {  	_ =	sfence.sel $0xFFFF  }
0xcf: {  	[dreg:$0x0] =	wrdreg $0xFFFFFFFF;
	(pc) =	sbr.abs _section_cstart, $3  }
0xd0: {  	[dreg:$0x1] =	wrdreg $0xFFFFFFFF  }
0xd1: {  	_ =	task.clear_ibuf [dreg:s22], $0x2FFFF;
	_ =	strace $0x9FFFFFFF  }
0xd2: {  	(tm) =	ssettm $0x7FFFFFFF  }
0xd3: {  	_ =	shalt  }
tec
execute0_lowered:
.L_overlay_start_1:
0x0: {  	(tag) =	ssettag $0x1  }
0x1: {  	s0 =	rddreg [dreg:$0x0]  }
0x2: {  	s9 =	stileid.u32;
	s1 =	srdreg.scid  }
0x3: {  	s3 =	rddreg [dreg:$0x2];
	s4 =	simm.s32 $0x0;
	s12 =	simm.s32 $0x3  }
0x4: {  	s13 =	simm.s32 $0x180;
	s14 =	simm.s32 $0x80;
	s15 =	simm.s32 $0x480  }
0x5: {  	s16 =	simm.s32 $0x1480;
	s17 =	simm.s32 $0x100;
	s18 =	simm.s32 $0x2480  }
0x6: {  	s19 =	simm.s32 $0x1;
	s20 =	simm.s32 $0x200;
	s21 =	simm.s32 $0x280  }
0x7: {  	s22 =	simm.s32 $0x300;
	s23 =	simm.s32 $0x3480;
	s24 =	simm.s32 $0x4480  }
0x8: {  	s25 =	simm.s32 $0x5480;
	s28 =	simm.s32 $0x400;
	s29 =	simm.s32 $0x2  }
0x9: {  	s30 =	simm.s32 $0x0;
	s1 =	sand.u32 $0x1, s1;
	s2 =	smul.u32 $0x19000, s9  }
0xa: {  	[smem:$0x7FF] =	sst s4;
	s6 =	smul.u32 $0x1920, s9;
	s31 =	sshll.u32 s9, $0x6  }
0xb: {  	s5 =	smul.u32 $0x190000, s1;
	_ =	strace $0x8000004D;
	s8 =	ssub.s32 $0x2, s1  }
0xc: {  	s10 =	sadd.s32 s6, s0;
	s26 =	sshrl.u32 s8, $0x1;
	s6 =	sor.u32 $0x1C03, s31  }
0xd: {  	s7 =	sadd.s32 s2, s5;
	s5 =	sadd.s32 $0x3600, s0;
	s8 =	ssub.s32 s8, s26  }
0xe: {  	s2 =	sadd.s32 s2, s3;
	s9 =	sadd.s32 $0xCB600, s10;
	s7 =	sshrl.u32 s7, $0x3  }
0xf: {  	s10 =	sadd.s32 $0xE4800, s10;
	s26 =	simm.s32 $0x380;
	s0 =	sadd.s32 s7, s0  }
0x10: {  	v0 =	vmov s1;
	s8 =	smax.u32 s8, $0x1;
	s11 =	sshrl.u32 s2, $0x3;
	s7 =	sadd.s32 $0x65200, s0  }
.LBB2_1:
0x11: {  	s0 =	rddreg [dreg:$0x1]  }
0x12: {  	[spmem:s11], [sflag:s6] =	dma.local [hbm:s0], $0x3200  }
0x13: {  	_ =	swait.ge [sflag:s12], $0x3200  }
0x14: {  	[sflag:s12] =	ssyncset.done $0x0  }
0x15: {  	[sflag:s12] =	ssyncadd.s32 $0xFFFFCE00  }
0x16: {  	s31 =	simm.s32 $0x0;
	[bflag:$0x0] =	sbarrier.arrive $0xFFFF  }
.LBB2_2:
0x17: {  	p0 =	seq.s32 s31, $0x0  }
0x18: {  	s1 =	simm.s32 @!p0 $0x2  }
0x19: {  	_ =	swait.ge @!p0 [sflag:s1], $0x3000  }
0x1a: {  	[sflag:s1] =	ssyncset.done @!p0 $0x0  }
0x1b: {  	s0 =	sadd.s32 s31, s9;
	[sflag:s1] =	ssyncadd.s32 @!p0 $0xFFFFD000  }
0x1c: {  	[tilespmem:s4], [sflag:$0x3] =	stream.linear.gather [hbm4b:s0+s4], $0x180, $0x38;
	[tilespmem:$0x1F480] =	vst v63  }
0x1d: {  	_ =	swait.ge [sflag:s12], $0x180  }
0x1e: {  	[sflag:s12] =	ssyncset.done $0x0  }
0x1f: {  	s2 =	sadd.s32 s31, s10;
	[sflag:s12] =	ssyncadd.s32 $0xFFFFFE80  }
0x20: {  	[tilespmem:s13], [sflag:$0x3] =	stream.linear.gather [hbm4b:s2+s4], $0x180, $0x38;
	[tilespmem:$0x1F480] =	vst v63  }
0x21: {  	_ =	swait.ge [sflag:s12], $0x180  }
0x22: {  	[sflag:s12] =	ssyncset.done $0x0  }
0x23: {  	[sflag:s12] =	ssyncadd.s32 $0xFFFFFE80  }
0x24: {  	v1 =	vld [tilespmem:$0x0]  }
0x25: {  	v2 =	vld [tilespmem:$0x10]  }
0x26: {  	v3 =	vld [tilespmem:$0x20]  }
0x27: {  	v4 =	vld [tilespmem:$0x30]  }
0x28: {  	v5 =	vld [tilespmem:$0x40]  }
0x29: {  	v6 =	vld [tilespmem:$0x50];
	v1 =	vadd.s32 v0, v1  }
0x2a: {  	[tilespmem:$0x0] =	vst v1;
	v1 =	vadd.s32 v0, v2;
	v2 =	vld [tilespmem:$0x60]  }
0x2b: {  	[tilespmem:$0x10] =	vst v1;
	v1 =	vadd.s32 v0, v3;
	v3 =	vld [tilespmem:$0x70]  }
0x2c: {  	v41 =	vld [tilespmem:$0x80];
	[tilespmem:$0x20] =	vst v1;
	v1 =	vadd.s32 v0, v4  }
0x2d: {  	v42 =	vld [tilespmem:$0x90];
	[tilespmem:$0x30] =	vst v1;
	v1 =	vadd.s32 v0, v5  }
0x2e: {  	v43 =	vld [tilespmem:$0xA0];
	[tilespmem:$0x40] =	vst v1;
	v1 =	vadd.s32 v0, v6  }
0x2f: {  	[tilespmem:$0x50] =	vst v1;
	v1 =	vadd.s32 v0, v2;
	v2 =	vld [tilespmem:$0xB0]  }
0x30: {  	[tilespmem:$0x60] =	vst v1;
	v1 =	vadd.s32 v0, v3;
	v3 =	vld [tilespmem:$0xC0]  }
0x31: {  	v44 =	vld [tilespmem:$0xD0];
	[tilespmem:$0x70] =	vst v1;
	v1 =	vadd.s32 v0, v41  }
0x32: {  	v45 =	vld [tilespmem:$0xE0];
	[tilespmem:$0x80] =	vst v1;
	v1 =	vadd.s32 v0, v42  }
0x33: {  	v46 =	vld [tilespmem:$0xF0];
	[tilespmem:$0x90] =	vst v1;
	v1 =	vadd.s32 v0, v43  }
0x34: {  	[tilespmem:$0xA0] =	vst v1;
	v1 =	vadd.s32 v0, v2;
	v2 =	vld [tilespmem:$0x100]  }
0x35: {  	[tilespmem:$0xB0] =	vst v1;
	v1 =	vadd.s32 v0, v3;
	v3 =	vld [tilespmem:$0x110]  }
0x36: {  	v47 =	vld [tilespmem:$0x120];
	[tilespmem:$0xC0] =	vst v1;
	v1 =	vadd.s32 v0, v44  }
0x37: {  	v48 =	vld [tilespmem:$0x130];
	[tilespmem:$0xD0] =	vst v1;
	v1 =	vadd.s32 v0, v45  }
0x38: {  	v49 =	vld [tilespmem:$0x140];
	[tilespmem:$0xE0] =	vst v1;
	v1 =	vadd.s32 v0, v46  }
0x39: {  	[tilespmem:$0xF0] =	vst v1;
	v1 =	vadd.s32 v0, v2;
	v2 =	vld [tilespmem:$0x150]  }
0x3a: {  	[tilespmem:$0x100] =	vst v1;
	v1 =	vadd.s32 v0, v3;
	v3 =	vld [tilespmem:$0x160]  }
0x3b: {  	v50 =	vld [tilespmem:$0x170];
	[tilespmem:$0x110] =	vst v1;
	v1 =	vadd.s32 v0, v47  }
0x3c: {  	[tilespmem:$0x120] =	vst v1;
	v1 =	vadd.s32 v0, v48  }
0x3d: {  	[tilespmem:$0x130] =	vst v1;
	v1 =	vadd.s32 v0, v49  }
0x3e: {  	[tilespmem:$0x140] =	vst v1;
	v1 =	vadd.s32 v0, v2  }
0x3f: {  	[tilespmem:$0x150] =	vst v1;
	v1 =	vadd.s32 v0, v3  }
0x40: {  	[tilespmem:$0x160] =	vst v1;
	v1 =	vadd.s32 v0, v50  }
0x41: {  	[tilespmem:$0x170] =	vst v1  }
0x42: {  	[tilespmem:s15], [sflag:$0x1] =	stream.indirect.gather [hbm4b:s5+s14], $0x20, s4, s14, $0xb8;
	[tilespmem:$0x1F480] =	vst v63  }
0x43: {  	_ = 	snop  }
0x44: {  	[tilespmem:s16], [sflag:$0x1] =	stream.indirect.gather [hbm4b:s5+s14], $0x20, s14, s14, $0xb8;
	[tilespmem:$0x1F480] =	vst v63  }
0x45: {  	_ = 	snop  }
0x46: {  	[tilespmem:s18], [sflag:$0x1] =	stream.indirect.gather [hbm4b:s5+s14], $0x20, s17, s14, $0xb8;
	[tilespmem:$0x1F480] =	vst v63  }
0x47: {  	_ =	swait.ge [sflag:s19], $0x1000  }
0x48: {  	[sflag:s19] =	ssyncset.done $0x0  }
0x49: {  	[sflag:s19] =	ssyncadd.s32 $0xFFFFF000  }
0x4a: {  	_ =	swait.ge [sflag:s19], $0x1000  }
0x4b: {  	[sflag:s19] =	ssyncset.done $0x0  }
0x4c: {  	[sflag:s19] =	ssyncadd.s32 $0xFFFFF000  }
0x4d: {  	_ =	swait.ge [sflag:s19], $0x1000  }
0x4e: {  	[sflag:s19] =	ssyncset.done $0x0  }
0x4f: {  	[sflag:s19] =	ssyncadd.s32 $0xFFFFF000  }
0x50: {  	[spmem:s3] =	stream.indirect.scatter.add.f32 [tilespmem:s15], [sflag:$0x2], $0x20, s13, s14, $0xb8;
	[tilespmem:$0x1F480] =	vst v63  }
0x51: {  	_ = 	snop  }
0x52: {  	[spmem:s3] =	stream.indirect.scatter.add.f32 [tilespmem:s16], [sflag:$0x2], $0x20, s20, s14, $0xb8;
	[tilespmem:$0x1F480] =	vst v63  }
0x53: {  	_ = 	snop  }
0x54: {  	[spmem:s3] =	stream.indirect.scatter.add.f32 [tilespmem:s18], [sflag:$0x2], $0x20, s21, s14, $0xb8;
	[tilespmem:$0x1F480] =	vst v63  }
0x55: {  	_ =	swait.ge @!p0 [sflag:s1], $0x3000  }
0x56: {  	[sflag:s1] =	ssyncset.done @!p0 $0x0  }
0x57: {  	s0 =	sadd.s32 $0x30, s0;
	[sflag:s1] =	ssyncadd.s32 @!p0 $0xFFFFD000  }
0x58: {  	[tilespmem:s4], [sflag:$0x3] =	stream.linear.gather [hbm4b:s0+s4], $0x180, $0x38;
	[tilespmem:$0x1F480] =	vst v63  }
0x59: {  	_ =	swait.ge [sflag:s12], $0x180  }
0x5a: {  	[sflag:s12] =	ssyncset.done $0x0  }
0x5b: {  	s2 =	sadd.s32 $0x30, s2;
	[sflag:s12] =	ssyncadd.s32 $0xFFFFFE80  }
0x5c: {  	[tilespmem:s22], [sflag:$0x3] =	stream.linear.gather [hbm4b:s2+s4], $0x180, $0x38;
	[tilespmem:$0x1F480] =	vst v63  }
0x5d: {  	_ =	swait.ge [sflag:s12], $0x180  }
0x5e: {  	[sflag:s12] =	ssyncset.done $0x0  }
0x5f: {  	[sflag:s12] =	ssyncadd.s32 $0xFFFFFE80  }
0x60: {  	v1 =	vld [tilespmem:$0x0]  }
0x61: {  	v2 =	vld [tilespmem:$0x10]  }
0x62: {  	v3 =	vld [tilespmem:$0x20]  }
0x63: {  	v51 =	vld [tilespmem:$0x30]  }
0x64: {  	v52 =	vld [tilespmem:$0x40]  }
0x65: {  	v53 =	vld [tilespmem:$0x50];
	v1 =	vadd.s32 v0, v1  }
0x66: {  	[tilespmem:$0x0] =	vst v1;
	v1 =	vadd.s32 v0, v2;
	v2 =	vld [tilespmem:$0x60]  }
0x67: {  	[tilespmem:$0x10] =	vst v1;
	v1 =	vadd.s32 v0, v3;
	v3 =	vld [tilespmem:$0x70]  }
0x68: {  	v54 =	vld [tilespmem:$0x80];
	[tilespmem:$0x20] =	vst v1;
	v1 =	vadd.s32 v0, v51  }
0x69: {  	v55 =	vld [tilespmem:$0x90];
	[tilespmem:$0x30] =	vst v1;
	v1 =	vadd.s32 v0, v52  }
0x6a: {  	v56 =	vld [tilespmem:$0xA0];
	[tilespmem:$0x40] =	vst v1;
	v1 =	vadd.s32 v0, v53  }
0x6b: {  	[tilespmem:$0x50] =	vst v1;
	v1 =	vadd.s32 v0, v2;
	v2 =	vld [tilespmem:$0xB0]  }
0x6c: {  	[tilespmem:$0x60] =	vst v1;
	v1 =	vadd.s32 v0, v3;
	v3 =	vld [tilespmem:$0xC0]  }
0x6d: {  	v57 =	vld [tilespmem:$0xD0];
	[tilespmem:$0x70] =	vst v1;
	v1 =	vadd.s32 v0, v54  }
0x6e: {  	v58 =	vld [tilespmem:$0xE0];
	[tilespmem:$0x80] =	vst v1;
	v1 =	vadd.s32 v0, v55  }
0x6f: {  	v59 =	vld [tilespmem:$0xF0];
	[tilespmem:$0x90] =	vst v1;
	v1 =	vadd.s32 v0, v56  }
0x70: {  	[tilespmem:$0xA0] =	vst v1;
	v1 =	vadd.s32 v0, v2;
	v2 =	vld [tilespmem:$0x100]  }
0x71: {  	[tilespmem:$0xB0] =	vst v1;
	v1 =	vadd.s32 v0, v3;
	v3 =	vld [tilespmem:$0x110]  }
0x72: {  	v60 =	vld [tilespmem:$0x120];
	[tilespmem:$0xC0] =	vst v1;
	v1 =	vadd.s32 v0, v57  }
0x73: {  	v61 =	vld [tilespmem:$0x130];
	[tilespmem:$0xD0] =	vst v1;
	v1 =	vadd.s32 v0, v58  }
0x74: {  	v62 =	vld [tilespmem:$0x140];
	[tilespmem:$0xE0] =	vst v1;
	v1 =	vadd.s32 v0, v59  }
0x75: {  	[tilespmem:$0xF0] =	vst v1;
	v1 =	vadd.s32 v0, v2;
	v2 =	vld [tilespmem:$0x150]  }
0x76: {  	[tilespmem:$0x100] =	vst v1;
	v1 =	vadd.s32 v0, v3;
	v3 =	vld [tilespmem:$0x160]  }
0x77: {  	v63 =	vld [tilespmem:$0x170];
	[tilespmem:$0x110] =	vst v1;
	v1 =	vadd.s32 v0, v60  }
0x78: {  	[tilespmem:$0x120] =	vst v1;
	v1 =	vadd.s32 v0, v61  }
0x79: {  	[tilespmem:$0x130] =	vst v1;
	v1 =	vadd.s32 v0, v62  }
0x7a: {  	[tilespmem:$0x140] =	vst v1;
	v1 =	vadd.s32 v0, v2  }
0x7b: {  	[tilespmem:$0x150] =	vst v1;
	v1 =	vadd.s32 v0, v3  }
0x7c: {  	[tilespmem:$0x160] =	vst v1;
	v1 =	vadd.s32 v0, v63  }
0x7d: {  	[tilespmem:$0x170] =	vst v1  }
0x7e: {  	[tilespmem:s23], [sflag:$0x1] =	stream.indirect.gather [hbm4b:s5+s14], $0x20, s4, s14, $0xb8;
	[tilespmem:$0x1F480] =	vst v63  }
0x7f: {  	_ = 	snop  }
0x80: {  	[tilespmem:s24], [sflag:$0x1] =	stream.indirect.gather [hbm4b:s5+s14], $0x20, s14, s14, $0xb8;
	[tilespmem:$0x1F480] =	vst v63  }
0x81: {  	_ = 	snop  }
0x82: {  	[tilespmem:s25], [sflag:$0x1] =	stream.indirect.gather [hbm4b:s5+s14], $0x20, s17, s14, $0xb8;
	[tilespmem:$0x1F480] =	vst v63  }
0x83: {  	_ =	swait.ge [sflag:s19], $0x1000  }
0x84: {  	[sflag:s19] =	ssyncset.done $0x0  }
0x85: {  	[sflag:s19] =	ssyncadd.s32 $0xFFFFF000  }
0x86: {  	_ =	swait.ge [sflag:s19], $0x1000  }
0x87: {  	[sflag:s19] =	ssyncset.done $0x0  }
0x88: {  	[sflag:s19] =	ssyncadd.s32 $0xFFFFF000  }
0x89: {  	_ =	swait.ge [sflag:s19], $0x1000  }
0x8a: {  	s31 =	sadd.s32 $0x60, s31;
	[sflag:s19] =	ssyncset.done $0x0  }
0x8b: {  	p0 =	sne.s32 s31, $0x1920;
	[sflag:s19] =	ssyncadd.s32 $0xFFFFF000  }
0x8c: {  	[spmem:s3] =	stream.indirect.scatter.add.f32 [tilespmem:s23], [sflag:$0x2], $0x20, s22, s14, $0xb8;
	[tilespmem:$0x1F480] =	vst v63  }
.Ltmp0:
0x8d: {  	_ = 	snop;
	(pc) =	sbr.rel @p0 .LBB2_2-.Ltmp0, $4  }
0x8e: {  	_ = 	snop  }
0x8f: {  	[spmem:s3] =	stream.indirect.scatter.add.f32 [tilespmem:s24], [sflag:$0x2], $0x20, s26, s14, $0xb8;
	[tilespmem:$0x1F480] =	vst v63  }
0x90: {  	_ = 	snop  }
0x91: {  	[spmem:s3] =	stream.indirect.scatter.add.f32 [tilespmem:s25], [sflag:$0x2], $0x20, s28, s14, $0xb8;
	[tilespmem:$0x1F480] =	vst v63  }
0x92: {  	_ =	swait.ge [sflag:s29], $0x3000  }
0x93: {  	[sflag:s29] =	ssyncset.done $0x0  }
0x94: {  	[sflag:s29] =	ssyncadd.s32 $0xFFFFD000  }
0x95: {  	_ =	swait.ge [sflag:s29], $0x3000  }
0x96: {  	s30 =	sadd.s32 $0x1, s30;
	[sflag:s29] =	ssyncset.done $0x0  }
0x97: {  	p0 =	sne.s32 s30, s8;
	[sflag:s29] =	ssyncadd.s32 $0xFFFFD000  }
.Ltmp1:
0x98: {  	[bflag:$0x0] =	sbarrier.arrive $0xFFFF;
	(pc) =	sbr.rel @p0 .LBB2_1-.Ltmp1, $4  }
0x99: {  	[hbm:s7], [sflag:s6] =	dma.local [spmem:s11], $0x3200  }
0x9a: {  	_ =	swait.ge [sflag:s12], $0x3200  }
0x9b: {  	[sflag:s12] =	ssyncset.done $0x0  }
0x9c: {  	[sflag:s12] =	ssyncadd.s32 $0xFFFFCE00  }
0x9d: {  	_ =	sfence.sel $0x180000  }
0x9e: {  	[bflag:$0x0] =	sbarrier.arrive $0xFFFF  }
0x9f: {  	_ =	strace $0x9000004D  }
0xa0: {  	s0 =	stileid.u32;
	[bflag:$0x2] =	sbarrier.arrive $0xFFFF  }
0xa1: {  	p0 =	sne.s32 s0, $0x0;
	s0 =	rddreg [dreg:$0x3]  }
0xa2: {  	s0 =	sadd.s32 @!p0 $0x100000, s0  }
0xa3: {  	[sflag:s0] =	ssyncadd.tile.s32 @!p0 $0x1;
	_ =	shalt  }
.Lfunc_end2:
_tile_overlayer_lowered:
.L_overlay_start_2:
0xa4: {  	(tag) =	ssettag $0x2  }
0xa5: {  	s0 =	rddreg [dreg:$0x0];
	s2 =	stileid.u32  }
0xa6: {  	s1 =	rddreg [dreg:$0x1];
	p0 =	sne.s32 s2, $0x0  }
0xa7: {  	s3 =	rddreg [dreg:$0x2];
	[bflag:$0x3] =	sbarrier.arrive $0xFFFF;
	s2 =	simm.s32 @!p0 $0x1C03  }
0xa8: {  	[timem:s3], [sflag:s2] =	dma.local @!p0 [hbm:s0], s1  }
0xa9: {  	s0 =	simm.s32 @!p0 $0x3  }
0xaa: {  	_ =	swait.ge @!p0 [sflag:s0], s1  }
0xab: {  	s1 =	ssub.s32 @!p0 $0x0, s1;
	[sflag:s0] =	ssyncset.done @!p0 $0x0  }
0xac: {  	[sflag:s0] =	ssyncadd.s32 @!p0 s1  }
0xad: {  	[bflag:$0x3] =	sbarrier.arrive $0xFFFF  }
0xae: {  	_ =	shalt  }

// kernel: kernel.19.cloned.1.call-start
scs
__scs_entry_jumppad:
0x0: {  	(pc) =	sbr.rel $0x88, $3  }
0x1: {  	(tag) =	ssettag $0x0;
	lr =	simm.s32 $0x1  }
0x2: {  	[smem:$0x3F90] =	sst lr;
	_ =	strace $0xD0000000  }
0x3: {  	_ = 	snop  }
0x4: {  	_ = 	snop  }
0x5: {  	_ = 	snop  }
0x6: {  	_ = 	snop  }
0x7: {  	_ = 	snop  }
__scs_overlays_trampoline_lowered:
0x8: {  	[smem:$0x3F9F] =	sst s0  }
0x9: {  	[smem:$0x3FA0] =	sst s1  }
0xa: {  	[smem:$0x3FA1] =	sst s2  }
0xb: {  	[smem:$0x3FA2] =	sst s3  }
0xc: {  	[smem:$0x3FA3] =	sst s4  }
0xd: {  	[smem:$0x3FA4] =	sst s5  }
0xe: {  	[smem:$0x3FA5] =	sst s6  }
0xf: {  	[smem:$0x3FA6] =	sst s7  }
0x10: {  	[smem:$0x3FA7] =	sst s8  }
0x11: {  	[smem:$0x3FA8] =	sst s9;
	s0 =	simm.s32 @!p0 $0x0  }
0x12: {  	s1 =	sld [smem:$0x3F8E];
	s0 =	simm.s32 @p0 $0x1  }
0x13: {  	[smem:$0x3FA9] =	sst s0;
	s0 =	simm.s32 @!p1 $0x0  }
0x14: {  	s2 =	sld [smem:$0x3F8D];
	s0 =	simm.s32 @p1 $0x1  }
0x15: {  	[smem:$0x3FAA] =	sst s0;
	s0 =	simm.s32 @!p2 $0x0  }
0x16: {  	s3 =	sld [smem:$0x3FDB];
	s0 =	simm.s32 @p2 $0x1  }
0x17: {  	s4 =	simm.s32 $0x1BF5;
	[smem:$0x3FAC] =	sst s0  }
0x18: {  	s0 =	sld [smem:$0x3F8F];
	_ =	swait.ge [sflag:s4], $0x0  }
0x19: {  	s7 =	sld [smem:$0x3F90]  }
0x1a: {  	s8 =	sadd.s32 $0xFFFFE003, lr  }
0x1b: {  	s9 =	sadd.s32 $0xFFFFFEF7, lr;
	s5 =	simm.s32 $0xFFFFFFFF;
	p2 =	slt.u32 s8, $0xFFFFF086  }
0x1c: {  	p1 =	slt.u32 s9, $0xF7A;
	s5 =	simm.s32 @!p2 $0x0  }
0x1d: {  	s5 =	simm.s32 @p1 $0x1;
	p0 =	seq.s32 s7, s2  }
0x1e: {  	s7 =	smul.u32 @!p0 $0xF7A, s2;
	p2 =	seq.s32 @!p0 s5, $0x0  }
0x1f: {  	s9 =	smul.u32 $0xF7A, s1;
	s8 =	simm.s32 @!p0 $0x1BF5;
	p2 =	por !p2, p0  }
0x20: {  	[sflag:s8] =	ssyncset.s32 @!p0 $0xFFFFF086;
	s6 =	sadd.s32 @!p0 s3, s7;
	s7 =	simm.s32 @!p0 $0x108  }
0x21: {  	s3 =	sadd.s32 s3, s9;
	s6 =	sadd.s32 @!p0 $0x88, s6;
	s7 =	simm.s32 @p2 $0x1082  }
0x22: {  	[simem:s7], [sflag:s8] =	dma.local @!p0 [hbm:s6], $0xF7A  }
0x23: {  	s9 =	sor.u32 $0xD0000000, s2;
	s6 =	simm.s32 $0x108;
	_ =	swait.ge @!p0 [sflag:s8], $0x0  }
0x24: {  	s3 =	sadd.s32 $0x88, s3;
	s6 =	simm.s32 @!p1 $0x1082;
	[sflag:s4] =	ssyncset.s32 $0xFFFFF086  }
0x25: {  	[simem:s6], [sflag:s4] =	dma.local [hbm:s3], $0xF7A  }
0x26: {  	[smem:$0x3F90] =	sst s1;
	(tag) =	ssettag s2;
	_ =	strace s9  }
0x27: {  	s1 =	sld [smem:$0x3FA0]  }
0x28: {  	s2 =	sld [smem:$0x3FA1]  }
0x29: {  	s4 =	sld [smem:$0x3FA3]  }
0x2a: {  	p0 =	seq.s32 s5, $0x0;
	s5 =	sld [smem:$0x3FA4]  }
0x2b: {  	s6 =	sld [smem:$0x3FA5]  }
0x2c: {  	s7 =	sld [smem:$0x3FA6]  }
0x2d: {  	s3 =	simm.s32 $0x108;
	s8 =	sld [smem:$0x3FA7]  }
0x2e: {  	s3 =	simm.s32 @!p0 $0x1082;
	s9 =	sld [smem:$0x3FA8]  }
0x2f: {  	lr =	sadd.s32 s0, s3;
	s0 =	sld [smem:$0x3F9F]  }
0x30: {  	s3 =	sld [smem:$0x3FA2]  }
0x31: {  	[smem:$0x3FAB] =	sst s10  }
0x32: {  	s10 =	sld [smem:$0x3FA9];
	_ =	sdelay $0x3  }
0x33: {  	p0 =	seq.s32 s10, $0x1;
	s10 =	sld [smem:$0x3FAB];
	_ =	sdelay $0x3  }
0x34: {  	[smem:$0x3FAB] =	sst s10  }
0x35: {  	s10 =	sld [smem:$0x3FAA];
	_ =	sdelay $0x3  }
0x36: {  	p1 =	seq.s32 s10, $0x1;
	s10 =	sld [smem:$0x3FAB];
	_ =	sdelay $0x3  }
0x37: {  	[smem:$0x3FAB] =	sst s10  }
0x38: {  	s10 =	sld [smem:$0x3FAC]  }
0x39: {  	_ = 	snop;
	(pc) =	sbr.ind lr, $3  }
0x3a: {  	_ = 	snop  }
0x3b: {  	_ = 	snop  }
0x3c: {  	p2 =	seq.s32 s10, $0x1;
	s10 =	sld [smem:$0x3FAB]  }
0x3d: {  	_ =	shalt  }
0x3e: {  	_ =	shalt  }
0x3f: {  	_ =	shalt  }
0x40: {  	_ =	shalt  }
0x41: {  	_ =	shalt  }
0x42: {  	_ =	shalt  }
0x43: {  	_ =	shalt  }
0x44: {  	_ =	shalt  }
0x45: {  	_ =	shalt  }
0x46: {  	_ =	shalt  }
0x47: {  	_ =	shalt  }
0x48: {  	_ =	shalt  }
0x49: {  	_ =	shalt  }
0x4a: {  	_ =	shalt  }
0x4b: {  	_ =	shalt  }
0x4c: {  	_ =	shalt  }
0x4d: {  	_ =	shalt  }
0x4e: {  	_ =	shalt  }
0x4f: {  	_ =	shalt  }
0x50: {  	_ =	shalt  }
0x51: {  	_ =	shalt  }
0x52: {  	_ =	shalt  }
0x53: {  	_ =	shalt  }
0x54: {  	_ =	shalt  }
0x55: {  	_ =	shalt  }
0x56: {  	_ =	shalt  }
0x57: {  	_ =	shalt  }
0x58: {  	_ =	shalt  }
0x59: {  	_ =	shalt  }
0x5a: {  	_ =	shalt  }
0x5b: {  	_ =	shalt  }
0x5c: {  	_ =	shalt  }
0x5d: {  	_ =	shalt  }
0x5e: {  	_ =	shalt  }
0x5f: {  	_ =	shalt  }
0x60: {  	_ =	shalt  }
0x61: {  	_ =	shalt  }
0x62: {  	_ =	shalt  }
0x63: {  	_ =	shalt  }
0x64: {  	_ =	shalt  }
0x65: {  	_ =	shalt  }
0x66: {  	_ =	shalt  }
0x67: {  	_ =	shalt  }
0x68: {  	_ =	shalt  }
0x69: {  	_ =	shalt  }
0x6a: {  	_ =	shalt  }
0x6b: {  	_ =	shalt  }
0x6c: {  	_ =	shalt  }
0x6d: {  	_ =	shalt  }
0x6e: {  	_ =	shalt  }
0x6f: {  	_ =	shalt  }
0x70: {  	_ =	shalt  }
0x71: {  	_ =	shalt  }
0x72: {  	_ =	shalt  }
0x73: {  	_ =	shalt  }
0x74: {  	_ =	shalt  }
0x75: {  	_ =	shalt  }
0x76: {  	_ =	shalt  }
0x77: {  	_ =	shalt  }
0x78: {  	_ =	shalt  }
0x79: {  	_ =	shalt  }
0x7a: {  	_ =	shalt  }
0x7b: {  	_ =	shalt  }
0x7c: {  	_ =	shalt  }
0x7d: {  	_ =	shalt  }
0x7e: {  	_ =	shalt  }
0x7f: {  	_ =	shalt  }
0x80: {  	_ =	shalt  }
0x81: {  	_ =	shalt  }
0x82: {  	_ =	shalt  }
0x83: {  	_ =	shalt  }
0x84: {  	_ =	shalt  }
0x85: {  	_ =	shalt  }
0x86: {  	_ =	shalt  }
0x87: {  	_ =	shalt  }
.Lfunc_end0:
.L_simem_size_0:
called_computation.3_lowered:
.L_overlay_start_0:
0x88: {  	s2 =	sld [smem:$0x3FD9]  }
0x89: {  	s3 =	sld [smem:$0x3FFE];
	_ =	sdelay $0x1  }
0x8a: {  	s1 =	srdreg.scid  }
0x8b: {  	s0 =	sand.u32 $0x1, s1  }
0x8c: {  	s17 =	sshll.u32 s0, $0xA;
	s2 =	sadd.s32 s3, s2  }
0x8d: {  	s2 =	sadd.s32 s2, s17  }
0x8e: {  	[smem:$0x3FB7] =	sst s2  }
0x8f: {  	_ = 	snop  }
0x90: {  	s18 =	sld [smem:$0x3FD0];
	(tm) =	ssettm $0x1  }
0x91: {  	s19 =	sld [smem:$0x3FFB];
	_ =	sdelay $0x3  }
0x92: {  	_ =	strace s19  }
0x93: {  	s2 =	sld [smem:$0x3FFC];
	_ =	sdelay $0x3  }
0x94: {  	_ =	strace s2  }
0x95: {  	s2 =	sld [smem:$0x3FFD];
	_ =	sdelay $0x3  }
0x96: {  	_ =	strace s2  }
0x97: {  	_ =	strace $0x8FFFFFFF  }
0x98: {  	s20 =	sld [smem:$0x3FDB];
	_ =	sdelay $0x1  }
0x99: {  	s4 =	simm.s32 $_scs_section_size  }
0x9a: {  	s5 =	simm.s32 $_size__tile_overlayer_lowered;
	s6 =	simm.s32 $_tile_overlayer_lowered  }
0x9b: {  	s7 =	simm.s32 $0x1BFF;
	s21 =	sshll.u32 s6, $0x1;
	s4 =	sadd.s32 s4, s20  }
0x9c: {  	s22 =	simm.s32 $0x0;
	s5 =	sshll.u32 s5, $0x1;
	s6 =	sadd.s32 s21, s4  }
0x9d: {  	[timem:s22], [sflag:s7] =	dma.local [hbm:s6], s5  }
0x9e: {  	_ =	swait.ge [sflag:s7], s5  }
0x9f: {  	s5 =	ssub.s32 $0x0, s5;
	[sflag:s7] =	ssyncset.done $0x0  }
0xa0: {  	[sflag:s7] =	ssyncadd.s32 s5;
	_ =	sdelay $0x1  }
0xa1: {  	s23 =	simm.s32 $0x1B8B  }
0xa2: {  	_ =	swait.ge [sflag:s23], $0x1  }
0xa3: {  	[sflag:s23] =	ssyncset.done $0x0  }
0xa4: {  	[sflag:s23] =	ssyncadd.s32 $0xFFFFFFFF  }
0xa5: {  	s5 =	sld [smem:$0x0]  }
0xa6: {  	s6 =	sand.u32 $0xFFFFFFFE, s1  }
0xa7: {  	p0 =	sne.s32 s1, s6  }
0xa8: {  	s6 =	sshll.u32 @p0 s6, $0xE  }
0xa9: {  	s6 =	sadd.s32 @p0 $0x11B8D, s6;
	s7 =	sshll.u32 @p0 s5, $0x11  }
0xaa: {  	s6 =	sor.u32 @p0 s7, s6  }
0xab: {  	[sflag:s6] =	ssyncadd.remote.s32 @p0 $0x1;
	_ =	sdelay $0x1  }
0xac: {  	s6 =	simm.s32 @p0 $0x1B8D  }
0xad: {  	_ =	swait.eq @p0 [sflag:s6], $0x1  }
0xae: {  	[sflag:s6] =	ssyncadd.s32 @p0 $0xFFFFFFFF  }
0xaf: {  	s7 =	sshll.u32 @!p0 s1, $0xE  }
0xb0: {  	s7 =	sor.u32 @!p0 $0x4000, s7;
	s6 =	simm.s32 @!p0 $0x1B8D  }
0xb1: {  	s5 =	sshll.u32 @!p0 s5, $0x11;
	s7 =	sadd.s32 @!p0 $0x11B8D, s7;
	_ =	swait.eq @!p0 [sflag:s6], $0x1  }
0xb2: {  	s5 =	sor.u32 @!p0 s5, s7;
	[sflag:s6] =	ssyncadd.s32 @!p0 $0xFFFFFFFF  }
0xb3: {  	s25 =	simm.s32 $0x1B8E;
	s24 =	sld [smem:$0x3FFE];
	[sflag:s5] =	ssyncadd.remote.s32 @!p0 $0x1  }
0xb4: {  	s26 =	simm.s32 $execute0_lowered;
	[smem:$0x3FD2] =	sst s25  }
0xb5: {  	s6 =	sshll.u32 s26, $0x1;
	_ =	strace $0x8000004F;
	[dreg:$0x1] =	wrdreg $0xFFFFFFFF  }
0xb6: {  	s28 =	simm.s32 $_size_execute0_lowered;
	s4 =	sadd.s32 s4, s6;
	[dreg:$0x0] =	wrdreg $0x0  }
0xb7: {  	s6 =	sshll.u32 s28, $0x1;
	[dreg:$0x2] =	wrdreg s4  }
0xb8: {  	[dreg:$0x3] =	wrdreg s6  }
0xb9: {  	[dreg:$0x4] =	wrdreg $0xC0  }
0xba: {  	_ =	task [dreg:s22], $0x5FFFF  }
0xbb: {  	[dreg:$0x1] =	wrdreg $0xFFFFFFFF  }
0xbc: {  	[dreg:$0x0] =	wrdreg $0x60  }
0xbd: {  	[dreg:$0x2] =	wrdreg s24  }
0xbe: {  	[dreg:$0x3] =	wrdreg s18  }
0xbf: {  	[dreg:$0x4] =	wrdreg $0x64800  }
0xc0: {  	[dreg:$0x5] =	wrdreg $0xA  }
0xc1: {  	_ =	task.clear_ibuf [dreg:s22], $0x6FFFF;
	_ =	strace $0x9000004F  }
0xc2: {  	s29 =	simm.s32 $0xA;
	_ =	strace $0x80000051  }
0xc3: {  	_ =	swait.ge [sflag:s29], $0x1  }
0xc4: {  	[sflag:s29] =	ssyncadd.s32 $0xFFFFFFFF  }
0xc5: {  	_ =	strace $0x90000051  }
0xc6: {  	_ =	sfence  }
0xc7: {  	s30 =	sld [smem:$0x0];
	_ =	sdelay $0x2  }
0xc8: {  	s31 =	sshll.u32 s1, $0xD;
	s1 =	sshrl.u32 s1, $0x2  }
0xc9: {  	s4 =	sand.u32 $0x4000, s31;
	s1 =	sadd.s32 s1, s30  }
0xca: {  	s0 =	sor.u32 s4, s0;
	s1 =	sshll.u32 s1, $0x11  }
0xcb: {  	s0 =	sor.u32 s1, s0  }
0xcc: {  	s0 =	sadd.s32 $0x8F2B, s0  }
0xcd: {  	[sflag:s0] =	ssyncadd.remote.s32 $0x1  }
0xce: {  	_ =	sfence.sel $0xFFFF  }
0xcf: {  	[dreg:$0x0] =	wrdreg $0xFFFFFFFF;
	(pc) =	sbr.abs _section_cstart, $3  }
0xd0: {  	[dreg:$0x1] =	wrdreg $0xFFFFFFFF  }
0xd1: {  	_ =	task.clear_ibuf [dreg:s22], $0x2FFFF;
	_ =	strace $0x9FFFFFFF  }
0xd2: {  	(tm) =	ssettm $0x7FFFFFFF  }
0xd3: {  	_ =	shalt  }
tec
execute0_lowered:
.L_overlay_start_1:
0x0: {  	(tag) =	ssettag $0x1  }
0x1: {  	s0 =	rddreg [dreg:$0x0]  }
0x2: {  	s9 =	stileid.u32;
	s1 =	srdreg.scid  }
0x3: {  	s3 =	rddreg [dreg:$0x2];
	s4 =	simm.s32 $0x0;
	s12 =	simm.s32 $0x3  }
0x4: {  	s13 =	simm.s32 $0x180;
	s14 =	simm.s32 $0x80;
	s15 =	simm.s32 $0x480  }
0x5: {  	s16 =	simm.s32 $0x1480;
	s17 =	simm.s32 $0x100;
	s18 =	simm.s32 $0x2480  }
0x6: {  	s19 =	simm.s32 $0x1;
	s20 =	simm.s32 $0x200;
	s21 =	simm.s32 $0x280  }
0x7: {  	s22 =	simm.s32 $0x300;
	s23 =	simm.s32 $0x3480;
	s24 =	simm.s32 $0x4480  }
0x8: {  	s25 =	simm.s32 $0x5480;
	s28 =	simm.s32 $0x400;
	s29 =	simm.s32 $0x2  }
0x9: {  	s30 =	simm.s32 $0x0;
	s1 =	sand.u32 $0x1, s1;
	s2 =	smul.u32 $0x19000, s9  }
0xa: {  	[smem:$0x7FF] =	sst s4;
	s6 =	smul.u32 $0x1920, s9;
	s31 =	sshll.u32 s9, $0x6  }
0xb: {  	s5 =	smul.u32 $0x190000, s1;
	_ =	strace $0x80000050;
	s8 =	ssub.s32 $0x2, s1  }
0xc: {  	s10 =	sadd.s32 s6, s0;
	s26 =	sshrl.u32 s8, $0x1;
	s6 =	sor.u32 $0x1C03, s31  }
0xd: {  	s7 =	sadd.s32 s2, s5;
	s5 =	sadd.s32 $0x1C7000, s0;
	s8 =	ssub.s32 s8, s26  }
0xe: {  	s2 =	sadd.s32 s2, s3;
	s9 =	sadd.s32 $0xFDA00, s10;
	s7 =	sshrl.u32 s7, $0x3  }
0xf: {  	s10 =	sadd.s32 $0x116C00, s10;
	s26 =	simm.s32 $0x380;
	s0 =	sadd.s32 s7, s0  }
0x10: {  	v0 =	vmov s1;
	s8 =	smax.u32 s8, $0x1;
	s11 =	sshrl.u32 s2, $0x3;
	s7 =	sadd.s32 $0x228C00, s0  }
.LBB2_1:
0x11: {  	s0 =	rddreg [dreg:$0x1]  }
0x12: {  	[spmem:s11], [sflag:s6] =	dma.local [hbm:s0], $0x3200  }
0x13: {  	_ =	swait.ge [sflag:s12], $0x3200  }
0x14: {  	[sflag:s12] =	ssyncset.done $0x0  }
0x15: {  	[sflag:s12] =	ssyncadd.s32 $0xFFFFCE00  }
0x16: {  	s31 =	simm.s32 $0x0;
	[bflag:$0x0] =	sbarrier.arrive $0xFFFF  }
.LBB2_2:
0x17: {  	p0 =	seq.s32 s31, $0x0  }
0x18: {  	s1 =	simm.s32 @!p0 $0x2  }
0x19: {  	_ =	swait.ge @!p0 [sflag:s1], $0x3000  }
0x1a: {  	[sflag:s1] =	ssyncset.done @!p0 $0x0  }
0x1b: {  	s0 =	sadd.s32 s31, s9;
	[sflag:s1] =	ssyncadd.s32 @!p0 $0xFFFFD000  }
0x1c: {  	[tilespmem:s4], [sflag:$0x3] =	stream.linear.gather [hbm4b:s0+s4], $0x180, $0x38;
	[tilespmem:$0x1F480] =	vst v63  }
0x1d: {  	_ =	swait.ge [sflag:s12], $0x180  }
0x1e: {  	[sflag:s12] =	ssyncset.done $0x0  }
0x1f: {  	s2 =	sadd.s32 s31, s10;
	[sflag:s12] =	ssyncadd.s32 $0xFFFFFE80  }
0x20: {  	[tilespmem:s13], [sflag:$0x3] =	stream.linear.gather [hbm4b:s2+s4], $0x180, $0x38;
	[tilespmem:$0x1F480] =	vst v63  }
0x21: {  	_ =	swait.ge [sflag:s12], $0x180  }
0x22: {  	[sflag:s12] =	ssyncset.done $0x0  }
0x23: {  	[sflag:s12] =	ssyncadd.s32 $0xFFFFFE80  }
0x24: {  	v1 =	vld [tilespmem:$0x0]  }
0x25: {  	v2 =	vld [tilespmem:$0x10]  }
0x26: {  	v3 =	vld [tilespmem:$0x20]  }
0x27: {  	v4 =	vld [tilespmem:$0x30]  }
0x28: {  	v5 =	vld [tilespmem:$0x40]  }
0x29: {  	v6 =	vld [tilespmem:$0x50];
	v1 =	vadd.s32 v0, v1  }
0x2a: {  	[tilespmem:$0x0] =	vst v1;
	v1 =	vadd.s32 v0, v2;
	v2 =	vld [tilespmem:$0x60]  }
0x2b: {  	[tilespmem:$0x10] =	vst v1;
	v1 =	vadd.s32 v0, v3;
	v3 =	vld [tilespmem:$0x70]  }
0x2c: {  	v41 =	vld [tilespmem:$0x80];
	[tilespmem:$0x20] =	vst v1;
	v1 =	vadd.s32 v0, v4  }
0x2d: {  	v42 =	vld [tilespmem:$0x90];
	[tilespmem:$0x30] =	vst v1;
	v1 =	vadd.s32 v0, v5  }
0x2e: {  	v43 =	vld [tilespmem:$0xA0];
	[tilespmem:$0x40] =	vst v1;
	v1 =	vadd.s32 v0, v6  }
0x2f: {  	[tilespmem:$0x50] =	vst v1;
	v1 =	vadd.s32 v0, v2;
	v2 =	vld [tilespmem:$0xB0]  }
0x30: {  	[tilespmem:$0x60] =	vst v1;
	v1 =	vadd.s32 v0, v3;
	v3 =	vld [tilespmem:$0xC0]  }
0x31: {  	v44 =	vld [tilespmem:$0xD0];
	[tilespmem:$0x70] =	vst v1;
	v1 =	vadd.s32 v0, v41  }
0x32: {  	v45 =	vld [tilespmem:$0xE0];
	[tilespmem:$0x80] =	vst v1;
	v1 =	vadd.s32 v0, v42  }
0x33: {  	v46 =	vld [tilespmem:$0xF0];
	[tilespmem:$0x90] =	vst v1;
	v1 =	vadd.s32 v0, v43  }
0x34: {  	[tilespmem:$0xA0] =	vst v1;
	v1 =	vadd.s32 v0, v2;
	v2 =	vld [tilespmem:$0x100]  }
0x35: {  	[tilespmem:$0xB0] =	vst v1;
	v1 =	vadd.s32 v0, v3;
	v3 =	vld [tilespmem:$0x110]  }
0x36: {  	v47 =	vld [tilespmem:$0x120];
	[tilespmem:$0xC0] =	vst v1;
	v1 =	vadd.s32 v0, v44  }
0x37: {  	v48 =	vld [tilespmem:$0x130];
	[tilespmem:$0xD0] =	vst v1;
	v1 =	vadd.s32 v0, v45  }
0x38: {  	v49 =	vld [tilespmem:$0x140];
	[tilespmem:$0xE0] =	vst v1;
	v1 =	vadd.s32 v0, v46  }
0x39: {  	[tilespmem:$0xF0] =	vst v1;
	v1 =	vadd.s32 v0, v2;
	v2 =	vld [tilespmem:$0x150]  }
0x3a: {  	[tilespmem:$0x100] =	vst v1;
	v1 =	vadd.s32 v0, v3;
	v3 =	vld [tilespmem:$0x160]  }
0x3b: {  	v50 =	vld [tilespmem:$0x170];
	[tilespmem:$0x110] =	vst v1;
	v1 =	vadd.s32 v0, v47  }
0x3c: {  	[tilespmem:$0x120] =	vst v1;
	v1 =	vadd.s32 v0, v48  }
0x3d: {  	[tilespmem:$0x130] =	vst v1;
	v1 =	vadd.s32 v0, v49  }
0x3e: {  	[tilespmem:$0x140] =	vst v1;
	v1 =	vadd.s32 v0, v2  }
0x3f: {  	[tilespmem:$0x150] =	vst v1;
	v1 =	vadd.s32 v0, v3  }
0x40: {  	[tilespmem:$0x160] =	vst v1;
	v1 =	vadd.s32 v0, v50  }
0x41: {  	[tilespmem:$0x170] =	vst v1  }
0x42: {  	[tilespmem:s15], [sflag:$0x1] =	stream.indirect.gather [hbm4b:s5+s14], $0x20, s4, s14, $0xb8;
	[tilespmem:$0x1F480] =	vst v63  }
0x43: {  	_ = 	snop  }
0x44: {  	[tilespmem:s16], [sflag:$0x1] =	stream.indirect.gather [hbm4b:s5+s14], $0x20, s14, s14, $0xb8;
	[tilespmem:$0x1F480] =	vst v63  }
0x45: {  	_ = 	snop  }
0x46: {  	[tilespmem:s18], [sflag:$0x1] =	stream.indirect.gather [hbm4b:s5+s14], $0x20, s17, s14, $0xb8;
	[tilespmem:$0x1F480] =	vst v63  }
0x47: {  	_ =	swait.ge [sflag:s19], $0x1000  }
0x48: {  	[sflag:s19] =	ssyncset.done $0x0  }
0x49: {  	[sflag:s19] =	ssyncadd.s32 $0xFFFFF000  }
0x4a: {  	_ =	swait.ge [sflag:s19], $0x1000  }
0x4b: {  	[sflag:s19] =	ssyncset.done $0x0  }
0x4c: {  	[sflag:s19] =	ssyncadd.s32 $0xFFFFF000  }
0x4d: {  	_ =	swait.ge [sflag:s19], $0x1000  }
0x4e: {  	[sflag:s19] =	ssyncset.done $0x0  }
0x4f: {  	[sflag:s19] =	ssyncadd.s32 $0xFFFFF000  }
0x50: {  	[spmem:s3] =	stream.indirect.scatter.add.f32 [tilespmem:s15], [sflag:$0x2], $0x20, s13, s14, $0xb8;
	[tilespmem:$0x1F480] =	vst v63  }
0x51: {  	_ = 	snop  }
0x52: {  	[spmem:s3] =	stream.indirect.scatter.add.f32 [tilespmem:s16], [sflag:$0x2], $0x20, s20, s14, $0xb8;
	[tilespmem:$0x1F480] =	vst v63  }
0x53: {  	_ = 	snop  }
0x54: {  	[spmem:s3] =	stream.indirect.scatter.add.f32 [tilespmem:s18], [sflag:$0x2], $0x20, s21, s14, $0xb8;
	[tilespmem:$0x1F480] =	vst v63  }
0x55: {  	_ =	swait.ge @!p0 [sflag:s1], $0x3000  }
0x56: {  	[sflag:s1] =	ssyncset.done @!p0 $0x0  }
0x57: {  	s0 =	sadd.s32 $0x30, s0;
	[sflag:s1] =	ssyncadd.s32 @!p0 $0xFFFFD000  }
0x58: {  	[tilespmem:s4], [sflag:$0x3] =	stream.linear.gather [hbm4b:s0+s4], $0x180, $0x38;
	[tilespmem:$0x1F480] =	vst v63  }
0x59: {  	_ =	swait.ge [sflag:s12], $0x180  }
0x5a: {  	[sflag:s12] =	ssyncset.done $0x0  }
0x5b: {  	s2 =	sadd.s32 $0x30, s2;
	[sflag:s12] =	ssyncadd.s32 $0xFFFFFE80  }
0x5c: {  	[tilespmem:s22], [sflag:$0x3] =	stream.linear.gather [hbm4b:s2+s4], $0x180, $0x38;
	[tilespmem:$0x1F480] =	vst v63  }
0x5d: {  	_ =	swait.ge [sflag:s12], $0x180  }
0x5e: {  	[sflag:s12] =	ssyncset.done $0x0  }
0x5f: {  	[sflag:s12] =	ssyncadd.s32 $0xFFFFFE80  }
0x60: {  	v1 =	vld [tilespmem:$0x0]  }
0x61: {  	v2 =	vld [tilespmem:$0x10]  }
0x62: {  	v3 =	vld [tilespmem:$0x20]  }
0x63: {  	v51 =	vld [tilespmem:$0x30]  }
0x64: {  	v52 =	vld [tilespmem:$0x40]  }
0x65: {  	v53 =	vld [tilespmem:$0x50];
	v1 =	vadd.s32 v0, v1  }
0x66: {  	[tilespmem:$0x0] =	vst v1;
	v1 =	vadd.s32 v0, v2;
	v2 =	vld [tilespmem:$0x60]  }
0x67: {  	[tilespmem:$0x10] =	vst v1;
	v1 =	vadd.s32 v0, v3;
	v3 =	vld [tilespmem:$0x70]  }
0x68: {  	v54 =	vld [tilespmem:$0x80];
	[tilespmem:$0x20] =	vst v1;
	v1 =	vadd.s32 v0, v51  }
0x69: {  	v55 =	vld [tilespmem:$0x90];
	[tilespmem:$0x30] =	vst v1;
	v1 =	vadd.s32 v0, v52  }
0x6a: {  	v56 =	vld [tilespmem:$0xA0];
	[tilespmem:$0x40] =	vst v1;
	v1 =	vadd.s32 v0, v53  }
0x6b: {  	[tilespmem:$0x50] =	vst v1;
	v1 =	vadd.s32 v0, v2;
	v2 =	vld [tilespmem:$0xB0]  }
0x6c: {  	[tilespmem:$0x60] =	vst v1;
	v1 =	vadd.s32 v0, v3;
	v3 =	vld [tilespmem:$0xC0]  }
0x6d: {  	v57 =	vld [tilespmem:$0xD0];
	[tilespmem:$0x70] =	vst v1;
	v1 =	vadd.s32 v0, v54  }
0x6e: {  	v58 =	vld [tilespmem:$0xE0];
	[tilespmem:$0x80] =	vst v1;
	v1 =	vadd.s32 v0, v55  }
0x6f: {  	v59 =	vld [tilespmem:$0xF0];
	[tilespmem:$0x90] =	vst v1;
	v1 =	vadd.s32 v0, v56  }
0x70: {  	[tilespmem:$0xA0] =	vst v1;
	v1 =	vadd.s32 v0, v2;
	v2 =	vld [tilespmem:$0x100]  }
0x71: {  	[tilespmem:$0xB0] =	vst v1;
	v1 =	vadd.s32 v0, v3;
	v3 =	vld [tilespmem:$0x110]  }
0x72: {  	v60 =	vld [tilespmem:$0x120];
	[tilespmem:$0xC0] =	vst v1;
	v1 =	vadd.s32 v0, v57  }
0x73: {  	v61 =	vld [tilespmem:$0x130];
	[tilespmem:$0xD0] =	vst v1;
	v1 =	vadd.s32 v0, v58  }
0x74: {  	v62 =	vld [tilespmem:$0x140];
	[tilespmem:$0xE0] =	vst v1;
	v1 =	vadd.s32 v0, v59  }
0x75: {  	[tilespmem:$0xF0] =	vst v1;
	v1 =	vadd.s32 v0, v2;
	v2 =	vld [tilespmem:$0x150]  }
0x76: {  	[tilespmem:$0x100] =	vst v1;
	v1 =	vadd.s32 v0, v3;
	v3 =	vld [tilespmem:$0x160]  }
0x77: {  	v63 =	vld [tilespmem:$0x170];
	[tilespmem:$0x110] =	vst v1;
	v1 =	vadd.s32 v0, v60  }
0x78: {  	[tilespmem:$0x120] =	vst v1;
	v1 =	vadd.s32 v0, v61  }
0x79: {  	[tilespmem:$0x130] =	vst v1;
	v1 =	vadd.s32 v0, v62  }
0x7a: {  	[tilespmem:$0x140] =	vst v1;
	v1 =	vadd.s32 v0, v2  }
0x7b: {  	[tilespmem:$0x150] =	vst v1;
	v1 =	vadd.s32 v0, v3  }
0x7c: {  	[tilespmem:$0x160] =	vst v1;
	v1 =	vadd.s32 v0, v63  }
0x7d: {  	[tilespmem:$0x170] =	vst v1  }
0x7e: {  	[tilespmem:s23], [sflag:$0x1] =	stream.indirect.gather [hbm4b:s5+s14], $0x20, s4, s14, $0xb8;
	[tilespmem:$0x1F480] =	vst v63  }
0x7f: {  	_ = 	snop  }
0x80: {  	[tilespmem:s24], [sflag:$0x1] =	stream.indirect.gather [hbm4b:s5+s14], $0x20, s14, s14, $0xb8;
	[tilespmem:$0x1F480] =	vst v63  }
0x81: {  	_ = 	snop  }
0x82: {  	[tilespmem:s25], [sflag:$0x1] =	stream.indirect.gather [hbm4b:s5+s14], $0x20, s17, s14, $0xb8;
	[tilespmem:$0x1F480] =	vst v63  }
0x83: {  	_ =	swait.ge [sflag:s19], $0x1000  }
0x84: {  	[sflag:s19] =	ssyncset.done $0x0  }
0x85: {  	[sflag:s19] =	ssyncadd.s32 $0xFFFFF000  }
0x86: {  	_ =	swait.ge [sflag:s19], $0x1000  }
0x87: {  	[sflag:s19] =	ssyncset.done $0x0  }
0x88: {  	[sflag:s19] =	ssyncadd.s32 $0xFFFFF000  }
0x89: {  	_ =	swait.ge [sflag:s19], $0x1000  }
0x8a: {  	s31 =	sadd.s32 $0x60, s31;
	[sflag:s19] =	ssyncset.done $0x0  }
0x8b: {  	p0 =	sne.s32 s31, $0x1920;
	[sflag:s19] =	ssyncadd.s32 $0xFFFFF000  }
0x8c: {  	[spmem:s3] =	stream.indirect.scatter.add.f32 [tilespmem:s23], [sflag:$0x2], $0x20, s22, s14, $0xb8;
	[tilespmem:$0x1F480] =	vst v63  }
.Ltmp0:
0x8d: {  	_ = 	snop;
	(pc) =	sbr.rel @p0 .LBB2_2-.Ltmp0, $4  }
0x8e: {  	_ = 	snop  }
0x8f: {  	[spmem:s3] =	stream.indirect.scatter.add.f32 [tilespmem:s24], [sflag:$0x2], $0x20, s26, s14, $0xb8;
	[tilespmem:$0x1F480] =	vst v63  }
0x90: {  	_ = 	snop  }
0x91: {  	[spmem:s3] =	stream.indirect.scatter.add.f32 [tilespmem:s25], [sflag:$0x2], $0x20, s28, s14, $0xb8;
	[tilespmem:$0x1F480] =	vst v63  }
0x92: {  	_ =	swait.ge [sflag:s29], $0x3000  }
0x93: {  	[sflag:s29] =	ssyncset.done $0x0  }
0x94: {  	[sflag:s29] =	ssyncadd.s32 $0xFFFFD000  }
0x95: {  	_ =	swait.ge [sflag:s29], $0x3000  }
0x96: {  	s30 =	sadd.s32 $0x1, s30;
	[sflag:s29] =	ssyncset.done $0x0  }
0x97: {  	p0 =	sne.s32 s30, s8;
	[sflag:s29] =	ssyncadd.s32 $0xFFFFD000  }
.Ltmp1:
0x98: {  	[bflag:$0x0] =	sbarrier.arrive $0xFFFF;
	(pc) =	sbr.rel @p0 .LBB2_1-.Ltmp1, $4  }
0x99: {  	[hbm:s7], [sflag:s6] =	dma.local [spmem:s11], $0x3200  }
0x9a: {  	_ =	swait.ge [sflag:s12], $0x3200  }
0x9b: {  	[sflag:s12] =	ssyncset.done $0x0  }
0x9c: {  	[sflag:s12] =	ssyncadd.s32 $0xFFFFCE00  }
0x9d: {  	_ =	sfence.sel $0x180000  }
0x9e: {  	[bflag:$0x0] =	sbarrier.arrive $0xFFFF  }
0x9f: {  	_ =	strace $0x90000050  }
0xa0: {  	s0 =	stileid.u32;
	[bflag:$0x2] =	sbarrier.arrive $0xFFFF  }
0xa1: {  	p0 =	sne.s32 s0, $0x0;
	s0 =	rddreg [dreg:$0x3]  }
0xa2: {  	s0 =	sadd.s32 @!p0 $0x100000, s0  }
0xa3: {  	[sflag:s0] =	ssyncadd.tile.s32 @!p0 $0x1;
	_ =	shalt  }
.Lfunc_end2:
_tile_overlayer_lowered:
.L_overlay_start_2:
0xa4: {  	(tag) =	ssettag $0x2  }
0xa5: {  	s0 =	rddreg [dreg:$0x0];
	s2 =	stileid.u32  }
0xa6: {  	s1 =	rddreg [dreg:$0x1];
	p0 =	sne.s32 s2, $0x0  }
0xa7: {  	s3 =	rddreg [dreg:$0x2];
	[bflag:$0x3] =	sbarrier.arrive $0xFFFF;
	s2 =	simm.s32 @!p0 $0x1C03  }
0xa8: {  	[timem:s3], [sflag:s2] =	dma.local @!p0 [hbm:s0], s1  }
0xa9: {  	s0 =	simm.s32 @!p0 $0x3  }
0xaa: {  	_ =	swait.ge @!p0 [sflag:s0], s1  }
0xab: {  	s1 =	ssub.s32 @!p0 $0x0, s1;
	[sflag:s0] =	ssyncset.done @!p0 $0x0  }
0xac: {  	[sflag:s0] =	ssyncadd.s32 @!p0 s1  }
0xad: {  	[bflag:$0x3] =	sbarrier.arrive $0xFFFF  }
0xae: {  	_ =	shalt  }

// kernel: kernel.22.cloned.1.call-start
scs
__scs_entry_jumppad:
0x0: {  	(pc) =	sbr.rel $0x88, $3  }
0x1: {  	(tag) =	ssettag $0x0;
	lr =	simm.s32 $0x1  }
0x2: {  	[smem:$0x3F90] =	sst lr;
	_ =	strace $0xD0000000  }
0x3: {  	_ = 	snop  }
0x4: {  	_ = 	snop  }
0x5: {  	_ = 	snop  }
0x6: {  	_ = 	snop  }
0x7: {  	_ = 	snop  }
__scs_overlays_trampoline_lowered:
0x8: {  	[smem:$0x3F9F] =	sst s0  }
0x9: {  	[smem:$0x3FA0] =	sst s1  }
0xa: {  	[smem:$0x3FA1] =	sst s2  }
0xb: {  	[smem:$0x3FA2] =	sst s3  }
0xc: {  	[smem:$0x3FA3] =	sst s4  }
0xd: {  	[smem:$0x3FA4] =	sst s5  }
0xe: {  	[smem:$0x3FA5] =	sst s6  }
0xf: {  	[smem:$0x3FA6] =	sst s7  }
0x10: {  	[smem:$0x3FA7] =	sst s8  }
0x11: {  	[smem:$0x3FA8] =	sst s9;
	s0 =	simm.s32 @!p0 $0x0  }
0x12: {  	s1 =	sld [smem:$0x3F8E];
	s0 =	simm.s32 @p0 $0x1  }
0x13: {  	[smem:$0x3FA9] =	sst s0;
	s0 =	simm.s32 @!p1 $0x0  }
0x14: {  	s2 =	sld [smem:$0x3F8D];
	s0 =	simm.s32 @p1 $0x1  }
0x15: {  	[smem:$0x3FAA] =	sst s0;
	s0 =	simm.s32 @!p2 $0x0  }
0x16: {  	s3 =	sld [smem:$0x3FDB];
	s0 =	simm.s32 @p2 $0x1  }
0x17: {  	s4 =	simm.s32 $0x1BF5;
	[smem:$0x3FAC] =	sst s0  }
0x18: {  	s0 =	sld [smem:$0x3F8F];
	_ =	swait.ge [sflag:s4], $0x0  }
0x19: {  	s7 =	sld [smem:$0x3F90]  }
0x1a: {  	s8 =	sadd.s32 $0xFFFFE003, lr  }
0x1b: {  	s9 =	sadd.s32 $0xFFFFFEF7, lr;
	s5 =	simm.s32 $0xFFFFFFFF;
	p2 =	slt.u32 s8, $0xFFFFF086  }
0x1c: {  	p1 =	slt.u32 s9, $0xF7A;
	s5 =	simm.s32 @!p2 $0x0  }
0x1d: {  	s5 =	simm.s32 @p1 $0x1;
	p0 =	seq.s32 s7, s2  }
0x1e: {  	s7 =	smul.u32 @!p0 $0xF7A, s2;
	p2 =	seq.s32 @!p0 s5, $0x0  }
0x1f: {  	s9 =	smul.u32 $0xF7A, s1;
	s8 =	simm.s32 @!p0 $0x1BF5;
	p2 =	por !p2, p0  }
0x20: {  	[sflag:s8] =	ssyncset.s32 @!p0 $0xFFFFF086;
	s6 =	sadd.s32 @!p0 s3, s7;
	s7 =	simm.s32 @!p0 $0x108  }
0x21: {  	s3 =	sadd.s32 s3, s9;
	s6 =	sadd.s32 @!p0 $0x88, s6;
	s7 =	simm.s32 @p2 $0x1082  }
0x22: {  	[simem:s7], [sflag:s8] =	dma.local @!p0 [hbm:s6], $0xF7A  }
0x23: {  	s9 =	sor.u32 $0xD0000000, s2;
	s6 =	simm.s32 $0x108;
	_ =	swait.ge @!p0 [sflag:s8], $0x0  }
0x24: {  	s3 =	sadd.s32 $0x88, s3;
	s6 =	simm.s32 @!p1 $0x1082;
	[sflag:s4] =	ssyncset.s32 $0xFFFFF086  }
0x25: {  	[simem:s6], [sflag:s4] =	dma.local [hbm:s3], $0xF7A  }
0x26: {  	[smem:$0x3F90] =	sst s1;
	(tag) =	ssettag s2;
	_ =	strace s9  }
0x27: {  	s1 =	sld [smem:$0x3FA0]  }
0x28: {  	s2 =	sld [smem:$0x3FA1]  }
0x29: {  	s4 =	sld [smem:$0x3FA3]  }
0x2a: {  	p0 =	seq.s32 s5, $0x0;
	s5 =	sld [smem:$0x3FA4]  }
0x2b: {  	s6 =	sld [smem:$0x3FA5]  }
0x2c: {  	s7 =	sld [smem:$0x3FA6]  }
0x2d: {  	s3 =	simm.s32 $0x108;
	s8 =	sld [smem:$0x3FA7]  }
0x2e: {  	s3 =	simm.s32 @!p0 $0x1082;
	s9 =	sld [smem:$0x3FA8]  }
0x2f: {  	lr =	sadd.s32 s0, s3;
	s0 =	sld [smem:$0x3F9F]  }
0x30: {  	s3 =	sld [smem:$0x3FA2]  }
0x31: {  	[smem:$0x3FAB] =	sst s10  }
0x32: {  	s10 =	sld [smem:$0x3FA9];
	_ =	sdelay $0x3  }
0x33: {  	p0 =	seq.s32 s10, $0x1;
	s10 =	sld [smem:$0x3FAB];
	_ =	sdelay $0x3  }
0x34: {  	[smem:$0x3FAB] =	sst s10  }
0x35: {  	s10 =	sld [smem:$0x3FAA];
	_ =	sdelay $0x3  }
0x36: {  	p1 =	seq.s32 s10, $0x1;
	s10 =	sld [smem:$0x3FAB];
	_ =	sdelay $0x3  }
0x37: {  	[smem:$0x3FAB] =	sst s10  }
0x38: {  	s10 =	sld [smem:$0x3FAC]  }
0x39: {  	_ = 	snop;
	(pc) =	sbr.ind lr, $3  }
0x3a: {  	_ = 	snop  }
0x3b: {  	_ = 	snop  }
0x3c: {  	p2 =	seq.s32 s10, $0x1;
	s10 =	sld [smem:$0x3FAB]  }
0x3d: {  	_ =	shalt  }
0x3e: {  	_ =	shalt  }
0x3f: {  	_ =	shalt  }
0x40: {  	_ =	shalt  }
0x41: {  	_ =	shalt  }
0x42: {  	_ =	shalt  }
0x43: {  	_ =	shalt  }
0x44: {  	_ =	shalt  }
0x45: {  	_ =	shalt  }
0x46: {  	_ =	shalt  }
0x47: {  	_ =	shalt  }
0x48: {  	_ =	shalt  }
0x49: {  	_ =	shalt  }
0x4a: {  	_ =	shalt  }
0x4b: {  	_ =	shalt  }
0x4c: {  	_ =	shalt  }
0x4d: {  	_ =	shalt  }
0x4e: {  	_ =	shalt  }
0x4f: {  	_ =	shalt  }
0x50: {  	_ =	shalt  }
0x51: {  	_ =	shalt  }
0x52: {  	_ =	shalt  }
0x53: {  	_ =	shalt  }
0x54: {  	_ =	shalt  }
0x55: {  	_ =	shalt  }
0x56: {  	_ =	shalt  }
0x57: {  	_ =	shalt  }
0x58: {  	_ =	shalt  }
0x59: {  	_ =	shalt  }
0x5a: {  	_ =	shalt  }
0x5b: {  	_ =	shalt  }
0x5c: {  	_ =	shalt  }
0x5d: {  	_ =	shalt  }
0x5e: {  	_ =	shalt  }
0x5f: {  	_ =	shalt  }
0x60: {  	_ =	shalt  }
0x61: {  	_ =	shalt  }
0x62: {  	_ =	shalt  }
0x63: {  	_ =	shalt  }
0x64: {  	_ =	shalt  }
0x65: {  	_ =	shalt  }
0x66: {  	_ =	shalt  }
0x67: {  	_ =	shalt  }
0x68: {  	_ =	shalt  }
0x69: {  	_ =	shalt  }
0x6a: {  	_ =	shalt  }
0x6b: {  	_ =	shalt  }
0x6c: {  	_ =	shalt  }
0x6d: {  	_ =	shalt  }
0x6e: {  	_ =	shalt  }
0x6f: {  	_ =	shalt  }
0x70: {  	_ =	shalt  }
0x71: {  	_ =	shalt  }
0x72: {  	_ =	shalt  }
0x73: {  	_ =	shalt  }
0x74: {  	_ =	shalt  }
0x75: {  	_ =	shalt  }
0x76: {  	_ =	shalt  }
0x77: {  	_ =	shalt  }
0x78: {  	_ =	shalt  }
0x79: {  	_ =	shalt  }
0x7a: {  	_ =	shalt  }
0x7b: {  	_ =	shalt  }
0x7c: {  	_ =	shalt  }
0x7d: {  	_ =	shalt  }
0x7e: {  	_ =	shalt  }
0x7f: {  	_ =	shalt  }
0x80: {  	_ =	shalt  }
0x81: {  	_ =	shalt  }
0x82: {  	_ =	shalt  }
0x83: {  	_ =	shalt  }
0x84: {  	_ =	shalt  }
0x85: {  	_ =	shalt  }
0x86: {  	_ =	shalt  }
0x87: {  	_ =	shalt  }
.Lfunc_end0:
.L_simem_size_0:
called_computation.4_lowered:
.L_overlay_start_0:
0x88: {  	s2 =	sld [smem:$0x3FD9]  }
0x89: {  	s3 =	sld [smem:$0x3FFE];
	_ =	sdelay $0x1  }
0x8a: {  	s1 =	srdreg.scid  }
0x8b: {  	s0 =	sand.u32 $0x1, s1  }
0x8c: {  	s17 =	sshll.u32 s0, $0xA;
	s2 =	sadd.s32 s3, s2  }
0x8d: {  	s2 =	sadd.s32 s2, s17  }
0x8e: {  	[smem:$0x3FB7] =	sst s2  }
0x8f: {  	_ = 	snop  }
0x90: {  	s18 =	sld [smem:$0x3FD0];
	(tm) =	ssettm $0x1  }
0x91: {  	s19 =	sld [smem:$0x3FFB];
	_ =	sdelay $0x3  }
0x92: {  	_ =	strace s19  }
0x93: {  	s2 =	sld [smem:$0x3FFC];
	_ =	sdelay $0x3  }
0x94: {  	_ =	strace s2  }
0x95: {  	s2 =	sld [smem:$0x3FFD];
	_ =	sdelay $0x3  }
0x96: {  	_ =	strace s2  }
0x97: {  	_ =	strace $0x8FFFFFFF  }
0x98: {  	s20 =	sld [smem:$0x3FDB];
	_ =	sdelay $0x1  }
0x99: {  	s4 =	simm.s32 $_scs_section_size  }
0x9a: {  	s5 =	simm.s32 $_size__tile_overlayer_lowered;
	s6 =	simm.s32 $_tile_overlayer_lowered  }
0x9b: {  	s7 =	simm.s32 $0x1BFF;
	s21 =	sshll.u32 s6, $0x1;
	s4 =	sadd.s32 s4, s20  }
0x9c: {  	s22 =	simm.s32 $0x0;
	s5 =	sshll.u32 s5, $0x1;
	s6 =	sadd.s32 s21, s4  }
0x9d: {  	[timem:s22], [sflag:s7] =	dma.local [hbm:s6], s5  }
0x9e: {  	_ =	swait.ge [sflag:s7], s5  }
0x9f: {  	s5 =	ssub.s32 $0x0, s5;
	[sflag:s7] =	ssyncset.done $0x0  }
0xa0: {  	[sflag:s7] =	ssyncadd.s32 s5;
	_ =	sdelay $0x1  }
0xa1: {  	s23 =	simm.s32 $0x1B8B  }
0xa2: {  	_ =	swait.ge [sflag:s23], $0x1  }
0xa3: {  	[sflag:s23] =	ssyncset.done $0x0  }
0xa4: {  	[sflag:s23] =	ssyncadd.s32 $0xFFFFFFFF  }
0xa5: {  	s5 =	sld [smem:$0x0]  }
0xa6: {  	s6 =	sand.u32 $0xFFFFFFFE, s1  }
0xa7: {  	p0 =	sne.s32 s1, s6  }
0xa8: {  	s6 =	sshll.u32 @p0 s6, $0xE  }
0xa9: {  	s6 =	sadd.s32 @p0 $0x11B8D, s6;
	s7 =	sshll.u32 @p0 s5, $0x11  }
0xaa: {  	s6 =	sor.u32 @p0 s7, s6  }
0xab: {  	[sflag:s6] =	ssyncadd.remote.s32 @p0 $0x1;
	_ =	sdelay $0x1  }
0xac: {  	s6 =	simm.s32 @p0 $0x1B8D  }
0xad: {  	_ =	swait.eq @p0 [sflag:s6], $0x1  }
0xae: {  	[sflag:s6] =	ssyncadd.s32 @p0 $0xFFFFFFFF  }
0xaf: {  	s7 =	sshll.u32 @!p0 s1, $0xE  }
0xb0: {  	s7 =	sor.u32 @!p0 $0x4000, s7;
	s6 =	simm.s32 @!p0 $0x1B8D  }
0xb1: {  	s5 =	sshll.u32 @!p0 s5, $0x11;
	s7 =	sadd.s32 @!p0 $0x11B8D, s7;
	_ =	swait.eq @!p0 [sflag:s6], $0x1  }
0xb2: {  	s5 =	sor.u32 @!p0 s5, s7;
	[sflag:s6] =	ssyncadd.s32 @!p0 $0xFFFFFFFF  }
0xb3: {  	s25 =	simm.s32 $0x1B8E;
	s24 =	sld [smem:$0x3FFE];
	[sflag:s5] =	ssyncadd.remote.s32 @!p0 $0x1  }
0xb4: {  	s26 =	simm.s32 $execute0_lowered;
	[smem:$0x3FD2] =	sst s25  }
0xb5: {  	s6 =	sshll.u32 s26, $0x1;
	_ =	strace $0x80000052;
	[dreg:$0x1] =	wrdreg $0xFFFFFFFF  }
0xb6: {  	s28 =	simm.s32 $_size_execute0_lowered;
	s4 =	sadd.s32 s4, s6;
	[dreg:$0x0] =	wrdreg $0x0  }
0xb7: {  	s6 =	sshll.u32 s28, $0x1;
	[dreg:$0x2] =	wrdreg s4  }
0xb8: {  	[dreg:$0x3] =	wrdreg s6  }
0xb9: {  	[dreg:$0x4] =	wrdreg $0xC0  }
0xba: {  	_ =	task [dreg:s22], $0x5FFFF  }
0xbb: {  	[dreg:$0x1] =	wrdreg $0xFFFFFFFF  }
0xbc: {  	[dreg:$0x0] =	wrdreg $0x60  }
0xbd: {  	[dreg:$0x2] =	wrdreg s24  }
0xbe: {  	[dreg:$0x3] =	wrdreg s18  }
0xbf: {  	[dreg:$0x4] =	wrdreg $0x64800  }
0xc0: {  	[dreg:$0x5] =	wrdreg $0x9  }
0xc1: {  	_ =	task.clear_ibuf [dreg:s22], $0x6FFFF;
	_ =	strace $0x90000052  }
0xc2: {  	s29 =	simm.s32 $0x9;
	_ =	strace $0x80000054  }
0xc3: {  	_ =	swait.ge [sflag:s29], $0x1  }
0xc4: {  	[sflag:s29] =	ssyncadd.s32 $0xFFFFFFFF  }
0xc5: {  	_ =	strace $0x90000054  }
0xc6: {  	_ =	sfence  }
0xc7: {  	s30 =	sld [smem:$0x0];
	_ =	sdelay $0x2  }
0xc8: {  	s31 =	sshll.u32 s1, $0xD;
	s1 =	sshrl.u32 s1, $0x2  }
0xc9: {  	s4 =	sand.u32 $0x4000, s31;
	s1 =	sadd.s32 s1, s30  }
0xca: {  	s0 =	sor.u32 s4, s0;
	s1 =	sshll.u32 s1, $0x11  }
0xcb: {  	s0 =	sor.u32 s1, s0  }
0xcc: {  	s0 =	sadd.s32 $0x8F2B, s0  }
0xcd: {  	[sflag:s0] =	ssyncadd.remote.s32 $0x1  }
0xce: {  	_ =	sfence.sel $0xFFFF  }
0xcf: {  	[dreg:$0x0] =	wrdreg $0xFFFFFFFF;
	(pc) =	sbr.abs _section_cstart, $3  }
0xd0: {  	[dreg:$0x1] =	wrdreg $0xFFFFFFFF  }
0xd1: {  	_ =	task.clear_ibuf [dreg:s22], $0x2FFFF;
	_ =	strace $0x9FFFFFFF  }
0xd2: {  	(tm) =	ssettm $0x7FFFFFFF  }
0xd3: {  	_ =	shalt  }
tec
execute0_lowered:
.L_overlay_start_1:
0x0: {  	(tag) =	ssettag $0x1  }
0x1: {  	s0 =	rddreg [dreg:$0x0]  }
0x2: {  	s9 =	stileid.u32;
	s1 =	srdreg.scid  }
0x3: {  	s3 =	rddreg [dreg:$0x2];
	s4 =	simm.s32 $0x0;
	s12 =	simm.s32 $0x3  }
0x4: {  	s13 =	simm.s32 $0x180;
	s14 =	simm.s32 $0x80;
	s15 =	simm.s32 $0x480  }
0x5: {  	s16 =	simm.s32 $0x1480;
	s17 =	simm.s32 $0x100;
	s18 =	simm.s32 $0x2480  }
0x6: {  	s19 =	simm.s32 $0x1;
	s20 =	simm.s32 $0x200;
	s21 =	simm.s32 $0x280  }
0x7: {  	s22 =	simm.s32 $0x300;
	s23 =	simm.s32 $0x3480;
	s24 =	simm.s32 $0x4480  }
0x8: {  	s25 =	simm.s32 $0x5480;
	s28 =	simm.s32 $0x400;
	s29 =	simm.s32 $0x2  }
0x9: {  	s30 =	simm.s32 $0x0;
	s1 =	sand.u32 $0x1, s1;
	s2 =	smul.u32 $0x19000, s9  }
0xa: {  	[smem:$0x7FF] =	sst s4;
	s6 =	smul.u32 $0x1920, s9;
	s31 =	sshll.u32 s9, $0x6  }
0xb: {  	s5 =	smul.u32 $0x190000, s1;
	_ =	strace $0x80000053;
	s8 =	ssub.s32 $0x2, s1  }
0xc: {  	s10 =	sadd.s32 s6, s0;
	s26 =	sshrl.u32 s8, $0x1;
	s6 =	sor.u32 $0x1C03, s31  }
0xd: {  	s7 =	sadd.s32 s2, s5;
	s5 =	sadd.s32 $0x12FE00, s0;
	s8 =	ssub.s32 s8, s26  }
0xe: {  	s2 =	sadd.s32 s2, s3;
	s9 =	sadd.s32 $0xFDA00, s10;
	s7 =	sshrl.u32 s7, $0x3  }
0xf: {  	s10 =	sadd.s32 $0x116C00, s10;
	s26 =	simm.s32 $0x380;
	s0 =	sadd.s32 s7, s0  }
0x10: {  	v0 =	vmov s1;
	s8 =	smax.u32 s8, $0x1;
	s11 =	sshrl.u32 s2, $0x3;
	s7 =	sadd.s32 $0x3600, s0  }
.LBB2_1:
0x11: {  	s0 =	rddreg [dreg:$0x1]  }
0x12: {  	[spmem:s11], [sflag:s6] =	dma.local [hbm:s0], $0x3200  }
0x13: {  	_ =	swait.ge [sflag:s12], $0x3200  }
0x14: {  	[sflag:s12] =	ssyncset.done $0x0  }
0x15: {  	[sflag:s12] =	ssyncadd.s32 $0xFFFFCE00  }
0x16: {  	s31 =	simm.s32 $0x0;
	[bflag:$0x0] =	sbarrier.arrive $0xFFFF  }
.LBB2_2:
0x17: {  	p0 =	seq.s32 s31, $0x0  }
0x18: {  	s1 =	simm.s32 @!p0 $0x2  }
0x19: {  	_ =	swait.ge @!p0 [sflag:s1], $0x3000  }
0x1a: {  	[sflag:s1] =	ssyncset.done @!p0 $0x0  }
0x1b: {  	s0 =	sadd.s32 s31, s9;
	[sflag:s1] =	ssyncadd.s32 @!p0 $0xFFFFD000  }
0x1c: {  	[tilespmem:s4], [sflag:$0x3] =	stream.linear.gather [hbm4b:s0+s4], $0x180, $0x38;
	[tilespmem:$0x1F480] =	vst v63  }
0x1d: {  	_ =	swait.ge [sflag:s12], $0x180  }
0x1e: {  	[sflag:s12] =	ssyncset.done $0x0  }
0x1f: {  	s2 =	sadd.s32 s31, s10;
	[sflag:s12] =	ssyncadd.s32 $0xFFFFFE80  }
0x20: {  	[tilespmem:s13], [sflag:$0x3] =	stream.linear.gather [hbm4b:s2+s4], $0x180, $0x38;
	[tilespmem:$0x1F480] =	vst v63  }
0x21: {  	_ =	swait.ge [sflag:s12], $0x180  }
0x22: {  	[sflag:s12] =	ssyncset.done $0x0  }
0x23: {  	[sflag:s12] =	ssyncadd.s32 $0xFFFFFE80  }
0x24: {  	v1 =	vld [tilespmem:$0x0]  }
0x25: {  	v2 =	vld [tilespmem:$0x10]  }
0x26: {  	v3 =	vld [tilespmem:$0x20]  }
0x27: {  	v4 =	vld [tilespmem:$0x30]  }
0x28: {  	v5 =	vld [tilespmem:$0x40]  }
0x29: {  	v6 =	vld [tilespmem:$0x50];
	v1 =	vadd.s32 v0, v1  }
0x2a: {  	[tilespmem:$0x0] =	vst v1;
	v1 =	vadd.s32 v0, v2;
	v2 =	vld [tilespmem:$0x60]  }
0x2b: {  	[tilespmem:$0x10] =	vst v1;
	v1 =	vadd.s32 v0, v3;
	v3 =	vld [tilespmem:$0x70]  }
0x2c: {  	v41 =	vld [tilespmem:$0x80];
	[tilespmem:$0x20] =	vst v1;
	v1 =	vadd.s32 v0, v4  }
0x2d: {  	v42 =	vld [tilespmem:$0x90];
	[tilespmem:$0x30] =	vst v1;
	v1 =	vadd.s32 v0, v5  }
0x2e: {  	v43 =	vld [tilespmem:$0xA0];
	[tilespmem:$0x40] =	vst v1;
	v1 =	vadd.s32 v0, v6  }
0x2f: {  	[tilespmem:$0x50] =	vst v1;
	v1 =	vadd.s32 v0, v2;
	v2 =	vld [tilespmem:$0xB0]  }
0x30: {  	[tilespmem:$0x60] =	vst v1;
	v1 =	vadd.s32 v0, v3;
	v3 =	vld [tilespmem:$0xC0]  }
0x31: {  	v44 =	vld [tilespmem:$0xD0];
	[tilespmem:$0x70] =	vst v1;
	v1 =	vadd.s32 v0, v41  }
0x32: {  	v45 =	vld [tilespmem:$0xE0];
	[tilespmem:$0x80] =	vst v1;
	v1 =	vadd.s32 v0, v42  }
0x33: {  	v46 =	vld [tilespmem:$0xF0];
	[tilespmem:$0x90] =	vst v1;
	v1 =	vadd.s32 v0, v43  }
0x34: {  	[tilespmem:$0xA0] =	vst v1;
	v1 =	vadd.s32 v0, v2;
	v2 =	vld [tilespmem:$0x100]  }
0x35: {  	[tilespmem:$0xB0] =	vst v1;
	v1 =	vadd.s32 v0, v3;
	v3 =	vld [tilespmem:$0x110]  }
0x36: {  	v47 =	vld [tilespmem:$0x120];
	[tilespmem:$0xC0] =	vst v1;
	v1 =	vadd.s32 v0, v44  }
0x37: {  	v48 =	vld [tilespmem:$0x130];
	[tilespmem:$0xD0] =	vst v1;
	v1 =	vadd.s32 v0, v45  }
0x38: {  	v49 =	vld [tilespmem:$0x140];
	[tilespmem:$0xE0] =	vst v1;
	v1 =	vadd.s32 v0, v46  }
0x39: {  	[tilespmem:$0xF0] =	vst v1;
	v1 =	vadd.s32 v0, v2;
	v2 =	vld [tilespmem:$0x150]  }
0x3a: {  	[tilespmem:$0x100] =	vst v1;
	v1 =	vadd.s32 v0, v3;
	v3 =	vld [tilespmem:$0x160]  }
0x3b: {  	v50 =	vld [tilespmem:$0x170];
	[tilespmem:$0x110] =	vst v1;
	v1 =	vadd.s32 v0, v47  }
0x3c: {  	[tilespmem:$0x120] =	vst v1;
	v1 =	vadd.s32 v0, v48  }
0x3d: {  	[tilespmem:$0x130] =	vst v1;
	v1 =	vadd.s32 v0, v49  }
0x3e: {  	[tilespmem:$0x140] =	vst v1;
	v1 =	vadd.s32 v0, v2  }
0x3f: {  	[tilespmem:$0x150] =	vst v1;
	v1 =	vadd.s32 v0, v3  }
0x40: {  	[tilespmem:$0x160] =	vst v1;
	v1 =	vadd.s32 v0, v50  }
0x41: {  	[tilespmem:$0x170] =	vst v1  }
0x42: {  	[tilespmem:s15], [sflag:$0x1] =	stream.indirect.gather [hbm4b:s5+s14], $0x20, s4, s14, $0xb8;
	[tilespmem:$0x1F480] =	vst v63  }
0x43: {  	_ = 	snop  }
0x44: {  	[tilespmem:s16], [sflag:$0x1] =	stream.indirect.gather [hbm4b:s5+s14], $0x20, s14, s14, $0xb8;
	[tilespmem:$0x1F480] =	vst v63  }
0x45: {  	_ = 	snop  }
0x46: {  	[tilespmem:s18], [sflag:$0x1] =	stream.indirect.gather [hbm4b:s5+s14], $0x20, s17, s14, $0xb8;
	[tilespmem:$0x1F480] =	vst v63  }
0x47: {  	_ =	swait.ge [sflag:s19], $0x1000  }
0x48: {  	[sflag:s19] =	ssyncset.done $0x0  }
0x49: {  	[sflag:s19] =	ssyncadd.s32 $0xFFFFF000  }
0x4a: {  	_ =	swait.ge [sflag:s19], $0x1000  }
0x4b: {  	[sflag:s19] =	ssyncset.done $0x0  }
0x4c: {  	[sflag:s19] =	ssyncadd.s32 $0xFFFFF000  }
0x4d: {  	_ =	swait.ge [sflag:s19], $0x1000  }
0x4e: {  	[sflag:s19] =	ssyncset.done $0x0  }
0x4f: {  	[sflag:s19] =	ssyncadd.s32 $0xFFFFF000  }
0x50: {  	[spmem:s3] =	stream.indirect.scatter.add.f32 [tilespmem:s15], [sflag:$0x2], $0x20, s13, s14, $0xb8;
	[tilespmem:$0x1F480] =	vst v63  }
0x51: {  	_ = 	snop  }
0x52: {  	[spmem:s3] =	stream.indirect.scatter.add.f32 [tilespmem:s16], [sflag:$0x2], $0x20, s20, s14, $0xb8;
	[tilespmem:$0x1F480] =	vst v63  }
0x53: {  	_ = 	snop  }
0x54: {  	[spmem:s3] =	stream.indirect.scatter.add.f32 [tilespmem:s18], [sflag:$0x2], $0x20, s21, s14, $0xb8;
	[tilespmem:$0x1F480] =	vst v63  }
0x55: {  	_ =	swait.ge @!p0 [sflag:s1], $0x3000  }
0x56: {  	[sflag:s1] =	ssyncset.done @!p0 $0x0  }
0x57: {  	s0 =	sadd.s32 $0x30, s0;
	[sflag:s1] =	ssyncadd.s32 @!p0 $0xFFFFD000  }
0x58: {  	[tilespmem:s4], [sflag:$0x3] =	stream.linear.gather [hbm4b:s0+s4], $0x180, $0x38;
	[tilespmem:$0x1F480] =	vst v63  }
0x59: {  	_ =	swait.ge [sflag:s12], $0x180  }
0x5a: {  	[sflag:s12] =	ssyncset.done $0x0  }
0x5b: {  	s2 =	sadd.s32 $0x30, s2;
	[sflag:s12] =	ssyncadd.s32 $0xFFFFFE80  }
0x5c: {  	[tilespmem:s22], [sflag:$0x3] =	stream.linear.gather [hbm4b:s2+s4], $0x180, $0x38;
	[tilespmem:$0x1F480] =	vst v63  }
0x5d: {  	_ =	swait.ge [sflag:s12], $0x180  }
0x5e: {  	[sflag:s12] =	ssyncset.done $0x0  }
0x5f: {  	[sflag:s12] =	ssyncadd.s32 $0xFFFFFE80  }
0x60: {  	v1 =	vld [tilespmem:$0x0]  }
0x61: {  	v2 =	vld [tilespmem:$0x10]  }
0x62: {  	v3 =	vld [tilespmem:$0x20]  }
0x63: {  	v51 =	vld [tilespmem:$0x30]  }
0x64: {  	v52 =	vld [tilespmem:$0x40]  }
0x65: {  	v53 =	vld [tilespmem:$0x50];
	v1 =	vadd.s32 v0, v1  }
0x66: {  	[tilespmem:$0x0] =	vst v1;
	v1 =	vadd.s32 v0, v2;
	v2 =	vld [tilespmem:$0x60]  }
0x67: {  	[tilespmem:$0x10] =	vst v1;
	v1 =	vadd.s32 v0, v3;
	v3 =	vld [tilespmem:$0x70]  }
0x68: {  	v54 =	vld [tilespmem:$0x80];
	[tilespmem:$0x20] =	vst v1;
	v1 =	vadd.s32 v0, v51  }
0x69: {  	v55 =	vld [tilespmem:$0x90];
	[tilespmem:$0x30] =	vst v1;
	v1 =	vadd.s32 v0, v52  }
0x6a: {  	v56 =	vld [tilespmem:$0xA0];
	[tilespmem:$0x40] =	vst v1;
	v1 =	vadd.s32 v0, v53  }
0x6b: {  	[tilespmem:$0x50] =	vst v1;
	v1 =	vadd.s32 v0, v2;
	v2 =	vld [tilespmem:$0xB0]  }
0x6c: {  	[tilespmem:$0x60] =	vst v1;
	v1 =	vadd.s32 v0, v3;
	v3 =	vld [tilespmem:$0xC0]  }
0x6d: {  	v57 =	vld [tilespmem:$0xD0];
	[tilespmem:$0x70] =	vst v1;
	v1 =	vadd.s32 v0, v54  }
0x6e: {  	v58 =	vld [tilespmem:$0xE0];
	[tilespmem:$0x80] =	vst v1;
	v1 =	vadd.s32 v0, v55  }
0x6f: {  	v59 =	vld [tilespmem:$0xF0];
	[tilespmem:$0x90] =	vst v1;
	v1 =	vadd.s32 v0, v56  }
0x70: {  	[tilespmem:$0xA0] =	vst v1;
	v1 =	vadd.s32 v0, v2;
	v2 =	vld [tilespmem:$0x100]  }
0x71: {  	[tilespmem:$0xB0] =	vst v1;
	v1 =	vadd.s32 v0, v3;
	v3 =	vld [tilespmem:$0x110]  }
0x72: {  	v60 =	vld [tilespmem:$0x120];
	[tilespmem:$0xC0] =	vst v1;
	v1 =	vadd.s32 v0, v57  }
0x73: {  	v61 =	vld [tilespmem:$0x130];
	[tilespmem:$0xD0] =	vst v1;
	v1 =	vadd.s32 v0, v58  }
0x74: {  	v62 =	vld [tilespmem:$0x140];
	[tilespmem:$0xE0] =	vst v1;
	v1 =	vadd.s32 v0, v59  }
0x75: {  	[tilespmem:$0xF0] =	vst v1;
	v1 =	vadd.s32 v0, v2;
	v2 =	vld [tilespmem:$0x150]  }
0x76: {  	[tilespmem:$0x100] =	vst v1;
	v1 =	vadd.s32 v0, v3;
	v3 =	vld [tilespmem:$0x160]  }
0x77: {  	v63 =	vld [tilespmem:$0x170];
	[tilespmem:$0x110] =	vst v1;
	v1 =	vadd.s32 v0, v60  }
0x78: {  	[tilespmem:$0x120] =	vst v1;
	v1 =	vadd.s32 v0, v61  }
0x79: {  	[tilespmem:$0x130] =	vst v1;
	v1 =	vadd.s32 v0, v62  }
0x7a: {  	[tilespmem:$0x140] =	vst v1;
	v1 =	vadd.s32 v0, v2  }
0x7b: {  	[tilespmem:$0x150] =	vst v1;
	v1 =	vadd.s32 v0, v3  }
0x7c: {  	[tilespmem:$0x160] =	vst v1;
	v1 =	vadd.s32 v0, v63  }
0x7d: {  	[tilespmem:$0x170] =	vst v1  }
0x7e: {  	[tilespmem:s23], [sflag:$0x1] =	stream.indirect.gather [hbm4b:s5+s14], $0x20, s4, s14, $0xb8;
	[tilespmem:$0x1F480] =	vst v63  }
0x7f: {  	_ = 	snop  }
0x80: {  	[tilespmem:s24], [sflag:$0x1] =	stream.indirect.gather [hbm4b:s5+s14], $0x20, s14, s14, $0xb8;
	[tilespmem:$0x1F480] =	vst v63  }
0x81: {  	_ = 	snop  }
0x82: {  	[tilespmem:s25], [sflag:$0x1] =	stream.indirect.gather [hbm4b:s5+s14], $0x20, s17, s14, $0xb8;
	[tilespmem:$0x1F480] =	vst v63  }
0x83: {  	_ =	swait.ge [sflag:s19], $0x1000  }
0x84: {  	[sflag:s19] =	ssyncset.done $0x0  }
0x85: {  	[sflag:s19] =	ssyncadd.s32 $0xFFFFF000  }
0x86: {  	_ =	swait.ge [sflag:s19], $0x1000  }
0x87: {  	[sflag:s19] =	ssyncset.done $0x0  }
0x88: {  	[sflag:s19] =	ssyncadd.s32 $0xFFFFF000  }
0x89: {  	_ =	swait.ge [sflag:s19], $0x1000  }
0x8a: {  	s31 =	sadd.s32 $0x60, s31;
	[sflag:s19] =	ssyncset.done $0x0  }
0x8b: {  	p0 =	sne.s32 s31, $0x1920;
	[sflag:s19] =	ssyncadd.s32 $0xFFFFF000  }
0x8c: {  	[spmem:s3] =	stream.indirect.scatter.add.f32 [tilespmem:s23], [sflag:$0x2], $0x20, s22, s14, $0xb8;
	[tilespmem:$0x1F480] =	vst v63  }
.Ltmp0:
0x8d: {  	_ = 	snop;
	(pc) =	sbr.rel @p0 .LBB2_2-.Ltmp0, $4  }
0x8e: {  	_ = 	snop  }
0x8f: {  	[spmem:s3] =	stream.indirect.scatter.add.f32 [tilespmem:s24], [sflag:$0x2], $0x20, s26, s14, $0xb8;
	[tilespmem:$0x1F480] =	vst v63  }
0x90: {  	_ = 	snop  }
0x91: {  	[spmem:s3] =	stream.indirect.scatter.add.f32 [tilespmem:s25], [sflag:$0x2], $0x20, s28, s14, $0xb8;
	[tilespmem:$0x1F480] =	vst v63  }
0x92: {  	_ =	swait.ge [sflag:s29], $0x3000  }
0x93: {  	[sflag:s29] =	ssyncset.done $0x0  }
0x94: {  	[sflag:s29] =	ssyncadd.s32 $0xFFFFD000  }
0x95: {  	_ =	swait.ge [sflag:s29], $0x3000  }
0x96: {  	s30 =	sadd.s32 $0x1, s30;
	[sflag:s29] =	ssyncset.done $0x0  }
0x97: {  	p0 =	sne.s32 s30, s8;
	[sflag:s29] =	ssyncadd.s32 $0xFFFFD000  }
.Ltmp1:
0x98: {  	[bflag:$0x0] =	sbarrier.arrive $0xFFFF;
	(pc) =	sbr.rel @p0 .LBB2_1-.Ltmp1, $4  }
0x99: {  	[hbm:s7], [sflag:s6] =	dma.local [spmem:s11], $0x3200  }
0x9a: {  	_ =	swait.ge [sflag:s12], $0x3200  }
0x9b: {  	[sflag:s12] =	ssyncset.done $0x0  }
0x9c: {  	[sflag:s12] =	ssyncadd.s32 $0xFFFFCE00  }
0x9d: {  	_ =	sfence.sel $0x180000  }
0x9e: {  	[bflag:$0x0] =	sbarrier.arrive $0xFFFF  }
0x9f: {  	_ =	strace $0x90000053  }
0xa0: {  	s0 =	stileid.u32;
	[bflag:$0x2] =	sbarrier.arrive $0xFFFF  }
0xa1: {  	p0 =	sne.s32 s0, $0x0;
	s0 =	rddreg [dreg:$0x3]  }
0xa2: {  	s0 =	sadd.s32 @!p0 $0x100000, s0  }
0xa3: {  	[sflag:s0] =	ssyncadd.tile.s32 @!p0 $0x1;
	_ =	shalt  }
.Lfunc_end2:
_tile_overlayer_lowered:
.L_overlay_start_2:
0xa4: {  	(tag) =	ssettag $0x2  }
0xa5: {  	s0 =	rddreg [dreg:$0x0];
	s2 =	stileid.u32  }
0xa6: {  	s1 =	rddreg [dreg:$0x1];
	p0 =	sne.s32 s2, $0x0  }
0xa7: {  	s3 =	rddreg [dreg:$0x2];
	[bflag:$0x3] =	sbarrier.arrive $0xFFFF;
	s2 =	simm.s32 @!p0 $0x1C03  }
0xa8: {  	[timem:s3], [sflag:s2] =	dma.local @!p0 [hbm:s0], s1  }
0xa9: {  	s0 =	simm.s32 @!p0 $0x3  }
0xaa: {  	_ =	swait.ge @!p0 [sflag:s0], s1  }
0xab: {  	s1 =	ssub.s32 @!p0 $0x0, s1;
	[sflag:s0] =	ssyncset.done @!p0 $0x0  }
0xac: {  	[sflag:s0] =	ssyncadd.s32 @!p0 s1  }
0xad: {  	[bflag:$0x3] =	sbarrier.arrive $0xFFFF  }
0xae: {  	_ =	shalt  }

</sc_bundles>
